<compile_context>
chip_gen: v7x
topology: tpu7x:2x2x1
jax: 0.10.2.dev20260603
libtpu: 0.0.44.dev20260713+nightly
codegen_flags: <defaults>
</compile_context>

<pallas_src>
import jax
import jax.numpy as jnp
from jax import lax
from jax.experimental import pallas as pl
from jax.experimental.pallas import tpu as pltpu
from jax.experimental.pallas import tpu_sc as plsc

N = 50000
NP = 50176
E = 3200000
NC, NS, LANES = 2, 16, 16
NW = NC * NS
TILE_E = E // NW
CHUNK = 1280
N_CHUNKS = TILE_E // CHUNK
TAIL = TILE_E - N_CHUNKS * CHUNK
NIB = 4
NVB = 2
SL = NP // NS
SLW = NP // NW

f32 = jnp.float32


def _mesh():
    return plsc.VectorSubcoreMesh(core_axis_name="c", subcore_axis_name="s")


def _make_scat(with_count):
    n_out = 3 if with_count else 2
    sds = jax.ShapeDtypeStruct
    out_type = tuple(sds((NC * NP,), f32) for _ in range(n_out))
    scratch = [
        pltpu.VMEM((N,), f32),
        pltpu.VMEM((N,), f32),
    ]
    scratch += [pltpu.VMEM((CHUNK,), jnp.int32) for _ in range(2 * NIB)]
    scratch += [pltpu.VMEM((CHUNK,), f32) for _ in range(2 * NVB)]
    scratch += [pltpu.VMEM((SLW,), f32),
                pltpu.VMEM((SLW,), f32)]
    scratch += [pltpu.VMEM_SHARED((NP,), f32),
                pltpu.VMEM_SHARED((NP,), f32)]
    if with_count:
        scratch += [
            pltpu.VMEM_SHARED((NP,), f32),
            pltpu.VMEM((CHUNK,), f32),
        ]
    scratch += [pltpu.VMEM((TAIL,), jnp.int32),
                pltpu.VMEM((TAIL,), jnp.int32),
                pltpu.VMEM((TAIL,), f32),
                pltpu.VMEM((TAIL,), f32)]
    if with_count:
        scratch += [pltpu.VMEM((TAIL,), f32)]
    scratch += [pltpu.SemaphoreType.DMA for _ in range(NIB + NVB + 1)]

    def body(xt0, xt1, src2, dst2, *rest):
        outs = rest[:n_out]
        rest = rest[n_out:]
        tab0, tab1 = rest[0], rest[1]
        srcbs = rest[2:2 + NIB]
        dstbs = rest[2 + NIB:2 + 2 * NIB]
        v0s = rest[2 + 2 * NIB:2 + 2 * NIB + NVB]
        v1s = rest[2 + 2 * NIB + NVB:2 + 2 * NIB + 2 * NVB]
        rest = rest[2 + 2 * NIB + 2 * NVB:]
        sliceb, sliceb2 = rest[0], rest[1]
        if with_count:
            acc0, acc1, accc, onesb = rest[2:6]
            srct, dstt, v0t, v1t, onest = rest[6:11]
            sems = rest[11:]
            accs = ((acc0, outs[0]), (acc1, outs[1]), (accc, outs[2]))
        else:
            acc0, acc1 = rest[2:4]
            srct, dstt, v0t, v1t = rest[4:8]
            sems = rest[8:]
            accs = ((acc0, outs[0]), (acc1, outs[1]))
        sem_ix = sems[:NIB]
        sem_sc = sems[NIB:NIB + NVB]
        sem_t = sems[NIB + NVB]

        c = lax.axis_index("c")
        s = lax.axis_index("s")
        wid = s * NC + c
        ssl = pl.ds(s * SL, SL)

        pltpu.sync_copy(xt0.at[pl.ds(0, N)], tab0)
        pltpu.sync_copy(xt1.at[pl.ds(0, N)], tab1)

        def _z(i, carry):
            sliceb[pl.ds(i * LANES, LANES)] = jnp.zeros((LANES,), f32)
            return carry
        lax.fori_loop(0, SLW // LANES, _z, 0)
        for acc, _ in accs:
            for h in range(2):
                pltpu.async_copy(
                    sliceb, acc.at[pl.ds(s * SL + h * SLW, SLW)], sem_t)
        for acc, _ in accs:
            for h in range(2):
                pltpu.make_async_copy(
                    sliceb, acc.at[pl.ds(s * SL + h * SLW, SLW)],
                    sem_t).wait()

        if with_count:
            def _o(i, carry):
                onesb[pl.ds(i * LANES, LANES)] = jnp.ones((LANES,), f32)
                return carry
            lax.fori_loop(0, CHUNK // LANES, _o, 0)

            def _ot(i, carry):
                onest[pl.ds(i * LANES, LANES)] = jnp.ones((LANES,), f32)
                return carry
            lax.fori_loop(0, TAIL // LANES, _ot, 0)

        plsc.subcore_barrier()

        e0 = wid * TILE_E

        def issue_idx(cid, k):
            r = e0 + cid * CHUNK
            pltpu.async_copy(src2.at[pl.ds(r, CHUNK)], srcbs[k], sem_ix[k])
            pltpu.async_copy(dst2.at[pl.ds(r, CHUNK)], dstbs[k], sem_ix[k])

        def wait_idx(k):
            pltpu.make_async_copy(src2.at[pl.ds(0, CHUNK)], srcbs[k],
                                  sem_ix[k]).wait()
            pltpu.make_async_copy(src2.at[pl.ds(0, CHUNK)], dstbs[k],
                                  sem_ix[k]).wait()

        def issue_scat(d, k):
            pltpu.async_copy(v0s[d], acc0.at[dstbs[k]], sem_sc[d], add=True)
            pltpu.async_copy(v1s[d], acc1.at[dstbs[k]], sem_sc[d], add=True)
            if with_count:
                pltpu.async_copy(onesb, accc.at[dstbs[k]], sem_sc[d],
                                 add=True)

        def wait_scat(d):
            pltpu.make_async_copy(v0s[d], acc0.at[dstbs[d]], sem_sc[d]).wait()
            pltpu.make_async_copy(v1s[d], acc1.at[dstbs[d]], sem_sc[d]).wait()
            if with_count:
                pltpu.make_async_copy(onesb, accc.at[dstbs[d]],
                                      sem_sc[d]).wait()

        def gather(d, k):
            def _g(i, carry):
                d16 = pl.ds(i * LANES, LANES)
                idx = srcbs[k][d16]
                v0s[d][d16] = plsc.load_gather(tab0, [idx])
                v1s[d][d16] = plsc.load_gather(tab1, [idx])
                return carry
            lax.fori_loop(0, CHUNK // LANES, _g, 0)

        def step(cid, e):
            d = e % NVB
            if isinstance(cid, int):
                if cid >= NVB:
                    wait_scat(d)
                if cid + NVB < N_CHUNKS:
                    issue_idx(cid + NVB, (e + NVB) % NIB)
            else:
                @pl.when(cid >= NVB)
                def _():
                    wait_scat(d)

                @pl.when(cid + NVB < N_CHUNKS)
                def _():
                    issue_idx(cid + NVB, (e + NVB) % NIB)
            wait_idx(e)
            gather(d, e)
            issue_scat(d, e)

        for k in range(NVB):
            issue_idx(k, k)
        rt = e0 + N_CHUNKS * CHUNK
        pltpu.async_copy(src2.at[pl.ds(rt, TAIL)], srct, sem_t)
        pltpu.async_copy(dst2.at[pl.ds(rt, TAIL)], dstt, sem_t)

        def bigbody(j6, carry):
            for e in range(NIB):
                step(j6 * NIB + e, e)
            return carry
        lax.fori_loop(0, N_CHUNKS // NIB, bigbody, 0)
        for e in range(N_CHUNKS % NIB):
            step((N_CHUNKS // NIB) * NIB + e, e)

        pltpu.make_async_copy(src2.at[pl.ds(0, TAIL)], srct, sem_t).wait()
        pltpu.make_async_copy(src2.at[pl.ds(0, TAIL)], dstt, sem_t).wait()

        def _gt(i, carry):
            d16 = pl.ds(i * LANES, LANES)
            idx = srct[d16]
            v0t[d16] = plsc.load_gather(tab0, [idx])
            v1t[d16] = plsc.load_gather(tab1, [idx])
            return carry
        lax.fori_loop(0, TAIL // LANES, _gt, 0)
        pltpu.async_copy(v0t, acc0.at[dstt], sem_t, add=True)
        pltpu.async_copy(v1t, acc1.at[dstt], sem_t, add=True)
        if with_count:
            pltpu.async_copy(onest, accc.at[dstt], sem_t, add=True)

        for d in range(NVB):
            wait_scat(d)
        pltpu.make_async_copy(v0t, acc0.at[dstt], sem_t).wait()
        pltpu.make_async_copy(v1t, acc1.at[dstt], sem_t).wait()
        if with_count:
            pltpu.make_async_copy(onest, accc.at[dstt], sem_t).wait()

        plsc.subcore_barrier()

        pairs = []
        for acc, out in accs:
            for h in range(2):
                hh = h * SLW
                pairs.append((acc.at[pl.ds(s * SL + hh, SLW)],
                              out.at[pl.ds(c * NP + s * SL + hh, SLW)]))
        bufs = (sliceb, sliceb2)
        for i, (src_r, dst_r) in enumerate(pairs):
            b = bufs[i % 2]
            if i >= 2:
                pltpu.make_async_copy(b, pairs[i - 2][1], sem_t).wait()
            pltpu.sync_copy(src_r, b)
            pltpu.async_copy(b, dst_r, sem_t)
        for i in range(len(pairs) - 2, len(pairs)):
            pltpu.make_async_copy(bufs[i % 2], pairs[i][1], sem_t).wait()

    return pl.kernel(
        body,
        out_type=out_type,
        mesh=_mesh(),
        scratch_types=scratch,
        compiler_params=pltpu.CompilerParams(needs_layout_passes=False),
    )


def _make_elem(mode):
    sds = jax.ShapeDtypeStruct
    v = sds((NP,), f32)
    out_type = {1: (v, v, v, v, v), 2: (v, v, v, v)}[mode]
    scratch = [pltpu.VMEM((SLW,), f32) for _ in range(13)]
    scratch += [pltpu.VMEM((LANES,), f32), pltpu.VMEM((LANES,), f32),
                pltpu.SemaphoreType.DMA]

    def body(*args):
        if mode == 1:
            (x0, x1, aA, aB, aC, wb, bb,
             oo0, oo1, xo0, xo1, inv_out, *rest) = args
        else:
            (x0, x1, aA, aB, inv_in, wb, bb,
             oo0, oo1, xo0, xo1, *rest) = args
        (xb0, xb1, p00, p01, p10, p11, cb0, cb1, invb,
         ob0, ob1, xnb0, xnb1, wv, bv, sem) = rest
        c = lax.axis_index("c")
        s = lax.axis_index("s")
        wid = s * NC + c
        off = wid * SLW
        sl = pl.ds(off, SLW)

        loads = [(wb, wv), (bb, bv),
                 (x0.at[sl], xb0), (x1.at[sl], xb1),
                 (aA.at[pl.ds(off, SLW)], p00),
                 (aA.at[pl.ds(NP + off, SLW)], p01),
                 (aB.at[pl.ds(off, SLW)], p10),
                 (aB.at[pl.ds(NP + off, SLW)], p11)]
        if mode == 1:
            loads += [(aC.at[pl.ds(off, SLW)], cb0),
                      (aC.at[pl.ds(NP + off, SLW)], cb1)]
        else:
            loads += [(inv_in.at[sl], invb)]
        for wave in (loads[:5], loads[5:]):
            for src, dstb in wave:
                pltpu.async_copy(src, dstb, sem)
            for src, dstb in wave:
                pltpu.make_async_copy(src, dstb, sem).wait()

        w = wv[...]
        b = bv[...]

        if mode == 1:
            def _iv(i, carry):
                d = pl.ds(i * LANES, LANES)
                invb[d] = 1.0 / jnp.maximum(cb0[d] + cb1[d], 1.0)
                return carry
            lax.fori_loop(0, SLW // LANES, _iv, 0)

        def _e(i, carry):
            d = pl.ds(i * LANES, LANES)
            iv = invb[d]
            out_a = (xb0[d] + (p00[d] + p01[d]) * iv) * w + b
            out_b = (xb1[d] + (p10[d] + p11[d]) * iv) * w + b
            ob0[d] = out_a
            ob1[d] = out_b
            xnb0[d] = jnp.maximum(out_a, 0.0)
            xnb1[d] = jnp.maximum(out_b, 0.0)
            return carry
        lax.fori_loop(0, SLW // LANES, _e, 0)

        stores = [(ob0, oo0.at[sl]), (ob1, oo1.at[sl]),
                  (xnb0, xo0.at[sl]), (xnb1, xo1.at[sl])]
        if mode == 1:
            stores += [(invb, inv_out.at[sl])]
        for srcb, dstr in stores:
            pltpu.async_copy(srcb, dstr, sem)
        for srcb, dstr in stores:
            pltpu.make_async_copy(srcb, dstr, sem).wait()

    return pl.kernel(body, out_type=out_type, mesh=_mesh(),
                     scratch_types=scratch,
                     compiler_params=pltpu.CompilerParams(
                         needs_layout_passes=False))


_scat_cnt = _make_scat(True)
_scat = _make_scat(False)
_elem1 = _make_elem(1)
_elem2 = _make_elem(2)


_BK = 1024
_KB = NP // _BK


def _tc_body(x3a, x3b, aA, aB, inv, o1a, o1b, o2a, o2b, w3, b3,
             w_ref, bn_ref, out_ref, acc_ref):
    k = pl.program_id(0)

    @pl.when(k == 0)
    def _():
        acc_ref[...] = jnp.zeros_like(acc_ref)

    row = pl.ds(k, 1)
    row2 = pl.ds(_KB + k, 1)
    invr = inv[row, :]
    w3v = w3[...]
    b3v = b3[...]
    ms = []
    for x3, o1, o2 in ((x3a, o1a, o2a), (x3b, o1b, o2b)):
        a = aA[row, :] + aA[row2, :] if x3 is x3a else aB[row, :] + aB[row2, :]
        out3 = (x3[row, :] + a * invr) * w3v + b3v
        ms.append((o1[row, :] + o2[row, :] + out3) * (1.0 / 3.0))
    m2 = jnp.concatenate(ms, axis=0)

    bound = N - k * _BK
    rid = lax.broadcasted_iota(jnp.int32, (_BK, 1024), 0)
    w = jnp.where(rid < bound, w_ref[...], 0.0)
    acc_ref[...] += jnp.dot(m2, w, preferred_element_type=f32)

    @pl.when(k == _KB - 1)
    def _():
        y0 = acc_ref[0:1, :] + bn_ref[...]
        y1 = acc_ref[1:2, :] + bn_ref[...]
        out_ref[...] = jax.nn.sigmoid(
            jnp.sum(y0 * y1, axis=1, keepdims=True))


def _tc_final(x3a, x3b, aA, aB, inv, o1a, o1b, o2a, o2b, w3, b3,
              Wnet, bnet2):
    small = pl.BlockSpec((_KB, _BK), lambda k: (0, 0))
    part = pl.BlockSpec((2 * _KB, _BK), lambda k: (0, 0))
    vec = pl.BlockSpec((1, 1024), lambda k: (0, 0))
    return pl.pallas_call(
        _tc_body,
        grid=(_KB,),
        in_specs=[small, small, part, part, small, small, small, small,
                  small, vec, vec,
                  pl.BlockSpec((_BK, 1024), lambda k: (k, 0)), vec],
        out_specs=pl.BlockSpec((1, 1), lambda k: (0, 0)),
        out_shape=jax.ShapeDtypeStruct((1, 1), f32),
        scratch_shapes=[pltpu.VMEM((2, 1024), f32)],
    )(x3a, x3b, aA, aB, inv, o1a, o1b, o2a, o2b, w3, b3, Wnet, bnet2)


def kernel(feat1, feat2, edge_index, Ws, bs, Wnet, bnet):
    src = edge_index[0].astype(jnp.int32)
    dst = edge_index[1].astype(jnp.int32)
    zpad = jnp.zeros((NP - N,), f32)
    x00 = jnp.concatenate([feat1[:, 0], zpad])
    x01 = jnp.concatenate([feat2[:, 0], zpad])
    wv = [jnp.full((LANES,), Ws[i, 0, 0], f32) for i in range(2)]
    bv = [jnp.full((LANES,), bs[i, 0], f32) for i in range(2)]

    aA, aB, aC = _scat_cnt(x00, x01, src, dst)
    o1a, o1b, x2a, x2b, inv = _elem1(x00, x01, aA, aB, aC, wv[0], bv[0])
    aA, aB = _scat(x2a, x2b, src, dst)
    o2a, o2b, x3a, x3b = _elem2(x2a, x2b, aA, aB, inv, wv[1], bv[1])
    aA, aB = _scat(x3a, x3b, src, dst)

    def rs(v):
        return v.reshape(_KB, _BK)

    def rs2(v):
        return v.reshape(2 * _KB, _BK)

    return _tc_final(rs(x3a), rs(x3b), rs2(aA), rs2(aB), rs(inv),
                     rs(o1a), rs(o1b), rs(o2a), rs(o2b),
                     jnp.full((1, 1024), Ws[2, 0, 0], f32),
                     jnp.full((1, 1024), bs[2, 0], f32),
                     Wnet, bnet.reshape(1, 1024))

# --- scband reference (transcript-rebuilt; emitter-appended) ---
"""Pipeline reference for scband-ppimodel-80582176407619 (READ-ONLY COPY).

The authoritative reference and input builder live on the scoring server;
editing this copy changes nothing except your own understanding.
"""

import jax, jax.numpy as jnp
import numpy as np

N = 50000
E = 3200000
N_HID = 3
OUT_DIM = 1024


def setup_inputs(seed: int = 0) -> dict:
    key = jax.random.key(seed)
    k1, k2, k3, k4, k5, k6 = jax.random.split(key, 6)
    edge_index = jax.random.randint(k1, (2, E), 0, N)
    feat1 = jax.random.normal(k2, (N, 1), dtype=jnp.float32)
    feat2 = jax.random.normal(k3, (N, 1), dtype=jnp.float32)
    # GINConv apply_func = nn.Linear(1, 1) per layer, stacked over layers
    Ws = jax.random.normal(k4, (N_HID, 1, 1), dtype=jnp.float32) * 0.5
    bs = jax.random.normal(k5, (N_HID, 1), dtype=jnp.float32) * 0.1
    # self.net = nn.Linear(num_nodes, 1024)
    Wnet = jax.random.normal(k6, (N, OUT_DIM), dtype=jnp.float32) * 0.01
    bnet = jnp.zeros((OUT_DIM,), dtype=jnp.float32)
    return {"feat1": feat1, "feat2": feat2, "edge_index": edge_index,
            "Ws": Ws, "bs": bs, "Wnet": Wnet, "bnet": bnet}


def reference(feat1, feat2, edge_index, Ws, bs, Wnet, bnet):
    src = edge_index[0]
    dst = edge_index[1]
    deg = jax.ops.segment_sum(jnp.ones((E,), jnp.float32), dst, num_segments=N)
    deg = jnp.maximum(deg, 1.0)[:, None]

    def forward_each(feat):
        x = feat
        inter_feats = []
        for i in range(N_HID):
            # DGL GINConv(aggregator='mean', eps=0): rst = (1+eps)*x + mean_{j in N(i)} x_j
            agg = jax.ops.segment_sum(x[src], dst, num_segments=N) / deg
            rst = x + agg
            out = rst @ Ws[i] + bs[i]          # apply_func Linear(1,1); hook saves this
            inter_feats.append(out)
            x = jax.nn.relu(out)
        out_feats = jnp.stack(inter_feats)      # [n_hid, N, 1]
        m = jnp.mean(out_feats, axis=0)         # [N, 1]
        flat = m.reshape(-1, N * 1)             # [1, N]
        return flat @ Wnet + bnet               # [1, 1024]

    x1 = forward_each(feat1)
    x2 = forward_each(feat2)
    x = jnp.sum(x1 * x2, axis=1, keepdims=True)
    return jax.nn.sigmoid(x)

if __name__ == "__main__":
    import jax
    _d = setup_inputs()
    print(jax.jit(kernel)(*tuple(_d.values())))

</pallas_src>

<mosaic_0001>
#map = affine_map<(d0, d1) -> (0)>
module attributes {stable_mosaic.version = 14 : i64} {
  func.func @body(%arg0: i32, %arg1: i32, %arg2: memref<50176xf32, #tpu.memory_space<hbm>>, %arg3: memref<50176xf32, #tpu.memory_space<hbm>>, %arg4: memref<100352xf32, #tpu.memory_space<hbm>>, %arg5: memref<100352xf32, #tpu.memory_space<hbm>>, %arg6: memref<100352xf32, #tpu.memory_space<hbm>>, %arg7: memref<16xf32, #tpu.memory_space<hbm>>, %arg8: memref<16xf32, #tpu.memory_space<hbm>>, %arg9: memref<50176xf32, #tpu.memory_space<hbm>>, %arg10: memref<50176xf32, #tpu.memory_space<hbm>>, %arg11: memref<50176xf32, #tpu.memory_space<hbm>>, %arg12: memref<50176xf32, #tpu.memory_space<hbm>>, %arg13: memref<50176xf32, #tpu.memory_space<hbm>>, %arg14: memref<1568xf32, #tpu.memory_space<vmem>>, %arg15: memref<1568xf32, #tpu.memory_space<vmem>>, %arg16: memref<1568xf32, #tpu.memory_space<vmem>>, %arg17: memref<1568xf32, #tpu.memory_space<vmem>>, %arg18: memref<1568xf32, #tpu.memory_space<vmem>>, %arg19: memref<1568xf32, #tpu.memory_space<vmem>>, %arg20: memref<1568xf32, #tpu.memory_space<vmem>>, %arg21: memref<1568xf32, #tpu.memory_space<vmem>>, %arg22: memref<1568xf32, #tpu.memory_space<vmem>>, %arg23: memref<1568xf32, #tpu.memory_space<vmem>>, %arg24: memref<1568xf32, #tpu.memory_space<vmem>>, %arg25: memref<1568xf32, #tpu.memory_space<vmem>>, %arg26: memref<1568xf32, #tpu.memory_space<vmem>>, %arg27: memref<16xf32, #tpu.memory_space<vmem>>, %arg28: memref<16xf32, #tpu.memory_space<vmem>>, %arg29: memref<!tpu.dma_semaphore, #tpu.memory_space<semaphore_mem>>) attributes {dimension_semantics = [#tpu.dimension_semantics<core_parallel>, #tpu.dimension_semantics<subcore_parallel>], iteration_bounds = array<i64: 2, 16>, scalar_prefetch = 0 : i64, scratch_operands = 16 : i64, tpu.core_type = #tpu.core_type<sc_vector_subcore>, window_params = [{transform_indices = #map}, {transform_indices = #map}, {transform_indices = #map}, {transform_indices = #map}, {transform_indices = #map}, {transform_indices = #map}, {transform_indices = #map}, {transform_indices = #map}, {transform_indices = #map}, {transform_indices = #map}, {transform_indices = #map}, {transform_indices = #map}]} {
    %mul3A = arith.constant 2 : i32
    %mul3A_0 = arith.muli %arg1, %mul3A : i32
    %add3A = arith.addi %mul3A_0, %arg0 : i32
    %mul3A_1 = arith.constant 1568 : i32
    %mul3A_2 = arith.muli %add3A, %mul3A_1 : i32
    %add3A_3 = arith.constant 50176 : i32
    %add3A_4 = arith.addi %add3A_3, %mul3A_2 : i32
    %add3A_5 = arith.constant 50176 : i32
    %add3A_6 = arith.addi %add3A_5, %mul3A_2 : i32
    %add3A_7 = arith.constant 50176 : i32
    %add3A_8 = arith.addi %add3A_7, %mul3A_2 : i32
    tpu.enqueue_dma source(%arg7 : memref<16xf32, #tpu.memory_space<hbm>>) target(%arg27 : memref<16xf32, #tpu.memory_space<vmem>>) target_semaphore(%arg29 : memref<!tpu.dma_semaphore, #tpu.memory_space<semaphore_mem>>)
    tpu.enqueue_dma source(%arg8 : memref<16xf32, #tpu.memory_space<hbm>>) target(%arg28 : memref<16xf32, #tpu.memory_space<vmem>>) target_semaphore(%arg29 : memref<!tpu.dma_semaphore, #tpu.memory_space<semaphore_mem>>)
    %dma_start3A = tpu.memref_slice %arg2[%mul3A_2] : memref<50176xf32, #tpu.memory_space<hbm>> -> memref<1568xf32, #tpu.memory_space<hbm>>
    %dma_start3A_9 = tpu.memref_slice %arg2[%mul3A_2] : memref<50176xf32, #tpu.memory_space<hbm>> -> memref<1568xf32, #tpu.memory_space<hbm>>
    tpu.enqueue_dma source(%dma_start3A_9 : memref<1568xf32, #tpu.memory_space<hbm>>) target(%arg14 : memref<1568xf32, #tpu.memory_space<vmem>>) target_semaphore(%arg29 : memref<!tpu.dma_semaphore, #tpu.memory_space<semaphore_mem>>)
    %dma_start3A_10 = tpu.memref_slice %arg3[%mul3A_2] : memref<50176xf32, #tpu.memory_space<hbm>> -> memref<1568xf32, #tpu.memory_space<hbm>>
    %dma_start3A_11 = tpu.memref_slice %arg3[%mul3A_2] : memref<50176xf32, #tpu.memory_space<hbm>> -> memref<1568xf32, #tpu.memory_space<hbm>>
    tpu.enqueue_dma source(%dma_start3A_11 : memref<1568xf32, #tpu.memory_space<hbm>>) target(%arg15 : memref<1568xf32, #tpu.memory_space<vmem>>) target_semaphore(%arg29 : memref<!tpu.dma_semaphore, #tpu.memory_space<semaphore_mem>>)
    %dma_start3A_12 = tpu.memref_slice %arg4[%mul3A_2] : memref<100352xf32, #tpu.memory_space<hbm>> -> memref<1568xf32, #tpu.memory_space<hbm>>
    %dma_start3A_13 = tpu.memref_slice %arg4[%mul3A_2] : memref<100352xf32, #tpu.memory_space<hbm>> -> memref<1568xf32, #tpu.memory_space<hbm>>
    tpu.enqueue_dma source(%dma_start3A_13 : memref<1568xf32, #tpu.memory_space<hbm>>) target(%arg16 : memref<1568xf32, #tpu.memory_space<vmem>>) target_semaphore(%arg29 : memref<!tpu.dma_semaphore, #tpu.memory_space<semaphore_mem>>)
    tpu.wait_dma2 semaphore(%arg29 : memref<!tpu.dma_semaphore, #tpu.memory_space<semaphore_mem>>) src(%arg7 : memref<16xf32, #tpu.memory_space<hbm>>) dst(%arg27 : memref<16xf32, #tpu.memory_space<vmem>>)
    tpu.wait_dma2 semaphore(%arg29 : memref<!tpu.dma_semaphore, #tpu.memory_space<semaphore_mem>>) src(%arg8 : memref<16xf32, #tpu.memory_space<hbm>>) dst(%arg28 : memref<16xf32, #tpu.memory_space<vmem>>)
    %dma_wait3A = tpu.memref_slice %arg2[%mul3A_2] : memref<50176xf32, #tpu.memory_space<hbm>> -> memref<1568xf32, #tpu.memory_space<hbm>>
    %dma_wait3A_14 = tpu.memref_slice %arg2[%mul3A_2] : memref<50176xf32, #tpu.memory_space<hbm>> -> memref<1568xf32, #tpu.memory_space<hbm>>
    tpu.wait_dma2 semaphore(%arg29 : memref<!tpu.dma_semaphore, #tpu.memory_space<semaphore_mem>>) src(%dma_wait3A_14 : memref<1568xf32, #tpu.memory_space<hbm>>) dst(%arg14 : memref<1568xf32, #tpu.memory_space<vmem>>)
    %dma_wait3A_15 = tpu.memref_slice %arg3[%mul3A_2] : memref<50176xf32, #tpu.memory_space<hbm>> -> memref<1568xf32, #tpu.memory_space<hbm>>
    %dma_wait3A_16 = tpu.memref_slice %arg3[%mul3A_2] : memref<50176xf32, #tpu.memory_space<hbm>> -> memref<1568xf32, #tpu.memory_space<hbm>>
    tpu.wait_dma2 semaphore(%arg29 : memref<!tpu.dma_semaphore, #tpu.memory_space<semaphore_mem>>) src(%dma_wait3A_16 : memref<1568xf32, #tpu.memory_space<hbm>>) dst(%arg15 : memref<1568xf32, #tpu.memory_space<vmem>>)
    %dma_wait3A_17 = tpu.memref_slice %arg4[%mul3A_2] : memref<100352xf32, #tpu.memory_space<hbm>> -> memref<1568xf32, #tpu.memory_space<hbm>>
    %dma_wait3A_18 = tpu.memref_slice %arg4[%mul3A_2] : memref<100352xf32, #tpu.memory_space<hbm>> -> memref<1568xf32, #tpu.memory_space<hbm>>
    tpu.wait_dma2 semaphore(%arg29 : memref<!tpu.dma_semaphore, #tpu.memory_space<semaphore_mem>>) src(%dma_wait3A_18 : memref<1568xf32, #tpu.memory_space<hbm>>) dst(%arg16 : memref<1568xf32, #tpu.memory_space<vmem>>)
    %dma_start3A_19 = tpu.memref_slice %arg4[%add3A_4] : memref<100352xf32, #tpu.memory_space<hbm>> -> memref<1568xf32, #tpu.memory_space<hbm>>
    %dma_start3A_20 = tpu.memref_slice %arg4[%add3A_4] : memref<100352xf32, #tpu.memory_space<hbm>> -> memref<1568xf32, #tpu.memory_space<hbm>>
    tpu.enqueue_dma source(%dma_start3A_20 : memref<1568xf32, #tpu.memory_space<hbm>>) target(%arg17 : memref<1568xf32, #tpu.memory_space<vmem>>) target_semaphore(%arg29 : memref<!tpu.dma_semaphore, #tpu.memory_space<semaphore_mem>>)
    %dma_start3A_21 = tpu.memref_slice %arg5[%mul3A_2] : memref<100352xf32, #tpu.memory_space<hbm>> -> memref<1568xf32, #tpu.memory_space<hbm>>
    %dma_start3A_22 = tpu.memref_slice %arg5[%mul3A_2] : memref<100352xf32, #tpu.memory_space<hbm>> -> memref<1568xf32, #tpu.memory_space<hbm>>
    tpu.enqueue_dma source(%dma_start3A_22 : memref<1568xf32, #tpu.memory_space<hbm>>) target(%arg18 : memref<1568xf32, #tpu.memory_space<vmem>>) target_semaphore(%arg29 : memref<!tpu.dma_semaphore, #tpu.memory_space<semaphore_mem>>)
    %dma_start3A_23 = tpu.memref_slice %arg5[%add3A_6] : memref<100352xf32, #tpu.memory_space<hbm>> -> memref<1568xf32, #tpu.memory_space<hbm>>
    %dma_start3A_24 = tpu.memref_slice %arg5[%add3A_6] : memref<100352xf32, #tpu.memory_space<hbm>> -> memref<1568xf32, #tpu.memory_space<hbm>>
    tpu.enqueue_dma source(%dma_start3A_24 : memref<1568xf32, #tpu.memory_space<hbm>>) target(%arg19 : memref<1568xf32, #tpu.memory_space<vmem>>) target_semaphore(%arg29 : memref<!tpu.dma_semaphore, #tpu.memory_space<semaphore_mem>>)
    %dma_start3A_25 = tpu.memref_slice %arg6[%mul3A_2] : memref<100352xf32, #tpu.memory_space<hbm>> -> memref<1568xf32, #tpu.memory_space<hbm>>
    %dma_start3A_26 = tpu.memref_slice %arg6[%mul3A_2] : memref<100352xf32, #tpu.memory_space<hbm>> -> memref<1568xf32, #tpu.memory_space<hbm>>
    tpu.enqueue_dma source(%dma_start3A_26 : memref<1568xf32, #tpu.memory_space<hbm>>) target(%arg20 : memref<1568xf32, #tpu.memory_space<vmem>>) target_semaphore(%arg29 : memref<!tpu.dma_semaphore, #tpu.memory_space<semaphore_mem>>)
    %dma_start3A_27 = tpu.memref_slice %arg6[%add3A_8] : memref<100352xf32, #tpu.memory_space<hbm>> -> memref<1568xf32, #tpu.memory_space<hbm>>
    %dma_start3A_28 = tpu.memref_slice %arg6[%add3A_8] : memref<100352xf32, #tpu.memory_space<hbm>> -> memref<1568xf32, #tpu.memory_space<hbm>>
    tpu.enqueue_dma source(%dma_start3A_28 : memref<1568xf32, #tpu.memory_space<hbm>>) target(%arg21 : memref<1568xf32, #tpu.memory_space<vmem>>) target_semaphore(%arg29 : memref<!tpu.dma_semaphore, #tpu.memory_space<semaphore_mem>>)
    %dma_wait3A_29 = tpu.memref_slice %arg4[%add3A_4] : memref<100352xf32, #tpu.memory_space<hbm>> -> memref<1568xf32, #tpu.memory_space<hbm>>
    %dma_wait3A_30 = tpu.memref_slice %arg4[%add3A_4] : memref<100352xf32, #tpu.memory_space<hbm>> -> memref<1568xf32, #tpu.memory_space<hbm>>
    tpu.wait_dma2 semaphore(%arg29 : memref<!tpu.dma_semaphore, #tpu.memory_space<semaphore_mem>>) src(%dma_wait3A_30 : memref<1568xf32, #tpu.memory_space<hbm>>) dst(%arg17 : memref<1568xf32, #tpu.memory_space<vmem>>)
    %dma_wait3A_31 = tpu.memref_slice %arg5[%mul3A_2] : memref<100352xf32, #tpu.memory_space<hbm>> -> memref<1568xf32, #tpu.memory_space<hbm>>
    %dma_wait3A_32 = tpu.memref_slice %arg5[%mul3A_2] : memref<100352xf32, #tpu.memory_space<hbm>> -> memref<1568xf32, #tpu.memory_space<hbm>>
    tpu.wait_dma2 semaphore(%arg29 : memref<!tpu.dma_semaphore, #tpu.memory_space<semaphore_mem>>) src(%dma_wait3A_32 : memref<1568xf32, #tpu.memory_space<hbm>>) dst(%arg18 : memref<1568xf32, #tpu.memory_space<vmem>>)
    %dma_wait3A_33 = tpu.memref_slice %arg5[%add3A_6] : memref<100352xf32, #tpu.memory_space<hbm>> -> memref<1568xf32, #tpu.memory_space<hbm>>
    %dma_wait3A_34 = tpu.memref_slice %arg5[%add3A_6] : memref<100352xf32, #tpu.memory_space<hbm>> -> memref<1568xf32, #tpu.memory_space<hbm>>
    tpu.wait_dma2 semaphore(%arg29 : memref<!tpu.dma_semaphore, #tpu.memory_space<semaphore_mem>>) src(%dma_wait3A_34 : memref<1568xf32, #tpu.memory_space<hbm>>) dst(%arg19 : memref<1568xf32, #tpu.memory_space<vmem>>)
    %dma_wait3A_35 = tpu.memref_slice %arg6[%mul3A_2] : memref<100352xf32, #tpu.memory_space<hbm>> -> memref<1568xf32, #tpu.memory_space<hbm>>
    %dma_wait3A_36 = tpu.memref_slice %arg6[%mul3A_2] : memref<100352xf32, #tpu.memory_space<hbm>> -> memref<1568xf32, #tpu.memory_space<hbm>>
    tpu.wait_dma2 semaphore(%arg29 : memref<!tpu.dma_semaphore, #tpu.memory_space<semaphore_mem>>) src(%dma_wait3A_36 : memref<1568xf32, #tpu.memory_space<hbm>>) dst(%arg20 : memref<1568xf32, #tpu.memory_space<vmem>>)
    %dma_wait3A_37 = tpu.memref_slice %arg6[%add3A_8] : memref<100352xf32, #tpu.memory_space<hbm>> -> memref<1568xf32, #tpu.memory_space<hbm>>
    %dma_wait3A_38 = tpu.memref_slice %arg6[%add3A_8] : memref<100352xf32, #tpu.memory_space<hbm>> -> memref<1568xf32, #tpu.memory_space<hbm>>
    tpu.wait_dma2 semaphore(%arg29 : memref<!tpu.dma_semaphore, #tpu.memory_space<semaphore_mem>>) src(%dma_wait3A_38 : memref<1568xf32, #tpu.memory_space<hbm>>) dst(%arg21 : memref<1568xf32, #tpu.memory_space<vmem>>)
    %get3A = arith.constant 0 : index
    %get3A_39 = tpu.vector_load %arg27[%get3A] {strides = array<i32>} : memref<16xf32, #tpu.memory_space<vmem>>, vector<16xf32>,
    %get3A_40 = arith.constant 0 : index
    %get3A_41 = tpu.vector_load %arg28[%get3A_40] {strides = array<i32>} : memref<16xf32, #tpu.memory_space<vmem>>, vector<16xf32>,
    %scan3A = arith.constant 0 : i32
    %scan3A_42 = arith.constant 0 : i32
    %scan3A_43 = arith.constant 98 : i32
    %scan3A_44 = arith.addi %scan3A_42, %scan3A_43 : i32
    %scan3A_45 = arith.constant 1 : i32
    scf.for %scan3A_73 = %scan3A_42 to %scan3A_44 step %scan3A_45  : i32 {
      %mul3A_74 = arith.constant 16 : i32
      %mul3A_75 = arith.muli %scan3A_73, %mul3A_74 : i32
      %get3A_76 = arith.index_cast %mul3A_75 : i32 to index
      %get3A_77 = tpu.vector_load %arg20[%get3A_76] {strides = array<i32>} : memref<1568xf32, #tpu.memory_space<vmem>>, vector<16xf32>,
      %get3A_78 = arith.index_cast %mul3A_75 : i32 to index
      %get3A_79 = tpu.vector_load %arg21[%get3A_78] {strides = array<i32>} : memref<1568xf32, #tpu.memory_space<vmem>>, vector<16xf32>,
      %add3A_80 = arith.addf %get3A_77, %get3A_79 : vector<16xf32>
      %max3A = arith.constant 1.000000e+00 : f32
      %max3A_81 = vector.broadcast %max3A : f32 to vector<16xf32>
      %max3A_82 = arith.maximumf %add3A_80, %max3A_81 : vector<16xf32>
      %div3A = arith.constant 1.000000e+00 : f32
      %div3A_83 = vector.broadcast %div3A : f32 to vector<16xf32>
      %div3A_84 = arith.divf %div3A_83, %max3A_82 : vector<16xf32>
      %swap3A = arith.index_cast %mul3A_75 : i32 to index
      %swap3A_85 = tpu.vector_load %arg22[%swap3A] {strides = array<i32>} : memref<1568xf32, #tpu.memory_space<vmem>>, vector<16xf32>,
      tpu.vector_store %arg22[%swap3A], %div3A_84 {strides = array<i32>} : memref<1568xf32, #tpu.memory_space<vmem>>, vector<16xf32>,
    }
    %scan3A_46 = arith.constant 98 : i32
    %scan3A_47 = arith.constant 0 : i32
    %scan3A_48 = arith.constant 0 : i32
    %scan3A_49 = arith.constant 98 : i32
    %scan3A_50 = arith.addi %scan3A_48, %scan3A_49 : i32
    %scan3A_51 = arith.constant 1 : i32
    scf.for %scan3A_73 = %scan3A_48 to %scan3A_50 step %scan3A_51  : i32 {
      %mul3A_74 = arith.constant 16 : i32
      %mul3A_75 = arith.muli %scan3A_73, %mul3A_74 : i32
      %get3A_76 = arith.index_cast %mul3A_75 : i32 to index
      %get3A_77 = tpu.vector_load %arg22[%get3A_76] {strides = array<i32>} : memref<1568xf32, #tpu.memory_space<vmem>>, vector<16xf32>,
      %get3A_78 = arith.index_cast %mul3A_75 : i32 to index
      %get3A_79 = tpu.vector_load %arg14[%get3A_78] {strides = array<i32>} : memref<1568xf32, #tpu.memory_space<vmem>>, vector<16xf32>,
      %get3A_80 = arith.index_cast %mul3A_75 : i32 to index
      %get3A_81 = tpu.vector_load %arg16[%get3A_80] {strides = array<i32>} : memref<1568xf32, #tpu.memory_space<vmem>>, vector<16xf32>,
      %get3A_82 = arith.index_cast %mul3A_75 : i32 to index
      %get3A_83 = tpu.vector_load %arg17[%get3A_82] {strides = array<i32>} : memref<1568xf32, #tpu.memory_space<vmem>>, vector<16xf32>,
      %add3A_84 = arith.addf %get3A_81, %get3A_83 : vector<16xf32>
      %mul3A_85 = arith.mulf %add3A_84, %get3A_77 : vector<16xf32>
      %add3A_86 = arith.addf %get3A_79, %mul3A_85 : vector<16xf32>
      %mul3A_87 = arith.mulf %add3A_86, %get3A_39 : vector<16xf32>
      %add3A_88 = arith.addf %mul3A_87, %get3A_41 : vector<16xf32>
      %get3A_89 = arith.index_cast %mul3A_75 : i32 to index
      %get3A_90 = tpu.vector_load %arg15[%get3A_89] {strides = array<i32>} : memref<1568xf32, #tpu.memory_space<vmem>>, vector<16xf32>,
      %get3A_91 = arith.index_cast %mul3A_75 : i32 to index
      %get3A_92 = tpu.vector_load %arg18[%get3A_91] {strides = array<i32>} : memref<1568xf32, #tpu.memory_space<vmem>>, vector<16xf32>,
      %get3A_93 = arith.index_cast %mul3A_75 : i32 to index
      %get3A_94 = tpu.vector_load %arg19[%get3A_93] {strides = array<i32>} : memref<1568xf32, #tpu.memory_space<vmem>>, vector<16xf32>,
      %add3A_95 = arith.addf %get3A_92, %get3A_94 : vector<16xf32>
      %mul3A_96 = arith.mulf %add3A_95, %get3A_77 : vector<16xf32>
      %add3A_97 = arith.addf %get3A_90, %mul3A_96 : vector<16xf32>
      %mul3A_98 = arith.mulf %add3A_97, %get3A_39 : vector<16xf32>
      %add3A_99 = arith.addf %mul3A_98, %get3A_41 : vector<16xf32>
      %swap3A = arith.index_cast %mul3A_75 : i32 to index
      %swap3A_100 = tpu.vector_load %arg23[%swap3A] {strides = array<i32>} : memref<1568xf32, #tpu.memory_space<vmem>>, vector<16xf32>,
      tpu.vector_store %arg23[%swap3A], %add3A_88 {strides = array<i32>} : memref<1568xf32, #tpu.memory_space<vmem>>, vector<16xf32>,
      %swap3A_101 = arith.index_cast %mul3A_75 : i32 to index
      %swap3A_102 = tpu.vector_load %arg24[%swap3A_101] {strides = array<i32>} : memref<1568xf32, #tpu.memory_space<vmem>>, vector<16xf32>,
      tpu.vector_store %arg24[%swap3A_101], %add3A_99 {strides = array<i32>} : memref<1568xf32, #tpu.memory_space<vmem>>, vector<16xf32>,
      %max3A = arith.constant 0.000000e+00 : f32
      %max3A_103 = vector.broadcast %max3A : f32 to vector<16xf32>
      %max3A_104 = arith.maximumf %add3A_88, %max3A_103 : vector<16xf32>
      %swap3A_105 = arith.index_cast %mul3A_75 : i32 to index
      %swap3A_106 = tpu.vector_load %arg25[%swap3A_105] {strides = array<i32>} : memref<1568xf32, #tpu.memory_space<vmem>>, vector<16xf32>,
      tpu.vector_store %arg25[%swap3A_105], %max3A_104 {strides = array<i32>} : memref<1568xf32, #tpu.memory_space<vmem>>, vector<16xf32>,
      %max3A_107 = arith.constant 0.000000e+00 : f32
      %max3A_108 = vector.broadcast %max3A_107 : f32 to vector<16xf32>
      %max3A_109 = arith.maximumf %add3A_99, %max3A_108 : vector<16xf32>
      %swap3A_110 = arith.index_cast %mul3A_75 : i32 to index
      %swap3A_111 = tpu.vector_load %arg26[%swap3A_110] {strides = array<i32>} : memref<1568xf32, #tpu.memory_space<vmem>>, vector<16xf32>,
      tpu.vector_store %arg26[%swap3A_110], %max3A_109 {strides = array<i32>} : memref<1568xf32, #tpu.memory_space<vmem>>, vector<16xf32>,
    }
    %scan3A_52 = arith.constant 98 : i32
    %dma_start3A_53 = tpu.memref_slice %arg9[%mul3A_2] : memref<50176xf32, #tpu.memory_space<hbm>> -> memref<1568xf32, #tpu.memory_space<hbm>>
    %dma_start3A_54 = tpu.memref_slice %arg9[%mul3A_2] : memref<50176xf32, #tpu.memory_space<hbm>> -> memref<1568xf32, #tpu.memory_space<hbm>>
    tpu.enqueue_dma source(%arg23 : memref<1568xf32, #tpu.memory_space<vmem>>) target(%dma_start3A_54 : memref<1568xf32, #tpu.memory_space<hbm>>) target_semaphore(%arg29 : memref<!tpu.dma_semaphore, #tpu.memory_space<semaphore_mem>>)
    %dma_start3A_55 = tpu.memref_slice %arg10[%mul3A_2] : memref<50176xf32, #tpu.memory_space<hbm>> -> memref<1568xf32, #tpu.memory_space<hbm>>
    %dma_start3A_56 = tpu.memref_slice %arg10[%mul3A_2] : memref<50176xf32, #tpu.memory_space<hbm>> -> memref<1568xf32, #tpu.memory_space<hbm>>
    tpu.enqueue_dma source(%arg24 : memref<1568xf32, #tpu.memory_space<vmem>>) target(%dma_start3A_56 : memref<1568xf32, #tpu.memory_space<hbm>>) target_semaphore(%arg29 : memref<!tpu.dma_semaphore, #tpu.memory_space<semaphore_mem>>)
    %dma_start3A_57 = tpu.memref_slice %arg11[%mul3A_2] : memref<50176xf32, #tpu.memory_space<hbm>> -> memref<1568xf32, #tpu.memory_space<hbm>>
    %dma_start3A_58 = tpu.memref_slice %arg11[%mul3A_2] : memref<50176xf32, #tpu.memory_space<hbm>> -> memref<1568xf32, #tpu.memory_space<hbm>>
    tpu.enqueue_dma source(%arg25 : memref<1568xf32, #tpu.memory_space<vmem>>) target(%dma_start3A_58 : memref<1568xf32, #tpu.memory_space<hbm>>) target_semaphore(%arg29 : memref<!tpu.dma_semaphore, #tpu.memory_space<semaphore_mem>>)
    %dma_start3A_59 = tpu.memref_slice %arg12[%mul3A_2] : memref<50176xf32, #tpu.memory_space<hbm>> -> memref<1568xf32, #tpu.memory_space<hbm>>
    %dma_start3A_60 = tpu.memref_slice %arg12[%mul3A_2] : memref<50176xf32, #tpu.memory_space<hbm>> -> memref<1568xf32, #tpu.memory_space<hbm>>
    tpu.enqueue_dma source(%arg26 : memref<1568xf32, #tpu.memory_space<vmem>>) target(%dma_start3A_60 : memref<1568xf32, #tpu.memory_space<hbm>>) target_semaphore(%arg29 : memref<!tpu.dma_semaphore, #tpu.memory_space<semaphore_mem>>)
    %dma_start3A_61 = tpu.memref_slice %arg13[%mul3A_2] : memref<50176xf32, #tpu.memory_space<hbm>> -> memref<1568xf32, #tpu.memory_space<hbm>>
    %dma_start3A_62 = tpu.memref_slice %arg13[%mul3A_2] : memref<50176xf32, #tpu.memory_space<hbm>> -> memref<1568xf32, #tpu.memory_space<hbm>>
    tpu.enqueue_dma source(%arg22 : memref<1568xf32, #tpu.memory_space<vmem>>) target(%dma_start3A_62 : memref<1568xf32, #tpu.memory_space<hbm>>) target_semaphore(%arg29 : memref<!tpu.dma_semaphore, #tpu.memory_space<semaphore_mem>>)
    %dma_wait3A_63 = tpu.memref_slice %arg9[%mul3A_2] : memref<50176xf32, #tpu.memory_space<hbm>> -> memref<1568xf32, #tpu.memory_space<hbm>>
    %dma_wait3A_64 = tpu.memref_slice %arg9[%mul3A_2] : memref<50176xf32, #tpu.memory_space<hbm>> -> memref<1568xf32, #tpu.memory_space<hbm>>
    tpu.wait_dma2 semaphore(%arg29 : memref<!tpu.dma_semaphore, #tpu.memory_space<semaphore_mem>>) src(%arg23 : memref<1568xf32, #tpu.memory_space<vmem>>) dst(%dma_wait3A_64 : memref<1568xf32, #tpu.memory_space<hbm>>)
    %dma_wait3A_65 = tpu.memref_slice %arg10[%mul3A_2] : memref<50176xf32, #tpu.memory_space<hbm>> -> memref<1568xf32, #tpu.memory_space<hbm>>
    %dma_wait3A_66 = tpu.memref_slice %arg10[%mul3A_2] : memref<50176xf32, #tpu.memory_space<hbm>> -> memref<1568xf32, #tpu.memory_space<hbm>>
    tpu.wait_dma2 semaphore(%arg29 : memref<!tpu.dma_semaphore, #tpu.memory_space<semaphore_mem>>) src(%arg24 : memref<1568xf32, #tpu.memory_space<vmem>>) dst(%dma_wait3A_66 : memref<1568xf32, #tpu.memory_space<hbm>>)
    %dma_wait3A_67 = tpu.memref_slice %arg11[%mul3A_2] : memref<50176xf32, #tpu.memory_space<hbm>> -> memref<1568xf32, #tpu.memory_space<hbm>>
    %dma_wait3A_68 = tpu.memref_slice %arg11[%mul3A_2] : memref<50176xf32, #tpu.memory_space<hbm>> -> memref<1568xf32, #tpu.memory_space<hbm>>
    tpu.wait_dma2 semaphore(%arg29 : memref<!tpu.dma_semaphore, #tpu.memory_space<semaphore_mem>>) src(%arg25 : memref<1568xf32, #tpu.memory_space<vmem>>) dst(%dma_wait3A_68 : memref<1568xf32, #tpu.memory_space<hbm>>)
    %dma_wait3A_69 = tpu.memref_slice %arg12[%mul3A_2] : memref<50176xf32, #tpu.memory_space<hbm>> -> memref<1568xf32, #tpu.memory_space<hbm>>
    %dma_wait3A_70 = tpu.memref_slice %arg12[%mul3A_2] : memref<50176xf32, #tpu.memory_space<hbm>> -> memref<1568xf32, #tpu.memory_space<hbm>>
    tpu.wait_dma2 semaphore(%arg29 : memref<!tpu.dma_semaphore, #tpu.memory_space<semaphore_mem>>) src(%arg26 : memref<1568xf32, #tpu.memory_space<vmem>>) dst(%dma_wait3A_70 : memref<1568xf32, #tpu.memory_space<hbm>>)
    %dma_wait3A_71 = tpu.memref_slice %arg13[%mul3A_2] : memref<50176xf32, #tpu.memory_space<hbm>> -> memref<1568xf32, #tpu.memory_space<hbm>>
    %dma_wait3A_72 = tpu.memref_slice %arg13[%mul3A_2] : memref<50176xf32, #tpu.memory_space<hbm>> -> memref<1568xf32, #tpu.memory_space<hbm>>
    tpu.wait_dma2 semaphore(%arg29 : memref<!tpu.dma_semaphore, #tpu.memory_space<semaphore_mem>>) src(%arg22 : memref<1568xf32, #tpu.memory_space<vmem>>) dst(%dma_wait3A_72 : memref<1568xf32, #tpu.memory_space<hbm>>)
    return
  }
}

#map = affine_map<(d0, d1) -> (0)>
module attributes {stable_mosaic.version = 14 : i64} {
  func.func @body(%arg0: i32, %arg1: i32, %arg2: memref<50176xf32, #tpu.memory_space<hbm>>, %arg3: memref<50176xf32, #tpu.memory_space<hbm>>, %arg4: memref<3200000xi32, #tpu.memory_space<hbm>>, %arg5: memref<3200000xi32, #tpu.memory_space<hbm>>, %arg6: memref<100352xf32, #tpu.memory_space<hbm>>, %arg7: memref<100352xf32, #tpu.memory_space<hbm>>, %arg8: memref<50000xf32, #tpu.memory_space<vmem>>, %arg9: memref<50000xf32, #tpu.memory_space<vmem>>, %arg10: memref<1280xi32, #tpu.memory_space<vmem>>, %arg11: memref<1280xi32, #tpu.memory_space<vmem>>, %arg12: memref<1280xi32, #tpu.memory_space<vmem>>, %arg13: memref<1280xi32, #tpu.memory_space<vmem>>, %arg14: memref<1280xi32, #tpu.memory_space<vmem>>, %arg15: memref<1280xi32, #tpu.memory_space<vmem>>, %arg16: memref<1280xi32, #tpu.memory_space<vmem>>, %arg17: memref<1280xi32, #tpu.memory_space<vmem>>, %arg18: memref<1280xf32, #tpu.memory_space<vmem>>, %arg19: memref<1280xf32, #tpu.memory_space<vmem>>, %arg20: memref<1280xf32, #tpu.memory_space<vmem>>, %arg21: memref<1280xf32, #tpu.memory_space<vmem>>, %arg22: memref<1568xf32, #tpu.memory_space<vmem>>, %arg23: memref<1568xf32, #tpu.memory_space<vmem>>, %arg24: memref<50176xf32, #tpu.memory_space<vmem_shared>>, %arg25: memref<50176xf32, #tpu.memory_space<vmem_shared>>, %arg26: memref<160xi32, #tpu.memory_space<vmem>>, %arg27: memref<160xi32, #tpu.memory_space<vmem>>, %arg28: memref<160xf32, #tpu.memory_space<vmem>>, %arg29: memref<160xf32, #tpu.memory_space<vmem>>, %arg30: memref<!tpu.dma_semaphore, #tpu.memory_space<semaphore_mem>>, %arg31: memref<!tpu.dma_semaphore, #tpu.memory_space<semaphore_mem>>, %arg32: memref<!tpu.dma_semaphore, #tpu.memory_space<semaphore_mem>>, %arg33: memref<!tpu.dma_semaphore, #tpu.memory_space<semaphore_mem>>, %arg34: memref<!tpu.dma_semaphore, #tpu.memory_space<semaphore_mem>>, %arg35: memref<!tpu.dma_semaphore, #tpu.memory_space<semaphore_mem>>, %arg36: memref<!tpu.dma_semaphore, #tpu.memory_space<semaphore_mem>>) attributes {dimension_semantics = [#tpu.dimension_semantics<core_parallel>, #tpu.dimension_semantics<subcore_parallel>], iteration_bounds = array<i64: 2, 16>, scalar_prefetch = 0 : i64, scratch_operands = 29 : i64, tpu.core_type = #tpu.core_type<sc_vector_subcore>, window_params = [{transform_indices = #map}, {transform_indices = #map}, {transform_indices = #map}, {transform_indices = #map}, {transform_indices = #map}, {transform_indices = #map}]} {
    %mul3A = arith.constant 2 : i32
    %mul3A_0 = arith.muli %arg1, %mul3A : i32
    %add3A = arith.addi %mul3A_0, %arg0 : i32
    %mul3A_1 = arith.constant 3136 : i32
    %mul3A_2 = arith.muli %arg1, %mul3A_1 : i32
    "tpu.region"() ({
      %run_scoped3A = tpu.sem_alloc : memref<!tpu.dma_semaphore, #tpu.memory_space<semaphore_mem>>
      %dma_start3A_215 = arith.constant 0 : i32
      %dma_start3A_216 = tpu.memref_slice %arg2[%dma_start3A_215] : memref<50176xf32, #tpu.memory_space<hbm>> -> memref<50000xf32, #tpu.memory_space<hbm>>
      %dma_start3A_217 = arith.constant 0 : i32
      %dma_start3A_218 = tpu.memref_slice %arg2[%dma_start3A_217] : memref<50176xf32, #tpu.memory_space<hbm>> -> memref<50000xf32, #tpu.memory_space<hbm>>
      tpu.enqueue_dma source(%dma_start3A_218 : memref<50000xf32, #tpu.memory_space<hbm>>) target(%arg8 : memref<50000xf32, #tpu.memory_space<vmem>>) target_semaphore(%run_scoped3A : memref<!tpu.dma_semaphore, #tpu.memory_space<semaphore_mem>>)
      %dma_wait3A_219 = arith.constant 0 : i32
      %dma_wait3A_220 = tpu.memref_slice %arg2[%dma_wait3A_219] : memref<50176xf32, #tpu.memory_space<hbm>> -> memref<50000xf32, #tpu.memory_space<hbm>>
      %dma_wait3A_221 = arith.constant 0 : i32
      %dma_wait3A_222 = tpu.memref_slice %arg2[%dma_wait3A_221] : memref<50176xf32, #tpu.memory_space<hbm>> -> memref<50000xf32, #tpu.memory_space<hbm>>
      tpu.wait_dma2 semaphore(%run_scoped3A : memref<!tpu.dma_semaphore, #tpu.memory_space<semaphore_mem>>) src(%dma_wait3A_222 : memref<50000xf32, #tpu.memory_space<hbm>>) dst(%arg8 : memref<50000xf32, #tpu.memory_space<vmem>>)
      tpu.yield
    }) : () -> ()
    "tpu.region"() ({
      %run_scoped3A = tpu.sem_alloc : memref<!tpu.dma_semaphore, #tpu.memory_space<semaphore_mem>>
      %dma_start3A_215 = arith.constant 0 : i32
      %dma_start3A_216 = tpu.memref_slice %arg3[%dma_start3A_215] : memref<50176xf32, #tpu.memory_space<hbm>> -> memref<50000xf32, #tpu.memory_space<hbm>>
      %dma_start3A_217 = arith.constant 0 : i32
      %dma_start3A_218 = tpu.memref_slice %arg3[%dma_start3A_217] : memref<50176xf32, #tpu.memory_space<hbm>> -> memref<50000xf32, #tpu.memory_space<hbm>>
      tpu.enqueue_dma source(%dma_start3A_218 : memref<50000xf32, #tpu.memory_space<hbm>>) target(%arg9 : memref<50000xf32, #tpu.memory_space<vmem>>) target_semaphore(%run_scoped3A : memref<!tpu.dma_semaphore, #tpu.memory_space<semaphore_mem>>)
      %dma_wait3A_219 = arith.constant 0 : i32
      %dma_wait3A_220 = tpu.memref_slice %arg3[%dma_wait3A_219] : memref<50176xf32, #tpu.memory_space<hbm>> -> memref<50000xf32, #tpu.memory_space<hbm>>
      %dma_wait3A_221 = arith.constant 0 : i32
      %dma_wait3A_222 = tpu.memref_slice %arg3[%dma_wait3A_221] : memref<50176xf32, #tpu.memory_space<hbm>> -> memref<50000xf32, #tpu.memory_space<hbm>>
      tpu.wait_dma2 semaphore(%run_scoped3A : memref<!tpu.dma_semaphore, #tpu.memory_space<semaphore_mem>>) src(%dma_wait3A_222 : memref<50000xf32, #tpu.memory_space<hbm>>) dst(%arg9 : memref<50000xf32, #tpu.memory_space<vmem>>)
      tpu.yield
    }) : () -> ()
    %scan3A = arith.constant 0 : i32
    %scan3A_3 = arith.constant 0 : i32
    %scan3A_4 = arith.constant 98 : i32
    %scan3A_5 = arith.addi %scan3A_3, %scan3A_4 : i32
    %scan3A_6 = arith.constant 1 : i32
    scf.for %scan3A_215 = %scan3A_3 to %scan3A_5 step %scan3A_6  : i32 {
      %broadcast_in_dim3A = arith.constant 0.000000e+00 : f32
      %broadcast_in_dim3A_216 = vector.broadcast %broadcast_in_dim3A : f32 to vector<16xf32>
      %mul3A_217 = arith.constant 16 : i32
      %mul3A_218 = arith.muli %scan3A_215, %mul3A_217 : i32
      %swap3A = arith.index_cast %mul3A_218 : i32 to index
      %swap3A_219 = tpu.vector_load %arg22[%swap3A] {strides = array<i32>} : memref<1568xf32, #tpu.memory_space<vmem>>, vector<16xf32>,
      tpu.vector_store %arg22[%swap3A], %broadcast_in_dim3A_216 {strides = array<i32>} : memref<1568xf32, #tpu.memory_space<vmem>>, vector<16xf32>,
    }
    %scan3A_7 = arith.constant 98 : i32
    %mul3A_8 = arith.constant 3136 : i32
    %mul3A_9 = arith.muli %arg1, %mul3A_8 : i32
    %add3A_10 = arith.constant 0 : i32
    %add3A_11 = arith.addi %mul3A_9, %add3A_10 : i32
    %dma_start3A = tpu.memref_slice %arg24[%add3A_11] : memref<50176xf32, #tpu.memory_space<vmem_shared>> -> memref<1568xf32, #tpu.memory_space<vmem_shared>>
    %dma_start3A_12 = tpu.memref_slice %arg24[%add3A_11] : memref<50176xf32, #tpu.memory_space<vmem_shared>> -> memref<1568xf32, #tpu.memory_space<vmem_shared>>
    tpu.enqueue_dma source(%arg22 : memref<1568xf32, #tpu.memory_space<vmem>>) target(%dma_start3A_12 : memref<1568xf32, #tpu.memory_space<vmem_shared>>) target_semaphore(%arg36 : memref<!tpu.dma_semaphore, #tpu.memory_space<semaphore_mem>>)
    %mul3A_13 = arith.constant 3136 : i32
    %mul3A_14 = arith.muli %arg1, %mul3A_13 : i32
    %add3A_15 = arith.constant 1568 : i32
    %add3A_16 = arith.addi %mul3A_14, %add3A_15 : i32
    %dma_start3A_17 = tpu.memref_slice %arg24[%add3A_16] : memref<50176xf32, #tpu.memory_space<vmem_shared>> -> memref<1568xf32, #tpu.memory_space<vmem_shared>>
    %dma_start3A_18 = tpu.memref_slice %arg24[%add3A_16] : memref<50176xf32, #tpu.memory_space<vmem_shared>> -> memref<1568xf32, #tpu.memory_space<vmem_shared>>
    tpu.enqueue_dma source(%arg22 : memref<1568xf32, #tpu.memory_space<vmem>>) target(%dma_start3A_18 : memref<1568xf32, #tpu.memory_space<vmem_shared>>) target_semaphore(%arg36 : memref<!tpu.dma_semaphore, #tpu.memory_space<semaphore_mem>>)
    %mul3A_19 = arith.constant 3136 : i32
    %mul3A_20 = arith.muli %arg1, %mul3A_19 : i32
    %add3A_21 = arith.constant 0 : i32
    %add3A_22 = arith.addi %mul3A_20, %add3A_21 : i32
    %dma_start3A_23 = tpu.memref_slice %arg25[%add3A_22] : memref<50176xf32, #tpu.memory_space<vmem_shared>> -> memref<1568xf32, #tpu.memory_space<vmem_shared>>
    %dma_start3A_24 = tpu.memref_slice %arg25[%add3A_22] : memref<50176xf32, #tpu.memory_space<vmem_shared>> -> memref<1568xf32, #tpu.memory_space<vmem_shared>>
    tpu.enqueue_dma source(%arg22 : memref<1568xf32, #tpu.memory_space<vmem>>) target(%dma_start3A_24 : memref<1568xf32, #tpu.memory_space<vmem_shared>>) target_semaphore(%arg36 : memref<!tpu.dma_semaphore, #tpu.memory_space<semaphore_mem>>)
    %mul3A_25 = arith.constant 3136 : i32
    %mul3A_26 = arith.muli %arg1, %mul3A_25 : i32
    %add3A_27 = arith.constant 1568 : i32
    %add3A_28 = arith.addi %mul3A_26, %add3A_27 : i32
    %dma_start3A_29 = tpu.memref_slice %arg25[%add3A_28] : memref<50176xf32, #tpu.memory_space<vmem_shared>> -> memref<1568xf32, #tpu.memory_space<vmem_shared>>
    %dma_start3A_30 = tpu.memref_slice %arg25[%add3A_28] : memref<50176xf32, #tpu.memory_space<vmem_shared>> -> memref<1568xf32, #tpu.memory_space<vmem_shared>>
    tpu.enqueue_dma source(%arg22 : memref<1568xf32, #tpu.memory_space<vmem>>) target(%dma_start3A_30 : memref<1568xf32, #tpu.memory_space<vmem_shared>>) target_semaphore(%arg36 : memref<!tpu.dma_semaphore, #tpu.memory_space<semaphore_mem>>)
    %mul3A_31 = arith.constant 3136 : i32
    %mul3A_32 = arith.muli %arg1, %mul3A_31 : i32
    %add3A_33 = arith.constant 0 : i32
    %add3A_34 = arith.addi %mul3A_32, %add3A_33 : i32
    %dma_wait3A = tpu.memref_slice %arg24[%add3A_34] : memref<50176xf32, #tpu.memory_space<vmem_shared>> -> memref<1568xf32, #tpu.memory_space<vmem_shared>>
    %dma_wait3A_35 = tpu.memref_slice %arg24[%add3A_34] : memref<50176xf32, #tpu.memory_space<vmem_shared>> -> memref<1568xf32, #tpu.memory_space<vmem_shared>>
    tpu.wait_dma2 semaphore(%arg36 : memref<!tpu.dma_semaphore, #tpu.memory_space<semaphore_mem>>) src(%arg22 : memref<1568xf32, #tpu.memory_space<vmem>>) dst(%dma_wait3A_35 : memref<1568xf32, #tpu.memory_space<vmem_shared>>)
    %mul3A_36 = arith.constant 3136 : i32
    %mul3A_37 = arith.muli %arg1, %mul3A_36 : i32
    %add3A_38 = arith.constant 1568 : i32
    %add3A_39 = arith.addi %mul3A_37, %add3A_38 : i32
    %dma_wait3A_40 = tpu.memref_slice %arg24[%add3A_39] : memref<50176xf32, #tpu.memory_space<vmem_shared>> -> memref<1568xf32, #tpu.memory_space<vmem_shared>>
    %dma_wait3A_41 = tpu.memref_slice %arg24[%add3A_39] : memref<50176xf32, #tpu.memory_space<vmem_shared>> -> memref<1568xf32, #tpu.memory_space<vmem_shared>>
    tpu.wait_dma2 semaphore(%arg36 : memref<!tpu.dma_semaphore, #tpu.memory_space<semaphore_mem>>) src(%arg22 : memref<1568xf32, #tpu.memory_space<vmem>>) dst(%dma_wait3A_41 : memref<1568xf32, #tpu.memory_space<vmem_shared>>)
    %mul3A_42 = arith.constant 3136 : i32
    %mul3A_43 = arith.muli %arg1, %mul3A_42 : i32
    %add3A_44 = arith.constant 0 : i32
    %add3A_45 = arith.addi %mul3A_43, %add3A_44 : i32
    %dma_wait3A_46 = tpu.memref_slice %arg25[%add3A_45] : memref<50176xf32, #tpu.memory_space<vmem_shared>> -> memref<1568xf32, #tpu.memory_space<vmem_shared>>
    %dma_wait3A_47 = tpu.memref_slice %arg25[%add3A_45] : memref<50176xf32, #tpu.memory_space<vmem_shared>> -> memref<1568xf32, #tpu.memory_space<vmem_shared>>
    tpu.wait_dma2 semaphore(%arg36 : memref<!tpu.dma_semaphore, #tpu.memory_space<semaphore_mem>>) src(%arg22 : memref<1568xf32, #tpu.memory_space<vmem>>) dst(%dma_wait3A_47 : memref<1568xf32, #tpu.memory_space<vmem_shared>>)
    %mul3A_48 = arith.constant 3136 : i32
    %mul3A_49 = arith.muli %arg1, %mul3A_48 : i32
    %add3A_50 = arith.constant 1568 : i32
    %add3A_51 = arith.addi %mul3A_49, %add3A_50 : i32
    %dma_wait3A_52 = tpu.memref_slice %arg25[%add3A_51] : memref<50176xf32, #tpu.memory_space<vmem_shared>> -> memref<1568xf32, #tpu.memory_space<vmem_shared>>
    %dma_wait3A_53 = tpu.memref_slice %arg25[%add3A_51] : memref<50176xf32, #tpu.memory_space<vmem_shared>> -> memref<1568xf32, #tpu.memory_space<vmem_shared>>
    tpu.wait_dma2 semaphore(%arg36 : memref<!tpu.dma_semaphore, #tpu.memory_space<semaphore_mem>>) src(%arg22 : memref<1568xf32, #tpu.memory_space<vmem>>) dst(%dma_wait3A_53 : memref<1568xf32, #tpu.memory_space<vmem_shared>>)
    %barrier3A = arith.constant 0 : index
    tpu.barrier barrier_id(%barrier3A)
    %mul3A_54 = arith.constant 100000 : i32
    %mul3A_55 = arith.muli %add3A, %mul3A_54 : i32
    %add3A_56 = arith.constant 0 : i32
    %add3A_57 = arith.addi %mul3A_55, %add3A_56 : i32
    %dma_start3A_58 = tpu.memref_slice %arg4[%add3A_57] : memref<3200000xi32, #tpu.memory_space<hbm>> -> memref<1280xi32, #tpu.memory_space<hbm>>
    %dma_start3A_59 = tpu.memref_slice %arg4[%add3A_57] : memref<3200000xi32, #tpu.memory_space<hbm>> -> memref<1280xi32, #tpu.memory_space<hbm>>
    tpu.enqueue_dma source(%dma_start3A_59 : memref<1280xi32, #tpu.memory_space<hbm>>) target(%arg10 : memref<1280xi32, #tpu.memory_space<vmem>>) target_semaphore(%arg30 : memref<!tpu.dma_semaphore, #tpu.memory_space<semaphore_mem>>)
    %dma_start3A_60 = tpu.memref_slice %arg5[%add3A_57] : memref<3200000xi32, #tpu.memory_space<hbm>> -> memref<1280xi32, #tpu.memory_space<hbm>>
    %dma_start3A_61 = tpu.memref_slice %arg5[%add3A_57] : memref<3200000xi32, #tpu.memory_space<hbm>> -> memref<1280xi32, #tpu.memory_space<hbm>>
    tpu.enqueue_dma source(%dma_start3A_61 : memref<1280xi32, #tpu.memory_space<hbm>>) target(%arg14 : memref<1280xi32, #tpu.memory_space<vmem>>) target_semaphore(%arg30 : memref<!tpu.dma_semaphore, #tpu.memory_space<semaphore_mem>>)
    %add3A_62 = arith.constant 1280 : i32
    %add3A_63 = arith.addi %mul3A_55, %add3A_62 : i32
    %dma_start3A_64 = tpu.memref_slice %arg4[%add3A_63] : memref<3200000xi32, #tpu.memory_space<hbm>> -> memref<1280xi32, #tpu.memory_space<hbm>>
    %dma_start3A_65 = tpu.memref_slice %arg4[%add3A_63] : memref<3200000xi32, #tpu.memory_space<hbm>> -> memref<1280xi32, #tpu.memory_space<hbm>>
    tpu.enqueue_dma source(%dma_start3A_65 : memref<1280xi32, #tpu.memory_space<hbm>>) target(%arg11 : memref<1280xi32, #tpu.memory_space<vmem>>) target_semaphore(%arg31 : memref<!tpu.dma_semaphore, #tpu.memory_space<semaphore_mem>>)
    %dma_start3A_66 = tpu.memref_slice %arg5[%add3A_63] : memref<3200000xi32, #tpu.memory_space<hbm>> -> memref<1280xi32, #tpu.memory_space<hbm>>
    %dma_start3A_67 = tpu.memref_slice %arg5[%add3A_63] : memref<3200000xi32, #tpu.memory_space<hbm>> -> memref<1280xi32, #tpu.memory_space<hbm>>
    tpu.enqueue_dma source(%dma_start3A_67 : memref<1280xi32, #tpu.memory_space<hbm>>) target(%arg15 : memref<1280xi32, #tpu.memory_space<vmem>>) target_semaphore(%arg31 : memref<!tpu.dma_semaphore, #tpu.memory_space<semaphore_mem>>)
    %add3A_68 = arith.constant 99840 : i32
    %add3A_69 = arith.addi %mul3A_55, %add3A_68 : i32
    %dma_start3A_70 = tpu.memref_slice %arg4[%add3A_69] : memref<3200000xi32, #tpu.memory_space<hbm>> -> memref<160xi32, #tpu.memory_space<hbm>>
    %dma_start3A_71 = tpu.memref_slice %arg4[%add3A_69] : memref<3200000xi32, #tpu.memory_space<hbm>> -> memref<160xi32, #tpu.memory_space<hbm>>
    tpu.enqueue_dma source(%dma_start3A_71 : memref<160xi32, #tpu.memory_space<hbm>>) target(%arg26 : memref<160xi32, #tpu.memory_space<vmem>>) target_semaphore(%arg36 : memref<!tpu.dma_semaphore, #tpu.memory_space<semaphore_mem>>)
    %dma_start3A_72 = tpu.memref_slice %arg5[%add3A_69] : memref<3200000xi32, #tpu.memory_space<hbm>> -> memref<160xi32, #tpu.memory_space<hbm>>
    %dma_start3A_73 = tpu.memref_slice %arg5[%add3A_69] : memref<3200000xi32, #tpu.memory_space<hbm>> -> memref<160xi32, #tpu.memory_space<hbm>>
    tpu.enqueue_dma source(%dma_start3A_73 : memref<160xi32, #tpu.memory_space<hbm>>) target(%arg27 : memref<160xi32, #tpu.memory_space<vmem>>) target_semaphore(%arg36 : memref<!tpu.dma_semaphore, #tpu.memory_space<semaphore_mem>>)
    %scan3A_74 = arith.constant 0 : i32
    %scan3A_75 = arith.constant 0 : i32
    %scan3A_76 = arith.constant 19 : i32
    %scan3A_77 = arith.addi %scan3A_75, %scan3A_76 : i32
    %scan3A_78 = arith.constant 1 : i32
    scf.for %scan3A_215 = %scan3A_75 to %scan3A_77 step %scan3A_78  : i32 {
      %mul3A_216 = arith.constant 4 : i32
      %mul3A_217 = arith.muli %scan3A_215, %mul3A_216 : i32
      %add3A_218 = arith.constant 0 : i32
      %add3A_219 = arith.addi %mul3A_217, %add3A_218 : i32
      %ge3A = arith.constant 2 : i32
      %ge3A_220 = arith.cmpi sge, %add3A_219, %ge3A : i32
      %convert_element_type3A = arith.extui %ge3A_220 : i1 to i32
      %cond3A = arith.constant 0 : i32
      %cond3A_221 = arith.cmpi ne, %convert_element_type3A, %cond3A : i32
      scf.if %cond3A_221 {
        %dma_wait3A_348 = arith.constant 0 : i32
        %dma_wait3A_349 = tpu.memref_slice %arg24[%dma_wait3A_348] : memref<50176xf32, #tpu.memory_space<vmem_shared>> -> memref<50176xf32, #tpu.memory_space<vmem_shared>>
        tpu.wait_indirect_dma semaphore(%arg34 : memref<!tpu.dma_semaphore, #tpu.memory_space<semaphore_mem>>) src(%arg18 : memref<1280xf32, #tpu.memory_space<vmem>>) dst(%dma_wait3A_349 : memref<50176xf32, #tpu.memory_space<vmem_shared>>)
        %dma_wait3A_350 = arith.constant 0 : i32
        %dma_wait3A_351 = tpu.memref_slice %arg25[%dma_wait3A_350] : memref<50176xf32, #tpu.memory_space<vmem_shared>> -> memref<50176xf32, #tpu.memory_space<vmem_shared>>
        tpu.wait_indirect_dma semaphore(%arg34 : memref<!tpu.dma_semaphore, #tpu.memory_space<semaphore_mem>>) src(%arg20 : memref<1280xf32, #tpu.memory_space<vmem>>) dst(%dma_wait3A_351 : memref<50176xf32, #tpu.memory_space<vmem_shared>>)
      } else {
      }
      %add3A_222 = arith.constant 2 : i32
      %add3A_223 = arith.addi %add3A_219, %add3A_222 : i32
      %lt3A = arith.constant 78 : i32
      %lt3A_224 = arith.cmpi slt, %add3A_223, %lt3A : i32
      %convert_element_type3A_225 = arith.extui %lt3A_224 : i1 to i32
      %cond3A_226 = arith.constant 0 : i32
      %cond3A_227 = arith.cmpi ne, %convert_element_type3A_225, %cond3A_226 : i32
      scf.if %cond3A_227 {
        %add3A_348 = arith.constant 2 : i32
        %add3A_349 = arith.addi %add3A_219, %add3A_348 : i32
        %mul3A_350 = arith.constant 1280 : i32
        %mul3A_351 = arith.muli %add3A_349, %mul3A_350 : i32
        %add3A_352 = arith.addi %mul3A_55, %mul3A_351 : i32
        %dma_start3A_353 = tpu.memref_slice %arg4[%add3A_352] : memref<3200000xi32, #tpu.memory_space<hbm>> -> memref<1280xi32, #tpu.memory_space<hbm>>
        %dma_start3A_354 = tpu.memref_slice %arg4[%add3A_352] : memref<3200000xi32, #tpu.memory_space<hbm>> -> memref<1280xi32, #tpu.memory_space<hbm>>
        tpu.enqueue_dma source(%dma_start3A_354 : memref<1280xi32, #tpu.memory_space<hbm>>) target(%arg12 : memref<1280xi32, #tpu.memory_space<vmem>>) target_semaphore(%arg32 : memref<!tpu.dma_semaphore, #tpu.memory_space<semaphore_mem>>)
        %dma_start3A_355 = tpu.memref_slice %arg5[%add3A_352] : memref<3200000xi32, #tpu.memory_space<hbm>> -> memref<1280xi32, #tpu.memory_space<hbm>>
        %dma_start3A_356 = tpu.memref_slice %arg5[%add3A_352] : memref<3200000xi32, #tpu.memory_space<hbm>> -> memref<1280xi32, #tpu.memory_space<hbm>>
        tpu.enqueue_dma source(%dma_start3A_356 : memref<1280xi32, #tpu.memory_space<hbm>>) target(%arg16 : memref<1280xi32, #tpu.memory_space<vmem>>) target_semaphore(%arg32 : memref<!tpu.dma_semaphore, #tpu.memory_space<semaphore_mem>>)
      } else {
      }
      %dma_wait3A_228 = arith.constant 0 : i32
      %dma_wait3A_229 = tpu.memref_slice %arg4[%dma_wait3A_228] : memref<3200000xi32, #tpu.memory_space<hbm>> -> memref<1280xi32, #tpu.memory_space<hbm>>
      %dma_wait3A_230 = arith.constant 0 : i32
      %dma_wait3A_231 = tpu.memref_slice %arg4[%dma_wait3A_230] : memref<3200000xi32, #tpu.memory_space<hbm>> -> memref<1280xi32, #tpu.memory_space<hbm>>
      tpu.wait_dma2 semaphore(%arg30 : memref<!tpu.dma_semaphore, #tpu.memory_space<semaphore_mem>>) src(%dma_wait3A_231 : memref<1280xi32, #tpu.memory_space<hbm>>) dst(%arg10 : memref<1280xi32, #tpu.memory_space<vmem>>)
      %dma_wait3A_232 = arith.constant 0 : i32
      %dma_wait3A_233 = tpu.memref_slice %arg4[%dma_wait3A_232] : memref<3200000xi32, #tpu.memory_space<hbm>> -> memref<1280xi32, #tpu.memory_space<hbm>>
      %dma_wait3A_234 = arith.constant 0 : i32
      %dma_wait3A_235 = tpu.memref_slice %arg4[%dma_wait3A_234] : memref<3200000xi32, #tpu.memory_space<hbm>> -> memref<1280xi32, #tpu.memory_space<hbm>>
      tpu.wait_dma2 semaphore(%arg30 : memref<!tpu.dma_semaphore, #tpu.memory_space<semaphore_mem>>) src(%dma_wait3A_235 : memref<1280xi32, #tpu.memory_space<hbm>>) dst(%arg14 : memref<1280xi32, #tpu.memory_space<vmem>>)
      %scan3A_236 = arith.constant 0 : i32
      %scan3A_237 = arith.constant 0 : i32
      %scan3A_238 = arith.constant 80 : i32
      %scan3A_239 = arith.addi %scan3A_237, %scan3A_238 : i32
      %scan3A_240 = arith.constant 1 : i32
      scf.for %scan3A_348 = %scan3A_237 to %scan3A_239 step %scan3A_240  : i32 {
        %mul3A_349 = arith.constant 16 : i32
        %mul3A_350 = arith.muli %scan3A_348, %mul3A_349 : i32
        %get3A = arith.index_cast %mul3A_350 : i32 to index
        %get3A_351 = tpu.vector_load %arg10[%get3A] {strides = array<i32>} : memref<1280xi32, #tpu.memory_space<vmem>>, vector<16xi32>,
        %gather3A = tpu.vector_load_idx %arg8[%get3A_351] : memref<50000xf32, #tpu.memory_space<vmem>>[vector<16xi32>], vector<16xf32>,
        %swap3A = arith.index_cast %mul3A_350 : i32 to index
        %swap3A_352 = tpu.vector_load %arg18[%swap3A] {strides = array<i32>} : memref<1280xf32, #tpu.memory_space<vmem>>, vector<16xf32>,
        tpu.vector_store %arg18[%swap3A], %gather3A {strides = array<i32>} : memref<1280xf32, #tpu.memory_space<vmem>>, vector<16xf32>,
        %gather3A_353 = tpu.vector_load_idx %arg9[%get3A_351] : memref<50000xf32, #tpu.memory_space<vmem>>[vector<16xi32>], vector<16xf32>,
        %swap3A_354 = arith.index_cast %mul3A_350 : i32 to index
        %swap3A_355 = tpu.vector_load %arg20[%swap3A_354] {strides = array<i32>} : memref<1280xf32, #tpu.memory_space<vmem>>, vector<16xf32>,
        tpu.vector_store %arg20[%swap3A_354], %gather3A_353 {strides = array<i32>} : memref<1280xf32, #tpu.memory_space<vmem>>, vector<16xf32>,
      }
      %scan3A_241 = arith.constant 80 : i32
      %dma_start3A_242 = arith.constant 0 : i32
      %dma_start3A_243 = tpu.memref_slice %arg24[%dma_start3A_242] : memref<50176xf32, #tpu.memory_space<vmem_shared>> -> memref<50176xf32, #tpu.memory_space<vmem_shared>>
      tpu.enqueue_indirect_dma source(%arg18 : memref<1280xf32, #tpu.memory_space<vmem>>) target(%dma_start3A_243 : memref<50176xf32, #tpu.memory_space<vmem_shared>>) offsets(%arg14 : memref<1280xi32, #tpu.memory_space<vmem>>) semaphore(%arg34 : memref<!tpu.dma_semaphore, #tpu.memory_space<semaphore_mem>>) {add = true}
      %dma_start3A_244 = arith.constant 0 : i32
      %dma_start3A_245 = tpu.memref_slice %arg25[%dma_start3A_244] : memref<50176xf32, #tpu.memory_space<vmem_shared>> -> memref<50176xf32, #tpu.memory_space<vmem_shared>>
      tpu.enqueue_indirect_dma source(%arg20 : memref<1280xf32, #tpu.memory_space<vmem>>) target(%dma_start3A_245 : memref<50176xf32, #tpu.memory_space<vmem_shared>>) offsets(%arg14 : memref<1280xi32, #tpu.memory_space<vmem>>) semaphore(%arg34 : memref<!tpu.dma_semaphore, #tpu.memory_space<semaphore_mem>>) {add = true}
      %mul3A_246 = arith.constant 4 : i32
      %mul3A_247 = arith.muli %scan3A_215, %mul3A_246 : i32
      %add3A_248 = arith.constant 1 : i32
      %add3A_249 = arith.addi %mul3A_247, %add3A_248 : i32
      %ge3A_250 = arith.constant 2 : i32
      %ge3A_251 = arith.cmpi sge, %add3A_249, %ge3A_250 : i32
      %convert_element_type3A_252 = arith.extui %ge3A_251 : i1 to i32
      %cond3A_253 = arith.constant 0 : i32
      %cond3A_254 = arith.cmpi ne, %convert_element_type3A_252, %cond3A_253 : i32
      scf.if %cond3A_254 {
        %dma_wait3A_348 = arith.constant 0 : i32
        %dma_wait3A_349 = tpu.memref_slice %arg24[%dma_wait3A_348] : memref<50176xf32, #tpu.memory_space<vmem_shared>> -> memref<50176xf32, #tpu.memory_space<vmem_shared>>
        tpu.wait_indirect_dma semaphore(%arg35 : memref<!tpu.dma_semaphore, #tpu.memory_space<semaphore_mem>>) src(%arg19 : memref<1280xf32, #tpu.memory_space<vmem>>) dst(%dma_wait3A_349 : memref<50176xf32, #tpu.memory_space<vmem_shared>>)
        %dma_wait3A_350 = arith.constant 0 : i32
        %dma_wait3A_351 = tpu.memref_slice %arg25[%dma_wait3A_350] : memref<50176xf32, #tpu.memory_space<vmem_shared>> -> memref<50176xf32, #tpu.memory_space<vmem_shared>>
        tpu.wait_indirect_dma semaphore(%arg35 : memref<!tpu.dma_semaphore, #tpu.memory_space<semaphore_mem>>) src(%arg21 : memref<1280xf32, #tpu.memory_space<vmem>>) dst(%dma_wait3A_351 : memref<50176xf32, #tpu.memory_space<vmem_shared>>)
      } else {
      }
      %add3A_255 = arith.constant 2 : i32
      %add3A_256 = arith.addi %add3A_249, %add3A_255 : i32
      %lt3A_257 = arith.constant 78 : i32
      %lt3A_258 = arith.cmpi slt, %add3A_256, %lt3A_257 : i32
      %convert_element_type3A_259 = arith.extui %lt3A_258 : i1 to i32
      %cond3A_260 = arith.constant 0 : i32
      %cond3A_261 = arith.cmpi ne, %convert_element_type3A_259, %cond3A_260 : i32
      scf.if %cond3A_261 {
        %add3A_348 = arith.constant 2 : i32
        %add3A_349 = arith.addi %add3A_249, %add3A_348 : i32
        %mul3A_350 = arith.constant 1280 : i32
        %mul3A_351 = arith.muli %add3A_349, %mul3A_350 : i32
        %add3A_352 = arith.addi %mul3A_55, %mul3A_351 : i32
        %dma_start3A_353 = tpu.memref_slice %arg4[%add3A_352] : memref<3200000xi32, #tpu.memory_space<hbm>> -> memref<1280xi32, #tpu.memory_space<hbm>>
        %dma_start3A_354 = tpu.memref_slice %arg4[%add3A_352] : memref<3200000xi32, #tpu.memory_space<hbm>> -> memref<1280xi32, #tpu.memory_space<hbm>>
        tpu.enqueue_dma source(%dma_start3A_354 : memref<1280xi32, #tpu.memory_space<hbm>>) target(%arg13 : memref<1280xi32, #tpu.memory_space<vmem>>) target_semaphore(%arg33 : memref<!tpu.dma_semaphore, #tpu.memory_space<semaphore_mem>>)
        %dma_start3A_355 = tpu.memref_slice %arg5[%add3A_352] : memref<3200000xi32, #tpu.memory_space<hbm>> -> memref<1280xi32, #tpu.memory_space<hbm>>
        %dma_start3A_356 = tpu.memref_slice %arg5[%add3A_352] : memref<3200000xi32, #tpu.memory_space<hbm>> -> memref<1280xi32, #tpu.memory_space<hbm>>
        tpu.enqueue_dma source(%dma_start3A_356 : memref<1280xi32, #tpu.memory_space<hbm>>) target(%arg17 : memref<1280xi32, #tpu.memory_space<vmem>>) target_semaphore(%arg33 : memref<!tpu.dma_semaphore, #tpu.memory_space<semaphore_mem>>)
      } else {
      }
      %dma_wait3A_262 = arith.constant 0 : i32
      %dma_wait3A_263 = tpu.memref_slice %arg4[%dma_wait3A_262] : memref<3200000xi32, #tpu.memory_space<hbm>> -> memref<1280xi32, #tpu.memory_space<hbm>>
      %dma_wait3A_264 = arith.constant 0 : i32
      %dma_wait3A_265 = tpu.memref_slice %arg4[%dma_wait3A_264] : memref<3200000xi32, #tpu.memory_space<hbm>> -> memref<1280xi32, #tpu.memory_space<hbm>>
      tpu.wait_dma2 semaphore(%arg31 : memref<!tpu.dma_semaphore, #tpu.memory_space<semaphore_mem>>) src(%dma_wait3A_265 : memref<1280xi32, #tpu.memory_space<hbm>>) dst(%arg11 : memref<1280xi32, #tpu.memory_space<vmem>>)
      %dma_wait3A_266 = arith.constant 0 : i32
      %dma_wait3A_267 = tpu.memref_slice %arg4[%dma_wait3A_266] : memref<3200000xi32, #tpu.memory_space<hbm>> -> memref<1280xi32, #tpu.memory_space<hbm>>
      %dma_wait3A_268 = arith.constant 0 : i32
      %dma_wait3A_269 = tpu.memref_slice %arg4[%dma_wait3A_268] : memref<3200000xi32, #tpu.memory_space<hbm>> -> memref<1280xi32, #tpu.memory_space<hbm>>
      tpu.wait_dma2 semaphore(%arg31 : memref<!tpu.dma_semaphore, #tpu.memory_space<semaphore_mem>>) src(%dma_wait3A_269 : memref<1280xi32, #tpu.memory_space<hbm>>) dst(%arg15 : memref<1280xi32, #tpu.memory_space<vmem>>)
      %scan3A_270 = arith.constant 0 : i32
      %scan3A_271 = arith.constant 0 : i32
      %scan3A_272 = arith.constant 80 : i32
      %scan3A_273 = arith.addi %scan3A_271, %scan3A_272 : i32
      %scan3A_274 = arith.constant 1 : i32
      scf.for %scan3A_348 = %scan3A_271 to %scan3A_273 step %scan3A_274  : i32 {
        %mul3A_349 = arith.constant 16 : i32
        %mul3A_350 = arith.muli %scan3A_348, %mul3A_349 : i32
        %get3A = arith.index_cast %mul3A_350 : i32 to index
        %get3A_351 = tpu.vector_load %arg11[%get3A] {strides = array<i32>} : memref<1280xi32, #tpu.memory_space<vmem>>, vector<16xi32>,
        %gather3A = tpu.vector_load_idx %arg8[%get3A_351] : memref<50000xf32, #tpu.memory_space<vmem>>[vector<16xi32>], vector<16xf32>,
        %swap3A = arith.index_cast %mul3A_350 : i32 to index
        %swap3A_352 = tpu.vector_load %arg19[%swap3A] {strides = array<i32>} : memref<1280xf32, #tpu.memory_space<vmem>>, vector<16xf32>,
        tpu.vector_store %arg19[%swap3A], %gather3A {strides = array<i32>} : memref<1280xf32, #tpu.memory_space<vmem>>, vector<16xf32>,
        %gather3A_353 = tpu.vector_load_idx %arg9[%get3A_351] : memref<50000xf32, #tpu.memory_space<vmem>>[vector<16xi32>], vector<16xf32>,
        %swap3A_354 = arith.index_cast %mul3A_350 : i32 to index
        %swap3A_355 = tpu.vector_load %arg21[%swap3A_354] {strides = array<i32>} : memref<1280xf32, #tpu.memory_space<vmem>>, vector<16xf32>,
        tpu.vector_store %arg21[%swap3A_354], %gather3A_353 {strides = array<i32>} : memref<1280xf32, #tpu.memory_space<vmem>>, vector<16xf32>,
      }
      %scan3A_275 = arith.constant 80 : i32
      %dma_start3A_276 = arith.constant 0 : i32
      %dma_start3A_277 = tpu.memref_slice %arg24[%dma_start3A_276] : memref<50176xf32, #tpu.memory_space<vmem_shared>> -> memref<50176xf32, #tpu.memory_space<vmem_shared>>
      tpu.enqueue_indirect_dma source(%arg19 : memref<1280xf32, #tpu.memory_space<vmem>>) target(%dma_start3A_277 : memref<50176xf32, #tpu.memory_space<vmem_shared>>) offsets(%arg15 : memref<1280xi32, #tpu.memory_space<vmem>>) semaphore(%arg35 : memref<!tpu.dma_semaphore, #tpu.memory_space<semaphore_mem>>) {add = true}
      %dma_start3A_278 = arith.constant 0 : i32
      %dma_start3A_279 = tpu.memref_slice %arg25[%dma_start3A_278] : memref<50176xf32, #tpu.memory_space<vmem_shared>> -> memref<50176xf32, #tpu.memory_space<vmem_shared>>
      tpu.enqueue_indirect_dma source(%arg21 : memref<1280xf32, #tpu.memory_space<vmem>>) target(%dma_start3A_279 : memref<50176xf32, #tpu.memory_space<vmem_shared>>) offsets(%arg15 : memref<1280xi32, #tpu.memory_space<vmem>>) semaphore(%arg35 : memref<!tpu.dma_semaphore, #tpu.memory_space<semaphore_mem>>) {add = true}
      %mul3A_280 = arith.constant 4 : i32
      %mul3A_281 = arith.muli %scan3A_215, %mul3A_280 : i32
      %add3A_282 = arith.constant 2 : i32
      %add3A_283 = arith.addi %mul3A_281, %add3A_282 : i32
      %ge3A_284 = arith.constant 2 : i32
      %ge3A_285 = arith.cmpi sge, %add3A_283, %ge3A_284 : i32
      %convert_element_type3A_286 = arith.extui %ge3A_285 : i1 to i32
      %cond3A_287 = arith.constant 0 : i32
      %cond3A_288 = arith.cmpi ne, %convert_element_type3A_286, %cond3A_287 : i32
      scf.if %cond3A_288 {
        %dma_wait3A_348 = arith.constant 0 : i32
        %dma_wait3A_349 = tpu.memref_slice %arg24[%dma_wait3A_348] : memref<50176xf32, #tpu.memory_space<vmem_shared>> -> memref<50176xf32, #tpu.memory_space<vmem_shared>>
        tpu.wait_indirect_dma semaphore(%arg34 : memref<!tpu.dma_semaphore, #tpu.memory_space<semaphore_mem>>) src(%arg18 : memref<1280xf32, #tpu.memory_space<vmem>>) dst(%dma_wait3A_349 : memref<50176xf32, #tpu.memory_space<vmem_shared>>)
        %dma_wait3A_350 = arith.constant 0 : i32
        %dma_wait3A_351 = tpu.memref_slice %arg25[%dma_wait3A_350] : memref<50176xf32, #tpu.memory_space<vmem_shared>> -> memref<50176xf32, #tpu.memory_space<vmem_shared>>
        tpu.wait_indirect_dma semaphore(%arg34 : memref<!tpu.dma_semaphore, #tpu.memory_space<semaphore_mem>>) src(%arg20 : memref<1280xf32, #tpu.memory_space<vmem>>) dst(%dma_wait3A_351 : memref<50176xf32, #tpu.memory_space<vmem_shared>>)
      } else {
      }
      %add3A_289 = arith.constant 2 : i32
      %add3A_290 = arith.addi %add3A_283, %add3A_289 : i32
      %lt3A_291 = arith.constant 78 : i32
      %lt3A_292 = arith.cmpi slt, %add3A_290, %lt3A_291 : i32
      %convert_element_type3A_293 = arith.extui %lt3A_292 : i1 to i32
      %cond3A_294 = arith.constant 0 : i32
      %cond3A_295 = arith.cmpi ne, %convert_element_type3A_293, %cond3A_294 : i32
      scf.if %cond3A_295 {
        %add3A_348 = arith.constant 2 : i32
        %add3A_349 = arith.addi %add3A_283, %add3A_348 : i32
        %mul3A_350 = arith.constant 1280 : i32
        %mul3A_351 = arith.muli %add3A_349, %mul3A_350 : i32
        %add3A_352 = arith.addi %mul3A_55, %mul3A_351 : i32
        %dma_start3A_353 = tpu.memref_slice %arg4[%add3A_352] : memref<3200000xi32, #tpu.memory_space<hbm>> -> memref<1280xi32, #tpu.memory_space<hbm>>
        %dma_start3A_354 = tpu.memref_slice %arg4[%add3A_352] : memref<3200000xi32, #tpu.memory_space<hbm>> -> memref<1280xi32, #tpu.memory_space<hbm>>
        tpu.enqueue_dma source(%dma_start3A_354 : memref<1280xi32, #tpu.memory_space<hbm>>) target(%arg10 : memref<1280xi32, #tpu.memory_space<vmem>>) target_semaphore(%arg30 : memref<!tpu.dma_semaphore, #tpu.memory_space<semaphore_mem>>)
        %dma_start3A_355 = tpu.memref_slice %arg5[%add3A_352] : memref<3200000xi32, #tpu.memory_space<hbm>> -> memref<1280xi32, #tpu.memory_space<hbm>>
        %dma_start3A_356 = tpu.memref_slice %arg5[%add3A_352] : memref<3200000xi32, #tpu.memory_space<hbm>> -> memref<1280xi32, #tpu.memory_space<hbm>>
        tpu.enqueue_dma source(%dma_start3A_356 : memref<1280xi32, #tpu.memory_space<hbm>>) target(%arg14 : memref<1280xi32, #tpu.memory_space<vmem>>) target_semaphore(%arg30 : memref<!tpu.dma_semaphore, #tpu.memory_space<semaphore_mem>>)
      } else {
      }
      %dma_wait3A_296 = arith.constant 0 : i32
      %dma_wait3A_297 = tpu.memref_slice %arg4[%dma_wait3A_296] : memref<3200000xi32, #tpu.memory_space<hbm>> -> memref<1280xi32, #tpu.memory_space<hbm>>
      %dma_wait3A_298 = arith.constant 0 : i32
      %dma_wait3A_299 = tpu.memref_slice %arg4[%dma_wait3A_298] : memref<3200000xi32, #tpu.memory_space<hbm>> -> memref<1280xi32, #tpu.memory_space<hbm>>
      tpu.wait_dma2 semaphore(%arg32 : memref<!tpu.dma_semaphore, #tpu.memory_space<semaphore_mem>>) src(%dma_wait3A_299 : memref<1280xi32, #tpu.memory_space<hbm>>) dst(%arg12 : memref<1280xi32, #tpu.memory_space<vmem>>)
      %dma_wait3A_300 = arith.constant 0 : i32
      %dma_wait3A_301 = tpu.memref_slice %arg4[%dma_wait3A_300] : memref<3200000xi32, #tpu.memory_space<hbm>> -> memref<1280xi32, #tpu.memory_space<hbm>>
      %dma_wait3A_302 = arith.constant 0 : i32
      %dma_wait3A_303 = tpu.memref_slice %arg4[%dma_wait3A_302] : memref<3200000xi32, #tpu.memory_space<hbm>> -> memref<1280xi32, #tpu.memory_space<hbm>>
      tpu.wait_dma2 semaphore(%arg32 : memref<!tpu.dma_semaphore, #tpu.memory_space<semaphore_mem>>) src(%dma_wait3A_303 : memref<1280xi32, #tpu.memory_space<hbm>>) dst(%arg16 : memref<1280xi32, #tpu.memory_space<vmem>>)
      %scan3A_304 = arith.constant 0 : i32
      %scan3A_305 = arith.constant 0 : i32
      %scan3A_306 = arith.constant 80 : i32
      %scan3A_307 = arith.addi %scan3A_305, %scan3A_306 : i32
      %scan3A_308 = arith.constant 1 : i32
      scf.for %scan3A_348 = %scan3A_305 to %scan3A_307 step %scan3A_308  : i32 {
        %mul3A_349 = arith.constant 16 : i32
        %mul3A_350 = arith.muli %scan3A_348, %mul3A_349 : i32
        %get3A = arith.index_cast %mul3A_350 : i32 to index
        %get3A_351 = tpu.vector_load %arg12[%get3A] {strides = array<i32>} : memref<1280xi32, #tpu.memory_space<vmem>>, vector<16xi32>,
        %gather3A = tpu.vector_load_idx %arg8[%get3A_351] : memref<50000xf32, #tpu.memory_space<vmem>>[vector<16xi32>], vector<16xf32>,
        %swap3A = arith.index_cast %mul3A_350 : i32 to index
        %swap3A_352 = tpu.vector_load %arg18[%swap3A] {strides = array<i32>} : memref<1280xf32, #tpu.memory_space<vmem>>, vector<16xf32>,
        tpu.vector_store %arg18[%swap3A], %gather3A {strides = array<i32>} : memref<1280xf32, #tpu.memory_space<vmem>>, vector<16xf32>,
        %gather3A_353 = tpu.vector_load_idx %arg9[%get3A_351] : memref<50000xf32, #tpu.memory_space<vmem>>[vector<16xi32>], vector<16xf32>,
        %swap3A_354 = arith.index_cast %mul3A_350 : i32 to index
        %swap3A_355 = tpu.vector_load %arg20[%swap3A_354] {strides = array<i32>} : memref<1280xf32, #tpu.memory_space<vmem>>, vector<16xf32>,
        tpu.vector_store %arg20[%swap3A_354], %gather3A_353 {strides = array<i32>} : memref<1280xf32, #tpu.memory_space<vmem>>, vector<16xf32>,
      }
      %scan3A_309 = arith.constant 80 : i32
      %dma_start3A_310 = arith.constant 0 : i32
      %dma_start3A_311 = tpu.memref_slice %arg24[%dma_start3A_310] : memref<50176xf32, #tpu.memory_space<vmem_shared>> -> memref<50176xf32, #tpu.memory_space<vmem_shared>>
      tpu.enqueue_indirect_dma source(%arg18 : memref<1280xf32, #tpu.memory_space<vmem>>) target(%dma_start3A_311 : memref<50176xf32, #tpu.memory_space<vmem_shared>>) offsets(%arg16 : memref<1280xi32, #tpu.memory_space<vmem>>) semaphore(%arg34 : memref<!tpu.dma_semaphore, #tpu.memory_space<semaphore_mem>>) {add = true}
      %dma_start3A_312 = arith.constant 0 : i32
      %dma_start3A_313 = tpu.memref_slice %arg25[%dma_start3A_312] : memref<50176xf32, #tpu.memory_space<vmem_shared>> -> memref<50176xf32, #tpu.memory_space<vmem_shared>>
      tpu.enqueue_indirect_dma source(%arg20 : memref<1280xf32, #tpu.memory_space<vmem>>) target(%dma_start3A_313 : memref<50176xf32, #tpu.memory_space<vmem_shared>>) offsets(%arg16 : memref<1280xi32, #tpu.memory_space<vmem>>) semaphore(%arg34 : memref<!tpu.dma_semaphore, #tpu.memory_space<semaphore_mem>>) {add = true}
      %mul3A_314 = arith.constant 4 : i32
      %mul3A_315 = arith.muli %scan3A_215, %mul3A_314 : i32
      %add3A_316 = arith.constant 3 : i32
      %add3A_317 = arith.addi %mul3A_315, %add3A_316 : i32
      %ge3A_318 = arith.constant 2 : i32
      %ge3A_319 = arith.cmpi sge, %add3A_317, %ge3A_318 : i32
      %convert_element_type3A_320 = arith.extui %ge3A_319 : i1 to i32
      %cond3A_321 = arith.constant 0 : i32
      %cond3A_322 = arith.cmpi ne, %convert_element_type3A_320, %cond3A_321 : i32
      scf.if %cond3A_322 {
        %dma_wait3A_348 = arith.constant 0 : i32
        %dma_wait3A_349 = tpu.memref_slice %arg24[%dma_wait3A_348] : memref<50176xf32, #tpu.memory_space<vmem_shared>> -> memref<50176xf32, #tpu.memory_space<vmem_shared>>
        tpu.wait_indirect_dma semaphore(%arg35 : memref<!tpu.dma_semaphore, #tpu.memory_space<semaphore_mem>>) src(%arg19 : memref<1280xf32, #tpu.memory_space<vmem>>) dst(%dma_wait3A_349 : memref<50176xf32, #tpu.memory_space<vmem_shared>>)
        %dma_wait3A_350 = arith.constant 0 : i32
        %dma_wait3A_351 = tpu.memref_slice %arg25[%dma_wait3A_350] : memref<50176xf32, #tpu.memory_space<vmem_shared>> -> memref<50176xf32, #tpu.memory_space<vmem_shared>>
        tpu.wait_indirect_dma semaphore(%arg35 : memref<!tpu.dma_semaphore, #tpu.memory_space<semaphore_mem>>) src(%arg21 : memref<1280xf32, #tpu.memory_space<vmem>>) dst(%dma_wait3A_351 : memref<50176xf32, #tpu.memory_space<vmem_shared>>)
      } else {
      }
      %add3A_323 = arith.constant 2 : i32
      %add3A_324 = arith.addi %add3A_317, %add3A_323 : i32
      %lt3A_325 = arith.constant 78 : i32
      %lt3A_326 = arith.cmpi slt, %add3A_324, %lt3A_325 : i32
      %convert_element_type3A_327 = arith.extui %lt3A_326 : i1 to i32
      %cond3A_328 = arith.constant 0 : i32
      %cond3A_329 = arith.cmpi ne, %convert_element_type3A_327, %cond3A_328 : i32
      scf.if %cond3A_329 {
        %add3A_348 = arith.constant 2 : i32
        %add3A_349 = arith.addi %add3A_317, %add3A_348 : i32
        %mul3A_350 = arith.constant 1280 : i32
        %mul3A_351 = arith.muli %add3A_349, %mul3A_350 : i32
        %add3A_352 = arith.addi %mul3A_55, %mul3A_351 : i32
        %dma_start3A_353 = tpu.memref_slice %arg4[%add3A_352] : memref<3200000xi32, #tpu.memory_space<hbm>> -> memref<1280xi32, #tpu.memory_space<hbm>>
        %dma_start3A_354 = tpu.memref_slice %arg4[%add3A_352] : memref<3200000xi32, #tpu.memory_space<hbm>> -> memref<1280xi32, #tpu.memory_space<hbm>>
        tpu.enqueue_dma source(%dma_start3A_354 : memref<1280xi32, #tpu.memory_space<hbm>>) target(%arg11 : memref<1280xi32, #tpu.memory_space<vmem>>) target_semaphore(%arg31 : memref<!tpu.dma_semaphore, #tpu.memory_space<semaphore_mem>>)
        %dma_start3A_355 = tpu.memref_slice %arg5[%add3A_352] : memref<3200000xi32, #tpu.memory_space<hbm>> -> memref<1280xi32, #tpu.memory_space<hbm>>
        %dma_start3A_356 = tpu.memref_slice %arg5[%add3A_352] : memref<3200000xi32, #tpu.memory_space<hbm>> -> memref<1280xi32, #tpu.memory_space<hbm>>
        tpu.enqueue_dma source(%dma_start3A_356 : memref<1280xi32, #tpu.memory_space<hbm>>) target(%arg15 : memref<1280xi32, #tpu.memory_space<vmem>>) target_semaphore(%arg31 : memref<!tpu.dma_semaphore, #tpu.memory_space<semaphore_mem>>)
      } else {
      }
      %dma_wait3A_330 = arith.constant 0 : i32
      %dma_wait3A_331 = tpu.memref_slice %arg4[%dma_wait3A_330] : memref<3200000xi32, #tpu.memory_space<hbm>> -> memref<1280xi32, #tpu.memory_space<hbm>>
      %dma_wait3A_332 = arith.constant 0 : i32
      %dma_wait3A_333 = tpu.memref_slice %arg4[%dma_wait3A_332] : memref<3200000xi32, #tpu.memory_space<hbm>> -> memref<1280xi32, #tpu.memory_space<hbm>>
      tpu.wait_dma2 semaphore(%arg33 : memref<!tpu.dma_semaphore, #tpu.memory_space<semaphore_mem>>) src(%dma_wait3A_333 : memref<1280xi32, #tpu.memory_space<hbm>>) dst(%arg13 : memref<1280xi32, #tpu.memory_space<vmem>>)
      %dma_wait3A_334 = arith.constant 0 : i32
      %dma_wait3A_335 = tpu.memref_slice %arg4[%dma_wait3A_334] : memref<3200000xi32, #tpu.memory_space<hbm>> -> memref<1280xi32, #tpu.memory_space<hbm>>
      %dma_wait3A_336 = arith.constant 0 : i32
      %dma_wait3A_337 = tpu.memref_slice %arg4[%dma_wait3A_336] : memref<3200000xi32, #tpu.memory_space<hbm>> -> memref<1280xi32, #tpu.memory_space<hbm>>
      tpu.wait_dma2 semaphore(%arg33 : memref<!tpu.dma_semaphore, #tpu.memory_space<semaphore_mem>>) src(%dma_wait3A_337 : memref<1280xi32, #tpu.memory_space<hbm>>) dst(%arg17 : memref<1280xi32, #tpu.memory_space<vmem>>)
      %scan3A_338 = arith.constant 0 : i32
      %scan3A_339 = arith.constant 0 : i32
      %scan3A_340 = arith.constant 80 : i32
      %scan3A_341 = arith.addi %scan3A_339, %scan3A_340 : i32
      %scan3A_342 = arith.constant 1 : i32
      scf.for %scan3A_348 = %scan3A_339 to %scan3A_341 step %scan3A_342  : i32 {
        %mul3A_349 = arith.constant 16 : i32
        %mul3A_350 = arith.muli %scan3A_348, %mul3A_349 : i32
        %get3A = arith.index_cast %mul3A_350 : i32 to index
        %get3A_351 = tpu.vector_load %arg13[%get3A] {strides = array<i32>} : memref<1280xi32, #tpu.memory_space<vmem>>, vector<16xi32>,
        %gather3A = tpu.vector_load_idx %arg8[%get3A_351] : memref<50000xf32, #tpu.memory_space<vmem>>[vector<16xi32>], vector<16xf32>,
        %swap3A = arith.index_cast %mul3A_350 : i32 to index
        %swap3A_352 = tpu.vector_load %arg19[%swap3A] {strides = array<i32>} : memref<1280xf32, #tpu.memory_space<vmem>>, vector<16xf32>,
        tpu.vector_store %arg19[%swap3A], %gather3A {strides = array<i32>} : memref<1280xf32, #tpu.memory_space<vmem>>, vector<16xf32>,
        %gather3A_353 = tpu.vector_load_idx %arg9[%get3A_351] : memref<50000xf32, #tpu.memory_space<vmem>>[vector<16xi32>], vector<16xf32>,
        %swap3A_354 = arith.index_cast %mul3A_350 : i32 to index
        %swap3A_355 = tpu.vector_load %arg21[%swap3A_354] {strides = array<i32>} : memref<1280xf32, #tpu.memory_space<vmem>>, vector<16xf32>,
        tpu.vector_store %arg21[%swap3A_354], %gather3A_353 {strides = array<i32>} : memref<1280xf32, #tpu.memory_space<vmem>>, vector<16xf32>,
      }
      %scan3A_343 = arith.constant 80 : i32
      %dma_start3A_344 = arith.constant 0 : i32
      %dma_start3A_345 = tpu.memref_slice %arg24[%dma_start3A_344] : memref<50176xf32, #tpu.memory_space<vmem_shared>> -> memref<50176xf32, #tpu.memory_space<vmem_shared>>
      tpu.enqueue_indirect_dma source(%arg19 : memref<1280xf32, #tpu.memory_space<vmem>>) target(%dma_start3A_345 : memref<50176xf32, #tpu.memory_space<vmem_shared>>) offsets(%arg17 : memref<1280xi32, #tpu.memory_space<vmem>>) semaphore(%arg35 : memref<!tpu.dma_semaphore, #tpu.memory_space<semaphore_mem>>) {add = true}
      %dma_start3A_346 = arith.constant 0 : i32
      %dma_start3A_347 = tpu.memref_slice %arg25[%dma_start3A_346] : memref<50176xf32, #tpu.memory_space<vmem_shared>> -> memref<50176xf32, #tpu.memory_space<vmem_shared>>
      tpu.enqueue_indirect_dma source(%arg21 : memref<1280xf32, #tpu.memory_space<vmem>>) target(%dma_start3A_347 : memref<50176xf32, #tpu.memory_space<vmem_shared>>) offsets(%arg17 : memref<1280xi32, #tpu.memory_space<vmem>>) semaphore(%arg35 : memref<!tpu.dma_semaphore, #tpu.memory_space<semaphore_mem>>) {add = true}
    }
    %scan3A_79 = arith.constant 19 : i32
    %dma_wait3A_80 = arith.constant 0 : i32
    %dma_wait3A_81 = tpu.memref_slice %arg24[%dma_wait3A_80] : memref<50176xf32, #tpu.memory_space<vmem_shared>> -> memref<50176xf32, #tpu.memory_space<vmem_shared>>
    tpu.wait_indirect_dma semaphore(%arg34 : memref<!tpu.dma_semaphore, #tpu.memory_space<semaphore_mem>>) src(%arg18 : memref<1280xf32, #tpu.memory_space<vmem>>) dst(%dma_wait3A_81 : memref<50176xf32, #tpu.memory_space<vmem_shared>>)
    %dma_wait3A_82 = arith.constant 0 : i32
    %dma_wait3A_83 = tpu.memref_slice %arg25[%dma_wait3A_82] : memref<50176xf32, #tpu.memory_space<vmem_shared>> -> memref<50176xf32, #tpu.memory_space<vmem_shared>>
    tpu.wait_indirect_dma semaphore(%arg34 : memref<!tpu.dma_semaphore, #tpu.memory_space<semaphore_mem>>) src(%arg20 : memref<1280xf32, #tpu.memory_space<vmem>>) dst(%dma_wait3A_83 : memref<50176xf32, #tpu.memory_space<vmem_shared>>)
    %dma_wait3A_84 = arith.constant 0 : i32
    %dma_wait3A_85 = tpu.memref_slice %arg4[%dma_wait3A_84] : memref<3200000xi32, #tpu.memory_space<hbm>> -> memref<1280xi32, #tpu.memory_space<hbm>>
    %dma_wait3A_86 = arith.constant 0 : i32
    %dma_wait3A_87 = tpu.memref_slice %arg4[%dma_wait3A_86] : memref<3200000xi32, #tpu.memory_space<hbm>> -> memref<1280xi32, #tpu.memory_space<hbm>>
    tpu.wait_dma2 semaphore(%arg30 : memref<!tpu.dma_semaphore, #tpu.memory_space<semaphore_mem>>) src(%dma_wait3A_87 : memref<1280xi32, #tpu.memory_space<hbm>>) dst(%arg10 : memref<1280xi32, #tpu.memory_space<vmem>>)
    %dma_wait3A_88 = arith.constant 0 : i32
    %dma_wait3A_89 = tpu.memref_slice %arg4[%dma_wait3A_88] : memref<3200000xi32, #tpu.memory_space<hbm>> -> memref<1280xi32, #tpu.memory_space<hbm>>
    %dma_wait3A_90 = arith.constant 0 : i32
    %dma_wait3A_91 = tpu.memref_slice %arg4[%dma_wait3A_90] : memref<3200000xi32, #tpu.memory_space<hbm>> -> memref<1280xi32, #tpu.memory_space<hbm>>
    tpu.wait_dma2 semaphore(%arg30 : memref<!tpu.dma_semaphore, #tpu.memory_space<semaphore_mem>>) src(%dma_wait3A_91 : memref<1280xi32, #tpu.memory_space<hbm>>) dst(%arg14 : memref<1280xi32, #tpu.memory_space<vmem>>)
    %scan3A_92 = arith.constant 0 : i32
    %scan3A_93 = arith.constant 0 : i32
    %scan3A_94 = arith.constant 80 : i32
    %scan3A_95 = arith.addi %scan3A_93, %scan3A_94 : i32
    %scan3A_96 = arith.constant 1 : i32
    scf.for %scan3A_215 = %scan3A_93 to %scan3A_95 step %scan3A_96  : i32 {
      %mul3A_216 = arith.constant 16 : i32
      %mul3A_217 = arith.muli %scan3A_215, %mul3A_216 : i32
      %get3A = arith.index_cast %mul3A_217 : i32 to index
      %get3A_218 = tpu.vector_load %arg10[%get3A] {strides = array<i32>} : memref<1280xi32, #tpu.memory_space<vmem>>, vector<16xi32>,
      %gather3A = tpu.vector_load_idx %arg8[%get3A_218] : memref<50000xf32, #tpu.memory_space<vmem>>[vector<16xi32>], vector<16xf32>,
      %swap3A = arith.index_cast %mul3A_217 : i32 to index
      %swap3A_219 = tpu.vector_load %arg18[%swap3A] {strides = array<i32>} : memref<1280xf32, #tpu.memory_space<vmem>>, vector<16xf32>,
      tpu.vector_store %arg18[%swap3A], %gather3A {strides = array<i32>} : memref<1280xf32, #tpu.memory_space<vmem>>, vector<16xf32>,
      %gather3A_220 = tpu.vector_load_idx %arg9[%get3A_218] : memref<50000xf32, #tpu.memory_space<vmem>>[vector<16xi32>], vector<16xf32>,
      %swap3A_221 = arith.index_cast %mul3A_217 : i32 to index
      %swap3A_222 = tpu.vector_load %arg20[%swap3A_221] {strides = array<i32>} : memref<1280xf32, #tpu.memory_space<vmem>>, vector<16xf32>,
      tpu.vector_store %arg20[%swap3A_221], %gather3A_220 {strides = array<i32>} : memref<1280xf32, #tpu.memory_space<vmem>>, vector<16xf32>,
    }
    %scan3A_97 = arith.constant 80 : i32
    %dma_start3A_98 = arith.constant 0 : i32
    %dma_start3A_99 = tpu.memref_slice %arg24[%dma_start3A_98] : memref<50176xf32, #tpu.memory_space<vmem_shared>> -> memref<50176xf32, #tpu.memory_space<vmem_shared>>
    tpu.enqueue_indirect_dma source(%arg18 : memref<1280xf32, #tpu.memory_space<vmem>>) target(%dma_start3A_99 : memref<50176xf32, #tpu.memory_space<vmem_shared>>) offsets(%arg14 : memref<1280xi32, #tpu.memory_space<vmem>>) semaphore(%arg34 : memref<!tpu.dma_semaphore, #tpu.memory_space<semaphore_mem>>) {add = true}
    %dma_start3A_100 = arith.constant 0 : i32
    %dma_start3A_101 = tpu.memref_slice %arg25[%dma_start3A_100] : memref<50176xf32, #tpu.memory_space<vmem_shared>> -> memref<50176xf32, #tpu.memory_space<vmem_shared>>
    tpu.enqueue_indirect_dma source(%arg20 : memref<1280xf32, #tpu.memory_space<vmem>>) target(%dma_start3A_101 : memref<50176xf32, #tpu.memory_space<vmem_shared>>) offsets(%arg14 : memref<1280xi32, #tpu.memory_space<vmem>>) semaphore(%arg34 : memref<!tpu.dma_semaphore, #tpu.memory_space<semaphore_mem>>) {add = true}
    %dma_wait3A_102 = arith.constant 0 : i32
    %dma_wait3A_103 = tpu.memref_slice %arg24[%dma_wait3A_102] : memref<50176xf32, #tpu.memory_space<vmem_shared>> -> memref<50176xf32, #tpu.memory_space<vmem_shared>>
    tpu.wait_indirect_dma semaphore(%arg35 : memref<!tpu.dma_semaphore, #tpu.memory_space<semaphore_mem>>) src(%arg19 : memref<1280xf32, #tpu.memory_space<vmem>>) dst(%dma_wait3A_103 : memref<50176xf32, #tpu.memory_space<vmem_shared>>)
    %dma_wait3A_104 = arith.constant 0 : i32
    %dma_wait3A_105 = tpu.memref_slice %arg25[%dma_wait3A_104] : memref<50176xf32, #tpu.memory_space<vmem_shared>> -> memref<50176xf32, #tpu.memory_space<vmem_shared>>
    tpu.wait_indirect_dma semaphore(%arg35 : memref<!tpu.dma_semaphore, #tpu.memory_space<semaphore_mem>>) src(%arg21 : memref<1280xf32, #tpu.memory_space<vmem>>) dst(%dma_wait3A_105 : memref<50176xf32, #tpu.memory_space<vmem_shared>>)
    %dma_wait3A_106 = arith.constant 0 : i32
    %dma_wait3A_107 = tpu.memref_slice %arg4[%dma_wait3A_106] : memref<3200000xi32, #tpu.memory_space<hbm>> -> memref<1280xi32, #tpu.memory_space<hbm>>
    %dma_wait3A_108 = arith.constant 0 : i32
    %dma_wait3A_109 = tpu.memref_slice %arg4[%dma_wait3A_108] : memref<3200000xi32, #tpu.memory_space<hbm>> -> memref<1280xi32, #tpu.memory_space<hbm>>
    tpu.wait_dma2 semaphore(%arg31 : memref<!tpu.dma_semaphore, #tpu.memory_space<semaphore_mem>>) src(%dma_wait3A_109 : memref<1280xi32, #tpu.memory_space<hbm>>) dst(%arg11 : memref<1280xi32, #tpu.memory_space<vmem>>)
    %dma_wait3A_110 = arith.constant 0 : i32
    %dma_wait3A_111 = tpu.memref_slice %arg4[%dma_wait3A_110] : memref<3200000xi32, #tpu.memory_space<hbm>> -> memref<1280xi32, #tpu.memory_space<hbm>>
    %dma_wait3A_112 = arith.constant 0 : i32
    %dma_wait3A_113 = tpu.memref_slice %arg4[%dma_wait3A_112] : memref<3200000xi32, #tpu.memory_space<hbm>> -> memref<1280xi32, #tpu.memory_space<hbm>>
    tpu.wait_dma2 semaphore(%arg31 : memref<!tpu.dma_semaphore, #tpu.memory_space<semaphore_mem>>) src(%dma_wait3A_113 : memref<1280xi32, #tpu.memory_space<hbm>>) dst(%arg15 : memref<1280xi32, #tpu.memory_space<vmem>>)
    %scan3A_114 = arith.constant 0 : i32
    %scan3A_115 = arith.constant 0 : i32
    %scan3A_116 = arith.constant 80 : i32
    %scan3A_117 = arith.addi %scan3A_115, %scan3A_116 : i32
    %scan3A_118 = arith.constant 1 : i32
    scf.for %scan3A_215 = %scan3A_115 to %scan3A_117 step %scan3A_118  : i32 {
      %mul3A_216 = arith.constant 16 : i32
      %mul3A_217 = arith.muli %scan3A_215, %mul3A_216 : i32
      %get3A = arith.index_cast %mul3A_217 : i32 to index
      %get3A_218 = tpu.vector_load %arg11[%get3A] {strides = array<i32>} : memref<1280xi32, #tpu.memory_space<vmem>>, vector<16xi32>,
      %gather3A = tpu.vector_load_idx %arg8[%get3A_218] : memref<50000xf32, #tpu.memory_space<vmem>>[vector<16xi32>], vector<16xf32>,
      %swap3A = arith.index_cast %mul3A_217 : i32 to index
      %swap3A_219 = tpu.vector_load %arg19[%swap3A] {strides = array<i32>} : memref<1280xf32, #tpu.memory_space<vmem>>, vector<16xf32>,
      tpu.vector_store %arg19[%swap3A], %gather3A {strides = array<i32>} : memref<1280xf32, #tpu.memory_space<vmem>>, vector<16xf32>,
      %gather3A_220 = tpu.vector_load_idx %arg9[%get3A_218] : memref<50000xf32, #tpu.memory_space<vmem>>[vector<16xi32>], vector<16xf32>,
      %swap3A_221 = arith.index_cast %mul3A_217 : i32 to index
      %swap3A_222 = tpu.vector_load %arg21[%swap3A_221] {strides = array<i32>} : memref<1280xf32, #tpu.memory_space<vmem>>, vector<16xf32>,
      tpu.vector_store %arg21[%swap3A_221], %gather3A_220 {strides = array<i32>} : memref<1280xf32, #tpu.memory_space<vmem>>, vector<16xf32>,
    }
    %scan3A_119 = arith.constant 80 : i32
    %dma_start3A_120 = arith.constant 0 : i32
    %dma_start3A_121 = tpu.memref_slice %arg24[%dma_start3A_120] : memref<50176xf32, #tpu.memory_space<vmem_shared>> -> memref<50176xf32, #tpu.memory_space<vmem_shared>>
    tpu.enqueue_indirect_dma source(%arg19 : memref<1280xf32, #tpu.memory_space<vmem>>) target(%dma_start3A_121 : memref<50176xf32, #tpu.memory_space<vmem_shared>>) offsets(%arg15 : memref<1280xi32, #tpu.memory_space<vmem>>) semaphore(%arg35 : memref<!tpu.dma_semaphore, #tpu.memory_space<semaphore_mem>>) {add = true}
    %dma_start3A_122 = arith.constant 0 : i32
    %dma_start3A_123 = tpu.memref_slice %arg25[%dma_start3A_122] : memref<50176xf32, #tpu.memory_space<vmem_shared>> -> memref<50176xf32, #tpu.memory_space<vmem_shared>>
    tpu.enqueue_indirect_dma source(%arg21 : memref<1280xf32, #tpu.memory_space<vmem>>) target(%dma_start3A_123 : memref<50176xf32, #tpu.memory_space<vmem_shared>>) offsets(%arg15 : memref<1280xi32, #tpu.memory_space<vmem>>) semaphore(%arg35 : memref<!tpu.dma_semaphore, #tpu.memory_space<semaphore_mem>>) {add = true}
    %dma_wait3A_124 = arith.constant 0 : i32
    %dma_wait3A_125 = tpu.memref_slice %arg4[%dma_wait3A_124] : memref<3200000xi32, #tpu.memory_space<hbm>> -> memref<160xi32, #tpu.memory_space<hbm>>
    %dma_wait3A_126 = arith.constant 0 : i32
    %dma_wait3A_127 = tpu.memref_slice %arg4[%dma_wait3A_126] : memref<3200000xi32, #tpu.memory_space<hbm>> -> memref<160xi32, #tpu.memory_space<hbm>>
    tpu.wait_dma2 semaphore(%arg36 : memref<!tpu.dma_semaphore, #tpu.memory_space<semaphore_mem>>) src(%dma_wait3A_127 : memref<160xi32, #tpu.memory_space<hbm>>) dst(%arg26 : memref<160xi32, #tpu.memory_space<vmem>>)
    %dma_wait3A_128 = arith.constant 0 : i32
    %dma_wait3A_129 = tpu.memref_slice %arg4[%dma_wait3A_128] : memref<3200000xi32, #tpu.memory_space<hbm>> -> memref<160xi32, #tpu.memory_space<hbm>>
    %dma_wait3A_130 = arith.constant 0 : i32
    %dma_wait3A_131 = tpu.memref_slice %arg4[%dma_wait3A_130] : memref<3200000xi32, #tpu.memory_space<hbm>> -> memref<160xi32, #tpu.memory_space<hbm>>
    tpu.wait_dma2 semaphore(%arg36 : memref<!tpu.dma_semaphore, #tpu.memory_space<semaphore_mem>>) src(%dma_wait3A_131 : memref<160xi32, #tpu.memory_space<hbm>>) dst(%arg27 : memref<160xi32, #tpu.memory_space<vmem>>)
    %scan3A_132 = arith.constant 0 : i32
    %scan3A_133 = arith.constant 0 : i32
    %scan3A_134 = arith.constant 10 : i32
    %scan3A_135 = arith.addi %scan3A_133, %scan3A_134 : i32
    %scan3A_136 = arith.constant 1 : i32
    scf.for %scan3A_215 = %scan3A_133 to %scan3A_135 step %scan3A_136  : i32 {
      %mul3A_216 = arith.constant 16 : i32
      %mul3A_217 = arith.muli %scan3A_215, %mul3A_216 : i32
      %get3A = arith.index_cast %mul3A_217 : i32 to index
      %get3A_218 = tpu.vector_load %arg26[%get3A] {strides = array<i32>} : memref<160xi32, #tpu.memory_space<vmem>>, vector<16xi32>,
      %gather3A = tpu.vector_load_idx %arg8[%get3A_218] : memref<50000xf32, #tpu.memory_space<vmem>>[vector<16xi32>], vector<16xf32>,
      %swap3A = arith.index_cast %mul3A_217 : i32 to index
      %swap3A_219 = tpu.vector_load %arg28[%swap3A] {strides = array<i32>} : memref<160xf32, #tpu.memory_space<vmem>>, vector<16xf32>,
      tpu.vector_store %arg28[%swap3A], %gather3A {strides = array<i32>} : memref<160xf32, #tpu.memory_space<vmem>>, vector<16xf32>,
      %gather3A_220 = tpu.vector_load_idx %arg9[%get3A_218] : memref<50000xf32, #tpu.memory_space<vmem>>[vector<16xi32>], vector<16xf32>,
      %swap3A_221 = arith.index_cast %mul3A_217 : i32 to index
      %swap3A_222 = tpu.vector_load %arg29[%swap3A_221] {strides = array<i32>} : memref<160xf32, #tpu.memory_space<vmem>>, vector<16xf32>,
      tpu.vector_store %arg29[%swap3A_221], %gather3A_220 {strides = array<i32>} : memref<160xf32, #tpu.memory_space<vmem>>, vector<16xf32>,
    }
    %scan3A_137 = arith.constant 10 : i32
    %dma_start3A_138 = arith.constant 0 : i32
    %dma_start3A_139 = tpu.memref_slice %arg24[%dma_start3A_138] : memref<50176xf32, #tpu.memory_space<vmem_shared>> -> memref<50176xf32, #tpu.memory_space<vmem_shared>>
    tpu.enqueue_indirect_dma source(%arg28 : memref<160xf32, #tpu.memory_space<vmem>>) target(%dma_start3A_139 : memref<50176xf32, #tpu.memory_space<vmem_shared>>) offsets(%arg27 : memref<160xi32, #tpu.memory_space<vmem>>) semaphore(%arg36 : memref<!tpu.dma_semaphore, #tpu.memory_space<semaphore_mem>>) {add = true}
    %dma_start3A_140 = arith.constant 0 : i32
    %dma_start3A_141 = tpu.memref_slice %arg25[%dma_start3A_140] : memref<50176xf32, #tpu.memory_space<vmem_shared>> -> memref<50176xf32, #tpu.memory_space<vmem_shared>>
    tpu.enqueue_indirect_dma source(%arg29 : memref<160xf32, #tpu.memory_space<vmem>>) target(%dma_start3A_141 : memref<50176xf32, #tpu.memory_space<vmem_shared>>) offsets(%arg27 : memref<160xi32, #tpu.memory_space<vmem>>) semaphore(%arg36 : memref<!tpu.dma_semaphore, #tpu.memory_space<semaphore_mem>>) {add = true}
    %dma_wait3A_142 = arith.constant 0 : i32
    %dma_wait3A_143 = tpu.memref_slice %arg24[%dma_wait3A_142] : memref<50176xf32, #tpu.memory_space<vmem_shared>> -> memref<50176xf32, #tpu.memory_space<vmem_shared>>
    tpu.wait_indirect_dma semaphore(%arg34 : memref<!tpu.dma_semaphore, #tpu.memory_space<semaphore_mem>>) src(%arg18 : memref<1280xf32, #tpu.memory_space<vmem>>) dst(%dma_wait3A_143 : memref<50176xf32, #tpu.memory_space<vmem_shared>>)
    %dma_wait3A_144 = arith.constant 0 : i32
    %dma_wait3A_145 = tpu.memref_slice %arg25[%dma_wait3A_144] : memref<50176xf32, #tpu.memory_space<vmem_shared>> -> memref<50176xf32, #tpu.memory_space<vmem_shared>>
    tpu.wait_indirect_dma semaphore(%arg34 : memref<!tpu.dma_semaphore, #tpu.memory_space<semaphore_mem>>) src(%arg20 : memref<1280xf32, #tpu.memory_space<vmem>>) dst(%dma_wait3A_145 : memref<50176xf32, #tpu.memory_space<vmem_shared>>)
    %dma_wait3A_146 = arith.constant 0 : i32
    %dma_wait3A_147 = tpu.memref_slice %arg24[%dma_wait3A_146] : memref<50176xf32, #tpu.memory_space<vmem_shared>> -> memref<50176xf32, #tpu.memory_space<vmem_shared>>
    tpu.wait_indirect_dma semaphore(%arg35 : memref<!tpu.dma_semaphore, #tpu.memory_space<semaphore_mem>>) src(%arg19 : memref<1280xf32, #tpu.memory_space<vmem>>) dst(%dma_wait3A_147 : memref<50176xf32, #tpu.memory_space<vmem_shared>>)
    %dma_wait3A_148 = arith.constant 0 : i32
    %dma_wait3A_149 = tpu.memref_slice %arg25[%dma_wait3A_148] : memref<50176xf32, #tpu.memory_space<vmem_shared>> -> memref<50176xf32, #tpu.memory_space<vmem_shared>>
    tpu.wait_indirect_dma semaphore(%arg35 : memref<!tpu.dma_semaphore, #tpu.memory_space<semaphore_mem>>) src(%arg21 : memref<1280xf32, #tpu.memory_space<vmem>>) dst(%dma_wait3A_149 : memref<50176xf32, #tpu.memory_space<vmem_shared>>)
    %dma_wait3A_150 = arith.constant 0 : i32
    %dma_wait3A_151 = tpu.memref_slice %arg24[%dma_wait3A_150] : memref<50176xf32, #tpu.memory_space<vmem_shared>> -> memref<50176xf32, #tpu.memory_space<vmem_shared>>
    tpu.wait_indirect_dma semaphore(%arg36 : memref<!tpu.dma_semaphore, #tpu.memory_space<semaphore_mem>>) src(%arg28 : memref<160xf32, #tpu.memory_space<vmem>>) dst(%dma_wait3A_151 : memref<50176xf32, #tpu.memory_space<vmem_shared>>)
    %dma_wait3A_152 = arith.constant 0 : i32
    %dma_wait3A_153 = tpu.memref_slice %arg25[%dma_wait3A_152] : memref<50176xf32, #tpu.memory_space<vmem_shared>> -> memref<50176xf32, #tpu.memory_space<vmem_shared>>
    tpu.wait_indirect_dma semaphore(%arg36 : memref<!tpu.dma_semaphore, #tpu.memory_space<semaphore_mem>>) src(%arg29 : memref<160xf32, #tpu.memory_space<vmem>>) dst(%dma_wait3A_153 : memref<50176xf32, #tpu.memory_space<vmem_shared>>)
    %barrier3A_154 = arith.constant 0 : index
    tpu.barrier barrier_id(%barrier3A_154)
    %mul3A_155 = arith.constant 3136 : i32
    %mul3A_156 = arith.muli %arg1, %mul3A_155 : i32
    %add3A_157 = arith.constant 0 : i32
    %add3A_158 = arith.addi %mul3A_156, %add3A_157 : i32
    %mul3A_159 = arith.constant 50176 : i32
    %mul3A_160 = arith.muli %arg0, %mul3A_159 : i32
    %mul3A_161 = arith.constant 3136 : i32
    %mul3A_162 = arith.muli %arg1, %mul3A_161 : i32
    %add3A_163 = arith.addi %mul3A_160, %mul3A_162 : i32
    %add3A_164 = arith.constant 0 : i32
    %add3A_165 = arith.addi %add3A_163, %add3A_164 : i32
    %mul3A_166 = arith.constant 3136 : i32
    %mul3A_167 = arith.muli %arg1, %mul3A_166 : i32
    %add3A_168 = arith.constant 1568 : i32
    %add3A_169 = arith.addi %mul3A_167, %add3A_168 : i32
    %mul3A_170 = arith.constant 50176 : i32
    %mul3A_171 = arith.muli %arg0, %mul3A_170 : i32
    %mul3A_172 = arith.constant 3136 : i32
    %mul3A_173 = arith.muli %arg1, %mul3A_172 : i32
    %add3A_174 = arith.addi %mul3A_171, %mul3A_173 : i32
    %add3A_175 = arith.constant 1568 : i32
    %add3A_176 = arith.addi %add3A_174, %add3A_175 : i32
    %mul3A_177 = arith.constant 3136 : i32
    %mul3A_178 = arith.muli %arg1, %mul3A_177 : i32
    %add3A_179 = arith.constant 0 : i32
    %add3A_180 = arith.addi %mul3A_178, %add3A_179 : i32
    %mul3A_181 = arith.constant 50176 : i32
    %mul3A_182 = arith.muli %arg0, %mul3A_181 : i32
    %mul3A_183 = arith.constant 3136 : i32
    %mul3A_184 = arith.muli %arg1, %mul3A_183 : i32
    %add3A_185 = arith.addi %mul3A_182, %mul3A_184 : i32
    %add3A_186 = arith.constant 0 : i32
    %add3A_187 = arith.addi %add3A_185, %add3A_186 : i32
    %mul3A_188 = arith.constant 3136 : i32
    %mul3A_189 = arith.muli %arg1, %mul3A_188 : i32
    %add3A_190 = arith.constant 1568 : i32
    %add3A_191 = arith.addi %mul3A_189, %add3A_190 : i32
    %mul3A_192 = arith.constant 50176 : i32
    %mul3A_193 = arith.muli %arg0, %mul3A_192 : i32
    %mul3A_194 = arith.constant 3136 : i32
    %mul3A_195 = arith.muli %arg1, %mul3A_194 : i32
    %add3A_196 = arith.addi %mul3A_193, %mul3A_195 : i32
    %add3A_197 = arith.constant 1568 : i32
    %add3A_198 = arith.addi %add3A_196, %add3A_197 : i32
    "tpu.region"() ({
      %run_scoped3A = tpu.sem_alloc : memref<!tpu.dma_semaphore, #tpu.memory_space<semaphore_mem>>
      %dma_start3A_215 = tpu.memref_slice %arg24[%add3A_158] : memref<50176xf32, #tpu.memory_space<vmem_shared>> -> memref<1568xf32, #tpu.memory_space<vmem_shared>>
      %dma_start3A_216 = tpu.memref_slice %arg24[%add3A_158] : memref<50176xf32, #tpu.memory_space<vmem_shared>> -> memref<1568xf32, #tpu.memory_space<vmem_shared>>
      tpu.enqueue_dma source(%dma_start3A_216 : memref<1568xf32, #tpu.memory_space<vmem_shared>>) target(%arg22 : memref<1568xf32, #tpu.memory_space<vmem>>) target_semaphore(%run_scoped3A : memref<!tpu.dma_semaphore, #tpu.memory_space<semaphore_mem>>)
      %dma_wait3A_217 = tpu.memref_slice %arg24[%add3A_158] : memref<50176xf32, #tpu.memory_space<vmem_shared>> -> memref<1568xf32, #tpu.memory_space<vmem_shared>>
      %dma_wait3A_218 = tpu.memref_slice %arg24[%add3A_158] : memref<50176xf32, #tpu.memory_space<vmem_shared>> -> memref<1568xf32, #tpu.memory_space<vmem_shared>>
      tpu.wait_dma2 semaphore(%run_scoped3A : memref<!tpu.dma_semaphore, #tpu.memory_space<semaphore_mem>>) src(%dma_wait3A_218 : memref<1568xf32, #tpu.memory_space<vmem_shared>>) dst(%arg22 : memref<1568xf32, #tpu.memory_space<vmem>>)
      tpu.yield
    }) : () -> ()
    %dma_start3A_199 = tpu.memref_slice %arg6[%add3A_165] : memref<100352xf32, #tpu.memory_space<hbm>> -> memref<1568xf32, #tpu.memory_space<hbm>>
    %dma_start3A_200 = tpu.memref_slice %arg6[%add3A_165] : memref<100352xf32, #tpu.memory_space<hbm>> -> memref<1568xf32, #tpu.memory_space<hbm>>
    tpu.enqueue_dma source(%arg22 : memref<1568xf32, #tpu.memory_space<vmem>>) target(%dma_start3A_200 : memref<1568xf32, #tpu.memory_space<hbm>>) target_semaphore(%arg36 : memref<!tpu.dma_semaphore, #tpu.memory_space<semaphore_mem>>)
    "tpu.region"() ({
      %run_scoped3A = tpu.sem_alloc : memref<!tpu.dma_semaphore, #tpu.memory_space<semaphore_mem>>
      %dma_start3A_215 = tpu.memref_slice %arg24[%add3A_169] : memref<50176xf32, #tpu.memory_space<vmem_shared>> -> memref<1568xf32, #tpu.memory_space<vmem_shared>>
      %dma_start3A_216 = tpu.memref_slice %arg24[%add3A_169] : memref<50176xf32, #tpu.memory_space<vmem_shared>> -> memref<1568xf32, #tpu.memory_space<vmem_shared>>
      tpu.enqueue_dma source(%dma_start3A_216 : memref<1568xf32, #tpu.memory_space<vmem_shared>>) target(%arg23 : memref<1568xf32, #tpu.memory_space<vmem>>) target_semaphore(%run_scoped3A : memref<!tpu.dma_semaphore, #tpu.memory_space<semaphore_mem>>)
      %dma_wait3A_217 = tpu.memref_slice %arg24[%add3A_169] : memref<50176xf32, #tpu.memory_space<vmem_shared>> -> memref<1568xf32, #tpu.memory_space<vmem_shared>>
      %dma_wait3A_218 = tpu.memref_slice %arg24[%add3A_169] : memref<50176xf32, #tpu.memory_space<vmem_shared>> -> memref<1568xf32, #tpu.memory_space<vmem_shared>>
      tpu.wait_dma2 semaphore(%run_scoped3A : memref<!tpu.dma_semaphore, #tpu.memory_space<semaphore_mem>>) src(%dma_wait3A_218 : memref<1568xf32, #tpu.memory_space<vmem_shared>>) dst(%arg23 : memref<1568xf32, #tpu.memory_space<vmem>>)
      tpu.yield
    }) : () -> ()
    %dma_start3A_201 = tpu.memref_slice %arg6[%add3A_176] : memref<100352xf32, #tpu.memory_space<hbm>> -> memref<1568xf32, #tpu.memory_space<hbm>>
    %dma_start3A_202 = tpu.memref_slice %arg6[%add3A_176] : memref<100352xf32, #tpu.memory_space<hbm>> -> memref<1568xf32, #tpu.memory_space<hbm>>
    tpu.enqueue_dma source(%arg23 : memref<1568xf32, #tpu.memory_space<vmem>>) target(%dma_start3A_202 : memref<1568xf32, #tpu.memory_space<hbm>>) target_semaphore(%arg36 : memref<!tpu.dma_semaphore, #tpu.memory_space<semaphore_mem>>)
    %dma_wait3A_203 = tpu.memref_slice %arg6[%add3A_165] : memref<100352xf32, #tpu.memory_space<hbm>> -> memref<1568xf32, #tpu.memory_space<hbm>>
    %dma_wait3A_204 = tpu.memref_slice %arg6[%add3A_165] : memref<100352xf32, #tpu.memory_space<hbm>> -> memref<1568xf32, #tpu.memory_space<hbm>>
    tpu.wait_dma2 semaphore(%arg36 : memref<!tpu.dma_semaphore, #tpu.memory_space<semaphore_mem>>) src(%arg22 : memref<1568xf32, #tpu.memory_space<vmem>>) dst(%dma_wait3A_204 : memref<1568xf32, #tpu.memory_space<hbm>>)
    "tpu.region"() ({
      %run_scoped3A = tpu.sem_alloc : memref<!tpu.dma_semaphore, #tpu.memory_space<semaphore_mem>>
      %dma_start3A_215 = tpu.memref_slice %arg25[%add3A_180] : memref<50176xf32, #tpu.memory_space<vmem_shared>> -> memref<1568xf32, #tpu.memory_space<vmem_shared>>
      %dma_start3A_216 = tpu.memref_slice %arg25[%add3A_180] : memref<50176xf32, #tpu.memory_space<vmem_shared>> -> memref<1568xf32, #tpu.memory_space<vmem_shared>>
      tpu.enqueue_dma source(%dma_start3A_216 : memref<1568xf32, #tpu.memory_space<vmem_shared>>) target(%arg22 : memref<1568xf32, #tpu.memory_space<vmem>>) target_semaphore(%run_scoped3A : memref<!tpu.dma_semaphore, #tpu.memory_space<semaphore_mem>>)
      %dma_wait3A_217 = tpu.memref_slice %arg25[%add3A_180] : memref<50176xf32, #tpu.memory_space<vmem_shared>> -> memref<1568xf32, #tpu.memory_space<vmem_shared>>
      %dma_wait3A_218 = tpu.memref_slice %arg25[%add3A_180] : memref<50176xf32, #tpu.memory_space<vmem_shared>> -> memref<1568xf32, #tpu.memory_space<vmem_shared>>
      tpu.wait_dma2 semaphore(%run_scoped3A : memref<!tpu.dma_semaphore, #tpu.memory_space<semaphore_mem>>) src(%dma_wait3A_218 : memref<1568xf32, #tpu.memory_space<vmem_shared>>) dst(%arg22 : memref<1568xf32, #tpu.memory_space<vmem>>)
      tpu.yield
    }) : () -> ()
    %dma_start3A_205 = tpu.memref_slice %arg7[%add3A_187] : memref<100352xf32, #tpu.memory_space<hbm>> -> memref<1568xf32, #tpu.memory_space<hbm>>
    %dma_start3A_206 = tpu.memref_slice %arg7[%add3A_187] : memref<100352xf32, #tpu.memory_space<hbm>> -> memref<1568xf32, #tpu.memory_space<hbm>>
    tpu.enqueue_dma source(%arg22 : memref<1568xf32, #tpu.memory_space<vmem>>) target(%dma_start3A_206 : memref<1568xf32, #tpu.memory_space<hbm>>) target_semaphore(%arg36 : memref<!tpu.dma_semaphore, #tpu.memory_space<semaphore_mem>>)
    %dma_wait3A_207 = tpu.memref_slice %arg6[%add3A_176] : memref<100352xf32, #tpu.memory_space<hbm>> -> memref<1568xf32, #tpu.memory_space<hbm>>
    %dma_wait3A_208 = tpu.memref_slice %arg6[%add3A_176] : memref<100352xf32, #tpu.memory_space<hbm>> -> memref<1568xf32, #tpu.memory_space<hbm>>
    tpu.wait_dma2 semaphore(%arg36 : memref<!tpu.dma_semaphore, #tpu.memory_space<semaphore_mem>>) src(%arg23 : memref<1568xf32, #tpu.memory_space<vmem>>) dst(%dma_wait3A_208 : memref<1568xf32, #tpu.memory_space<hbm>>)
    "tpu.region"() ({
      %run_scoped3A = tpu.sem_alloc : memref<!tpu.dma_semaphore, #tpu.memory_space<semaphore_mem>>
      %dma_start3A_215 = tpu.memref_slice %arg25[%add3A_191] : memref<50176xf32, #tpu.memory_space<vmem_shared>> -> memref<1568xf32, #tpu.memory_space<vmem_shared>>
      %dma_start3A_216 = tpu.memref_slice %arg25[%add3A_191] : memref<50176xf32, #tpu.memory_space<vmem_shared>> -> memref<1568xf32, #tpu.memory_space<vmem_shared>>
      tpu.enqueue_dma source(%dma_start3A_216 : memref<1568xf32, #tpu.memory_space<vmem_shared>>) target(%arg23 : memref<1568xf32, #tpu.memory_space<vmem>>) target_semaphore(%run_scoped3A : memref<!tpu.dma_semaphore, #tpu.memory_space<semaphore_mem>>)
      %dma_wait3A_217 = tpu.memref_slice %arg25[%add3A_191] : memref<50176xf32, #tpu.memory_space<vmem_shared>> -> memref<1568xf32, #tpu.memory_space<vmem_shared>>
      %dma_wait3A_218 = tpu.memref_slice %arg25[%add3A_191] : memref<50176xf32, #tpu.memory_space<vmem_shared>> -> memref<1568xf32, #tpu.memory_space<vmem_shared>>
      tpu.wait_dma2 semaphore(%run_scoped3A : memref<!tpu.dma_semaphore, #tpu.memory_space<semaphore_mem>>) src(%dma_wait3A_218 : memref<1568xf32, #tpu.memory_space<vmem_shared>>) dst(%arg23 : memref<1568xf32, #tpu.memory_space<vmem>>)
      tpu.yield
    }) : () -> ()
    %dma_start3A_209 = tpu.memref_slice %arg7[%add3A_198] : memref<100352xf32, #tpu.memory_space<hbm>> -> memref<1568xf32, #tpu.memory_space<hbm>>
    %dma_start3A_210 = tpu.memref_slice %arg7[%add3A_198] : memref<100352xf32, #tpu.memory_space<hbm>> -> memref<1568xf32, #tpu.memory_space<hbm>>
    tpu.enqueue_dma source(%arg23 : memref<1568xf32, #tpu.memory_space<vmem>>) target(%dma_start3A_210 : memref<1568xf32, #tpu.memory_space<hbm>>) target_semaphore(%arg36 : memref<!tpu.dma_semaphore, #tpu.memory_space<semaphore_mem>>)
    %dma_wait3A_211 = tpu.memref_slice %arg7[%add3A_187] : memref<100352xf32, #tpu.memory_space<hbm>> -> memref<1568xf32, #tpu.memory_space<hbm>>
    %dma_wait3A_212 = tpu.memref_slice %arg7[%add3A_187] : memref<100352xf32, #tpu.memory_space<hbm>> -> memref<1568xf32, #tpu.memory_space<hbm>>
    tpu.wait_dma2 semaphore(%arg36 : memref<!tpu.dma_semaphore, #tpu.memory_space<semaphore_mem>>) src(%arg22 : memref<1568xf32, #tpu.memory_space<vmem>>) dst(%dma_wait3A_212 : memref<1568xf32, #tpu.memory_space<hbm>>)
    %dma_wait3A_213 = tpu.memref_slice %arg7[%add3A_198] : memref<100352xf32, #tpu.memory_space<hbm>> -> memref<1568xf32, #tpu.memory_space<hbm>>
    %dma_wait3A_214 = tpu.memref_slice %arg7[%add3A_198] : memref<100352xf32, #tpu.memory_space<hbm>> -> memref<1568xf32, #tpu.memory_space<hbm>>
    tpu.wait_dma2 semaphore(%arg36 : memref<!tpu.dma_semaphore, #tpu.memory_space<semaphore_mem>>) src(%arg23 : memref<1568xf32, #tpu.memory_space<vmem>>) dst(%dma_wait3A_214 : memref<1568xf32, #tpu.memory_space<hbm>>)
    return
  }
}

#map = affine_map<(d0, d1) -> (0)>
module attributes {stable_mosaic.version = 14 : i64} {
  func.func @body(%arg0: i32, %arg1: i32, %arg2: memref<50176xf32, #tpu.memory_space<hbm>>, %arg3: memref<50176xf32, #tpu.memory_space<hbm>>, %arg4: memref<3200000xi32, #tpu.memory_space<hbm>>, %arg5: memref<3200000xi32, #tpu.memory_space<hbm>>, %arg6: memref<100352xf32, #tpu.memory_space<hbm>>, %arg7: memref<100352xf32, #tpu.memory_space<hbm>>, %arg8: memref<100352xf32, #tpu.memory_space<hbm>>, %arg9: memref<50000xf32, #tpu.memory_space<vmem>>, %arg10: memref<50000xf32, #tpu.memory_space<vmem>>, %arg11: memref<1280xi32, #tpu.memory_space<vmem>>, %arg12: memref<1280xi32, #tpu.memory_space<vmem>>, %arg13: memref<1280xi32, #tpu.memory_space<vmem>>, %arg14: memref<1280xi32, #tpu.memory_space<vmem>>, %arg15: memref<1280xi32, #tpu.memory_space<vmem>>, %arg16: memref<1280xi32, #tpu.memory_space<vmem>>, %arg17: memref<1280xi32, #tpu.memory_space<vmem>>, %arg18: memref<1280xi32, #tpu.memory_space<vmem>>, %arg19: memref<1280xf32, #tpu.memory_space<vmem>>, %arg20: memref<1280xf32, #tpu.memory_space<vmem>>, %arg21: memref<1280xf32, #tpu.memory_space<vmem>>, %arg22: memref<1280xf32, #tpu.memory_space<vmem>>, %arg23: memref<1568xf32, #tpu.memory_space<vmem>>, %arg24: memref<1568xf32, #tpu.memory_space<vmem>>, %arg25: memref<50176xf32, #tpu.memory_space<vmem_shared>>, %arg26: memref<50176xf32, #tpu.memory_space<vmem_shared>>, %arg27: memref<50176xf32, #tpu.memory_space<vmem_shared>>, %arg28: memref<1280xf32, #tpu.memory_space<vmem>>, %arg29: memref<160xi32, #tpu.memory_space<vmem>>, %arg30: memref<160xi32, #tpu.memory_space<vmem>>, %arg31: memref<160xf32, #tpu.memory_space<vmem>>, %arg32: memref<160xf32, #tpu.memory_space<vmem>>, %arg33: memref<160xf32, #tpu.memory_space<vmem>>, %arg34: memref<!tpu.dma_semaphore, #tpu.memory_space<semaphore_mem>>, %arg35: memref<!tpu.dma_semaphore, #tpu.memory_space<semaphore_mem>>, %arg36: memref<!tpu.dma_semaphore, #tpu.memory_space<semaphore_mem>>, %arg37: memref<!tpu.dma_semaphore, #tpu.memory_space<semaphore_mem>>, %arg38: memref<!tpu.dma_semaphore, #tpu.memory_space<semaphore_mem>>, %arg39: memref<!tpu.dma_semaphore, #tpu.memory_space<semaphore_mem>>, %arg40: memref<!tpu.dma_semaphore, #tpu.memory_space<semaphore_mem>>) attributes {dimension_semantics = [#tpu.dimension_semantics<core_parallel>, #tpu.dimension_semantics<subcore_parallel>], iteration_bounds = array<i64: 2, 16>, scalar_prefetch = 0 : i64, scratch_operands = 32 : i64, tpu.core_type = #tpu.core_type<sc_vector_subcore>, window_params = [{transform_indices = #map}, {transform_indices = #map}, {transform_indices = #map}, {transform_indices = #map}, {transform_indices = #map}, {transform_indices = #map}, {transform_indices = #map}]} {
    %mul3A = arith.constant 2 : i32
    %mul3A_0 = arith.muli %arg1, %mul3A : i32
    %add3A = arith.addi %mul3A_0, %arg0 : i32
    %mul3A_1 = arith.constant 3136 : i32
    %mul3A_2 = arith.muli %arg1, %mul3A_1 : i32
    "tpu.region"() ({
      %run_scoped3A = tpu.sem_alloc : memref<!tpu.dma_semaphore, #tpu.memory_space<semaphore_mem>>
      %dma_start3A_297 = arith.constant 0 : i32
      %dma_start3A_298 = tpu.memref_slice %arg2[%dma_start3A_297] : memref<50176xf32, #tpu.memory_space<hbm>> -> memref<50000xf32, #tpu.memory_space<hbm>>
      %dma_start3A_299 = arith.constant 0 : i32
      %dma_start3A_300 = tpu.memref_slice %arg2[%dma_start3A_299] : memref<50176xf32, #tpu.memory_space<hbm>> -> memref<50000xf32, #tpu.memory_space<hbm>>
      tpu.enqueue_dma source(%dma_start3A_300 : memref<50000xf32, #tpu.memory_space<hbm>>) target(%arg9 : memref<50000xf32, #tpu.memory_space<vmem>>) target_semaphore(%run_scoped3A : memref<!tpu.dma_semaphore, #tpu.memory_space<semaphore_mem>>)
      %dma_wait3A_301 = arith.constant 0 : i32
      %dma_wait3A_302 = tpu.memref_slice %arg2[%dma_wait3A_301] : memref<50176xf32, #tpu.memory_space<hbm>> -> memref<50000xf32, #tpu.memory_space<hbm>>
      %dma_wait3A_303 = arith.constant 0 : i32
      %dma_wait3A_304 = tpu.memref_slice %arg2[%dma_wait3A_303] : memref<50176xf32, #tpu.memory_space<hbm>> -> memref<50000xf32, #tpu.memory_space<hbm>>
      tpu.wait_dma2 semaphore(%run_scoped3A : memref<!tpu.dma_semaphore, #tpu.memory_space<semaphore_mem>>) src(%dma_wait3A_304 : memref<50000xf32, #tpu.memory_space<hbm>>) dst(%arg9 : memref<50000xf32, #tpu.memory_space<vmem>>)
      tpu.yield
    }) : () -> ()
    "tpu.region"() ({
      %run_scoped3A = tpu.sem_alloc : memref<!tpu.dma_semaphore, #tpu.memory_space<semaphore_mem>>
      %dma_start3A_297 = arith.constant 0 : i32
      %dma_start3A_298 = tpu.memref_slice %arg3[%dma_start3A_297] : memref<50176xf32, #tpu.memory_space<hbm>> -> memref<50000xf32, #tpu.memory_space<hbm>>
      %dma_start3A_299 = arith.constant 0 : i32
      %dma_start3A_300 = tpu.memref_slice %arg3[%dma_start3A_299] : memref<50176xf32, #tpu.memory_space<hbm>> -> memref<50000xf32, #tpu.memory_space<hbm>>
      tpu.enqueue_dma source(%dma_start3A_300 : memref<50000xf32, #tpu.memory_space<hbm>>) target(%arg10 : memref<50000xf32, #tpu.memory_space<vmem>>) target_semaphore(%run_scoped3A : memref<!tpu.dma_semaphore, #tpu.memory_space<semaphore_mem>>)
      %dma_wait3A_301 = arith.constant 0 : i32
      %dma_wait3A_302 = tpu.memref_slice %arg3[%dma_wait3A_301] : memref<50176xf32, #tpu.memory_space<hbm>> -> memref<50000xf32, #tpu.memory_space<hbm>>
      %dma_wait3A_303 = arith.constant 0 : i32
      %dma_wait3A_304 = tpu.memref_slice %arg3[%dma_wait3A_303] : memref<50176xf32, #tpu.memory_space<hbm>> -> memref<50000xf32, #tpu.memory_space<hbm>>
      tpu.wait_dma2 semaphore(%run_scoped3A : memref<!tpu.dma_semaphore, #tpu.memory_space<semaphore_mem>>) src(%dma_wait3A_304 : memref<50000xf32, #tpu.memory_space<hbm>>) dst(%arg10 : memref<50000xf32, #tpu.memory_space<vmem>>)
      tpu.yield
    }) : () -> ()
    %scan3A = arith.constant 0 : i32
    %scan3A_3 = arith.constant 0 : i32
    %scan3A_4 = arith.constant 98 : i32
    %scan3A_5 = arith.addi %scan3A_3, %scan3A_4 : i32
    %scan3A_6 = arith.constant 1 : i32
    scf.for %scan3A_297 = %scan3A_3 to %scan3A_5 step %scan3A_6  : i32 {
      %broadcast_in_dim3A = arith.constant 0.000000e+00 : f32
      %broadcast_in_dim3A_298 = vector.broadcast %broadcast_in_dim3A : f32 to vector<16xf32>
      %mul3A_299 = arith.constant 16 : i32
      %mul3A_300 = arith.muli %scan3A_297, %mul3A_299 : i32
      %swap3A = arith.index_cast %mul3A_300 : i32 to index
      %swap3A_301 = tpu.vector_load %arg23[%swap3A] {strides = array<i32>} : memref<1568xf32, #tpu.memory_space<vmem>>, vector<16xf32>,
      tpu.vector_store %arg23[%swap3A], %broadcast_in_dim3A_298 {strides = array<i32>} : memref<1568xf32, #tpu.memory_space<vmem>>, vector<16xf32>,
    }
    %scan3A_7 = arith.constant 98 : i32
    %mul3A_8 = arith.constant 3136 : i32
    %mul3A_9 = arith.muli %arg1, %mul3A_8 : i32
    %add3A_10 = arith.constant 0 : i32
    %add3A_11 = arith.addi %mul3A_9, %add3A_10 : i32
    %dma_start3A = tpu.memref_slice %arg25[%add3A_11] : memref<50176xf32, #tpu.memory_space<vmem_shared>> -> memref<1568xf32, #tpu.memory_space<vmem_shared>>
    %dma_start3A_12 = tpu.memref_slice %arg25[%add3A_11] : memref<50176xf32, #tpu.memory_space<vmem_shared>> -> memref<1568xf32, #tpu.memory_space<vmem_shared>>
    tpu.enqueue_dma source(%arg23 : memref<1568xf32, #tpu.memory_space<vmem>>) target(%dma_start3A_12 : memref<1568xf32, #tpu.memory_space<vmem_shared>>) target_semaphore(%arg40 : memref<!tpu.dma_semaphore, #tpu.memory_space<semaphore_mem>>)
    %mul3A_13 = arith.constant 3136 : i32
    %mul3A_14 = arith.muli %arg1, %mul3A_13 : i32
    %add3A_15 = arith.constant 1568 : i32
    %add3A_16 = arith.addi %mul3A_14, %add3A_15 : i32
    %dma_start3A_17 = tpu.memref_slice %arg25[%add3A_16] : memref<50176xf32, #tpu.memory_space<vmem_shared>> -> memref<1568xf32, #tpu.memory_space<vmem_shared>>
    %dma_start3A_18 = tpu.memref_slice %arg25[%add3A_16] : memref<50176xf32, #tpu.memory_space<vmem_shared>> -> memref<1568xf32, #tpu.memory_space<vmem_shared>>
    tpu.enqueue_dma source(%arg23 : memref<1568xf32, #tpu.memory_space<vmem>>) target(%dma_start3A_18 : memref<1568xf32, #tpu.memory_space<vmem_shared>>) target_semaphore(%arg40 : memref<!tpu.dma_semaphore, #tpu.memory_space<semaphore_mem>>)
    %mul3A_19 = arith.constant 3136 : i32
    %mul3A_20 = arith.muli %arg1, %mul3A_19 : i32
    %add3A_21 = arith.constant 0 : i32
    %add3A_22 = arith.addi %mul3A_20, %add3A_21 : i32
    %dma_start3A_23 = tpu.memref_slice %arg26[%add3A_22] : memref<50176xf32, #tpu.memory_space<vmem_shared>> -> memref<1568xf32, #tpu.memory_space<vmem_shared>>
    %dma_start3A_24 = tpu.memref_slice %arg26[%add3A_22] : memref<50176xf32, #tpu.memory_space<vmem_shared>> -> memref<1568xf32, #tpu.memory_space<vmem_shared>>
    tpu.enqueue_dma source(%arg23 : memref<1568xf32, #tpu.memory_space<vmem>>) target(%dma_start3A_24 : memref<1568xf32, #tpu.memory_space<vmem_shared>>) target_semaphore(%arg40 : memref<!tpu.dma_semaphore, #tpu.memory_space<semaphore_mem>>)
    %mul3A_25 = arith.constant 3136 : i32
    %mul3A_26 = arith.muli %arg1, %mul3A_25 : i32
    %add3A_27 = arith.constant 1568 : i32
    %add3A_28 = arith.addi %mul3A_26, %add3A_27 : i32
    %dma_start3A_29 = tpu.memref_slice %arg26[%add3A_28] : memref<50176xf32, #tpu.memory_space<vmem_shared>> -> memref<1568xf32, #tpu.memory_space<vmem_shared>>
    %dma_start3A_30 = tpu.memref_slice %arg26[%add3A_28] : memref<50176xf32, #tpu.memory_space<vmem_shared>> -> memref<1568xf32, #tpu.memory_space<vmem_shared>>
    tpu.enqueue_dma source(%arg23 : memref<1568xf32, #tpu.memory_space<vmem>>) target(%dma_start3A_30 : memref<1568xf32, #tpu.memory_space<vmem_shared>>) target_semaphore(%arg40 : memref<!tpu.dma_semaphore, #tpu.memory_space<semaphore_mem>>)
    %mul3A_31 = arith.constant 3136 : i32
    %mul3A_32 = arith.muli %arg1, %mul3A_31 : i32
    %add3A_33 = arith.constant 0 : i32
    %add3A_34 = arith.addi %mul3A_32, %add3A_33 : i32
    %dma_start3A_35 = tpu.memref_slice %arg27[%add3A_34] : memref<50176xf32, #tpu.memory_space<vmem_shared>> -> memref<1568xf32, #tpu.memory_space<vmem_shared>>
    %dma_start3A_36 = tpu.memref_slice %arg27[%add3A_34] : memref<50176xf32, #tpu.memory_space<vmem_shared>> -> memref<1568xf32, #tpu.memory_space<vmem_shared>>
    tpu.enqueue_dma source(%arg23 : memref<1568xf32, #tpu.memory_space<vmem>>) target(%dma_start3A_36 : memref<1568xf32, #tpu.memory_space<vmem_shared>>) target_semaphore(%arg40 : memref<!tpu.dma_semaphore, #tpu.memory_space<semaphore_mem>>)
    %mul3A_37 = arith.constant 3136 : i32
    %mul3A_38 = arith.muli %arg1, %mul3A_37 : i32
    %add3A_39 = arith.constant 1568 : i32
    %add3A_40 = arith.addi %mul3A_38, %add3A_39 : i32
    %dma_start3A_41 = tpu.memref_slice %arg27[%add3A_40] : memref<50176xf32, #tpu.memory_space<vmem_shared>> -> memref<1568xf32, #tpu.memory_space<vmem_shared>>
    %dma_start3A_42 = tpu.memref_slice %arg27[%add3A_40] : memref<50176xf32, #tpu.memory_space<vmem_shared>> -> memref<1568xf32, #tpu.memory_space<vmem_shared>>
    tpu.enqueue_dma source(%arg23 : memref<1568xf32, #tpu.memory_space<vmem>>) target(%dma_start3A_42 : memref<1568xf32, #tpu.memory_space<vmem_shared>>) target_semaphore(%arg40 : memref<!tpu.dma_semaphore, #tpu.memory_space<semaphore_mem>>)
    %mul3A_43 = arith.constant 3136 : i32
    %mul3A_44 = arith.muli %arg1, %mul3A_43 : i32
    %add3A_45 = arith.constant 0 : i32
    %add3A_46 = arith.addi %mul3A_44, %add3A_45 : i32
    %dma_wait3A = tpu.memref_slice %arg25[%add3A_46] : memref<50176xf32, #tpu.memory_space<vmem_shared>> -> memref<1568xf32, #tpu.memory_space<vmem_shared>>
    %dma_wait3A_47 = tpu.memref_slice %arg25[%add3A_46] : memref<50176xf32, #tpu.memory_space<vmem_shared>> -> memref<1568xf32, #tpu.memory_space<vmem_shared>>
    tpu.wait_dma2 semaphore(%arg40 : memref<!tpu.dma_semaphore, #tpu.memory_space<semaphore_mem>>) src(%arg23 : memref<1568xf32, #tpu.memory_space<vmem>>) dst(%dma_wait3A_47 : memref<1568xf32, #tpu.memory_space<vmem_shared>>)
    %mul3A_48 = arith.constant 3136 : i32
    %mul3A_49 = arith.muli %arg1, %mul3A_48 : i32
    %add3A_50 = arith.constant 1568 : i32
    %add3A_51 = arith.addi %mul3A_49, %add3A_50 : i32
    %dma_wait3A_52 = tpu.memref_slice %arg25[%add3A_51] : memref<50176xf32, #tpu.memory_space<vmem_shared>> -> memref<1568xf32, #tpu.memory_space<vmem_shared>>
    %dma_wait3A_53 = tpu.memref_slice %arg25[%add3A_51] : memref<50176xf32, #tpu.memory_space<vmem_shared>> -> memref<1568xf32, #tpu.memory_space<vmem_shared>>
    tpu.wait_dma2 semaphore(%arg40 : memref<!tpu.dma_semaphore, #tpu.memory_space<semaphore_mem>>) src(%arg23 : memref<1568xf32, #tpu.memory_space<vmem>>) dst(%dma_wait3A_53 : memref<1568xf32, #tpu.memory_space<vmem_shared>>)
    %mul3A_54 = arith.constant 3136 : i32
    %mul3A_55 = arith.muli %arg1, %mul3A_54 : i32
    %add3A_56 = arith.constant 0 : i32
    %add3A_57 = arith.addi %mul3A_55, %add3A_56 : i32
    %dma_wait3A_58 = tpu.memref_slice %arg26[%add3A_57] : memref<50176xf32, #tpu.memory_space<vmem_shared>> -> memref<1568xf32, #tpu.memory_space<vmem_shared>>
    %dma_wait3A_59 = tpu.memref_slice %arg26[%add3A_57] : memref<50176xf32, #tpu.memory_space<vmem_shared>> -> memref<1568xf32, #tpu.memory_space<vmem_shared>>
    tpu.wait_dma2 semaphore(%arg40 : memref<!tpu.dma_semaphore, #tpu.memory_space<semaphore_mem>>) src(%arg23 : memref<1568xf32, #tpu.memory_space<vmem>>) dst(%dma_wait3A_59 : memref<1568xf32, #tpu.memory_space<vmem_shared>>)
    %mul3A_60 = arith.constant 3136 : i32
    %mul3A_61 = arith.muli %arg1, %mul3A_60 : i32
    %add3A_62 = arith.constant 1568 : i32
    %add3A_63 = arith.addi %mul3A_61, %add3A_62 : i32
    %dma_wait3A_64 = tpu.memref_slice %arg26[%add3A_63] : memref<50176xf32, #tpu.memory_space<vmem_shared>> -> memref<1568xf32, #tpu.memory_space<vmem_shared>>
    %dma_wait3A_65 = tpu.memref_slice %arg26[%add3A_63] : memref<50176xf32, #tpu.memory_space<vmem_shared>> -> memref<1568xf32, #tpu.memory_space<vmem_shared>>
    tpu.wait_dma2 semaphore(%arg40 : memref<!tpu.dma_semaphore, #tpu.memory_space<semaphore_mem>>) src(%arg23 : memref<1568xf32, #tpu.memory_space<vmem>>) dst(%dma_wait3A_65 : memref<1568xf32, #tpu.memory_space<vmem_shared>>)
    %mul3A_66 = arith.constant 3136 : i32
    %mul3A_67 = arith.muli %arg1, %mul3A_66 : i32
    %add3A_68 = arith.constant 0 : i32
    %add3A_69 = arith.addi %mul3A_67, %add3A_68 : i32
    %dma_wait3A_70 = tpu.memref_slice %arg27[%add3A_69] : memref<50176xf32, #tpu.memory_space<vmem_shared>> -> memref<1568xf32, #tpu.memory_space<vmem_shared>>
    %dma_wait3A_71 = tpu.memref_slice %arg27[%add3A_69] : memref<50176xf32, #tpu.memory_space<vmem_shared>> -> memref<1568xf32, #tpu.memory_space<vmem_shared>>
    tpu.wait_dma2 semaphore(%arg40 : memref<!tpu.dma_semaphore, #tpu.memory_space<semaphore_mem>>) src(%arg23 : memref<1568xf32, #tpu.memory_space<vmem>>) dst(%dma_wait3A_71 : memref<1568xf32, #tpu.memory_space<vmem_shared>>)
    %mul3A_72 = arith.constant 3136 : i32
    %mul3A_73 = arith.muli %arg1, %mul3A_72 : i32
    %add3A_74 = arith.constant 1568 : i32
    %add3A_75 = arith.addi %mul3A_73, %add3A_74 : i32
    %dma_wait3A_76 = tpu.memref_slice %arg27[%add3A_75] : memref<50176xf32, #tpu.memory_space<vmem_shared>> -> memref<1568xf32, #tpu.memory_space<vmem_shared>>
    %dma_wait3A_77 = tpu.memref_slice %arg27[%add3A_75] : memref<50176xf32, #tpu.memory_space<vmem_shared>> -> memref<1568xf32, #tpu.memory_space<vmem_shared>>
    tpu.wait_dma2 semaphore(%arg40 : memref<!tpu.dma_semaphore, #tpu.memory_space<semaphore_mem>>) src(%arg23 : memref<1568xf32, #tpu.memory_space<vmem>>) dst(%dma_wait3A_77 : memref<1568xf32, #tpu.memory_space<vmem_shared>>)
    %scan3A_78 = arith.constant 0 : i32
    %scan3A_79 = arith.constant 0 : i32
    %scan3A_80 = arith.constant 80 : i32
    %scan3A_81 = arith.addi %scan3A_79, %scan3A_80 : i32
    %scan3A_82 = arith.constant 1 : i32
    scf.for %scan3A_297 = %scan3A_79 to %scan3A_81 step %scan3A_82  : i32 {
      %broadcast_in_dim3A = arith.constant 1.000000e+00 : f32
      %broadcast_in_dim3A_298 = vector.broadcast %broadcast_in_dim3A : f32 to vector<16xf32>
      %mul3A_299 = arith.constant 16 : i32
      %mul3A_300 = arith.muli %scan3A_297, %mul3A_299 : i32
      %swap3A = arith.index_cast %mul3A_300 : i32 to index
      %swap3A_301 = tpu.vector_load %arg28[%swap3A] {strides = array<i32>} : memref<1280xf32, #tpu.memory_space<vmem>>, vector<16xf32>,
      tpu.vector_store %arg28[%swap3A], %broadcast_in_dim3A_298 {strides = array<i32>} : memref<1280xf32, #tpu.memory_space<vmem>>, vector<16xf32>,
    }
    %scan3A_83 = arith.constant 80 : i32
    %scan3A_84 = arith.constant 0 : i32
    %scan3A_85 = arith.constant 0 : i32
    %scan3A_86 = arith.constant 10 : i32
    %scan3A_87 = arith.addi %scan3A_85, %scan3A_86 : i32
    %scan3A_88 = arith.constant 1 : i32
    scf.for %scan3A_297 = %scan3A_85 to %scan3A_87 step %scan3A_88  : i32 {
      %broadcast_in_dim3A = arith.constant 1.000000e+00 : f32
      %broadcast_in_dim3A_298 = vector.broadcast %broadcast_in_dim3A : f32 to vector<16xf32>
      %mul3A_299 = arith.constant 16 : i32
      %mul3A_300 = arith.muli %scan3A_297, %mul3A_299 : i32
      %swap3A = arith.index_cast %mul3A_300 : i32 to index
      %swap3A_301 = tpu.vector_load %arg33[%swap3A] {strides = array<i32>} : memref<160xf32, #tpu.memory_space<vmem>>, vector<16xf32>,
      tpu.vector_store %arg33[%swap3A], %broadcast_in_dim3A_298 {strides = array<i32>} : memref<160xf32, #tpu.memory_space<vmem>>, vector<16xf32>,
    }
    %scan3A_89 = arith.constant 10 : i32
    %barrier3A = arith.constant 0 : index
    tpu.barrier barrier_id(%barrier3A)
    %mul3A_90 = arith.constant 100000 : i32
    %mul3A_91 = arith.muli %add3A, %mul3A_90 : i32
    %add3A_92 = arith.constant 0 : i32
    %add3A_93 = arith.addi %mul3A_91, %add3A_92 : i32
    %dma_start3A_94 = tpu.memref_slice %arg4[%add3A_93] : memref<3200000xi32, #tpu.memory_space<hbm>> -> memref<1280xi32, #tpu.memory_space<hbm>>
    %dma_start3A_95 = tpu.memref_slice %arg4[%add3A_93] : memref<3200000xi32, #tpu.memory_space<hbm>> -> memref<1280xi32, #tpu.memory_space<hbm>>
    tpu.enqueue_dma source(%dma_start3A_95 : memref<1280xi32, #tpu.memory_space<hbm>>) target(%arg11 : memref<1280xi32, #tpu.memory_space<vmem>>) target_semaphore(%arg34 : memref<!tpu.dma_semaphore, #tpu.memory_space<semaphore_mem>>)
    %dma_start3A_96 = tpu.memref_slice %arg5[%add3A_93] : memref<3200000xi32, #tpu.memory_space<hbm>> -> memref<1280xi32, #tpu.memory_space<hbm>>
    %dma_start3A_97 = tpu.memref_slice %arg5[%add3A_93] : memref<3200000xi32, #tpu.memory_space<hbm>> -> memref<1280xi32, #tpu.memory_space<hbm>>
    tpu.enqueue_dma source(%dma_start3A_97 : memref<1280xi32, #tpu.memory_space<hbm>>) target(%arg15 : memref<1280xi32, #tpu.memory_space<vmem>>) target_semaphore(%arg34 : memref<!tpu.dma_semaphore, #tpu.memory_space<semaphore_mem>>)
    %add3A_98 = arith.constant 1280 : i32
    %add3A_99 = arith.addi %mul3A_91, %add3A_98 : i32
    %dma_start3A_100 = tpu.memref_slice %arg4[%add3A_99] : memref<3200000xi32, #tpu.memory_space<hbm>> -> memref<1280xi32, #tpu.memory_space<hbm>>
    %dma_start3A_101 = tpu.memref_slice %arg4[%add3A_99] : memref<3200000xi32, #tpu.memory_space<hbm>> -> memref<1280xi32, #tpu.memory_space<hbm>>
    tpu.enqueue_dma source(%dma_start3A_101 : memref<1280xi32, #tpu.memory_space<hbm>>) target(%arg12 : memref<1280xi32, #tpu.memory_space<vmem>>) target_semaphore(%arg35 : memref<!tpu.dma_semaphore, #tpu.memory_space<semaphore_mem>>)
    %dma_start3A_102 = tpu.memref_slice %arg5[%add3A_99] : memref<3200000xi32, #tpu.memory_space<hbm>> -> memref<1280xi32, #tpu.memory_space<hbm>>
    %dma_start3A_103 = tpu.memref_slice %arg5[%add3A_99] : memref<3200000xi32, #tpu.memory_space<hbm>> -> memref<1280xi32, #tpu.memory_space<hbm>>
    tpu.enqueue_dma source(%dma_start3A_103 : memref<1280xi32, #tpu.memory_space<hbm>>) target(%arg16 : memref<1280xi32, #tpu.memory_space<vmem>>) target_semaphore(%arg35 : memref<!tpu.dma_semaphore, #tpu.memory_space<semaphore_mem>>)
    %add3A_104 = arith.constant 99840 : i32
    %add3A_105 = arith.addi %mul3A_91, %add3A_104 : i32
    %dma_start3A_106 = tpu.memref_slice %arg4[%add3A_105] : memref<3200000xi32, #tpu.memory_space<hbm>> -> memref<160xi32, #tpu.memory_space<hbm>>
    %dma_start3A_107 = tpu.memref_slice %arg4[%add3A_105] : memref<3200000xi32, #tpu.memory_space<hbm>> -> memref<160xi32, #tpu.memory_space<hbm>>
    tpu.enqueue_dma source(%dma_start3A_107 : memref<160xi32, #tpu.memory_space<hbm>>) target(%arg29 : memref<160xi32, #tpu.memory_space<vmem>>) target_semaphore(%arg40 : memref<!tpu.dma_semaphore, #tpu.memory_space<semaphore_mem>>)
    %dma_start3A_108 = tpu.memref_slice %arg5[%add3A_105] : memref<3200000xi32, #tpu.memory_space<hbm>> -> memref<160xi32, #tpu.memory_space<hbm>>
    %dma_start3A_109 = tpu.memref_slice %arg5[%add3A_105] : memref<3200000xi32, #tpu.memory_space<hbm>> -> memref<160xi32, #tpu.memory_space<hbm>>
    tpu.enqueue_dma source(%dma_start3A_109 : memref<160xi32, #tpu.memory_space<hbm>>) target(%arg30 : memref<160xi32, #tpu.memory_space<vmem>>) target_semaphore(%arg40 : memref<!tpu.dma_semaphore, #tpu.memory_space<semaphore_mem>>)
    %scan3A_110 = arith.constant 0 : i32
    %scan3A_111 = arith.constant 0 : i32
    %scan3A_112 = arith.constant 19 : i32
    %scan3A_113 = arith.addi %scan3A_111, %scan3A_112 : i32
    %scan3A_114 = arith.constant 1 : i32
    scf.for %scan3A_297 = %scan3A_111 to %scan3A_113 step %scan3A_114  : i32 {
      %mul3A_298 = arith.constant 4 : i32
      %mul3A_299 = arith.muli %scan3A_297, %mul3A_298 : i32
      %add3A_300 = arith.constant 0 : i32
      %add3A_301 = arith.addi %mul3A_299, %add3A_300 : i32
      %ge3A = arith.constant 2 : i32
      %ge3A_302 = arith.cmpi sge, %add3A_301, %ge3A : i32
      %convert_element_type3A = arith.extui %ge3A_302 : i1 to i32
      %cond3A = arith.constant 0 : i32
      %cond3A_303 = arith.cmpi ne, %convert_element_type3A, %cond3A : i32
      scf.if %cond3A_303 {
        %dma_wait3A_438 = arith.constant 0 : i32
        %dma_wait3A_439 = tpu.memref_slice %arg25[%dma_wait3A_438] : memref<50176xf32, #tpu.memory_space<vmem_shared>> -> memref<50176xf32, #tpu.memory_space<vmem_shared>>
        tpu.wait_indirect_dma semaphore(%arg38 : memref<!tpu.dma_semaphore, #tpu.memory_space<semaphore_mem>>) src(%arg19 : memref<1280xf32, #tpu.memory_space<vmem>>) dst(%dma_wait3A_439 : memref<50176xf32, #tpu.memory_space<vmem_shared>>)
        %dma_wait3A_440 = arith.constant 0 : i32
        %dma_wait3A_441 = tpu.memref_slice %arg26[%dma_wait3A_440] : memref<50176xf32, #tpu.memory_space<vmem_shared>> -> memref<50176xf32, #tpu.memory_space<vmem_shared>>
        tpu.wait_indirect_dma semaphore(%arg38 : memref<!tpu.dma_semaphore, #tpu.memory_space<semaphore_mem>>) src(%arg21 : memref<1280xf32, #tpu.memory_space<vmem>>) dst(%dma_wait3A_441 : memref<50176xf32, #tpu.memory_space<vmem_shared>>)
        %dma_wait3A_442 = arith.constant 0 : i32
        %dma_wait3A_443 = tpu.memref_slice %arg27[%dma_wait3A_442] : memref<50176xf32, #tpu.memory_space<vmem_shared>> -> memref<50176xf32, #tpu.memory_space<vmem_shared>>
        tpu.wait_indirect_dma semaphore(%arg38 : memref<!tpu.dma_semaphore, #tpu.memory_space<semaphore_mem>>) src(%arg28 : memref<1280xf32, #tpu.memory_space<vmem>>) dst(%dma_wait3A_443 : memref<50176xf32, #tpu.memory_space<vmem_shared>>)
      } else {
      }
      %add3A_304 = arith.constant 2 : i32
      %add3A_305 = arith.addi %add3A_301, %add3A_304 : i32
      %lt3A = arith.constant 78 : i32
      %lt3A_306 = arith.cmpi slt, %add3A_305, %lt3A : i32
      %convert_element_type3A_307 = arith.extui %lt3A_306 : i1 to i32
      %cond3A_308 = arith.constant 0 : i32
      %cond3A_309 = arith.cmpi ne, %convert_element_type3A_307, %cond3A_308 : i32
      scf.if %cond3A_309 {
        %add3A_438 = arith.constant 2 : i32
        %add3A_439 = arith.addi %add3A_301, %add3A_438 : i32
        %mul3A_440 = arith.constant 1280 : i32
        %mul3A_441 = arith.muli %add3A_439, %mul3A_440 : i32
        %add3A_442 = arith.addi %mul3A_91, %mul3A_441 : i32
        %dma_start3A_443 = tpu.memref_slice %arg4[%add3A_442] : memref<3200000xi32, #tpu.memory_space<hbm>> -> memref<1280xi32, #tpu.memory_space<hbm>>
        %dma_start3A_444 = tpu.memref_slice %arg4[%add3A_442] : memref<3200000xi32, #tpu.memory_space<hbm>> -> memref<1280xi32, #tpu.memory_space<hbm>>
        tpu.enqueue_dma source(%dma_start3A_444 : memref<1280xi32, #tpu.memory_space<hbm>>) target(%arg13 : memref<1280xi32, #tpu.memory_space<vmem>>) target_semaphore(%arg36 : memref<!tpu.dma_semaphore, #tpu.memory_space<semaphore_mem>>)
        %dma_start3A_445 = tpu.memref_slice %arg5[%add3A_442] : memref<3200000xi32, #tpu.memory_space<hbm>> -> memref<1280xi32, #tpu.memory_space<hbm>>
        %dma_start3A_446 = tpu.memref_slice %arg5[%add3A_442] : memref<3200000xi32, #tpu.memory_space<hbm>> -> memref<1280xi32, #tpu.memory_space<hbm>>
        tpu.enqueue_dma source(%dma_start3A_446 : memref<1280xi32, #tpu.memory_space<hbm>>) target(%arg17 : memref<1280xi32, #tpu.memory_space<vmem>>) target_semaphore(%arg36 : memref<!tpu.dma_semaphore, #tpu.memory_space<semaphore_mem>>)
      } else {
      }
      %dma_wait3A_310 = arith.constant 0 : i32
      %dma_wait3A_311 = tpu.memref_slice %arg4[%dma_wait3A_310] : memref<3200000xi32, #tpu.memory_space<hbm>> -> memref<1280xi32, #tpu.memory_space<hbm>>
      %dma_wait3A_312 = arith.constant 0 : i32
      %dma_wait3A_313 = tpu.memref_slice %arg4[%dma_wait3A_312] : memref<3200000xi32, #tpu.memory_space<hbm>> -> memref<1280xi32, #tpu.memory_space<hbm>>
      tpu.wait_dma2 semaphore(%arg34 : memref<!tpu.dma_semaphore, #tpu.memory_space<semaphore_mem>>) src(%dma_wait3A_313 : memref<1280xi32, #tpu.memory_space<hbm>>) dst(%arg11 : memref<1280xi32, #tpu.memory_space<vmem>>)
      %dma_wait3A_314 = arith.constant 0 : i32
      %dma_wait3A_315 = tpu.memref_slice %arg4[%dma_wait3A_314] : memref<3200000xi32, #tpu.memory_space<hbm>> -> memref<1280xi32, #tpu.memory_space<hbm>>
      %dma_wait3A_316 = arith.constant 0 : i32
      %dma_wait3A_317 = tpu.memref_slice %arg4[%dma_wait3A_316] : memref<3200000xi32, #tpu.memory_space<hbm>> -> memref<1280xi32, #tpu.memory_space<hbm>>
      tpu.wait_dma2 semaphore(%arg34 : memref<!tpu.dma_semaphore, #tpu.memory_space<semaphore_mem>>) src(%dma_wait3A_317 : memref<1280xi32, #tpu.memory_space<hbm>>) dst(%arg15 : memref<1280xi32, #tpu.memory_space<vmem>>)
      %scan3A_318 = arith.constant 0 : i32
      %scan3A_319 = arith.constant 0 : i32
      %scan3A_320 = arith.constant 80 : i32
      %scan3A_321 = arith.addi %scan3A_319, %scan3A_320 : i32
      %scan3A_322 = arith.constant 1 : i32
      scf.for %scan3A_438 = %scan3A_319 to %scan3A_321 step %scan3A_322  : i32 {
        %mul3A_439 = arith.constant 16 : i32
        %mul3A_440 = arith.muli %scan3A_438, %mul3A_439 : i32
        %get3A = arith.index_cast %mul3A_440 : i32 to index
        %get3A_441 = tpu.vector_load %arg11[%get3A] {strides = array<i32>} : memref<1280xi32, #tpu.memory_space<vmem>>, vector<16xi32>,
        %gather3A = tpu.vector_load_idx %arg9[%get3A_441] : memref<50000xf32, #tpu.memory_space<vmem>>[vector<16xi32>], vector<16xf32>,
        %swap3A = arith.index_cast %mul3A_440 : i32 to index
        %swap3A_442 = tpu.vector_load %arg19[%swap3A] {strides = array<i32>} : memref<1280xf32, #tpu.memory_space<vmem>>, vector<16xf32>,
        tpu.vector_store %arg19[%swap3A], %gather3A {strides = array<i32>} : memref<1280xf32, #tpu.memory_space<vmem>>, vector<16xf32>,
        %gather3A_443 = tpu.vector_load_idx %arg10[%get3A_441] : memref<50000xf32, #tpu.memory_space<vmem>>[vector<16xi32>], vector<16xf32>,
        %swap3A_444 = arith.index_cast %mul3A_440 : i32 to index
        %swap3A_445 = tpu.vector_load %arg21[%swap3A_444] {strides = array<i32>} : memref<1280xf32, #tpu.memory_space<vmem>>, vector<16xf32>,
        tpu.vector_store %arg21[%swap3A_444], %gather3A_443 {strides = array<i32>} : memref<1280xf32, #tpu.memory_space<vmem>>, vector<16xf32>,
      }
      %scan3A_323 = arith.constant 80 : i32
      %dma_start3A_324 = arith.constant 0 : i32
      %dma_start3A_325 = tpu.memref_slice %arg25[%dma_start3A_324] : memref<50176xf32, #tpu.memory_space<vmem_shared>> -> memref<50176xf32, #tpu.memory_space<vmem_shared>>
      tpu.enqueue_indirect_dma source(%arg19 : memref<1280xf32, #tpu.memory_space<vmem>>) target(%dma_start3A_325 : memref<50176xf32, #tpu.memory_space<vmem_shared>>) offsets(%arg15 : memref<1280xi32, #tpu.memory_space<vmem>>) semaphore(%arg38 : memref<!tpu.dma_semaphore, #tpu.memory_space<semaphore_mem>>) {add = true}
      %dma_start3A_326 = arith.constant 0 : i32
      %dma_start3A_327 = tpu.memref_slice %arg26[%dma_start3A_326] : memref<50176xf32, #tpu.memory_space<vmem_shared>> -> memref<50176xf32, #tpu.memory_space<vmem_shared>>
      tpu.enqueue_indirect_dma source(%arg21 : memref<1280xf32, #tpu.memory_space<vmem>>) target(%dma_start3A_327 : memref<50176xf32, #tpu.memory_space<vmem_shared>>) offsets(%arg15 : memref<1280xi32, #tpu.memory_space<vmem>>) semaphore(%arg38 : memref<!tpu.dma_semaphore, #tpu.memory_space<semaphore_mem>>) {add = true}
      %dma_start3A_328 = arith.constant 0 : i32
      %dma_start3A_329 = tpu.memref_slice %arg27[%dma_start3A_328] : memref<50176xf32, #tpu.memory_space<vmem_shared>> -> memref<50176xf32, #tpu.memory_space<vmem_shared>>
      tpu.enqueue_indirect_dma source(%arg28 : memref<1280xf32, #tpu.memory_space<vmem>>) target(%dma_start3A_329 : memref<50176xf32, #tpu.memory_space<vmem_shared>>) offsets(%arg15 : memref<1280xi32, #tpu.memory_space<vmem>>) semaphore(%arg38 : memref<!tpu.dma_semaphore, #tpu.memory_space<semaphore_mem>>) {add = true}
      %mul3A_330 = arith.constant 4 : i32
      %mul3A_331 = arith.muli %scan3A_297, %mul3A_330 : i32
      %add3A_332 = arith.constant 1 : i32
      %add3A_333 = arith.addi %mul3A_331, %add3A_332 : i32
      %ge3A_334 = arith.constant 2 : i32
      %ge3A_335 = arith.cmpi sge, %add3A_333, %ge3A_334 : i32
      %convert_element_type3A_336 = arith.extui %ge3A_335 : i1 to i32
      %cond3A_337 = arith.constant 0 : i32
      %cond3A_338 = arith.cmpi ne, %convert_element_type3A_336, %cond3A_337 : i32
      scf.if %cond3A_338 {
        %dma_wait3A_438 = arith.constant 0 : i32
        %dma_wait3A_439 = tpu.memref_slice %arg25[%dma_wait3A_438] : memref<50176xf32, #tpu.memory_space<vmem_shared>> -> memref<50176xf32, #tpu.memory_space<vmem_shared>>
        tpu.wait_indirect_dma semaphore(%arg39 : memref<!tpu.dma_semaphore, #tpu.memory_space<semaphore_mem>>) src(%arg20 : memref<1280xf32, #tpu.memory_space<vmem>>) dst(%dma_wait3A_439 : memref<50176xf32, #tpu.memory_space<vmem_shared>>)
        %dma_wait3A_440 = arith.constant 0 : i32
        %dma_wait3A_441 = tpu.memref_slice %arg26[%dma_wait3A_440] : memref<50176xf32, #tpu.memory_space<vmem_shared>> -> memref<50176xf32, #tpu.memory_space<vmem_shared>>
        tpu.wait_indirect_dma semaphore(%arg39 : memref<!tpu.dma_semaphore, #tpu.memory_space<semaphore_mem>>) src(%arg22 : memref<1280xf32, #tpu.memory_space<vmem>>) dst(%dma_wait3A_441 : memref<50176xf32, #tpu.memory_space<vmem_shared>>)
        %dma_wait3A_442 = arith.constant 0 : i32
        %dma_wait3A_443 = tpu.memref_slice %arg27[%dma_wait3A_442] : memref<50176xf32, #tpu.memory_space<vmem_shared>> -> memref<50176xf32, #tpu.memory_space<vmem_shared>>
        tpu.wait_indirect_dma semaphore(%arg39 : memref<!tpu.dma_semaphore, #tpu.memory_space<semaphore_mem>>) src(%arg28 : memref<1280xf32, #tpu.memory_space<vmem>>) dst(%dma_wait3A_443 : memref<50176xf32, #tpu.memory_space<vmem_shared>>)
      } else {
      }
      %add3A_339 = arith.constant 2 : i32
      %add3A_340 = arith.addi %add3A_333, %add3A_339 : i32
      %lt3A_341 = arith.constant 78 : i32
      %lt3A_342 = arith.cmpi slt, %add3A_340, %lt3A_341 : i32
      %convert_element_type3A_343 = arith.extui %lt3A_342 : i1 to i32
      %cond3A_344 = arith.constant 0 : i32
      %cond3A_345 = arith.cmpi ne, %convert_element_type3A_343, %cond3A_344 : i32
      scf.if %cond3A_345 {
        %add3A_438 = arith.constant 2 : i32
        %add3A_439 = arith.addi %add3A_333, %add3A_438 : i32
        %mul3A_440 = arith.constant 1280 : i32
        %mul3A_441 = arith.muli %add3A_439, %mul3A_440 : i32
        %add3A_442 = arith.addi %mul3A_91, %mul3A_441 : i32
        %dma_start3A_443 = tpu.memref_slice %arg4[%add3A_442] : memref<3200000xi32, #tpu.memory_space<hbm>> -> memref<1280xi32, #tpu.memory_space<hbm>>
        %dma_start3A_444 = tpu.memref_slice %arg4[%add3A_442] : memref<3200000xi32, #tpu.memory_space<hbm>> -> memref<1280xi32, #tpu.memory_space<hbm>>
        tpu.enqueue_dma source(%dma_start3A_444 : memref<1280xi32, #tpu.memory_space<hbm>>) target(%arg14 : memref<1280xi32, #tpu.memory_space<vmem>>) target_semaphore(%arg37 : memref<!tpu.dma_semaphore, #tpu.memory_space<semaphore_mem>>)
        %dma_start3A_445 = tpu.memref_slice %arg5[%add3A_442] : memref<3200000xi32, #tpu.memory_space<hbm>> -> memref<1280xi32, #tpu.memory_space<hbm>>
        %dma_start3A_446 = tpu.memref_slice %arg5[%add3A_442] : memref<3200000xi32, #tpu.memory_space<hbm>> -> memref<1280xi32, #tpu.memory_space<hbm>>
        tpu.enqueue_dma source(%dma_start3A_446 : memref<1280xi32, #tpu.memory_space<hbm>>) target(%arg18 : memref<1280xi32, #tpu.memory_space<vmem>>) target_semaphore(%arg37 : memref<!tpu.dma_semaphore, #tpu.memory_space<semaphore_mem>>)
      } else {
      }
      %dma_wait3A_346 = arith.constant 0 : i32
      %dma_wait3A_347 = tpu.memref_slice %arg4[%dma_wait3A_346] : memref<3200000xi32, #tpu.memory_space<hbm>> -> memref<1280xi32, #tpu.memory_space<hbm>>
      %dma_wait3A_348 = arith.constant 0 : i32
      %dma_wait3A_349 = tpu.memref_slice %arg4[%dma_wait3A_348] : memref<3200000xi32, #tpu.memory_space<hbm>> -> memref<1280xi32, #tpu.memory_space<hbm>>
      tpu.wait_dma2 semaphore(%arg35 : memref<!tpu.dma_semaphore, #tpu.memory_space<semaphore_mem>>) src(%dma_wait3A_349 : memref<1280xi32, #tpu.memory_space<hbm>>) dst(%arg12 : memref<1280xi32, #tpu.memory_space<vmem>>)
      %dma_wait3A_350 = arith.constant 0 : i32
      %dma_wait3A_351 = tpu.memref_slice %arg4[%dma_wait3A_350] : memref<3200000xi32, #tpu.memory_space<hbm>> -> memref<1280xi32, #tpu.memory_space<hbm>>
      %dma_wait3A_352 = arith.constant 0 : i32
      %dma_wait3A_353 = tpu.memref_slice %arg4[%dma_wait3A_352] : memref<3200000xi32, #tpu.memory_space<hbm>> -> memref<1280xi32, #tpu.memory_space<hbm>>
      tpu.wait_dma2 semaphore(%arg35 : memref<!tpu.dma_semaphore, #tpu.memory_space<semaphore_mem>>) src(%dma_wait3A_353 : memref<1280xi32, #tpu.memory_space<hbm>>) dst(%arg16 : memref<1280xi32, #tpu.memory_space<vmem>>)
      %scan3A_354 = arith.constant 0 : i32
      %scan3A_355 = arith.constant 0 : i32
      %scan3A_356 = arith.constant 80 : i32
      %scan3A_357 = arith.addi %scan3A_355, %scan3A_356 : i32
      %scan3A_358 = arith.constant 1 : i32
      scf.for %scan3A_438 = %scan3A_355 to %scan3A_357 step %scan3A_358  : i32 {
        %mul3A_439 = arith.constant 16 : i32
        %mul3A_440 = arith.muli %scan3A_438, %mul3A_439 : i32
        %get3A = arith.index_cast %mul3A_440 : i32 to index
        %get3A_441 = tpu.vector_load %arg12[%get3A] {strides = array<i32>} : memref<1280xi32, #tpu.memory_space<vmem>>, vector<16xi32>,
        %gather3A = tpu.vector_load_idx %arg9[%get3A_441] : memref<50000xf32, #tpu.memory_space<vmem>>[vector<16xi32>], vector<16xf32>,
        %swap3A = arith.index_cast %mul3A_440 : i32 to index
        %swap3A_442 = tpu.vector_load %arg20[%swap3A] {strides = array<i32>} : memref<1280xf32, #tpu.memory_space<vmem>>, vector<16xf32>,
        tpu.vector_store %arg20[%swap3A], %gather3A {strides = array<i32>} : memref<1280xf32, #tpu.memory_space<vmem>>, vector<16xf32>,
        %gather3A_443 = tpu.vector_load_idx %arg10[%get3A_441] : memref<50000xf32, #tpu.memory_space<vmem>>[vector<16xi32>], vector<16xf32>,
        %swap3A_444 = arith.index_cast %mul3A_440 : i32 to index
        %swap3A_445 = tpu.vector_load %arg22[%swap3A_444] {strides = array<i32>} : memref<1280xf32, #tpu.memory_space<vmem>>, vector<16xf32>,
        tpu.vector_store %arg22[%swap3A_444], %gather3A_443 {strides = array<i32>} : memref<1280xf32, #tpu.memory_space<vmem>>, vector<16xf32>,
      }
      %scan3A_359 = arith.constant 80 : i32
      %dma_start3A_360 = arith.constant 0 : i32
      %dma_start3A_361 = tpu.memref_slice %arg25[%dma_start3A_360] : memref<50176xf32, #tpu.memory_space<vmem_shared>> -> memref<50176xf32, #tpu.memory_space<vmem_shared>>
      tpu.enqueue_indirect_dma source(%arg20 : memref<1280xf32, #tpu.memory_space<vmem>>) target(%dma_start3A_361 : memref<50176xf32, #tpu.memory_space<vmem_shared>>) offsets(%arg16 : memref<1280xi32, #tpu.memory_space<vmem>>) semaphore(%arg39 : memref<!tpu.dma_semaphore, #tpu.memory_space<semaphore_mem>>) {add = true}
      %dma_start3A_362 = arith.constant 0 : i32
      %dma_start3A_363 = tpu.memref_slice %arg26[%dma_start3A_362] : memref<50176xf32, #tpu.memory_space<vmem_shared>> -> memref<50176xf32, #tpu.memory_space<vmem_shared>>
      tpu.enqueue_indirect_dma source(%arg22 : memref<1280xf32, #tpu.memory_space<vmem>>) target(%dma_start3A_363 : memref<50176xf32, #tpu.memory_space<vmem_shared>>) offsets(%arg16 : memref<1280xi32, #tpu.memory_space<vmem>>) semaphore(%arg39 : memref<!tpu.dma_semaphore, #tpu.memory_space<semaphore_mem>>) {add = true}
      %dma_start3A_364 = arith.constant 0 : i32
      %dma_start3A_365 = tpu.memref_slice %arg27[%dma_start3A_364] : memref<50176xf32, #tpu.memory_space<vmem_shared>> -> memref<50176xf32, #tpu.memory_space<vmem_shared>>
      tpu.enqueue_indirect_dma source(%arg28 : memref<1280xf32, #tpu.memory_space<vmem>>) target(%dma_start3A_365 : memref<50176xf32, #tpu.memory_space<vmem_shared>>) offsets(%arg16 : memref<1280xi32, #tpu.memory_space<vmem>>) semaphore(%arg39 : memref<!tpu.dma_semaphore, #tpu.memory_space<semaphore_mem>>) {add = true}
      %mul3A_366 = arith.constant 4 : i32
      %mul3A_367 = arith.muli %scan3A_297, %mul3A_366 : i32
      %add3A_368 = arith.constant 2 : i32
      %add3A_369 = arith.addi %mul3A_367, %add3A_368 : i32
      %ge3A_370 = arith.constant 2 : i32
      %ge3A_371 = arith.cmpi sge, %add3A_369, %ge3A_370 : i32
      %convert_element_type3A_372 = arith.extui %ge3A_371 : i1 to i32
      %cond3A_373 = arith.constant 0 : i32
      %cond3A_374 = arith.cmpi ne, %convert_element_type3A_372, %cond3A_373 : i32
      scf.if %cond3A_374 {
        %dma_wait3A_438 = arith.constant 0 : i32
        %dma_wait3A_439 = tpu.memref_slice %arg25[%dma_wait3A_438] : memref<50176xf32, #tpu.memory_space<vmem_shared>> -> memref<50176xf32, #tpu.memory_space<vmem_shared>>
        tpu.wait_indirect_dma semaphore(%arg38 : memref<!tpu.dma_semaphore, #tpu.memory_space<semaphore_mem>>) src(%arg19 : memref<1280xf32, #tpu.memory_space<vmem>>) dst(%dma_wait3A_439 : memref<50176xf32, #tpu.memory_space<vmem_shared>>)
        %dma_wait3A_440 = arith.constant 0 : i32
        %dma_wait3A_441 = tpu.memref_slice %arg26[%dma_wait3A_440] : memref<50176xf32, #tpu.memory_space<vmem_shared>> -> memref<50176xf32, #tpu.memory_space<vmem_shared>>
        tpu.wait_indirect_dma semaphore(%arg38 : memref<!tpu.dma_semaphore, #tpu.memory_space<semaphore_mem>>) src(%arg21 : memref<1280xf32, #tpu.memory_space<vmem>>) dst(%dma_wait3A_441 : memref<50176xf32, #tpu.memory_space<vmem_shared>>)
        %dma_wait3A_442 = arith.constant 0 : i32
        %dma_wait3A_443 = tpu.memref_slice %arg27[%dma_wait3A_442] : memref<50176xf32, #tpu.memory_space<vmem_shared>> -> memref<50176xf32, #tpu.memory_space<vmem_shared>>
        tpu.wait_indirect_dma semaphore(%arg38 : memref<!tpu.dma_semaphore, #tpu.memory_space<semaphore_mem>>) src(%arg28 : memref<1280xf32, #tpu.memory_space<vmem>>) dst(%dma_wait3A_443 : memref<50176xf32, #tpu.memory_space<vmem_shared>>)
      } else {
      }
      %add3A_375 = arith.constant 2 : i32
      %add3A_376 = arith.addi %add3A_369, %add3A_375 : i32
      %lt3A_377 = arith.constant 78 : i32
      %lt3A_378 = arith.cmpi slt, %add3A_376, %lt3A_377 : i32
      %convert_element_type3A_379 = arith.extui %lt3A_378 : i1 to i32
      %cond3A_380 = arith.constant 0 : i32
      %cond3A_381 = arith.cmpi ne, %convert_element_type3A_379, %cond3A_380 : i32
      scf.if %cond3A_381 {
        %add3A_438 = arith.constant 2 : i32
        %add3A_439 = arith.addi %add3A_369, %add3A_438 : i32
        %mul3A_440 = arith.constant 1280 : i32
        %mul3A_441 = arith.muli %add3A_439, %mul3A_440 : i32
        %add3A_442 = arith.addi %mul3A_91, %mul3A_441 : i32
        %dma_start3A_443 = tpu.memref_slice %arg4[%add3A_442] : memref<3200000xi32, #tpu.memory_space<hbm>> -> memref<1280xi32, #tpu.memory_space<hbm>>
        %dma_start3A_444 = tpu.memref_slice %arg4[%add3A_442] : memref<3200000xi32, #tpu.memory_space<hbm>> -> memref<1280xi32, #tpu.memory_space<hbm>>
        tpu.enqueue_dma source(%dma_start3A_444 : memref<1280xi32, #tpu.memory_space<hbm>>) target(%arg11 : memref<1280xi32, #tpu.memory_space<vmem>>) target_semaphore(%arg34 : memref<!tpu.dma_semaphore, #tpu.memory_space<semaphore_mem>>)
        %dma_start3A_445 = tpu.memref_slice %arg5[%add3A_442] : memref<3200000xi32, #tpu.memory_space<hbm>> -> memref<1280xi32, #tpu.memory_space<hbm>>
        %dma_start3A_446 = tpu.memref_slice %arg5[%add3A_442] : memref<3200000xi32, #tpu.memory_space<hbm>> -> memref<1280xi32, #tpu.memory_space<hbm>>
        tpu.enqueue_dma source(%dma_start3A_446 : memref<1280xi32, #tpu.memory_space<hbm>>) target(%arg15 : memref<1280xi32, #tpu.memory_space<vmem>>) target_semaphore(%arg34 : memref<!tpu.dma_semaphore, #tpu.memory_space<semaphore_mem>>)
      } else {
      }
      %dma_wait3A_382 = arith.constant 0 : i32
      %dma_wait3A_383 = tpu.memref_slice %arg4[%dma_wait3A_382] : memref<3200000xi32, #tpu.memory_space<hbm>> -> memref<1280xi32, #tpu.memory_space<hbm>>
      %dma_wait3A_384 = arith.constant 0 : i32
      %dma_wait3A_385 = tpu.memref_slice %arg4[%dma_wait3A_384] : memref<3200000xi32, #tpu.memory_space<hbm>> -> memref<1280xi32, #tpu.memory_space<hbm>>
      tpu.wait_dma2 semaphore(%arg36 : memref<!tpu.dma_semaphore, #tpu.memory_space<semaphore_mem>>) src(%dma_wait3A_385 : memref<1280xi32, #tpu.memory_space<hbm>>) dst(%arg13 : memref<1280xi32, #tpu.memory_space<vmem>>)
      %dma_wait3A_386 = arith.constant 0 : i32
      %dma_wait3A_387 = tpu.memref_slice %arg4[%dma_wait3A_386] : memref<3200000xi32, #tpu.memory_space<hbm>> -> memref<1280xi32, #tpu.memory_space<hbm>>
      %dma_wait3A_388 = arith.constant 0 : i32
      %dma_wait3A_389 = tpu.memref_slice %arg4[%dma_wait3A_388] : memref<3200000xi32, #tpu.memory_space<hbm>> -> memref<1280xi32, #tpu.memory_space<hbm>>
      tpu.wait_dma2 semaphore(%arg36 : memref<!tpu.dma_semaphore, #tpu.memory_space<semaphore_mem>>) src(%dma_wait3A_389 : memref<1280xi32, #tpu.memory_space<hbm>>) dst(%arg17 : memref<1280xi32, #tpu.memory_space<vmem>>)
      %scan3A_390 = arith.constant 0 : i32
      %scan3A_391 = arith.constant 0 : i32
      %scan3A_392 = arith.constant 80 : i32
      %scan3A_393 = arith.addi %scan3A_391, %scan3A_392 : i32
      %scan3A_394 = arith.constant 1 : i32
      scf.for %scan3A_438 = %scan3A_391 to %scan3A_393 step %scan3A_394  : i32 {
        %mul3A_439 = arith.constant 16 : i32
        %mul3A_440 = arith.muli %scan3A_438, %mul3A_439 : i32
        %get3A = arith.index_cast %mul3A_440 : i32 to index
        %get3A_441 = tpu.vector_load %arg13[%get3A] {strides = array<i32>} : memref<1280xi32, #tpu.memory_space<vmem>>, vector<16xi32>,
        %gather3A = tpu.vector_load_idx %arg9[%get3A_441] : memref<50000xf32, #tpu.memory_space<vmem>>[vector<16xi32>], vector<16xf32>,
        %swap3A = arith.index_cast %mul3A_440 : i32 to index
        %swap3A_442 = tpu.vector_load %arg19[%swap3A] {strides = array<i32>} : memref<1280xf32, #tpu.memory_space<vmem>>, vector<16xf32>,
        tpu.vector_store %arg19[%swap3A], %gather3A {strides = array<i32>} : memref<1280xf32, #tpu.memory_space<vmem>>, vector<16xf32>,
        %gather3A_443 = tpu.vector_load_idx %arg10[%get3A_441] : memref<50000xf32, #tpu.memory_space<vmem>>[vector<16xi32>], vector<16xf32>,
        %swap3A_444 = arith.index_cast %mul3A_440 : i32 to index
        %swap3A_445 = tpu.vector_load %arg21[%swap3A_444] {strides = array<i32>} : memref<1280xf32, #tpu.memory_space<vmem>>, vector<16xf32>,
        tpu.vector_store %arg21[%swap3A_444], %gather3A_443 {strides = array<i32>} : memref<1280xf32, #tpu.memory_space<vmem>>, vector<16xf32>,
      }
      %scan3A_395 = arith.constant 80 : i32
      %dma_start3A_396 = arith.constant 0 : i32
      %dma_start3A_397 = tpu.memref_slice %arg25[%dma_start3A_396] : memref<50176xf32, #tpu.memory_space<vmem_shared>> -> memref<50176xf32, #tpu.memory_space<vmem_shared>>
      tpu.enqueue_indirect_dma source(%arg19 : memref<1280xf32, #tpu.memory_space<vmem>>) target(%dma_start3A_397 : memref<50176xf32, #tpu.memory_space<vmem_shared>>) offsets(%arg17 : memref<1280xi32, #tpu.memory_space<vmem>>) semaphore(%arg38 : memref<!tpu.dma_semaphore, #tpu.memory_space<semaphore_mem>>) {add = true}
      %dma_start3A_398 = arith.constant 0 : i32
      %dma_start3A_399 = tpu.memref_slice %arg26[%dma_start3A_398] : memref<50176xf32, #tpu.memory_space<vmem_shared>> -> memref<50176xf32, #tpu.memory_space<vmem_shared>>
      tpu.enqueue_indirect_dma source(%arg21 : memref<1280xf32, #tpu.memory_space<vmem>>) target(%dma_start3A_399 : memref<50176xf32, #tpu.memory_space<vmem_shared>>) offsets(%arg17 : memref<1280xi32, #tpu.memory_space<vmem>>) semaphore(%arg38 : memref<!tpu.dma_semaphore, #tpu.memory_space<semaphore_mem>>) {add = true}
      %dma_start3A_400 = arith.constant 0 : i32
      %dma_start3A_401 = tpu.memref_slice %arg27[%dma_start3A_400] : memref<50176xf32, #tpu.memory_space<vmem_shared>> -> memref<50176xf32, #tpu.memory_space<vmem_shared>>
      tpu.enqueue_indirect_dma source(%arg28 : memref<1280xf32, #tpu.memory_space<vmem>>) target(%dma_start3A_401 : memref<50176xf32, #tpu.memory_space<vmem_shared>>) offsets(%arg17 : memref<1280xi32, #tpu.memory_space<vmem>>) semaphore(%arg38 : memref<!tpu.dma_semaphore, #tpu.memory_space<semaphore_mem>>) {add = true}
      %mul3A_402 = arith.constant 4 : i32
      %mul3A_403 = arith.muli %scan3A_297, %mul3A_402 : i32
      %add3A_404 = arith.constant 3 : i32
      %add3A_405 = arith.addi %mul3A_403, %add3A_404 : i32
      %ge3A_406 = arith.constant 2 : i32
      %ge3A_407 = arith.cmpi sge, %add3A_405, %ge3A_406 : i32
      %convert_element_type3A_408 = arith.extui %ge3A_407 : i1 to i32
      %cond3A_409 = arith.constant 0 : i32
      %cond3A_410 = arith.cmpi ne, %convert_element_type3A_408, %cond3A_409 : i32
      scf.if %cond3A_410 {
        %dma_wait3A_438 = arith.constant 0 : i32
        %dma_wait3A_439 = tpu.memref_slice %arg25[%dma_wait3A_438] : memref<50176xf32, #tpu.memory_space<vmem_shared>> -> memref<50176xf32, #tpu.memory_space<vmem_shared>>
        tpu.wait_indirect_dma semaphore(%arg39 : memref<!tpu.dma_semaphore, #tpu.memory_space<semaphore_mem>>) src(%arg20 : memref<1280xf32, #tpu.memory_space<vmem>>) dst(%dma_wait3A_439 : memref<50176xf32, #tpu.memory_space<vmem_shared>>)
        %dma_wait3A_440 = arith.constant 0 : i32
        %dma_wait3A_441 = tpu.memref_slice %arg26[%dma_wait3A_440] : memref<50176xf32, #tpu.memory_space<vmem_shared>> -> memref<50176xf32, #tpu.memory_space<vmem_shared>>
        tpu.wait_indirect_dma semaphore(%arg39 : memref<!tpu.dma_semaphore, #tpu.memory_space<semaphore_mem>>) src(%arg22 : memref<1280xf32, #tpu.memory_space<vmem>>) dst(%dma_wait3A_441 : memref<50176xf32, #tpu.memory_space<vmem_shared>>)
        %dma_wait3A_442 = arith.constant 0 : i32
        %dma_wait3A_443 = tpu.memref_slice %arg27[%dma_wait3A_442] : memref<50176xf32, #tpu.memory_space<vmem_shared>> -> memref<50176xf32, #tpu.memory_space<vmem_shared>>
        tpu.wait_indirect_dma semaphore(%arg39 : memref<!tpu.dma_semaphore, #tpu.memory_space<semaphore_mem>>) src(%arg28 : memref<1280xf32, #tpu.memory_space<vmem>>) dst(%dma_wait3A_443 : memref<50176xf32, #tpu.memory_space<vmem_shared>>)
      } else {
      }
      %add3A_411 = arith.constant 2 : i32
      %add3A_412 = arith.addi %add3A_405, %add3A_411 : i32
      %lt3A_413 = arith.constant 78 : i32
      %lt3A_414 = arith.cmpi slt, %add3A_412, %lt3A_413 : i32
      %convert_element_type3A_415 = arith.extui %lt3A_414 : i1 to i32
      %cond3A_416 = arith.constant 0 : i32
      %cond3A_417 = arith.cmpi ne, %convert_element_type3A_415, %cond3A_416 : i32
      scf.if %cond3A_417 {
        %add3A_438 = arith.constant 2 : i32
        %add3A_439 = arith.addi %add3A_405, %add3A_438 : i32
        %mul3A_440 = arith.constant 1280 : i32
        %mul3A_441 = arith.muli %add3A_439, %mul3A_440 : i32
        %add3A_442 = arith.addi %mul3A_91, %mul3A_441 : i32
        %dma_start3A_443 = tpu.memref_slice %arg4[%add3A_442] : memref<3200000xi32, #tpu.memory_space<hbm>> -> memref<1280xi32, #tpu.memory_space<hbm>>
        %dma_start3A_444 = tpu.memref_slice %arg4[%add3A_442] : memref<3200000xi32, #tpu.memory_space<hbm>> -> memref<1280xi32, #tpu.memory_space<hbm>>
        tpu.enqueue_dma source(%dma_start3A_444 : memref<1280xi32, #tpu.memory_space<hbm>>) target(%arg12 : memref<1280xi32, #tpu.memory_space<vmem>>) target_semaphore(%arg35 : memref<!tpu.dma_semaphore, #tpu.memory_space<semaphore_mem>>)
        %dma_start3A_445 = tpu.memref_slice %arg5[%add3A_442] : memref<3200000xi32, #tpu.memory_space<hbm>> -> memref<1280xi32, #tpu.memory_space<hbm>>
        %dma_start3A_446 = tpu.memref_slice %arg5[%add3A_442] : memref<3200000xi32, #tpu.memory_space<hbm>> -> memref<1280xi32, #tpu.memory_space<hbm>>
        tpu.enqueue_dma source(%dma_start3A_446 : memref<1280xi32, #tpu.memory_space<hbm>>) target(%arg16 : memref<1280xi32, #tpu.memory_space<vmem>>) target_semaphore(%arg35 : memref<!tpu.dma_semaphore, #tpu.memory_space<semaphore_mem>>)
      } else {
      }
      %dma_wait3A_418 = arith.constant 0 : i32
      %dma_wait3A_419 = tpu.memref_slice %arg4[%dma_wait3A_418] : memref<3200000xi32, #tpu.memory_space<hbm>> -> memref<1280xi32, #tpu.memory_space<hbm>>
      %dma_wait3A_420 = arith.constant 0 : i32
      %dma_wait3A_421 = tpu.memref_slice %arg4[%dma_wait3A_420] : memref<3200000xi32, #tpu.memory_space<hbm>> -> memref<1280xi32, #tpu.memory_space<hbm>>
      tpu.wait_dma2 semaphore(%arg37 : memref<!tpu.dma_semaphore, #tpu.memory_space<semaphore_mem>>) src(%dma_wait3A_421 : memref<1280xi32, #tpu.memory_space<hbm>>) dst(%arg14 : memref<1280xi32, #tpu.memory_space<vmem>>)
      %dma_wait3A_422 = arith.constant 0 : i32
      %dma_wait3A_423 = tpu.memref_slice %arg4[%dma_wait3A_422] : memref<3200000xi32, #tpu.memory_space<hbm>> -> memref<1280xi32, #tpu.memory_space<hbm>>
      %dma_wait3A_424 = arith.constant 0 : i32
      %dma_wait3A_425 = tpu.memref_slice %arg4[%dma_wait3A_424] : memref<3200000xi32, #tpu.memory_space<hbm>> -> memref<1280xi32, #tpu.memory_space<hbm>>
      tpu.wait_dma2 semaphore(%arg37 : memref<!tpu.dma_semaphore, #tpu.memory_space<semaphore_mem>>) src(%dma_wait3A_425 : memref<1280xi32, #tpu.memory_space<hbm>>) dst(%arg18 : memref<1280xi32, #tpu.memory_space<vmem>>)
      %scan3A_426 = arith.constant 0 : i32
      %scan3A_427 = arith.constant 0 : i32
      %scan3A_428 = arith.constant 80 : i32
      %scan3A_429 = arith.addi %scan3A_427, %scan3A_428 : i32
      %scan3A_430 = arith.constant 1 : i32
      scf.for %scan3A_438 = %scan3A_427 to %scan3A_429 step %scan3A_430  : i32 {
        %mul3A_439 = arith.constant 16 : i32
        %mul3A_440 = arith.muli %scan3A_438, %mul3A_439 : i32
        %get3A = arith.index_cast %mul3A_440 : i32 to index
        %get3A_441 = tpu.vector_load %arg14[%get3A] {strides = array<i32>} : memref<1280xi32, #tpu.memory_space<vmem>>, vector<16xi32>,
        %gather3A = tpu.vector_load_idx %arg9[%get3A_441] : memref<50000xf32, #tpu.memory_space<vmem>>[vector<16xi32>], vector<16xf32>,
        %swap3A = arith.index_cast %mul3A_440 : i32 to index
        %swap3A_442 = tpu.vector_load %arg20[%swap3A] {strides = array<i32>} : memref<1280xf32, #tpu.memory_space<vmem>>, vector<16xf32>,
        tpu.vector_store %arg20[%swap3A], %gather3A {strides = array<i32>} : memref<1280xf32, #tpu.memory_space<vmem>>, vector<16xf32>,
        %gather3A_443 = tpu.vector_load_idx %arg10[%get3A_441] : memref<50000xf32, #tpu.memory_space<vmem>>[vector<16xi32>], vector<16xf32>,
        %swap3A_444 = arith.index_cast %mul3A_440 : i32 to index
        %swap3A_445 = tpu.vector_load %arg22[%swap3A_444] {strides = array<i32>} : memref<1280xf32, #tpu.memory_space<vmem>>, vector<16xf32>,
        tpu.vector_store %arg22[%swap3A_444], %gather3A_443 {strides = array<i32>} : memref<1280xf32, #tpu.memory_space<vmem>>, vector<16xf32>,
      }
      %scan3A_431 = arith.constant 80 : i32
      %dma_start3A_432 = arith.constant 0 : i32
      %dma_start3A_433 = tpu.memref_slice %arg25[%dma_start3A_432] : memref<50176xf32, #tpu.memory_space<vmem_shared>> -> memref<50176xf32, #tpu.memory_space<vmem_shared>>
      tpu.enqueue_indirect_dma source(%arg20 : memref<1280xf32, #tpu.memory_space<vmem>>) target(%dma_start3A_433 : memref<50176xf32, #tpu.memory_space<vmem_shared>>) offsets(%arg18 : memref<1280xi32, #tpu.memory_space<vmem>>) semaphore(%arg39 : memref<!tpu.dma_semaphore, #tpu.memory_space<semaphore_mem>>) {add = true}
      %dma_start3A_434 = arith.constant 0 : i32
      %dma_start3A_435 = tpu.memref_slice %arg26[%dma_start3A_434] : memref<50176xf32, #tpu.memory_space<vmem_shared>> -> memref<50176xf32, #tpu.memory_space<vmem_shared>>
      tpu.enqueue_indirect_dma source(%arg22 : memref<1280xf32, #tpu.memory_space<vmem>>) target(%dma_start3A_435 : memref<50176xf32, #tpu.memory_space<vmem_shared>>) offsets(%arg18 : memref<1280xi32, #tpu.memory_space<vmem>>) semaphore(%arg39 : memref<!tpu.dma_semaphore, #tpu.memory_space<semaphore_mem>>) {add = true}
      %dma_start3A_436 = arith.constant 0 : i32
      %dma_start3A_437 = tpu.memref_slice %arg27[%dma_start3A_436] : memref<50176xf32, #tpu.memory_space<vmem_shared>> -> memref<50176xf32, #tpu.memory_space<vmem_shared>>
      tpu.enqueue_indirect_dma source(%arg28 : memref<1280xf32, #tpu.memory_space<vmem>>) target(%dma_start3A_437 : memref<50176xf32, #tpu.memory_space<vmem_shared>>) offsets(%arg18 : memref<1280xi32, #tpu.memory_space<vmem>>) semaphore(%arg39 : memref<!tpu.dma_semaphore, #tpu.memory_space<semaphore_mem>>) {add = true}
    }
    %scan3A_115 = arith.constant 19 : i32
    %dma_wait3A_116 = arith.constant 0 : i32
    %dma_wait3A_117 = tpu.memref_slice %arg25[%dma_wait3A_116] : memref<50176xf32, #tpu.memory_space<vmem_shared>> -> memref<50176xf32, #tpu.memory_space<vmem_shared>>
    tpu.wait_indirect_dma semaphore(%arg38 : memref<!tpu.dma_semaphore, #tpu.memory_space<semaphore_mem>>) src(%arg19 : memref<1280xf32, #tpu.memory_space<vmem>>) dst(%dma_wait3A_117 : memref<50176xf32, #tpu.memory_space<vmem_shared>>)
    %dma_wait3A_118 = arith.constant 0 : i32
    %dma_wait3A_119 = tpu.memref_slice %arg26[%dma_wait3A_118] : memref<50176xf32, #tpu.memory_space<vmem_shared>> -> memref<50176xf32, #tpu.memory_space<vmem_shared>>
    tpu.wait_indirect_dma semaphore(%arg38 : memref<!tpu.dma_semaphore, #tpu.memory_space<semaphore_mem>>) src(%arg21 : memref<1280xf32, #tpu.memory_space<vmem>>) dst(%dma_wait3A_119 : memref<50176xf32, #tpu.memory_space<vmem_shared>>)
    %dma_wait3A_120 = arith.constant 0 : i32
    %dma_wait3A_121 = tpu.memref_slice %arg27[%dma_wait3A_120] : memref<50176xf32, #tpu.memory_space<vmem_shared>> -> memref<50176xf32, #tpu.memory_space<vmem_shared>>
    tpu.wait_indirect_dma semaphore(%arg38 : memref<!tpu.dma_semaphore, #tpu.memory_space<semaphore_mem>>) src(%arg28 : memref<1280xf32, #tpu.memory_space<vmem>>) dst(%dma_wait3A_121 : memref<50176xf32, #tpu.memory_space<vmem_shared>>)
    %dma_wait3A_122 = arith.constant 0 : i32
    %dma_wait3A_123 = tpu.memref_slice %arg4[%dma_wait3A_122] : memref<3200000xi32, #tpu.memory_space<hbm>> -> memref<1280xi32, #tpu.memory_space<hbm>>
    %dma_wait3A_124 = arith.constant 0 : i32
    %dma_wait3A_125 = tpu.memref_slice %arg4[%dma_wait3A_124] : memref<3200000xi32, #tpu.memory_space<hbm>> -> memref<1280xi32, #tpu.memory_space<hbm>>
    tpu.wait_dma2 semaphore(%arg34 : memref<!tpu.dma_semaphore, #tpu.memory_space<semaphore_mem>>) src(%dma_wait3A_125 : memref<1280xi32, #tpu.memory_space<hbm>>) dst(%arg11 : memref<1280xi32, #tpu.memory_space<vmem>>)
    %dma_wait3A_126 = arith.constant 0 : i32
    %dma_wait3A_127 = tpu.memref_slice %arg4[%dma_wait3A_126] : memref<3200000xi32, #tpu.memory_space<hbm>> -> memref<1280xi32, #tpu.memory_space<hbm>>
    %dma_wait3A_128 = arith.constant 0 : i32
    %dma_wait3A_129 = tpu.memref_slice %arg4[%dma_wait3A_128] : memref<3200000xi32, #tpu.memory_space<hbm>> -> memref<1280xi32, #tpu.memory_space<hbm>>
    tpu.wait_dma2 semaphore(%arg34 : memref<!tpu.dma_semaphore, #tpu.memory_space<semaphore_mem>>) src(%dma_wait3A_129 : memref<1280xi32, #tpu.memory_space<hbm>>) dst(%arg15 : memref<1280xi32, #tpu.memory_space<vmem>>)
    %scan3A_130 = arith.constant 0 : i32
    %scan3A_131 = arith.constant 0 : i32
    %scan3A_132 = arith.constant 80 : i32
    %scan3A_133 = arith.addi %scan3A_131, %scan3A_132 : i32
    %scan3A_134 = arith.constant 1 : i32
    scf.for %scan3A_297 = %scan3A_131 to %scan3A_133 step %scan3A_134  : i32 {
      %mul3A_298 = arith.constant 16 : i32
      %mul3A_299 = arith.muli %scan3A_297, %mul3A_298 : i32
      %get3A = arith.index_cast %mul3A_299 : i32 to index
      %get3A_300 = tpu.vector_load %arg11[%get3A] {strides = array<i32>} : memref<1280xi32, #tpu.memory_space<vmem>>, vector<16xi32>,
      %gather3A = tpu.vector_load_idx %arg9[%get3A_300] : memref<50000xf32, #tpu.memory_space<vmem>>[vector<16xi32>], vector<16xf32>,
      %swap3A = arith.index_cast %mul3A_299 : i32 to index
      %swap3A_301 = tpu.vector_load %arg19[%swap3A] {strides = array<i32>} : memref<1280xf32, #tpu.memory_space<vmem>>, vector<16xf32>,
      tpu.vector_store %arg19[%swap3A], %gather3A {strides = array<i32>} : memref<1280xf32, #tpu.memory_space<vmem>>, vector<16xf32>,
      %gather3A_302 = tpu.vector_load_idx %arg10[%get3A_300] : memref<50000xf32, #tpu.memory_space<vmem>>[vector<16xi32>], vector<16xf32>,
      %swap3A_303 = arith.index_cast %mul3A_299 : i32 to index
      %swap3A_304 = tpu.vector_load %arg21[%swap3A_303] {strides = array<i32>} : memref<1280xf32, #tpu.memory_space<vmem>>, vector<16xf32>,
      tpu.vector_store %arg21[%swap3A_303], %gather3A_302 {strides = array<i32>} : memref<1280xf32, #tpu.memory_space<vmem>>, vector<16xf32>,
    }
    %scan3A_135 = arith.constant 80 : i32
    %dma_start3A_136 = arith.constant 0 : i32
    %dma_start3A_137 = tpu.memref_slice %arg25[%dma_start3A_136] : memref<50176xf32, #tpu.memory_space<vmem_shared>> -> memref<50176xf32, #tpu.memory_space<vmem_shared>>
    tpu.enqueue_indirect_dma source(%arg19 : memref<1280xf32, #tpu.memory_space<vmem>>) target(%dma_start3A_137 : memref<50176xf32, #tpu.memory_space<vmem_shared>>) offsets(%arg15 : memref<1280xi32, #tpu.memory_space<vmem>>) semaphore(%arg38 : memref<!tpu.dma_semaphore, #tpu.memory_space<semaphore_mem>>) {add = true}
    %dma_start3A_138 = arith.constant 0 : i32
    %dma_start3A_139 = tpu.memref_slice %arg26[%dma_start3A_138] : memref<50176xf32, #tpu.memory_space<vmem_shared>> -> memref<50176xf32, #tpu.memory_space<vmem_shared>>
    tpu.enqueue_indirect_dma source(%arg21 : memref<1280xf32, #tpu.memory_space<vmem>>) target(%dma_start3A_139 : memref<50176xf32, #tpu.memory_space<vmem_shared>>) offsets(%arg15 : memref<1280xi32, #tpu.memory_space<vmem>>) semaphore(%arg38 : memref<!tpu.dma_semaphore, #tpu.memory_space<semaphore_mem>>) {add = true}
    %dma_start3A_140 = arith.constant 0 : i32
    %dma_start3A_141 = tpu.memref_slice %arg27[%dma_start3A_140] : memref<50176xf32, #tpu.memory_space<vmem_shared>> -> memref<50176xf32, #tpu.memory_space<vmem_shared>>
    tpu.enqueue_indirect_dma source(%arg28 : memref<1280xf32, #tpu.memory_space<vmem>>) target(%dma_start3A_141 : memref<50176xf32, #tpu.memory_space<vmem_shared>>) offsets(%arg15 : memref<1280xi32, #tpu.memory_space<vmem>>) semaphore(%arg38 : memref<!tpu.dma_semaphore, #tpu.memory_space<semaphore_mem>>) {add = true}
    %dma_wait3A_142 = arith.constant 0 : i32
    %dma_wait3A_143 = tpu.memref_slice %arg25[%dma_wait3A_142] : memref<50176xf32, #tpu.memory_space<vmem_shared>> -> memref<50176xf32, #tpu.memory_space<vmem_shared>>
    tpu.wait_indirect_dma semaphore(%arg39 : memref<!tpu.dma_semaphore, #tpu.memory_space<semaphore_mem>>) src(%arg20 : memref<1280xf32, #tpu.memory_space<vmem>>) dst(%dma_wait3A_143 : memref<50176xf32, #tpu.memory_space<vmem_shared>>)
    %dma_wait3A_144 = arith.constant 0 : i32
    %dma_wait3A_145 = tpu.memref_slice %arg26[%dma_wait3A_144] : memref<50176xf32, #tpu.memory_space<vmem_shared>> -> memref<50176xf32, #tpu.memory_space<vmem_shared>>
    tpu.wait_indirect_dma semaphore(%arg39 : memref<!tpu.dma_semaphore, #tpu.memory_space<semaphore_mem>>) src(%arg22 : memref<1280xf32, #tpu.memory_space<vmem>>) dst(%dma_wait3A_145 : memref<50176xf32, #tpu.memory_space<vmem_shared>>)
    %dma_wait3A_146 = arith.constant 0 : i32
    %dma_wait3A_147 = tpu.memref_slice %arg27[%dma_wait3A_146] : memref<50176xf32, #tpu.memory_space<vmem_shared>> -> memref<50176xf32, #tpu.memory_space<vmem_shared>>
    tpu.wait_indirect_dma semaphore(%arg39 : memref<!tpu.dma_semaphore, #tpu.memory_space<semaphore_mem>>) src(%arg28 : memref<1280xf32, #tpu.memory_space<vmem>>) dst(%dma_wait3A_147 : memref<50176xf32, #tpu.memory_space<vmem_shared>>)
    %dma_wait3A_148 = arith.constant 0 : i32
    %dma_wait3A_149 = tpu.memref_slice %arg4[%dma_wait3A_148] : memref<3200000xi32, #tpu.memory_space<hbm>> -> memref<1280xi32, #tpu.memory_space<hbm>>
    %dma_wait3A_150 = arith.constant 0 : i32
    %dma_wait3A_151 = tpu.memref_slice %arg4[%dma_wait3A_150] : memref<3200000xi32, #tpu.memory_space<hbm>> -> memref<1280xi32, #tpu.memory_space<hbm>>
    tpu.wait_dma2 semaphore(%arg35 : memref<!tpu.dma_semaphore, #tpu.memory_space<semaphore_mem>>) src(%dma_wait3A_151 : memref<1280xi32, #tpu.memory_space<hbm>>) dst(%arg12 : memref<1280xi32, #tpu.memory_space<vmem>>)
    %dma_wait3A_152 = arith.constant 0 : i32
    %dma_wait3A_153 = tpu.memref_slice %arg4[%dma_wait3A_152] : memref<3200000xi32, #tpu.memory_space<hbm>> -> memref<1280xi32, #tpu.memory_space<hbm>>
    %dma_wait3A_154 = arith.constant 0 : i32
    %dma_wait3A_155 = tpu.memref_slice %arg4[%dma_wait3A_154] : memref<3200000xi32, #tpu.memory_space<hbm>> -> memref<1280xi32, #tpu.memory_space<hbm>>
    tpu.wait_dma2 semaphore(%arg35 : memref<!tpu.dma_semaphore, #tpu.memory_space<semaphore_mem>>) src(%dma_wait3A_155 : memref<1280xi32, #tpu.memory_space<hbm>>) dst(%arg16 : memref<1280xi32, #tpu.memory_space<vmem>>)
    %scan3A_156 = arith.constant 0 : i32
    %scan3A_157 = arith.constant 0 : i32
    %scan3A_158 = arith.constant 80 : i32
    %scan3A_159 = arith.addi %scan3A_157, %scan3A_158 : i32
    %scan3A_160 = arith.constant 1 : i32
    scf.for %scan3A_297 = %scan3A_157 to %scan3A_159 step %scan3A_160  : i32 {
      %mul3A_298 = arith.constant 16 : i32
      %mul3A_299 = arith.muli %scan3A_297, %mul3A_298 : i32
      %get3A = arith.index_cast %mul3A_299 : i32 to index
      %get3A_300 = tpu.vector_load %arg12[%get3A] {strides = array<i32>} : memref<1280xi32, #tpu.memory_space<vmem>>, vector<16xi32>,
      %gather3A = tpu.vector_load_idx %arg9[%get3A_300] : memref<50000xf32, #tpu.memory_space<vmem>>[vector<16xi32>], vector<16xf32>,
      %swap3A = arith.index_cast %mul3A_299 : i32 to index
      %swap3A_301 = tpu.vector_load %arg20[%swap3A] {strides = array<i32>} : memref<1280xf32, #tpu.memory_space<vmem>>, vector<16xf32>,
      tpu.vector_store %arg20[%swap3A], %gather3A {strides = array<i32>} : memref<1280xf32, #tpu.memory_space<vmem>>, vector<16xf32>,
      %gather3A_302 = tpu.vector_load_idx %arg10[%get3A_300] : memref<50000xf32, #tpu.memory_space<vmem>>[vector<16xi32>], vector<16xf32>,
      %swap3A_303 = arith.index_cast %mul3A_299 : i32 to index
      %swap3A_304 = tpu.vector_load %arg22[%swap3A_303] {strides = array<i32>} : memref<1280xf32, #tpu.memory_space<vmem>>, vector<16xf32>,
      tpu.vector_store %arg22[%swap3A_303], %gather3A_302 {strides = array<i32>} : memref<1280xf32, #tpu.memory_space<vmem>>, vector<16xf32>,
    }
    %scan3A_161 = arith.constant 80 : i32
    %dma_start3A_162 = arith.constant 0 : i32
    %dma_start3A_163 = tpu.memref_slice %arg25[%dma_start3A_162] : memref<50176xf32, #tpu.memory_space<vmem_shared>> -> memref<50176xf32, #tpu.memory_space<vmem_shared>>
    tpu.enqueue_indirect_dma source(%arg20 : memref<1280xf32, #tpu.memory_space<vmem>>) target(%dma_start3A_163 : memref<50176xf32, #tpu.memory_space<vmem_shared>>) offsets(%arg16 : memref<1280xi32, #tpu.memory_space<vmem>>) semaphore(%arg39 : memref<!tpu.dma_semaphore, #tpu.memory_space<semaphore_mem>>) {add = true}
    %dma_start3A_164 = arith.constant 0 : i32
    %dma_start3A_165 = tpu.memref_slice %arg26[%dma_start3A_164] : memref<50176xf32, #tpu.memory_space<vmem_shared>> -> memref<50176xf32, #tpu.memory_space<vmem_shared>>
    tpu.enqueue_indirect_dma source(%arg22 : memref<1280xf32, #tpu.memory_space<vmem>>) target(%dma_start3A_165 : memref<50176xf32, #tpu.memory_space<vmem_shared>>) offsets(%arg16 : memref<1280xi32, #tpu.memory_space<vmem>>) semaphore(%arg39 : memref<!tpu.dma_semaphore, #tpu.memory_space<semaphore_mem>>) {add = true}
    %dma_start3A_166 = arith.constant 0 : i32
    %dma_start3A_167 = tpu.memref_slice %arg27[%dma_start3A_166] : memref<50176xf32, #tpu.memory_space<vmem_shared>> -> memref<50176xf32, #tpu.memory_space<vmem_shared>>
    tpu.enqueue_indirect_dma source(%arg28 : memref<1280xf32, #tpu.memory_space<vmem>>) target(%dma_start3A_167 : memref<50176xf32, #tpu.memory_space<vmem_shared>>) offsets(%arg16 : memref<1280xi32, #tpu.memory_space<vmem>>) semaphore(%arg39 : memref<!tpu.dma_semaphore, #tpu.memory_space<semaphore_mem>>) {add = true}
    %dma_wait3A_168 = arith.constant 0 : i32
    %dma_wait3A_169 = tpu.memref_slice %arg4[%dma_wait3A_168] : memref<3200000xi32, #tpu.memory_space<hbm>> -> memref<160xi32, #tpu.memory_space<hbm>>
    %dma_wait3A_170 = arith.constant 0 : i32
    %dma_wait3A_171 = tpu.memref_slice %arg4[%dma_wait3A_170] : memref<3200000xi32, #tpu.memory_space<hbm>> -> memref<160xi32, #tpu.memory_space<hbm>>
    tpu.wait_dma2 semaphore(%arg40 : memref<!tpu.dma_semaphore, #tpu.memory_space<semaphore_mem>>) src(%dma_wait3A_171 : memref<160xi32, #tpu.memory_space<hbm>>) dst(%arg29 : memref<160xi32, #tpu.memory_space<vmem>>)
    %dma_wait3A_172 = arith.constant 0 : i32
    %dma_wait3A_173 = tpu.memref_slice %arg4[%dma_wait3A_172] : memref<3200000xi32, #tpu.memory_space<hbm>> -> memref<160xi32, #tpu.memory_space<hbm>>
    %dma_wait3A_174 = arith.constant 0 : i32
    %dma_wait3A_175 = tpu.memref_slice %arg4[%dma_wait3A_174] : memref<3200000xi32, #tpu.memory_space<hbm>> -> memref<160xi32, #tpu.memory_space<hbm>>
    tpu.wait_dma2 semaphore(%arg40 : memref<!tpu.dma_semaphore, #tpu.memory_space<semaphore_mem>>) src(%dma_wait3A_175 : memref<160xi32, #tpu.memory_space<hbm>>) dst(%arg30 : memref<160xi32, #tpu.memory_space<vmem>>)
    %scan3A_176 = arith.constant 0 : i32
    %scan3A_177 = arith.constant 0 : i32
    %scan3A_178 = arith.constant 10 : i32
    %scan3A_179 = arith.addi %scan3A_177, %scan3A_178 : i32
    %scan3A_180 = arith.constant 1 : i32
    scf.for %scan3A_297 = %scan3A_177 to %scan3A_179 step %scan3A_180  : i32 {
      %mul3A_298 = arith.constant 16 : i32
      %mul3A_299 = arith.muli %scan3A_297, %mul3A_298 : i32
      %get3A = arith.index_cast %mul3A_299 : i32 to index
      %get3A_300 = tpu.vector_load %arg29[%get3A] {strides = array<i32>} : memref<160xi32, #tpu.memory_space<vmem>>, vector<16xi32>,
      %gather3A = tpu.vector_load_idx %arg9[%get3A_300] : memref<50000xf32, #tpu.memory_space<vmem>>[vector<16xi32>], vector<16xf32>,
      %swap3A = arith.index_cast %mul3A_299 : i32 to index
      %swap3A_301 = tpu.vector_load %arg31[%swap3A] {strides = array<i32>} : memref<160xf32, #tpu.memory_space<vmem>>, vector<16xf32>,
      tpu.vector_store %arg31[%swap3A], %gather3A {strides = array<i32>} : memref<160xf32, #tpu.memory_space<vmem>>, vector<16xf32>,
      %gather3A_302 = tpu.vector_load_idx %arg10[%get3A_300] : memref<50000xf32, #tpu.memory_space<vmem>>[vector<16xi32>], vector<16xf32>,
      %swap3A_303 = arith.index_cast %mul3A_299 : i32 to index
      %swap3A_304 = tpu.vector_load %arg32[%swap3A_303] {strides = array<i32>} : memref<160xf32, #tpu.memory_space<vmem>>, vector<16xf32>,
      tpu.vector_store %arg32[%swap3A_303], %gather3A_302 {strides = array<i32>} : memref<160xf32, #tpu.memory_space<vmem>>, vector<16xf32>,
    }
    %scan3A_181 = arith.constant 10 : i32
    %dma_start3A_182 = arith.constant 0 : i32
    %dma_start3A_183 = tpu.memref_slice %arg25[%dma_start3A_182] : memref<50176xf32, #tpu.memory_space<vmem_shared>> -> memref<50176xf32, #tpu.memory_space<vmem_shared>>
    tpu.enqueue_indirect_dma source(%arg31 : memref<160xf32, #tpu.memory_space<vmem>>) target(%dma_start3A_183 : memref<50176xf32, #tpu.memory_space<vmem_shared>>) offsets(%arg30 : memref<160xi32, #tpu.memory_space<vmem>>) semaphore(%arg40 : memref<!tpu.dma_semaphore, #tpu.memory_space<semaphore_mem>>) {add = true}
    %dma_start3A_184 = arith.constant 0 : i32
    %dma_start3A_185 = tpu.memref_slice %arg26[%dma_start3A_184] : memref<50176xf32, #tpu.memory_space<vmem_shared>> -> memref<50176xf32, #tpu.memory_space<vmem_shared>>
    tpu.enqueue_indirect_dma source(%arg32 : memref<160xf32, #tpu.memory_space<vmem>>) target(%dma_start3A_185 : memref<50176xf32, #tpu.memory_space<vmem_shared>>) offsets(%arg30 : memref<160xi32, #tpu.memory_space<vmem>>) semaphore(%arg40 : memref<!tpu.dma_semaphore, #tpu.memory_space<semaphore_mem>>) {add = true}
    %dma_start3A_186 = arith.constant 0 : i32
    %dma_start3A_187 = tpu.memref_slice %arg27[%dma_start3A_186] : memref<50176xf32, #tpu.memory_space<vmem_shared>> -> memref<50176xf32, #tpu.memory_space<vmem_shared>>
    tpu.enqueue_indirect_dma source(%arg33 : memref<160xf32, #tpu.memory_space<vmem>>) target(%dma_start3A_187 : memref<50176xf32, #tpu.memory_space<vmem_shared>>) offsets(%arg30 : memref<160xi32, #tpu.memory_space<vmem>>) semaphore(%arg40 : memref<!tpu.dma_semaphore, #tpu.memory_space<semaphore_mem>>) {add = true}
    %dma_wait3A_188 = arith.constant 0 : i32
    %dma_wait3A_189 = tpu.memref_slice %arg25[%dma_wait3A_188] : memref<50176xf32, #tpu.memory_space<vmem_shared>> -> memref<50176xf32, #tpu.memory_space<vmem_shared>>
    tpu.wait_indirect_dma semaphore(%arg38 : memref<!tpu.dma_semaphore, #tpu.memory_space<semaphore_mem>>) src(%arg19 : memref<1280xf32, #tpu.memory_space<vmem>>) dst(%dma_wait3A_189 : memref<50176xf32, #tpu.memory_space<vmem_shared>>)
    %dma_wait3A_190 = arith.constant 0 : i32
    %dma_wait3A_191 = tpu.memref_slice %arg26[%dma_wait3A_190] : memref<50176xf32, #tpu.memory_space<vmem_shared>> -> memref<50176xf32, #tpu.memory_space<vmem_shared>>
    tpu.wait_indirect_dma semaphore(%arg38 : memref<!tpu.dma_semaphore, #tpu.memory_space<semaphore_mem>>) src(%arg21 : memref<1280xf32, #tpu.memory_space<vmem>>) dst(%dma_wait3A_191 : memref<50176xf32, #tpu.memory_space<vmem_shared>>)
    %dma_wait3A_192 = arith.constant 0 : i32
    %dma_wait3A_193 = tpu.memref_slice %arg27[%dma_wait3A_192] : memref<50176xf32, #tpu.memory_space<vmem_shared>> -> memref<50176xf32, #tpu.memory_space<vmem_shared>>
    tpu.wait_indirect_dma semaphore(%arg38 : memref<!tpu.dma_semaphore, #tpu.memory_space<semaphore_mem>>) src(%arg28 : memref<1280xf32, #tpu.memory_space<vmem>>) dst(%dma_wait3A_193 : memref<50176xf32, #tpu.memory_space<vmem_shared>>)
    %dma_wait3A_194 = arith.constant 0 : i32
    %dma_wait3A_195 = tpu.memref_slice %arg25[%dma_wait3A_194] : memref<50176xf32, #tpu.memory_space<vmem_shared>> -> memref<50176xf32, #tpu.memory_space<vmem_shared>>
    tpu.wait_indirect_dma semaphore(%arg39 : memref<!tpu.dma_semaphore, #tpu.memory_space<semaphore_mem>>) src(%arg20 : memref<1280xf32, #tpu.memory_space<vmem>>) dst(%dma_wait3A_195 : memref<50176xf32, #tpu.memory_space<vmem_shared>>)
    %dma_wait3A_196 = arith.constant 0 : i32
    %dma_wait3A_197 = tpu.memref_slice %arg26[%dma_wait3A_196] : memref<50176xf32, #tpu.memory_space<vmem_shared>> -> memref<50176xf32, #tpu.memory_space<vmem_shared>>
    tpu.wait_indirect_dma semaphore(%arg39 : memref<!tpu.dma_semaphore, #tpu.memory_space<semaphore_mem>>) src(%arg22 : memref<1280xf32, #tpu.memory_space<vmem>>) dst(%dma_wait3A_197 : memref<50176xf32, #tpu.memory_space<vmem_shared>>)
    %dma_wait3A_198 = arith.constant 0 : i32
    %dma_wait3A_199 = tpu.memref_slice %arg27[%dma_wait3A_198] : memref<50176xf32, #tpu.memory_space<vmem_shared>> -> memref<50176xf32, #tpu.memory_space<vmem_shared>>
    tpu.wait_indirect_dma semaphore(%arg39 : memref<!tpu.dma_semaphore, #tpu.memory_space<semaphore_mem>>) src(%arg28 : memref<1280xf32, #tpu.memory_space<vmem>>) dst(%dma_wait3A_199 : memref<50176xf32, #tpu.memory_space<vmem_shared>>)
    %dma_wait3A_200 = arith.constant 0 : i32
    %dma_wait3A_201 = tpu.memref_slice %arg25[%dma_wait3A_200] : memref<50176xf32, #tpu.memory_space<vmem_shared>> -> memref<50176xf32, #tpu.memory_space<vmem_shared>>
    tpu.wait_indirect_dma semaphore(%arg40 : memref<!tpu.dma_semaphore, #tpu.memory_space<semaphore_mem>>) src(%arg31 : memref<160xf32, #tpu.memory_space<vmem>>) dst(%dma_wait3A_201 : memref<50176xf32, #tpu.memory_space<vmem_shared>>)
    %dma_wait3A_202 = arith.constant 0 : i32
    %dma_wait3A_203 = tpu.memref_slice %arg26[%dma_wait3A_202] : memref<50176xf32, #tpu.memory_space<vmem_shared>> -> memref<50176xf32, #tpu.memory_space<vmem_shared>>
    tpu.wait_indirect_dma semaphore(%arg40 : memref<!tpu.dma_semaphore, #tpu.memory_space<semaphore_mem>>) src(%arg32 : memref<160xf32, #tpu.memory_space<vmem>>) dst(%dma_wait3A_203 : memref<50176xf32, #tpu.memory_space<vmem_shared>>)
    %dma_wait3A_204 = arith.constant 0 : i32
    %dma_wait3A_205 = tpu.memref_slice %arg27[%dma_wait3A_204] : memref<50176xf32, #tpu.memory_space<vmem_shared>> -> memref<50176xf32, #tpu.memory_space<vmem_shared>>
    tpu.wait_indirect_dma semaphore(%arg40 : memref<!tpu.dma_semaphore, #tpu.memory_space<semaphore_mem>>) src(%arg33 : memref<160xf32, #tpu.memory_space<vmem>>) dst(%dma_wait3A_205 : memref<50176xf32, #tpu.memory_space<vmem_shared>>)
    %barrier3A_206 = arith.constant 0 : index
    tpu.barrier barrier_id(%barrier3A_206)
    %mul3A_207 = arith.constant 3136 : i32
    %mul3A_208 = arith.muli %arg1, %mul3A_207 : i32
    %add3A_209 = arith.constant 0 : i32
    %add3A_210 = arith.addi %mul3A_208, %add3A_209 : i32
    %mul3A_211 = arith.constant 50176 : i32
    %mul3A_212 = arith.muli %arg0, %mul3A_211 : i32
    %mul3A_213 = arith.constant 3136 : i32
    %mul3A_214 = arith.muli %arg1, %mul3A_213 : i32
    %add3A_215 = arith.addi %mul3A_212, %mul3A_214 : i32
    %add3A_216 = arith.constant 0 : i32
    %add3A_217 = arith.addi %add3A_215, %add3A_216 : i32
    %mul3A_218 = arith.constant 3136 : i32
    %mul3A_219 = arith.muli %arg1, %mul3A_218 : i32
    %add3A_220 = arith.constant 1568 : i32
    %add3A_221 = arith.addi %mul3A_219, %add3A_220 : i32
    %mul3A_222 = arith.constant 50176 : i32
    %mul3A_223 = arith.muli %arg0, %mul3A_222 : i32
    %mul3A_224 = arith.constant 3136 : i32
    %mul3A_225 = arith.muli %arg1, %mul3A_224 : i32
    %add3A_226 = arith.addi %mul3A_223, %mul3A_225 : i32
    %add3A_227 = arith.constant 1568 : i32
    %add3A_228 = arith.addi %add3A_226, %add3A_227 : i32
    %mul3A_229 = arith.constant 3136 : i32
    %mul3A_230 = arith.muli %arg1, %mul3A_229 : i32
    %add3A_231 = arith.constant 0 : i32
    %add3A_232 = arith.addi %mul3A_230, %add3A_231 : i32
    %mul3A_233 = arith.constant 50176 : i32
    %mul3A_234 = arith.muli %arg0, %mul3A_233 : i32
    %mul3A_235 = arith.constant 3136 : i32
    %mul3A_236 = arith.muli %arg1, %mul3A_235 : i32
    %add3A_237 = arith.addi %mul3A_234, %mul3A_236 : i32
    %add3A_238 = arith.constant 0 : i32
    %add3A_239 = arith.addi %add3A_237, %add3A_238 : i32
    %mul3A_240 = arith.constant 3136 : i32
    %mul3A_241 = arith.muli %arg1, %mul3A_240 : i32
    %add3A_242 = arith.constant 1568 : i32
    %add3A_243 = arith.addi %mul3A_241, %add3A_242 : i32
    %mul3A_244 = arith.constant 50176 : i32
    %mul3A_245 = arith.muli %arg0, %mul3A_244 : i32
    %mul3A_246 = arith.constant 3136 : i32
    %mul3A_247 = arith.muli %arg1, %mul3A_246 : i32
    %add3A_248 = arith.addi %mul3A_245, %mul3A_247 : i32
    %add3A_249 = arith.constant 1568 : i32
    %add3A_250 = arith.addi %add3A_248, %add3A_249 : i32
    %mul3A_251 = arith.constant 3136 : i32
    %mul3A_252 = arith.muli %arg1, %mul3A_251 : i32
    %add3A_253 = arith.constant 0 : i32
    %add3A_254 = arith.addi %mul3A_252, %add3A_253 : i32
    %mul3A_255 = arith.constant 50176 : i32
    %mul3A_256 = arith.muli %arg0, %mul3A_255 : i32
    %mul3A_257 = arith.constant 3136 : i32
    %mul3A_258 = arith.muli %arg1, %mul3A_257 : i32
    %add3A_259 = arith.addi %mul3A_256, %mul3A_258 : i32
    %add3A_260 = arith.constant 0 : i32
    %add3A_261 = arith.addi %add3A_259, %add3A_260 : i32
    %mul3A_262 = arith.constant 3136 : i32
    %mul3A_263 = arith.muli %arg1, %mul3A_262 : i32
    %add3A_264 = arith.constant 1568 : i32
    %add3A_265 = arith.addi %mul3A_263, %add3A_264 : i32
    %mul3A_266 = arith.constant 50176 : i32
    %mul3A_267 = arith.muli %arg0, %mul3A_266 : i32
    %mul3A_268 = arith.constant 3136 : i32
    %mul3A_269 = arith.muli %arg1, %mul3A_268 : i32
    %add3A_270 = arith.addi %mul3A_267, %mul3A_269 : i32
    %add3A_271 = arith.constant 1568 : i32
    %add3A_272 = arith.addi %add3A_270, %add3A_271 : i32
    "tpu.region"() ({
      %run_scoped3A = tpu.sem_alloc : memref<!tpu.dma_semaphore, #tpu.memory_space<semaphore_mem>>
      %dma_start3A_297 = tpu.memref_slice %arg25[%add3A_210] : memref<50176xf32, #tpu.memory_space<vmem_shared>> -> memref<1568xf32, #tpu.memory_space<vmem_shared>>
      %dma_start3A_298 = tpu.memref_slice %arg25[%add3A_210] : memref<50176xf32, #tpu.memory_space<vmem_shared>> -> memref<1568xf32, #tpu.memory_space<vmem_shared>>
      tpu.enqueue_dma source(%dma_start3A_298 : memref<1568xf32, #tpu.memory_space<vmem_shared>>) target(%arg23 : memref<1568xf32, #tpu.memory_space<vmem>>) target_semaphore(%run_scoped3A : memref<!tpu.dma_semaphore, #tpu.memory_space<semaphore_mem>>)
      %dma_wait3A_299 = tpu.memref_slice %arg25[%add3A_210] : memref<50176xf32, #tpu.memory_space<vmem_shared>> -> memref<1568xf32, #tpu.memory_space<vmem_shared>>
      %dma_wait3A_300 = tpu.memref_slice %arg25[%add3A_210] : memref<50176xf32, #tpu.memory_space<vmem_shared>> -> memref<1568xf32, #tpu.memory_space<vmem_shared>>
      tpu.wait_dma2 semaphore(%run_scoped3A : memref<!tpu.dma_semaphore, #tpu.memory_space<semaphore_mem>>) src(%dma_wait3A_300 : memref<1568xf32, #tpu.memory_space<vmem_shared>>) dst(%arg23 : memref<1568xf32, #tpu.memory_space<vmem>>)
      tpu.yield
    }) : () -> ()
    %dma_start3A_273 = tpu.memref_slice %arg6[%add3A_217] : memref<100352xf32, #tpu.memory_space<hbm>> -> memref<1568xf32, #tpu.memory_space<hbm>>
    %dma_start3A_274 = tpu.memref_slice %arg6[%add3A_217] : memref<100352xf32, #tpu.memory_space<hbm>> -> memref<1568xf32, #tpu.memory_space<hbm>>
    tpu.enqueue_dma source(%arg23 : memref<1568xf32, #tpu.memory_space<vmem>>) target(%dma_start3A_274 : memref<1568xf32, #tpu.memory_space<hbm>>) target_semaphore(%arg40 : memref<!tpu.dma_semaphore, #tpu.memory_space<semaphore_mem>>)
    "tpu.region"() ({
      %run_scoped3A = tpu.sem_alloc : memref<!tpu.dma_semaphore, #tpu.memory_space<semaphore_mem>>
      %dma_start3A_297 = tpu.memref_slice %arg25[%add3A_221] : memref<50176xf32, #tpu.memory_space<vmem_shared>> -> memref<1568xf32, #tpu.memory_space<vmem_shared>>
      %dma_start3A_298 = tpu.memref_slice %arg25[%add3A_221] : memref<50176xf32, #tpu.memory_space<vmem_shared>> -> memref<1568xf32, #tpu.memory_space<vmem_shared>>
      tpu.enqueue_dma source(%dma_start3A_298 : memref<1568xf32, #tpu.memory_space<vmem_shared>>) target(%arg24 : memref<1568xf32, #tpu.memory_space<vmem>>) target_semaphore(%run_scoped3A : memref<!tpu.dma_semaphore, #tpu.memory_space<semaphore_mem>>)
      %dma_wait3A_299 = tpu.memref_slice %arg25[%add3A_221] : memref<50176xf32, #tpu.memory_space<vmem_shared>> -> memref<1568xf32, #tpu.memory_space<vmem_shared>>
      %dma_wait3A_300 = tpu.memref_slice %arg25[%add3A_221] : memref<50176xf32, #tpu.memory_space<vmem_shared>> -> memref<1568xf32, #tpu.memory_space<vmem_shared>>
      tpu.wait_dma2 semaphore(%run_scoped3A : memref<!tpu.dma_semaphore, #tpu.memory_space<semaphore_mem>>) src(%dma_wait3A_300 : memref<1568xf32, #tpu.memory_space<vmem_shared>>) dst(%arg24 : memref<1568xf32, #tpu.memory_space<vmem>>)
      tpu.yield
    }) : () -> ()
    %dma_start3A_275 = tpu.memref_slice %arg6[%add3A_228] : memref<100352xf32, #tpu.memory_space<hbm>> -> memref<1568xf32, #tpu.memory_space<hbm>>
    %dma_start3A_276 = tpu.memref_slice %arg6[%add3A_228] : memref<100352xf32, #tpu.memory_space<hbm>> -> memref<1568xf32, #tpu.memory_space<hbm>>
    tpu.enqueue_dma source(%arg24 : memref<1568xf32, #tpu.memory_space<vmem>>) target(%dma_start3A_276 : memref<1568xf32, #tpu.memory_space<hbm>>) target_semaphore(%arg40 : memref<!tpu.dma_semaphore, #tpu.memory_space<semaphore_mem>>)
    %dma_wait3A_277 = tpu.memref_slice %arg6[%add3A_217] : memref<100352xf32, #tpu.memory_space<hbm>> -> memref<1568xf32, #tpu.memory_space<hbm>>
    %dma_wait3A_278 = tpu.memref_slice %arg6[%add3A_217] : memref<100352xf32, #tpu.memory_space<hbm>> -> memref<1568xf32, #tpu.memory_space<hbm>>
    tpu.wait_dma2 semaphore(%arg40 : memref<!tpu.dma_semaphore, #tpu.memory_space<semaphore_mem>>) src(%arg23 : memref<1568xf32, #tpu.memory_space<vmem>>) dst(%dma_wait3A_278 : memref<1568xf32, #tpu.memory_space<hbm>>)
    "tpu.region"() ({
      %run_scoped3A = tpu.sem_alloc : memref<!tpu.dma_semaphore, #tpu.memory_space<semaphore_mem>>
      %dma_start3A_297 = tpu.memref_slice %arg26[%add3A_232] : memref<50176xf32, #tpu.memory_space<vmem_shared>> -> memref<1568xf32, #tpu.memory_space<vmem_shared>>
      %dma_start3A_298 = tpu.memref_slice %arg26[%add3A_232] : memref<50176xf32, #tpu.memory_space<vmem_shared>> -> memref<1568xf32, #tpu.memory_space<vmem_shared>>
      tpu.enqueue_dma source(%dma_start3A_298 : memref<1568xf32, #tpu.memory_space<vmem_shared>>) target(%arg23 : memref<1568xf32, #tpu.memory_space<vmem>>) target_semaphore(%run_scoped3A : memref<!tpu.dma_semaphore, #tpu.memory_space<semaphore_mem>>)
      %dma_wait3A_299 = tpu.memref_slice %arg26[%add3A_232] : memref<50176xf32, #tpu.memory_space<vmem_shared>> -> memref<1568xf32, #tpu.memory_space<vmem_shared>>
      %dma_wait3A_300 = tpu.memref_slice %arg26[%add3A_232] : memref<50176xf32, #tpu.memory_space<vmem_shared>> -> memref<1568xf32, #tpu.memory_space<vmem_shared>>
      tpu.wait_dma2 semaphore(%run_scoped3A : memref<!tpu.dma_semaphore, #tpu.memory_space<semaphore_mem>>) src(%dma_wait3A_300 : memref<1568xf32, #tpu.memory_space<vmem_shared>>) dst(%arg23 : memref<1568xf32, #tpu.memory_space<vmem>>)
      tpu.yield
    }) : () -> ()
    %dma_start3A_279 = tpu.memref_slice %arg7[%add3A_239] : memref<100352xf32, #tpu.memory_space<hbm>> -> memref<1568xf32, #tpu.memory_space<hbm>>
    %dma_start3A_280 = tpu.memref_slice %arg7[%add3A_239] : memref<100352xf32, #tpu.memory_space<hbm>> -> memref<1568xf32, #tpu.memory_space<hbm>>
    tpu.enqueue_dma source(%arg23 : memref<1568xf32, #tpu.memory_space<vmem>>) target(%dma_start3A_280 : memref<1568xf32, #tpu.memory_space<hbm>>) target_semaphore(%arg40 : memref<!tpu.dma_semaphore, #tpu.memory_space<semaphore_mem>>)
    %dma_wait3A_281 = tpu.memref_slice %arg6[%add3A_228] : memref<100352xf32, #tpu.memory_space<hbm>> -> memref<1568xf32, #tpu.memory_space<hbm>>
    %dma_wait3A_282 = tpu.memref_slice %arg6[%add3A_228] : memref<100352xf32, #tpu.memory_space<hbm>> -> memref<1568xf32, #tpu.memory_space<hbm>>
    tpu.wait_dma2 semaphore(%arg40 : memref<!tpu.dma_semaphore, #tpu.memory_space<semaphore_mem>>) src(%arg24 : memref<1568xf32, #tpu.memory_space<vmem>>) dst(%dma_wait3A_282 : memref<1568xf32, #tpu.memory_space<hbm>>)
    "tpu.region"() ({
      %run_scoped3A = tpu.sem_alloc : memref<!tpu.dma_semaphore, #tpu.memory_space<semaphore_mem>>
      %dma_start3A_297 = tpu.memref_slice %arg26[%add3A_243] : memref<50176xf32, #tpu.memory_space<vmem_shared>> -> memref<1568xf32, #tpu.memory_space<vmem_shared>>
      %dma_start3A_298 = tpu.memref_slice %arg26[%add3A_243] : memref<50176xf32, #tpu.memory_space<vmem_shared>> -> memref<1568xf32, #tpu.memory_space<vmem_shared>>
      tpu.enqueue_dma source(%dma_start3A_298 : memref<1568xf32, #tpu.memory_space<vmem_shared>>) target(%arg24 : memref<1568xf32, #tpu.memory_space<vmem>>) target_semaphore(%run_scoped3A : memref<!tpu.dma_semaphore, #tpu.memory_space<semaphore_mem>>)
      %dma_wait3A_299 = tpu.memref_slice %arg26[%add3A_243] : memref<50176xf32, #tpu.memory_space<vmem_shared>> -> memref<1568xf32, #tpu.memory_space<vmem_shared>>
      %dma_wait3A_300 = tpu.memref_slice %arg26[%add3A_243] : memref<50176xf32, #tpu.memory_space<vmem_shared>> -> memref<1568xf32, #tpu.memory_space<vmem_shared>>
      tpu.wait_dma2 semaphore(%run_scoped3A : memref<!tpu.dma_semaphore, #tpu.memory_space<semaphore_mem>>) src(%dma_wait3A_300 : memref<1568xf32, #tpu.memory_space<vmem_shared>>) dst(%arg24 : memref<1568xf32, #tpu.memory_space<vmem>>)
      tpu.yield
    }) : () -> ()
    %dma_start3A_283 = tpu.memref_slice %arg7[%add3A_250] : memref<100352xf32, #tpu.memory_space<hbm>> -> memref<1568xf32, #tpu.memory_space<hbm>>
    %dma_start3A_284 = tpu.memref_slice %arg7[%add3A_250] : memref<100352xf32, #tpu.memory_space<hbm>> -> memref<1568xf32, #tpu.memory_space<hbm>>
    tpu.enqueue_dma source(%arg24 : memref<1568xf32, #tpu.memory_space<vmem>>) target(%dma_start3A_284 : memref<1568xf32, #tpu.memory_space<hbm>>) target_semaphore(%arg40 : memref<!tpu.dma_semaphore, #tpu.memory_space<semaphore_mem>>)
    %dma_wait3A_285 = tpu.memref_slice %arg7[%add3A_239] : memref<100352xf32, #tpu.memory_space<hbm>> -> memref<1568xf32, #tpu.memory_space<hbm>>
    %dma_wait3A_286 = tpu.memref_slice %arg7[%add3A_239] : memref<100352xf32, #tpu.memory_space<hbm>> -> memref<1568xf32, #tpu.memory_space<hbm>>
    tpu.wait_dma2 semaphore(%arg40 : memref<!tpu.dma_semaphore, #tpu.memory_space<semaphore_mem>>) src(%arg23 : memref<1568xf32, #tpu.memory_space<vmem>>) dst(%dma_wait3A_286 : memref<1568xf32, #tpu.memory_space<hbm>>)
    "tpu.region"() ({
      %run_scoped3A = tpu.sem_alloc : memref<!tpu.dma_semaphore, #tpu.memory_space<semaphore_mem>>
      %dma_start3A_297 = tpu.memref_slice %arg27[%add3A_254] : memref<50176xf32, #tpu.memory_space<vmem_shared>> -> memref<1568xf32, #tpu.memory_space<vmem_shared>>
      %dma_start3A_298 = tpu.memref_slice %arg27[%add3A_254] : memref<50176xf32, #tpu.memory_space<vmem_shared>> -> memref<1568xf32, #tpu.memory_space<vmem_shared>>
      tpu.enqueue_dma source(%dma_start3A_298 : memref<1568xf32, #tpu.memory_space<vmem_shared>>) target(%arg23 : memref<1568xf32, #tpu.memory_space<vmem>>) target_semaphore(%run_scoped3A : memref<!tpu.dma_semaphore, #tpu.memory_space<semaphore_mem>>)
      %dma_wait3A_299 = tpu.memref_slice %arg27[%add3A_254] : memref<50176xf32, #tpu.memory_space<vmem_shared>> -> memref<1568xf32, #tpu.memory_space<vmem_shared>>
      %dma_wait3A_300 = tpu.memref_slice %arg27[%add3A_254] : memref<50176xf32, #tpu.memory_space<vmem_shared>> -> memref<1568xf32, #tpu.memory_space<vmem_shared>>
      tpu.wait_dma2 semaphore(%run_scoped3A : memref<!tpu.dma_semaphore, #tpu.memory_space<semaphore_mem>>) src(%dma_wait3A_300 : memref<1568xf32, #tpu.memory_space<vmem_shared>>) dst(%arg23 : memref<1568xf32, #tpu.memory_space<vmem>>)
      tpu.yield
    }) : () -> ()
    %dma_start3A_287 = tpu.memref_slice %arg8[%add3A_261] : memref<100352xf32, #tpu.memory_space<hbm>> -> memref<1568xf32, #tpu.memory_space<hbm>>
    %dma_start3A_288 = tpu.memref_slice %arg8[%add3A_261] : memref<100352xf32, #tpu.memory_space<hbm>> -> memref<1568xf32, #tpu.memory_space<hbm>>
    tpu.enqueue_dma source(%arg23 : memref<1568xf32, #tpu.memory_space<vmem>>) target(%dma_start3A_288 : memref<1568xf32, #tpu.memory_space<hbm>>) target_semaphore(%arg40 : memref<!tpu.dma_semaphore, #tpu.memory_space<semaphore_mem>>)
    %dma_wait3A_289 = tpu.memref_slice %arg7[%add3A_250] : memref<100352xf32, #tpu.memory_space<hbm>> -> memref<1568xf32, #tpu.memory_space<hbm>>
    %dma_wait3A_290 = tpu.memref_slice %arg7[%add3A_250] : memref<100352xf32, #tpu.memory_space<hbm>> -> memref<1568xf32, #tpu.memory_space<hbm>>
    tpu.wait_dma2 semaphore(%arg40 : memref<!tpu.dma_semaphore, #tpu.memory_space<semaphore_mem>>) src(%arg24 : memref<1568xf32, #tpu.memory_space<vmem>>) dst(%dma_wait3A_290 : memref<1568xf32, #tpu.memory_space<hbm>>)
    "tpu.region"() ({
      %run_scoped3A = tpu.sem_alloc : memref<!tpu.dma_semaphore, #tpu.memory_space<semaphore_mem>>
      %dma_start3A_297 = tpu.memref_slice %arg27[%add3A_265] : memref<50176xf32, #tpu.memory_space<vmem_shared>> -> memref<1568xf32, #tpu.memory_space<vmem_shared>>
      %dma_start3A_298 = tpu.memref_slice %arg27[%add3A_265] : memref<50176xf32, #tpu.memory_space<vmem_shared>> -> memref<1568xf32, #tpu.memory_space<vmem_shared>>
      tpu.enqueue_dma source(%dma_start3A_298 : memref<1568xf32, #tpu.memory_space<vmem_shared>>) target(%arg24 : memref<1568xf32, #tpu.memory_space<vmem>>) target_semaphore(%run_scoped3A : memref<!tpu.dma_semaphore, #tpu.memory_space<semaphore_mem>>)
      %dma_wait3A_299 = tpu.memref_slice %arg27[%add3A_265] : memref<50176xf32, #tpu.memory_space<vmem_shared>> -> memref<1568xf32, #tpu.memory_space<vmem_shared>>
      %dma_wait3A_300 = tpu.memref_slice %arg27[%add3A_265] : memref<50176xf32, #tpu.memory_space<vmem_shared>> -> memref<1568xf32, #tpu.memory_space<vmem_shared>>
      tpu.wait_dma2 semaphore(%run_scoped3A : memref<!tpu.dma_semaphore, #tpu.memory_space<semaphore_mem>>) src(%dma_wait3A_300 : memref<1568xf32, #tpu.memory_space<vmem_shared>>) dst(%arg24 : memref<1568xf32, #tpu.memory_space<vmem>>)
      tpu.yield
    }) : () -> ()
    %dma_start3A_291 = tpu.memref_slice %arg8[%add3A_272] : memref<100352xf32, #tpu.memory_space<hbm>> -> memref<1568xf32, #tpu.memory_space<hbm>>
    %dma_start3A_292 = tpu.memref_slice %arg8[%add3A_272] : memref<100352xf32, #tpu.memory_space<hbm>> -> memref<1568xf32, #tpu.memory_space<hbm>>
    tpu.enqueue_dma source(%arg24 : memref<1568xf32, #tpu.memory_space<vmem>>) target(%dma_start3A_292 : memref<1568xf32, #tpu.memory_space<hbm>>) target_semaphore(%arg40 : memref<!tpu.dma_semaphore, #tpu.memory_space<semaphore_mem>>)
    %dma_wait3A_293 = tpu.memref_slice %arg8[%add3A_261] : memref<100352xf32, #tpu.memory_space<hbm>> -> memref<1568xf32, #tpu.memory_space<hbm>>
    %dma_wait3A_294 = tpu.memref_slice %arg8[%add3A_261] : memref<100352xf32, #tpu.memory_space<hbm>> -> memref<1568xf32, #tpu.memory_space<hbm>>
    tpu.wait_dma2 semaphore(%arg40 : memref<!tpu.dma_semaphore, #tpu.memory_space<semaphore_mem>>) src(%arg23 : memref<1568xf32, #tpu.memory_space<vmem>>) dst(%dma_wait3A_294 : memref<1568xf32, #tpu.memory_space<hbm>>)
    %dma_wait3A_295 = tpu.memref_slice %arg8[%add3A_272] : memref<100352xf32, #tpu.memory_space<hbm>> -> memref<1568xf32, #tpu.memory_space<hbm>>
    %dma_wait3A_296 = tpu.memref_slice %arg8[%add3A_272] : memref<100352xf32, #tpu.memory_space<hbm>> -> memref<1568xf32, #tpu.memory_space<hbm>>
    tpu.wait_dma2 semaphore(%arg40 : memref<!tpu.dma_semaphore, #tpu.memory_space<semaphore_mem>>) src(%arg24 : memref<1568xf32, #tpu.memory_space<vmem>>) dst(%dma_wait3A_296 : memref<1568xf32, #tpu.memory_space<hbm>>)
    return
  }
}

#map = affine_map<(d0, d1) -> (0)>
module attributes {stable_mosaic.version = 14 : i64} {
  func.func @body(%arg0: i32, %arg1: i32, %arg2: memref<50176xf32, #tpu.memory_space<hbm>>, %arg3: memref<50176xf32, #tpu.memory_space<hbm>>, %arg4: memref<100352xf32, #tpu.memory_space<hbm>>, %arg5: memref<100352xf32, #tpu.memory_space<hbm>>, %arg6: memref<50176xf32, #tpu.memory_space<hbm>>, %arg7: memref<16xf32, #tpu.memory_space<hbm>>, %arg8: memref<16xf32, #tpu.memory_space<hbm>>, %arg9: memref<50176xf32, #tpu.memory_space<hbm>>, %arg10: memref<50176xf32, #tpu.memory_space<hbm>>, %arg11: memref<50176xf32, #tpu.memory_space<hbm>>, %arg12: memref<50176xf32, #tpu.memory_space<hbm>>, %arg13: memref<1568xf32, #tpu.memory_space<vmem>>, %arg14: memref<1568xf32, #tpu.memory_space<vmem>>, %arg15: memref<1568xf32, #tpu.memory_space<vmem>>, %arg16: memref<1568xf32, #tpu.memory_space<vmem>>, %arg17: memref<1568xf32, #tpu.memory_space<vmem>>, %arg18: memref<1568xf32, #tpu.memory_space<vmem>>, %arg19: memref<1568xf32, #tpu.memory_space<vmem>>, %arg20: memref<1568xf32, #tpu.memory_space<vmem>>, %arg21: memref<1568xf32, #tpu.memory_space<vmem>>, %arg22: memref<1568xf32, #tpu.memory_space<vmem>>, %arg23: memref<1568xf32, #tpu.memory_space<vmem>>, %arg24: memref<1568xf32, #tpu.memory_space<vmem>>, %arg25: memref<1568xf32, #tpu.memory_space<vmem>>, %arg26: memref<16xf32, #tpu.memory_space<vmem>>, %arg27: memref<16xf32, #tpu.memory_space<vmem>>, %arg28: memref<!tpu.dma_semaphore, #tpu.memory_space<semaphore_mem>>) attributes {dimension_semantics = [#tpu.dimension_semantics<core_parallel>, #tpu.dimension_semantics<subcore_parallel>], iteration_bounds = array<i64: 2, 16>, scalar_prefetch = 0 : i64, scratch_operands = 16 : i64, tpu.core_type = #tpu.core_type<sc_vector_subcore>, window_params = [{transform_indices = #map}, {transform_indices = #map}, {transform_indices = #map}, {transform_indices = #map}, {transform_indices = #map}, {transform_indices = #map}, {transform_indices = #map}, {transform_indices = #map}, {transform_indices = #map}, {transform_indices = #map}, {transform_indices = #map}]} {
    %mul3A = arith.constant 2 : i32
    %mul3A_0 = arith.muli %arg1, %mul3A : i32
    %add3A = arith.addi %mul3A_0, %arg0 : i32
    %mul3A_1 = arith.constant 1568 : i32
    %mul3A_2 = arith.muli %add3A, %mul3A_1 : i32
    %add3A_3 = arith.constant 50176 : i32
    %add3A_4 = arith.addi %add3A_3, %mul3A_2 : i32
    %add3A_5 = arith.constant 50176 : i32
    %add3A_6 = arith.addi %add3A_5, %mul3A_2 : i32
    tpu.enqueue_dma source(%arg7 : memref<16xf32, #tpu.memory_space<hbm>>) target(%arg26 : memref<16xf32, #tpu.memory_space<vmem>>) target_semaphore(%arg28 : memref<!tpu.dma_semaphore, #tpu.memory_space<semaphore_mem>>)
    tpu.enqueue_dma source(%arg8 : memref<16xf32, #tpu.memory_space<hbm>>) target(%arg27 : memref<16xf32, #tpu.memory_space<vmem>>) target_semaphore(%arg28 : memref<!tpu.dma_semaphore, #tpu.memory_space<semaphore_mem>>)
    %dma_start3A = tpu.memref_slice %arg2[%mul3A_2] : memref<50176xf32, #tpu.memory_space<hbm>> -> memref<1568xf32, #tpu.memory_space<hbm>>
    %dma_start3A_7 = tpu.memref_slice %arg2[%mul3A_2] : memref<50176xf32, #tpu.memory_space<hbm>> -> memref<1568xf32, #tpu.memory_space<hbm>>
    tpu.enqueue_dma source(%dma_start3A_7 : memref<1568xf32, #tpu.memory_space<hbm>>) target(%arg13 : memref<1568xf32, #tpu.memory_space<vmem>>) target_semaphore(%arg28 : memref<!tpu.dma_semaphore, #tpu.memory_space<semaphore_mem>>)
    %dma_start3A_8 = tpu.memref_slice %arg3[%mul3A_2] : memref<50176xf32, #tpu.memory_space<hbm>> -> memref<1568xf32, #tpu.memory_space<hbm>>
    %dma_start3A_9 = tpu.memref_slice %arg3[%mul3A_2] : memref<50176xf32, #tpu.memory_space<hbm>> -> memref<1568xf32, #tpu.memory_space<hbm>>
    tpu.enqueue_dma source(%dma_start3A_9 : memref<1568xf32, #tpu.memory_space<hbm>>) target(%arg14 : memref<1568xf32, #tpu.memory_space<vmem>>) target_semaphore(%arg28 : memref<!tpu.dma_semaphore, #tpu.memory_space<semaphore_mem>>)
    %dma_start3A_10 = tpu.memref_slice %arg4[%mul3A_2] : memref<100352xf32, #tpu.memory_space<hbm>> -> memref<1568xf32, #tpu.memory_space<hbm>>
    %dma_start3A_11 = tpu.memref_slice %arg4[%mul3A_2] : memref<100352xf32, #tpu.memory_space<hbm>> -> memref<1568xf32, #tpu.memory_space<hbm>>
    tpu.enqueue_dma source(%dma_start3A_11 : memref<1568xf32, #tpu.memory_space<hbm>>) target(%arg15 : memref<1568xf32, #tpu.memory_space<vmem>>) target_semaphore(%arg28 : memref<!tpu.dma_semaphore, #tpu.memory_space<semaphore_mem>>)
    tpu.wait_dma2 semaphore(%arg28 : memref<!tpu.dma_semaphore, #tpu.memory_space<semaphore_mem>>) src(%arg7 : memref<16xf32, #tpu.memory_space<hbm>>) dst(%arg26 : memref<16xf32, #tpu.memory_space<vmem>>)
    tpu.wait_dma2 semaphore(%arg28 : memref<!tpu.dma_semaphore, #tpu.memory_space<semaphore_mem>>) src(%arg8 : memref<16xf32, #tpu.memory_space<hbm>>) dst(%arg27 : memref<16xf32, #tpu.memory_space<vmem>>)
    %dma_wait3A = tpu.memref_slice %arg2[%mul3A_2] : memref<50176xf32, #tpu.memory_space<hbm>> -> memref<1568xf32, #tpu.memory_space<hbm>>
    %dma_wait3A_12 = tpu.memref_slice %arg2[%mul3A_2] : memref<50176xf32, #tpu.memory_space<hbm>> -> memref<1568xf32, #tpu.memory_space<hbm>>
    tpu.wait_dma2 semaphore(%arg28 : memref<!tpu.dma_semaphore, #tpu.memory_space<semaphore_mem>>) src(%dma_wait3A_12 : memref<1568xf32, #tpu.memory_space<hbm>>) dst(%arg13 : memref<1568xf32, #tpu.memory_space<vmem>>)
    %dma_wait3A_13 = tpu.memref_slice %arg3[%mul3A_2] : memref<50176xf32, #tpu.memory_space<hbm>> -> memref<1568xf32, #tpu.memory_space<hbm>>
    %dma_wait3A_14 = tpu.memref_slice %arg3[%mul3A_2] : memref<50176xf32, #tpu.memory_space<hbm>> -> memref<1568xf32, #tpu.memory_space<hbm>>
    tpu.wait_dma2 semaphore(%arg28 : memref<!tpu.dma_semaphore, #tpu.memory_space<semaphore_mem>>) src(%dma_wait3A_14 : memref<1568xf32, #tpu.memory_space<hbm>>) dst(%arg14 : memref<1568xf32, #tpu.memory_space<vmem>>)
    %dma_wait3A_15 = tpu.memref_slice %arg4[%mul3A_2] : memref<100352xf32, #tpu.memory_space<hbm>> -> memref<1568xf32, #tpu.memory_space<hbm>>
    %dma_wait3A_16 = tpu.memref_slice %arg4[%mul3A_2] : memref<100352xf32, #tpu.memory_space<hbm>> -> memref<1568xf32, #tpu.memory_space<hbm>>
    tpu.wait_dma2 semaphore(%arg28 : memref<!tpu.dma_semaphore, #tpu.memory_space<semaphore_mem>>) src(%dma_wait3A_16 : memref<1568xf32, #tpu.memory_space<hbm>>) dst(%arg15 : memref<1568xf32, #tpu.memory_space<vmem>>)
    %dma_start3A_17 = tpu.memref_slice %arg4[%add3A_4] : memref<100352xf32, #tpu.memory_space<hbm>> -> memref<1568xf32, #tpu.memory_space<hbm>>
    %dma_start3A_18 = tpu.memref_slice %arg4[%add3A_4] : memref<100352xf32, #tpu.memory_space<hbm>> -> memref<1568xf32, #tpu.memory_space<hbm>>
    tpu.enqueue_dma source(%dma_start3A_18 : memref<1568xf32, #tpu.memory_space<hbm>>) target(%arg16 : memref<1568xf32, #tpu.memory_space<vmem>>) target_semaphore(%arg28 : memref<!tpu.dma_semaphore, #tpu.memory_space<semaphore_mem>>)
    %dma_start3A_19 = tpu.memref_slice %arg5[%mul3A_2] : memref<100352xf32, #tpu.memory_space<hbm>> -> memref<1568xf32, #tpu.memory_space<hbm>>
    %dma_start3A_20 = tpu.memref_slice %arg5[%mul3A_2] : memref<100352xf32, #tpu.memory_space<hbm>> -> memref<1568xf32, #tpu.memory_space<hbm>>
    tpu.enqueue_dma source(%dma_start3A_20 : memref<1568xf32, #tpu.memory_space<hbm>>) target(%arg17 : memref<1568xf32, #tpu.memory_space<vmem>>) target_semaphore(%arg28 : memref<!tpu.dma_semaphore, #tpu.memory_space<semaphore_mem>>)
    %dma_start3A_21 = tpu.memref_slice %arg5[%add3A_6] : memref<100352xf32, #tpu.memory_space<hbm>> -> memref<1568xf32, #tpu.memory_space<hbm>>
    %dma_start3A_22 = tpu.memref_slice %arg5[%add3A_6] : memref<100352xf32, #tpu.memory_space<hbm>> -> memref<1568xf32, #tpu.memory_space<hbm>>
    tpu.enqueue_dma source(%dma_start3A_22 : memref<1568xf32, #tpu.memory_space<hbm>>) target(%arg18 : memref<1568xf32, #tpu.memory_space<vmem>>) target_semaphore(%arg28 : memref<!tpu.dma_semaphore, #tpu.memory_space<semaphore_mem>>)
    %dma_start3A_23 = tpu.memref_slice %arg6[%mul3A_2] : memref<50176xf32, #tpu.memory_space<hbm>> -> memref<1568xf32, #tpu.memory_space<hbm>>
    %dma_start3A_24 = tpu.memref_slice %arg6[%mul3A_2] : memref<50176xf32, #tpu.memory_space<hbm>> -> memref<1568xf32, #tpu.memory_space<hbm>>
    tpu.enqueue_dma source(%dma_start3A_24 : memref<1568xf32, #tpu.memory_space<hbm>>) target(%arg21 : memref<1568xf32, #tpu.memory_space<vmem>>) target_semaphore(%arg28 : memref<!tpu.dma_semaphore, #tpu.memory_space<semaphore_mem>>)
    %dma_wait3A_25 = tpu.memref_slice %arg4[%add3A_4] : memref<100352xf32, #tpu.memory_space<hbm>> -> memref<1568xf32, #tpu.memory_space<hbm>>
    %dma_wait3A_26 = tpu.memref_slice %arg4[%add3A_4] : memref<100352xf32, #tpu.memory_space<hbm>> -> memref<1568xf32, #tpu.memory_space<hbm>>
    tpu.wait_dma2 semaphore(%arg28 : memref<!tpu.dma_semaphore, #tpu.memory_space<semaphore_mem>>) src(%dma_wait3A_26 : memref<1568xf32, #tpu.memory_space<hbm>>) dst(%arg16 : memref<1568xf32, #tpu.memory_space<vmem>>)
    %dma_wait3A_27 = tpu.memref_slice %arg5[%mul3A_2] : memref<100352xf32, #tpu.memory_space<hbm>> -> memref<1568xf32, #tpu.memory_space<hbm>>
    %dma_wait3A_28 = tpu.memref_slice %arg5[%mul3A_2] : memref<100352xf32, #tpu.memory_space<hbm>> -> memref<1568xf32, #tpu.memory_space<hbm>>
    tpu.wait_dma2 semaphore(%arg28 : memref<!tpu.dma_semaphore, #tpu.memory_space<semaphore_mem>>) src(%dma_wait3A_28 : memref<1568xf32, #tpu.memory_space<hbm>>) dst(%arg17 : memref<1568xf32, #tpu.memory_space<vmem>>)
    %dma_wait3A_29 = tpu.memref_slice %arg5[%add3A_6] : memref<100352xf32, #tpu.memory_space<hbm>> -> memref<1568xf32, #tpu.memory_space<hbm>>
    %dma_wait3A_30 = tpu.memref_slice %arg5[%add3A_6] : memref<100352xf32, #tpu.memory_space<hbm>> -> memref<1568xf32, #tpu.memory_space<hbm>>
    tpu.wait_dma2 semaphore(%arg28 : memref<!tpu.dma_semaphore, #tpu.memory_space<semaphore_mem>>) src(%dma_wait3A_30 : memref<1568xf32, #tpu.memory_space<hbm>>) dst(%arg18 : memref<1568xf32, #tpu.memory_space<vmem>>)
    %dma_wait3A_31 = tpu.memref_slice %arg6[%mul3A_2] : memref<50176xf32, #tpu.memory_space<hbm>> -> memref<1568xf32, #tpu.memory_space<hbm>>
    %dma_wait3A_32 = tpu.memref_slice %arg6[%mul3A_2] : memref<50176xf32, #tpu.memory_space<hbm>> -> memref<1568xf32, #tpu.memory_space<hbm>>
    tpu.wait_dma2 semaphore(%arg28 : memref<!tpu.dma_semaphore, #tpu.memory_space<semaphore_mem>>) src(%dma_wait3A_32 : memref<1568xf32, #tpu.memory_space<hbm>>) dst(%arg21 : memref<1568xf32, #tpu.memory_space<vmem>>)
    %get3A = arith.constant 0 : index
    %get3A_33 = tpu.vector_load %arg26[%get3A] {strides = array<i32>} : memref<16xf32, #tpu.memory_space<vmem>>, vector<16xf32>,
    %get3A_34 = arith.constant 0 : index
    %get3A_35 = tpu.vector_load %arg27[%get3A_34] {strides = array<i32>} : memref<16xf32, #tpu.memory_space<vmem>>, vector<16xf32>,
    %scan3A = arith.constant 0 : i32
    %scan3A_36 = arith.constant 0 : i32
    %scan3A_37 = arith.constant 98 : i32
    %scan3A_38 = arith.addi %scan3A_36, %scan3A_37 : i32
    %scan3A_39 = arith.constant 1 : i32
    scf.for %scan3A_57 = %scan3A_36 to %scan3A_38 step %scan3A_39  : i32 {
      %mul3A_58 = arith.constant 16 : i32
      %mul3A_59 = arith.muli %scan3A_57, %mul3A_58 : i32
      %get3A_60 = arith.index_cast %mul3A_59 : i32 to index
      %get3A_61 = tpu.vector_load %arg21[%get3A_60] {strides = array<i32>} : memref<1568xf32, #tpu.memory_space<vmem>>, vector<16xf32>,
      %get3A_62 = arith.index_cast %mul3A_59 : i32 to index
      %get3A_63 = tpu.vector_load %arg13[%get3A_62] {strides = array<i32>} : memref<1568xf32, #tpu.memory_space<vmem>>, vector<16xf32>,
      %get3A_64 = arith.index_cast %mul3A_59 : i32 to index
      %get3A_65 = tpu.vector_load %arg15[%get3A_64] {strides = array<i32>} : memref<1568xf32, #tpu.memory_space<vmem>>, vector<16xf32>,
      %get3A_66 = arith.index_cast %mul3A_59 : i32 to index
      %get3A_67 = tpu.vector_load %arg16[%get3A_66] {strides = array<i32>} : memref<1568xf32, #tpu.memory_space<vmem>>, vector<16xf32>,
      %add3A_68 = arith.addf %get3A_65, %get3A_67 : vector<16xf32>
      %mul3A_69 = arith.mulf %add3A_68, %get3A_61 : vector<16xf32>
      %add3A_70 = arith.addf %get3A_63, %mul3A_69 : vector<16xf32>
      %mul3A_71 = arith.mulf %add3A_70, %get3A_33 : vector<16xf32>
      %add3A_72 = arith.addf %mul3A_71, %get3A_35 : vector<16xf32>
      %get3A_73 = arith.index_cast %mul3A_59 : i32 to index
      %get3A_74 = tpu.vector_load %arg14[%get3A_73] {strides = array<i32>} : memref<1568xf32, #tpu.memory_space<vmem>>, vector<16xf32>,
      %get3A_75 = arith.index_cast %mul3A_59 : i32 to index
      %get3A_76 = tpu.vector_load %arg17[%get3A_75] {strides = array<i32>} : memref<1568xf32, #tpu.memory_space<vmem>>, vector<16xf32>,
      %get3A_77 = arith.index_cast %mul3A_59 : i32 to index
      %get3A_78 = tpu.vector_load %arg18[%get3A_77] {strides = array<i32>} : memref<1568xf32, #tpu.memory_space<vmem>>, vector<16xf32>,
      %add3A_79 = arith.addf %get3A_76, %get3A_78 : vector<16xf32>
      %mul3A_80 = arith.mulf %add3A_79, %get3A_61 : vector<16xf32>
      %add3A_81 = arith.addf %get3A_74, %mul3A_80 : vector<16xf32>
      %mul3A_82 = arith.mulf %add3A_81, %get3A_33 : vector<16xf32>
      %add3A_83 = arith.addf %mul3A_82, %get3A_35 : vector<16xf32>
      %swap3A = arith.index_cast %mul3A_59 : i32 to index
      %swap3A_84 = tpu.vector_load %arg22[%swap3A] {strides = array<i32>} : memref<1568xf32, #tpu.memory_space<vmem>>, vector<16xf32>,
      tpu.vector_store %arg22[%swap3A], %add3A_72 {strides = array<i32>} : memref<1568xf32, #tpu.memory_space<vmem>>, vector<16xf32>,
      %swap3A_85 = arith.index_cast %mul3A_59 : i32 to index
      %swap3A_86 = tpu.vector_load %arg23[%swap3A_85] {strides = array<i32>} : memref<1568xf32, #tpu.memory_space<vmem>>, vector<16xf32>,
      tpu.vector_store %arg23[%swap3A_85], %add3A_83 {strides = array<i32>} : memref<1568xf32, #tpu.memory_space<vmem>>, vector<16xf32>,
      %max3A = arith.constant 0.000000e+00 : f32
      %max3A_87 = vector.broadcast %max3A : f32 to vector<16xf32>
      %max3A_88 = arith.maximumf %add3A_72, %max3A_87 : vector<16xf32>
      %swap3A_89 = arith.index_cast %mul3A_59 : i32 to index
      %swap3A_90 = tpu.vector_load %arg24[%swap3A_89] {strides = array<i32>} : memref<1568xf32, #tpu.memory_space<vmem>>, vector<16xf32>,
      tpu.vector_store %arg24[%swap3A_89], %max3A_88 {strides = array<i32>} : memref<1568xf32, #tpu.memory_space<vmem>>, vector<16xf32>,
      %max3A_91 = arith.constant 0.000000e+00 : f32
      %max3A_92 = vector.broadcast %max3A_91 : f32 to vector<16xf32>
      %max3A_93 = arith.maximumf %add3A_83, %max3A_92 : vector<16xf32>
      %swap3A_94 = arith.index_cast %mul3A_59 : i32 to index
      %swap3A_95 = tpu.vector_load %arg25[%swap3A_94] {strides = array<i32>} : memref<1568xf32, #tpu.memory_space<vmem>>, vector<16xf32>,
      tpu.vector_store %arg25[%swap3A_94], %max3A_93 {strides = array<i32>} : memref<1568xf32, #tpu.memory_space<vmem>>, vector<16xf32>,
    }
    %scan3A_40 = arith.constant 98 : i32
    %dma_start3A_41 = tpu.memref_slice %arg9[%mul3A_2] : memref<50176xf32, #tpu.memory_space<hbm>> -> memref<1568xf32, #tpu.memory_space<hbm>>
    %dma_start3A_42 = tpu.memref_slice %arg9[%mul3A_2] : memref<50176xf32, #tpu.memory_space<hbm>> -> memref<1568xf32, #tpu.memory_space<hbm>>
    tpu.enqueue_dma source(%arg22 : memref<1568xf32, #tpu.memory_space<vmem>>) target(%dma_start3A_42 : memref<1568xf32, #tpu.memory_space<hbm>>) target_semaphore(%arg28 : memref<!tpu.dma_semaphore, #tpu.memory_space<semaphore_mem>>)
    %dma_start3A_43 = tpu.memref_slice %arg10[%mul3A_2] : memref<50176xf32, #tpu.memory_space<hbm>> -> memref<1568xf32, #tpu.memory_space<hbm>>
    %dma_start3A_44 = tpu.memref_slice %arg10[%mul3A_2] : memref<50176xf32, #tpu.memory_space<hbm>> -> memref<1568xf32, #tpu.memory_space<hbm>>
    tpu.enqueue_dma source(%arg23 : memref<1568xf32, #tpu.memory_space<vmem>>) target(%dma_start3A_44 : memref<1568xf32, #tpu.memory_space<hbm>>) target_semaphore(%arg28 : memref<!tpu.dma_semaphore, #tpu.memory_space<semaphore_mem>>)
    %dma_start3A_45 = tpu.memref_slice %arg11[%mul3A_2] : memref<50176xf32, #tpu.memory_space<hbm>> -> memref<1568xf32, #tpu.memory_space<hbm>>
    %dma_start3A_46 = tpu.memref_slice %arg11[%mul3A_2] : memref<50176xf32, #tpu.memory_space<hbm>> -> memref<1568xf32, #tpu.memory_space<hbm>>
    tpu.enqueue_dma source(%arg24 : memref<1568xf32, #tpu.memory_space<vmem>>) target(%dma_start3A_46 : memref<1568xf32, #tpu.memory_space<hbm>>) target_semaphore(%arg28 : memref<!tpu.dma_semaphore, #tpu.memory_space<semaphore_mem>>)
    %dma_start3A_47 = tpu.memref_slice %arg12[%mul3A_2] : memref<50176xf32, #tpu.memory_space<hbm>> -> memref<1568xf32, #tpu.memory_space<hbm>>
    %dma_start3A_48 = tpu.memref_slice %arg12[%mul3A_2] : memref<50176xf32, #tpu.memory_space<hbm>> -> memref<1568xf32, #tpu.memory_space<hbm>>
    tpu.enqueue_dma source(%arg25 : memref<1568xf32, #tpu.memory_space<vmem>>) target(%dma_start3A_48 : memref<1568xf32, #tpu.memory_space<hbm>>) target_semaphore(%arg28 : memref<!tpu.dma_semaphore, #tpu.memory_space<semaphore_mem>>)
    %dma_wait3A_49 = tpu.memref_slice %arg9[%mul3A_2] : memref<50176xf32, #tpu.memory_space<hbm>> -> memref<1568xf32, #tpu.memory_space<hbm>>
    %dma_wait3A_50 = tpu.memref_slice %arg9[%mul3A_2] : memref<50176xf32, #tpu.memory_space<hbm>> -> memref<1568xf32, #tpu.memory_space<hbm>>
    tpu.wait_dma2 semaphore(%arg28 : memref<!tpu.dma_semaphore, #tpu.memory_space<semaphore_mem>>) src(%arg22 : memref<1568xf32, #tpu.memory_space<vmem>>) dst(%dma_wait3A_50 : memref<1568xf32, #tpu.memory_space<hbm>>)
    %dma_wait3A_51 = tpu.memref_slice %arg10[%mul3A_2] : memref<50176xf32, #tpu.memory_space<hbm>> -> memref<1568xf32, #tpu.memory_space<hbm>>
    %dma_wait3A_52 = tpu.memref_slice %arg10[%mul3A_2] : memref<50176xf32, #tpu.memory_space<hbm>> -> memref<1568xf32, #tpu.memory_space<hbm>>
    tpu.wait_dma2 semaphore(%arg28 : memref<!tpu.dma_semaphore, #tpu.memory_space<semaphore_mem>>) src(%arg23 : memref<1568xf32, #tpu.memory_space<vmem>>) dst(%dma_wait3A_52 : memref<1568xf32, #tpu.memory_space<hbm>>)
    %dma_wait3A_53 = tpu.memref_slice %arg11[%mul3A_2] : memref<50176xf32, #tpu.memory_space<hbm>> -> memref<1568xf32, #tpu.memory_space<hbm>>
    %dma_wait3A_54 = tpu.memref_slice %arg11[%mul3A_2] : memref<50176xf32, #tpu.memory_space<hbm>> -> memref<1568xf32, #tpu.memory_space<hbm>>
    tpu.wait_dma2 semaphore(%arg28 : memref<!tpu.dma_semaphore, #tpu.memory_space<semaphore_mem>>) src(%arg24 : memref<1568xf32, #tpu.memory_space<vmem>>) dst(%dma_wait3A_54 : memref<1568xf32, #tpu.memory_space<hbm>>)
    %dma_wait3A_55 = tpu.memref_slice %arg12[%mul3A_2] : memref<50176xf32, #tpu.memory_space<hbm>> -> memref<1568xf32, #tpu.memory_space<hbm>>
    %dma_wait3A_56 = tpu.memref_slice %arg12[%mul3A_2] : memref<50176xf32, #tpu.memory_space<hbm>> -> memref<1568xf32, #tpu.memory_space<hbm>>
    tpu.wait_dma2 semaphore(%arg28 : memref<!tpu.dma_semaphore, #tpu.memory_space<semaphore_mem>>) src(%arg25 : memref<1568xf32, #tpu.memory_space<vmem>>) dst(%dma_wait3A_56 : memref<1568xf32, #tpu.memory_space<hbm>>)
    return
  }
}

#map = affine_map<(d0, d1) -> (0)>
module attributes {stable_mosaic.version = 14 : i64} {
  func.func @body(%arg0: i32, %arg1: i32, %arg2: memref<50176xf32, #tpu.memory_space<hbm>>, %arg3: memref<50176xf32, #tpu.memory_space<hbm>>, %arg4: memref<3200000xi32, #tpu.memory_space<hbm>>, %arg5: memref<3200000xi32, #tpu.memory_space<hbm>>, %arg6: memref<100352xf32, #tpu.memory_space<hbm>>, %arg7: memref<100352xf32, #tpu.memory_space<hbm>>, %arg8: memref<50000xf32, #tpu.memory_space<vmem>>, %arg9: memref<50000xf32, #tpu.memory_space<vmem>>, %arg10: memref<1280xi32, #tpu.memory_space<vmem>>, %arg11: memref<1280xi32, #tpu.memory_space<vmem>>, %arg12: memref<1280xi32, #tpu.memory_space<vmem>>, %arg13: memref<1280xi32, #tpu.memory_space<vmem>>, %arg14: memref<1280xi32, #tpu.memory_space<vmem>>, %arg15: memref<1280xi32, #tpu.memory_space<vmem>>, %arg16: memref<1280xi32, #tpu.memory_space<vmem>>, %arg17: memref<1280xi32, #tpu.memory_space<vmem>>, %arg18: memref<1280xf32, #tpu.memory_space<vmem>>, %arg19: memref<1280xf32, #tpu.memory_space<vmem>>, %arg20: memref<1280xf32, #tpu.memory_space<vmem>>, %arg21: memref<1280xf32, #tpu.memory_space<vmem>>, %arg22: memref<1568xf32, #tpu.memory_space<vmem>>, %arg23: memref<1568xf32, #tpu.memory_space<vmem>>, %arg24: memref<50176xf32, #tpu.memory_space<vmem_shared>>, %arg25: memref<50176xf32, #tpu.memory_space<vmem_shared>>, %arg26: memref<160xi32, #tpu.memory_space<vmem>>, %arg27: memref<160xi32, #tpu.memory_space<vmem>>, %arg28: memref<160xf32, #tpu.memory_space<vmem>>, %arg29: memref<160xf32, #tpu.memory_space<vmem>>, %arg30: memref<!tpu.dma_semaphore, #tpu.memory_space<semaphore_mem>>, %arg31: memref<!tpu.dma_semaphore, #tpu.memory_space<semaphore_mem>>, %arg32: memref<!tpu.dma_semaphore, #tpu.memory_space<semaphore_mem>>, %arg33: memref<!tpu.dma_semaphore, #tpu.memory_space<semaphore_mem>>, %arg34: memref<!tpu.dma_semaphore, #tpu.memory_space<semaphore_mem>>, %arg35: memref<!tpu.dma_semaphore, #tpu.memory_space<semaphore_mem>>, %arg36: memref<!tpu.dma_semaphore, #tpu.memory_space<semaphore_mem>>) attributes {dimension_semantics = [#tpu.dimension_semantics<core_parallel>, #tpu.dimension_semantics<subcore_parallel>], iteration_bounds = array<i64: 2, 16>, scalar_prefetch = 0 : i64, scratch_operands = 29 : i64, tpu.core_type = #tpu.core_type<sc_vector_subcore>, window_params = [{transform_indices = #map}, {transform_indices = #map}, {transform_indices = #map}, {transform_indices = #map}, {transform_indices = #map}, {transform_indices = #map}]} {
    %mul3A = arith.constant 2 : i32
    %mul3A_0 = arith.muli %arg1, %mul3A : i32
    %add3A = arith.addi %mul3A_0, %arg0 : i32
    %mul3A_1 = arith.constant 3136 : i32
    %mul3A_2 = arith.muli %arg1, %mul3A_1 : i32
    "tpu.region"() ({
      %run_scoped3A = tpu.sem_alloc : memref<!tpu.dma_semaphore, #tpu.memory_space<semaphore_mem>>
      %dma_start3A_215 = arith.constant 0 : i32
      %dma_start3A_216 = tpu.memref_slice %arg2[%dma_start3A_215] : memref<50176xf32, #tpu.memory_space<hbm>> -> memref<50000xf32, #tpu.memory_space<hbm>>
      %dma_start3A_217 = arith.constant 0 : i32
      %dma_start3A_218 = tpu.memref_slice %arg2[%dma_start3A_217] : memref<50176xf32, #tpu.memory_space<hbm>> -> memref<50000xf32, #tpu.memory_space<hbm>>
      tpu.enqueue_dma source(%dma_start3A_218 : memref<50000xf32, #tpu.memory_space<hbm>>) target(%arg8 : memref<50000xf32, #tpu.memory_space<vmem>>) target_semaphore(%run_scoped3A : memref<!tpu.dma_semaphore, #tpu.memory_space<semaphore_mem>>)
      %dma_wait3A_219 = arith.constant 0 : i32
      %dma_wait3A_220 = tpu.memref_slice %arg2[%dma_wait3A_219] : memref<50176xf32, #tpu.memory_space<hbm>> -> memref<50000xf32, #tpu.memory_space<hbm>>
      %dma_wait3A_221 = arith.constant 0 : i32
      %dma_wait3A_222 = tpu.memref_slice %arg2[%dma_wait3A_221] : memref<50176xf32, #tpu.memory_space<hbm>> -> memref<50000xf32, #tpu.memory_space<hbm>>
      tpu.wait_dma2 semaphore(%run_scoped3A : memref<!tpu.dma_semaphore, #tpu.memory_space<semaphore_mem>>) src(%dma_wait3A_222 : memref<50000xf32, #tpu.memory_space<hbm>>) dst(%arg8 : memref<50000xf32, #tpu.memory_space<vmem>>)
      tpu.yield
    }) : () -> ()
    "tpu.region"() ({
      %run_scoped3A = tpu.sem_alloc : memref<!tpu.dma_semaphore, #tpu.memory_space<semaphore_mem>>
      %dma_start3A_215 = arith.constant 0 : i32
      %dma_start3A_216 = tpu.memref_slice %arg3[%dma_start3A_215] : memref<50176xf32, #tpu.memory_space<hbm>> -> memref<50000xf32, #tpu.memory_space<hbm>>
      %dma_start3A_217 = arith.constant 0 : i32
      %dma_start3A_218 = tpu.memref_slice %arg3[%dma_start3A_217] : memref<50176xf32, #tpu.memory_space<hbm>> -> memref<50000xf32, #tpu.memory_space<hbm>>
      tpu.enqueue_dma source(%dma_start3A_218 : memref<50000xf32, #tpu.memory_space<hbm>>) target(%arg9 : memref<50000xf32, #tpu.memory_space<vmem>>) target_semaphore(%run_scoped3A : memref<!tpu.dma_semaphore, #tpu.memory_space<semaphore_mem>>)
      %dma_wait3A_219 = arith.constant 0 : i32
      %dma_wait3A_220 = tpu.memref_slice %arg3[%dma_wait3A_219] : memref<50176xf32, #tpu.memory_space<hbm>> -> memref<50000xf32, #tpu.memory_space<hbm>>
      %dma_wait3A_221 = arith.constant 0 : i32
      %dma_wait3A_222 = tpu.memref_slice %arg3[%dma_wait3A_221] : memref<50176xf32, #tpu.memory_space<hbm>> -> memref<50000xf32, #tpu.memory_space<hbm>>
      tpu.wait_dma2 semaphore(%run_scoped3A : memref<!tpu.dma_semaphore, #tpu.memory_space<semaphore_mem>>) src(%dma_wait3A_222 : memref<50000xf32, #tpu.memory_space<hbm>>) dst(%arg9 : memref<50000xf32, #tpu.memory_space<vmem>>)
      tpu.yield
    }) : () -> ()
    %scan3A = arith.constant 0 : i32
    %scan3A_3 = arith.constant 0 : i32
    %scan3A_4 = arith.constant 98 : i32
    %scan3A_5 = arith.addi %scan3A_3, %scan3A_4 : i32
    %scan3A_6 = arith.constant 1 : i32
    scf.for %scan3A_215 = %scan3A_3 to %scan3A_5 step %scan3A_6  : i32 {
      %broadcast_in_dim3A = arith.constant 0.000000e+00 : f32
      %broadcast_in_dim3A_216 = vector.broadcast %broadcast_in_dim3A : f32 to vector<16xf32>
      %mul3A_217 = arith.constant 16 : i32
      %mul3A_218 = arith.muli %scan3A_215, %mul3A_217 : i32
      %swap3A = arith.index_cast %mul3A_218 : i32 to index
      %swap3A_219 = tpu.vector_load %arg22[%swap3A] {strides = array<i32>} : memref<1568xf32, #tpu.memory_space<vmem>>, vector<16xf32>,
      tpu.vector_store %arg22[%swap3A], %broadcast_in_dim3A_216 {strides = array<i32>} : memref<1568xf32, #tpu.memory_space<vmem>>, vector<16xf32>,
    }
    %scan3A_7 = arith.constant 98 : i32
    %mul3A_8 = arith.constant 3136 : i32
    %mul3A_9 = arith.muli %arg1, %mul3A_8 : i32
    %add3A_10 = arith.constant 0 : i32
    %add3A_11 = arith.addi %mul3A_9, %add3A_10 : i32
    %dma_start3A = tpu.memref_slice %arg24[%add3A_11] : memref<50176xf32, #tpu.memory_space<vmem_shared>> -> memref<1568xf32, #tpu.memory_space<vmem_shared>>
    %dma_start3A_12 = tpu.memref_slice %arg24[%add3A_11] : memref<50176xf32, #tpu.memory_space<vmem_shared>> -> memref<1568xf32, #tpu.memory_space<vmem_shared>>
    tpu.enqueue_dma source(%arg22 : memref<1568xf32, #tpu.memory_space<vmem>>) target(%dma_start3A_12 : memref<1568xf32, #tpu.memory_space<vmem_shared>>) target_semaphore(%arg36 : memref<!tpu.dma_semaphore, #tpu.memory_space<semaphore_mem>>)
    %mul3A_13 = arith.constant 3136 : i32
    %mul3A_14 = arith.muli %arg1, %mul3A_13 : i32
    %add3A_15 = arith.constant 1568 : i32
    %add3A_16 = arith.addi %mul3A_14, %add3A_15 : i32
    %dma_start3A_17 = tpu.memref_slice %arg24[%add3A_16] : memref<50176xf32, #tpu.memory_space<vmem_shared>> -> memref<1568xf32, #tpu.memory_space<vmem_shared>>
    %dma_start3A_18 = tpu.memref_slice %arg24[%add3A_16] : memref<50176xf32, #tpu.memory_space<vmem_shared>> -> memref<1568xf32, #tpu.memory_space<vmem_shared>>
    tpu.enqueue_dma source(%arg22 : memref<1568xf32, #tpu.memory_space<vmem>>) target(%dma_start3A_18 : memref<1568xf32, #tpu.memory_space<vmem_shared>>) target_semaphore(%arg36 : memref<!tpu.dma_semaphore, #tpu.memory_space<semaphore_mem>>)
    %mul3A_19 = arith.constant 3136 : i32
    %mul3A_20 = arith.muli %arg1, %mul3A_19 : i32
    %add3A_21 = arith.constant 0 : i32
    %add3A_22 = arith.addi %mul3A_20, %add3A_21 : i32
    %dma_start3A_23 = tpu.memref_slice %arg25[%add3A_22] : memref<50176xf32, #tpu.memory_space<vmem_shared>> -> memref<1568xf32, #tpu.memory_space<vmem_shared>>
    %dma_start3A_24 = tpu.memref_slice %arg25[%add3A_22] : memref<50176xf32, #tpu.memory_space<vmem_shared>> -> memref<1568xf32, #tpu.memory_space<vmem_shared>>
    tpu.enqueue_dma source(%arg22 : memref<1568xf32, #tpu.memory_space<vmem>>) target(%dma_start3A_24 : memref<1568xf32, #tpu.memory_space<vmem_shared>>) target_semaphore(%arg36 : memref<!tpu.dma_semaphore, #tpu.memory_space<semaphore_mem>>)
    %mul3A_25 = arith.constant 3136 : i32
    %mul3A_26 = arith.muli %arg1, %mul3A_25 : i32
    %add3A_27 = arith.constant 1568 : i32
    %add3A_28 = arith.addi %mul3A_26, %add3A_27 : i32
    %dma_start3A_29 = tpu.memref_slice %arg25[%add3A_28] : memref<50176xf32, #tpu.memory_space<vmem_shared>> -> memref<1568xf32, #tpu.memory_space<vmem_shared>>
    %dma_start3A_30 = tpu.memref_slice %arg25[%add3A_28] : memref<50176xf32, #tpu.memory_space<vmem_shared>> -> memref<1568xf32, #tpu.memory_space<vmem_shared>>
    tpu.enqueue_dma source(%arg22 : memref<1568xf32, #tpu.memory_space<vmem>>) target(%dma_start3A_30 : memref<1568xf32, #tpu.memory_space<vmem_shared>>) target_semaphore(%arg36 : memref<!tpu.dma_semaphore, #tpu.memory_space<semaphore_mem>>)
    %mul3A_31 = arith.constant 3136 : i32
    %mul3A_32 = arith.muli %arg1, %mul3A_31 : i32
    %add3A_33 = arith.constant 0 : i32
    %add3A_34 = arith.addi %mul3A_32, %add3A_33 : i32
    %dma_wait3A = tpu.memref_slice %arg24[%add3A_34] : memref<50176xf32, #tpu.memory_space<vmem_shared>> -> memref<1568xf32, #tpu.memory_space<vmem_shared>>
    %dma_wait3A_35 = tpu.memref_slice %arg24[%add3A_34] : memref<50176xf32, #tpu.memory_space<vmem_shared>> -> memref<1568xf32, #tpu.memory_space<vmem_shared>>
    tpu.wait_dma2 semaphore(%arg36 : memref<!tpu.dma_semaphore, #tpu.memory_space<semaphore_mem>>) src(%arg22 : memref<1568xf32, #tpu.memory_space<vmem>>) dst(%dma_wait3A_35 : memref<1568xf32, #tpu.memory_space<vmem_shared>>)
    %mul3A_36 = arith.constant 3136 : i32
    %mul3A_37 = arith.muli %arg1, %mul3A_36 : i32
    %add3A_38 = arith.constant 1568 : i32
    %add3A_39 = arith.addi %mul3A_37, %add3A_38 : i32
    %dma_wait3A_40 = tpu.memref_slice %arg24[%add3A_39] : memref<50176xf32, #tpu.memory_space<vmem_shared>> -> memref<1568xf32, #tpu.memory_space<vmem_shared>>
    %dma_wait3A_41 = tpu.memref_slice %arg24[%add3A_39] : memref<50176xf32, #tpu.memory_space<vmem_shared>> -> memref<1568xf32, #tpu.memory_space<vmem_shared>>
    tpu.wait_dma2 semaphore(%arg36 : memref<!tpu.dma_semaphore, #tpu.memory_space<semaphore_mem>>) src(%arg22 : memref<1568xf32, #tpu.memory_space<vmem>>) dst(%dma_wait3A_41 : memref<1568xf32, #tpu.memory_space<vmem_shared>>)
    %mul3A_42 = arith.constant 3136 : i32
    %mul3A_43 = arith.muli %arg1, %mul3A_42 : i32
    %add3A_44 = arith.constant 0 : i32
    %add3A_45 = arith.addi %mul3A_43, %add3A_44 : i32
    %dma_wait3A_46 = tpu.memref_slice %arg25[%add3A_45] : memref<50176xf32, #tpu.memory_space<vmem_shared>> -> memref<1568xf32, #tpu.memory_space<vmem_shared>>
    %dma_wait3A_47 = tpu.memref_slice %arg25[%add3A_45] : memref<50176xf32, #tpu.memory_space<vmem_shared>> -> memref<1568xf32, #tpu.memory_space<vmem_shared>>
    tpu.wait_dma2 semaphore(%arg36 : memref<!tpu.dma_semaphore, #tpu.memory_space<semaphore_mem>>) src(%arg22 : memref<1568xf32, #tpu.memory_space<vmem>>) dst(%dma_wait3A_47 : memref<1568xf32, #tpu.memory_space<vmem_shared>>)
    %mul3A_48 = arith.constant 3136 : i32
    %mul3A_49 = arith.muli %arg1, %mul3A_48 : i32
    %add3A_50 = arith.constant 1568 : i32
    %add3A_51 = arith.addi %mul3A_49, %add3A_50 : i32
    %dma_wait3A_52 = tpu.memref_slice %arg25[%add3A_51] : memref<50176xf32, #tpu.memory_space<vmem_shared>> -> memref<1568xf32, #tpu.memory_space<vmem_shared>>
    %dma_wait3A_53 = tpu.memref_slice %arg25[%add3A_51] : memref<50176xf32, #tpu.memory_space<vmem_shared>> -> memref<1568xf32, #tpu.memory_space<vmem_shared>>
    tpu.wait_dma2 semaphore(%arg36 : memref<!tpu.dma_semaphore, #tpu.memory_space<semaphore_mem>>) src(%arg22 : memref<1568xf32, #tpu.memory_space<vmem>>) dst(%dma_wait3A_53 : memref<1568xf32, #tpu.memory_space<vmem_shared>>)
    %barrier3A = arith.constant 0 : index
    tpu.barrier barrier_id(%barrier3A)
    %mul3A_54 = arith.constant 100000 : i32
    %mul3A_55 = arith.muli %add3A, %mul3A_54 : i32
    %add3A_56 = arith.constant 0 : i32
    %add3A_57 = arith.addi %mul3A_55, %add3A_56 : i32
    %dma_start3A_58 = tpu.memref_slice %arg4[%add3A_57] : memref<3200000xi32, #tpu.memory_space<hbm>> -> memref<1280xi32, #tpu.memory_space<hbm>>
    %dma_start3A_59 = tpu.memref_slice %arg4[%add3A_57] : memref<3200000xi32, #tpu.memory_space<hbm>> -> memref<1280xi32, #tpu.memory_space<hbm>>
    tpu.enqueue_dma source(%dma_start3A_59 : memref<1280xi32, #tpu.memory_space<hbm>>) target(%arg10 : memref<1280xi32, #tpu.memory_space<vmem>>) target_semaphore(%arg30 : memref<!tpu.dma_semaphore, #tpu.memory_space<semaphore_mem>>)
    %dma_start3A_60 = tpu.memref_slice %arg5[%add3A_57] : memref<3200000xi32, #tpu.memory_space<hbm>> -> memref<1280xi32, #tpu.memory_space<hbm>>
    %dma_start3A_61 = tpu.memref_slice %arg5[%add3A_57] : memref<3200000xi32, #tpu.memory_space<hbm>> -> memref<1280xi32, #tpu.memory_space<hbm>>
    tpu.enqueue_dma source(%dma_start3A_61 : memref<1280xi32, #tpu.memory_space<hbm>>) target(%arg14 : memref<1280xi32, #tpu.memory_space<vmem>>) target_semaphore(%arg30 : memref<!tpu.dma_semaphore, #tpu.memory_space<semaphore_mem>>)
    %add3A_62 = arith.constant 1280 : i32
    %add3A_63 = arith.addi %mul3A_55, %add3A_62 : i32
    %dma_start3A_64 = tpu.memref_slice %arg4[%add3A_63] : memref<3200000xi32, #tpu.memory_space<hbm>> -> memref<1280xi32, #tpu.memory_space<hbm>>
    %dma_start3A_65 = tpu.memref_slice %arg4[%add3A_63] : memref<3200000xi32, #tpu.memory_space<hbm>> -> memref<1280xi32, #tpu.memory_space<hbm>>
    tpu.enqueue_dma source(%dma_start3A_65 : memref<1280xi32, #tpu.memory_space<hbm>>) target(%arg11 : memref<1280xi32, #tpu.memory_space<vmem>>) target_semaphore(%arg31 : memref<!tpu.dma_semaphore, #tpu.memory_space<semaphore_mem>>)
    %dma_start3A_66 = tpu.memref_slice %arg5[%add3A_63] : memref<3200000xi32, #tpu.memory_space<hbm>> -> memref<1280xi32, #tpu.memory_space<hbm>>
    %dma_start3A_67 = tpu.memref_slice %arg5[%add3A_63] : memref<3200000xi32, #tpu.memory_space<hbm>> -> memref<1280xi32, #tpu.memory_space<hbm>>
    tpu.enqueue_dma source(%dma_start3A_67 : memref<1280xi32, #tpu.memory_space<hbm>>) target(%arg15 : memref<1280xi32, #tpu.memory_space<vmem>>) target_semaphore(%arg31 : memref<!tpu.dma_semaphore, #tpu.memory_space<semaphore_mem>>)
    %add3A_68 = arith.constant 99840 : i32
    %add3A_69 = arith.addi %mul3A_55, %add3A_68 : i32
    %dma_start3A_70 = tpu.memref_slice %arg4[%add3A_69] : memref<3200000xi32, #tpu.memory_space<hbm>> -> memref<160xi32, #tpu.memory_space<hbm>>
    %dma_start3A_71 = tpu.memref_slice %arg4[%add3A_69] : memref<3200000xi32, #tpu.memory_space<hbm>> -> memref<160xi32, #tpu.memory_space<hbm>>
    tpu.enqueue_dma source(%dma_start3A_71 : memref<160xi32, #tpu.memory_space<hbm>>) target(%arg26 : memref<160xi32, #tpu.memory_space<vmem>>) target_semaphore(%arg36 : memref<!tpu.dma_semaphore, #tpu.memory_space<semaphore_mem>>)
    %dma_start3A_72 = tpu.memref_slice %arg5[%add3A_69] : memref<3200000xi32, #tpu.memory_space<hbm>> -> memref<160xi32, #tpu.memory_space<hbm>>
    %dma_start3A_73 = tpu.memref_slice %arg5[%add3A_69] : memref<3200000xi32, #tpu.memory_space<hbm>> -> memref<160xi32, #tpu.memory_space<hbm>>
    tpu.enqueue_dma source(%dma_start3A_73 : memref<160xi32, #tpu.memory_space<hbm>>) target(%arg27 : memref<160xi32, #tpu.memory_space<vmem>>) target_semaphore(%arg36 : memref<!tpu.dma_semaphore, #tpu.memory_space<semaphore_mem>>)
    %scan3A_74 = arith.constant 0 : i32
    %scan3A_75 = arith.constant 0 : i32
    %scan3A_76 = arith.constant 19 : i32
    %scan3A_77 = arith.addi %scan3A_75, %scan3A_76 : i32
    %scan3A_78 = arith.constant 1 : i32
    scf.for %scan3A_215 = %scan3A_75 to %scan3A_77 step %scan3A_78  : i32 {
      %mul3A_216 = arith.constant 4 : i32
      %mul3A_217 = arith.muli %scan3A_215, %mul3A_216 : i32
      %add3A_218 = arith.constant 0 : i32
      %add3A_219 = arith.addi %mul3A_217, %add3A_218 : i32
      %ge3A = arith.constant 2 : i32
      %ge3A_220 = arith.cmpi sge, %add3A_219, %ge3A : i32
      %convert_element_type3A = arith.extui %ge3A_220 : i1 to i32
      %cond3A = arith.constant 0 : i32
      %cond3A_221 = arith.cmpi ne, %convert_element_type3A, %cond3A : i32
      scf.if %cond3A_221 {
        %dma_wait3A_348 = arith.constant 0 : i32
        %dma_wait3A_349 = tpu.memref_slice %arg24[%dma_wait3A_348] : memref<50176xf32, #tpu.memory_space<vmem_shared>> -> memref<50176xf32, #tpu.memory_space<vmem_shared>>
        tpu.wait_indirect_dma semaphore(%arg34 : memref<!tpu.dma_semaphore, #tpu.memory_space<semaphore_mem>>) src(%arg18 : memref<1280xf32, #tpu.memory_space<vmem>>) dst(%dma_wait3A_349 : memref<50176xf32, #tpu.memory_space<vmem_shared>>)
        %dma_wait3A_350 = arith.constant 0 : i32
        %dma_wait3A_351 = tpu.memref_slice %arg25[%dma_wait3A_350] : memref<50176xf32, #tpu.memory_space<vmem_shared>> -> memref<50176xf32, #tpu.memory_space<vmem_shared>>
        tpu.wait_indirect_dma semaphore(%arg34 : memref<!tpu.dma_semaphore, #tpu.memory_space<semaphore_mem>>) src(%arg20 : memref<1280xf32, #tpu.memory_space<vmem>>) dst(%dma_wait3A_351 : memref<50176xf32, #tpu.memory_space<vmem_shared>>)
      } else {
      }
      %add3A_222 = arith.constant 2 : i32
      %add3A_223 = arith.addi %add3A_219, %add3A_222 : i32
      %lt3A = arith.constant 78 : i32
      %lt3A_224 = arith.cmpi slt, %add3A_223, %lt3A : i32
      %convert_element_type3A_225 = arith.extui %lt3A_224 : i1 to i32
      %cond3A_226 = arith.constant 0 : i32
      %cond3A_227 = arith.cmpi ne, %convert_element_type3A_225, %cond3A_226 : i32
      scf.if %cond3A_227 {
        %add3A_348 = arith.constant 2 : i32
        %add3A_349 = arith.addi %add3A_219, %add3A_348 : i32
        %mul3A_350 = arith.constant 1280 : i32
        %mul3A_351 = arith.muli %add3A_349, %mul3A_350 : i32
        %add3A_352 = arith.addi %mul3A_55, %mul3A_351 : i32
        %dma_start3A_353 = tpu.memref_slice %arg4[%add3A_352] : memref<3200000xi32, #tpu.memory_space<hbm>> -> memref<1280xi32, #tpu.memory_space<hbm>>
        %dma_start3A_354 = tpu.memref_slice %arg4[%add3A_352] : memref<3200000xi32, #tpu.memory_space<hbm>> -> memref<1280xi32, #tpu.memory_space<hbm>>
        tpu.enqueue_dma source(%dma_start3A_354 : memref<1280xi32, #tpu.memory_space<hbm>>) target(%arg12 : memref<1280xi32, #tpu.memory_space<vmem>>) target_semaphore(%arg32 : memref<!tpu.dma_semaphore, #tpu.memory_space<semaphore_mem>>)
        %dma_start3A_355 = tpu.memref_slice %arg5[%add3A_352] : memref<3200000xi32, #tpu.memory_space<hbm>> -> memref<1280xi32, #tpu.memory_space<hbm>>
        %dma_start3A_356 = tpu.memref_slice %arg5[%add3A_352] : memref<3200000xi32, #tpu.memory_space<hbm>> -> memref<1280xi32, #tpu.memory_space<hbm>>
        tpu.enqueue_dma source(%dma_start3A_356 : memref<1280xi32, #tpu.memory_space<hbm>>) target(%arg16 : memref<1280xi32, #tpu.memory_space<vmem>>) target_semaphore(%arg32 : memref<!tpu.dma_semaphore, #tpu.memory_space<semaphore_mem>>)
      } else {
      }
      %dma_wait3A_228 = arith.constant 0 : i32
      %dma_wait3A_229 = tpu.memref_slice %arg4[%dma_wait3A_228] : memref<3200000xi32, #tpu.memory_space<hbm>> -> memref<1280xi32, #tpu.memory_space<hbm>>
      %dma_wait3A_230 = arith.constant 0 : i32
      %dma_wait3A_231 = tpu.memref_slice %arg4[%dma_wait3A_230] : memref<3200000xi32, #tpu.memory_space<hbm>> -> memref<1280xi32, #tpu.memory_space<hbm>>
      tpu.wait_dma2 semaphore(%arg30 : memref<!tpu.dma_semaphore, #tpu.memory_space<semaphore_mem>>) src(%dma_wait3A_231 : memref<1280xi32, #tpu.memory_space<hbm>>) dst(%arg10 : memref<1280xi32, #tpu.memory_space<vmem>>)
      %dma_wait3A_232 = arith.constant 0 : i32
      %dma_wait3A_233 = tpu.memref_slice %arg4[%dma_wait3A_232] : memref<3200000xi32, #tpu.memory_space<hbm>> -> memref<1280xi32, #tpu.memory_space<hbm>>
      %dma_wait3A_234 = arith.constant 0 : i32
      %dma_wait3A_235 = tpu.memref_slice %arg4[%dma_wait3A_234] : memref<3200000xi32, #tpu.memory_space<hbm>> -> memref<1280xi32, #tpu.memory_space<hbm>>
      tpu.wait_dma2 semaphore(%arg30 : memref<!tpu.dma_semaphore, #tpu.memory_space<semaphore_mem>>) src(%dma_wait3A_235 : memref<1280xi32, #tpu.memory_space<hbm>>) dst(%arg14 : memref<1280xi32, #tpu.memory_space<vmem>>)
      %scan3A_236 = arith.constant 0 : i32
      %scan3A_237 = arith.constant 0 : i32
      %scan3A_238 = arith.constant 80 : i32
      %scan3A_239 = arith.addi %scan3A_237, %scan3A_238 : i32
      %scan3A_240 = arith.constant 1 : i32
      scf.for %scan3A_348 = %scan3A_237 to %scan3A_239 step %scan3A_240  : i32 {
        %mul3A_349 = arith.constant 16 : i32
        %mul3A_350 = arith.muli %scan3A_348, %mul3A_349 : i32
        %get3A = arith.index_cast %mul3A_350 : i32 to index
        %get3A_351 = tpu.vector_load %arg10[%get3A] {strides = array<i32>} : memref<1280xi32, #tpu.memory_space<vmem>>, vector<16xi32>,
        %gather3A = tpu.vector_load_idx %arg8[%get3A_351] : memref<50000xf32, #tpu.memory_space<vmem>>[vector<16xi32>], vector<16xf32>,
        %swap3A = arith.index_cast %mul3A_350 : i32 to index
        %swap3A_352 = tpu.vector_load %arg18[%swap3A] {strides = array<i32>} : memref<1280xf32, #tpu.memory_space<vmem>>, vector<16xf32>,
        tpu.vector_store %arg18[%swap3A], %gather3A {strides = array<i32>} : memref<1280xf32, #tpu.memory_space<vmem>>, vector<16xf32>,
        %gather3A_353 = tpu.vector_load_idx %arg9[%get3A_351] : memref<50000xf32, #tpu.memory_space<vmem>>[vector<16xi32>], vector<16xf32>,
        %swap3A_354 = arith.index_cast %mul3A_350 : i32 to index
        %swap3A_355 = tpu.vector_load %arg20[%swap3A_354] {strides = array<i32>} : memref<1280xf32, #tpu.memory_space<vmem>>, vector<16xf32>,
        tpu.vector_store %arg20[%swap3A_354], %gather3A_353 {strides = array<i32>} : memref<1280xf32, #tpu.memory_space<vmem>>, vector<16xf32>,
      }
      %scan3A_241 = arith.constant 80 : i32
      %dma_start3A_242 = arith.constant 0 : i32
      %dma_start3A_243 = tpu.memref_slice %arg24[%dma_start3A_242] : memref<50176xf32, #tpu.memory_space<vmem_shared>> -> memref<50176xf32, #tpu.memory_space<vmem_shared>>
      tpu.enqueue_indirect_dma source(%arg18 : memref<1280xf32, #tpu.memory_space<vmem>>) target(%dma_start3A_243 : memref<50176xf32, #tpu.memory_space<vmem_shared>>) offsets(%arg14 : memref<1280xi32, #tpu.memory_space<vmem>>) semaphore(%arg34 : memref<!tpu.dma_semaphore, #tpu.memory_space<semaphore_mem>>) {add = true}
      %dma_start3A_244 = arith.constant 0 : i32
      %dma_start3A_245 = tpu.memref_slice %arg25[%dma_start3A_244] : memref<50176xf32, #tpu.memory_space<vmem_shared>> -> memref<50176xf32, #tpu.memory_space<vmem_shared>>
      tpu.enqueue_indirect_dma source(%arg20 : memref<1280xf32, #tpu.memory_space<vmem>>) target(%dma_start3A_245 : memref<50176xf32, #tpu.memory_space<vmem_shared>>) offsets(%arg14 : memref<1280xi32, #tpu.memory_space<vmem>>) semaphore(%arg34 : memref<!tpu.dma_semaphore, #tpu.memory_space<semaphore_mem>>) {add = true}
      %mul3A_246 = arith.constant 4 : i32
      %mul3A_247 = arith.muli %scan3A_215, %mul3A_246 : i32
      %add3A_248 = arith.constant 1 : i32
      %add3A_249 = arith.addi %mul3A_247, %add3A_248 : i32
      %ge3A_250 = arith.constant 2 : i32
      %ge3A_251 = arith.cmpi sge, %add3A_249, %ge3A_250 : i32
      %convert_element_type3A_252 = arith.extui %ge3A_251 : i1 to i32
      %cond3A_253 = arith.constant 0 : i32
      %cond3A_254 = arith.cmpi ne, %convert_element_type3A_252, %cond3A_253 : i32
      scf.if %cond3A_254 {
        %dma_wait3A_348 = arith.constant 0 : i32
        %dma_wait3A_349 = tpu.memref_slice %arg24[%dma_wait3A_348] : memref<50176xf32, #tpu.memory_space<vmem_shared>> -> memref<50176xf32, #tpu.memory_space<vmem_shared>>
        tpu.wait_indirect_dma semaphore(%arg35 : memref<!tpu.dma_semaphore, #tpu.memory_space<semaphore_mem>>) src(%arg19 : memref<1280xf32, #tpu.memory_space<vmem>>) dst(%dma_wait3A_349 : memref<50176xf32, #tpu.memory_space<vmem_shared>>)
        %dma_wait3A_350 = arith.constant 0 : i32
        %dma_wait3A_351 = tpu.memref_slice %arg25[%dma_wait3A_350] : memref<50176xf32, #tpu.memory_space<vmem_shared>> -> memref<50176xf32, #tpu.memory_space<vmem_shared>>
        tpu.wait_indirect_dma semaphore(%arg35 : memref<!tpu.dma_semaphore, #tpu.memory_space<semaphore_mem>>) src(%arg21 : memref<1280xf32, #tpu.memory_space<vmem>>) dst(%dma_wait3A_351 : memref<50176xf32, #tpu.memory_space<vmem_shared>>)
      } else {
      }
      %add3A_255 = arith.constant 2 : i32
      %add3A_256 = arith.addi %add3A_249, %add3A_255 : i32
      %lt3A_257 = arith.constant 78 : i32
      %lt3A_258 = arith.cmpi slt, %add3A_256, %lt3A_257 : i32
      %convert_element_type3A_259 = arith.extui %lt3A_258 : i1 to i32
      %cond3A_260 = arith.constant 0 : i32
      %cond3A_261 = arith.cmpi ne, %convert_element_type3A_259, %cond3A_260 : i32
      scf.if %cond3A_261 {
        %add3A_348 = arith.constant 2 : i32
        %add3A_349 = arith.addi %add3A_249, %add3A_348 : i32
        %mul3A_350 = arith.constant 1280 : i32
        %mul3A_351 = arith.muli %add3A_349, %mul3A_350 : i32
        %add3A_352 = arith.addi %mul3A_55, %mul3A_351 : i32
        %dma_start3A_353 = tpu.memref_slice %arg4[%add3A_352] : memref<3200000xi32, #tpu.memory_space<hbm>> -> memref<1280xi32, #tpu.memory_space<hbm>>
        %dma_start3A_354 = tpu.memref_slice %arg4[%add3A_352] : memref<3200000xi32, #tpu.memory_space<hbm>> -> memref<1280xi32, #tpu.memory_space<hbm>>
        tpu.enqueue_dma source(%dma_start3A_354 : memref<1280xi32, #tpu.memory_space<hbm>>) target(%arg13 : memref<1280xi32, #tpu.memory_space<vmem>>) target_semaphore(%arg33 : memref<!tpu.dma_semaphore, #tpu.memory_space<semaphore_mem>>)
        %dma_start3A_355 = tpu.memref_slice %arg5[%add3A_352] : memref<3200000xi32, #tpu.memory_space<hbm>> -> memref<1280xi32, #tpu.memory_space<hbm>>
        %dma_start3A_356 = tpu.memref_slice %arg5[%add3A_352] : memref<3200000xi32, #tpu.memory_space<hbm>> -> memref<1280xi32, #tpu.memory_space<hbm>>
        tpu.enqueue_dma source(%dma_start3A_356 : memref<1280xi32, #tpu.memory_space<hbm>>) target(%arg17 : memref<1280xi32, #tpu.memory_space<vmem>>) target_semaphore(%arg33 : memref<!tpu.dma_semaphore, #tpu.memory_space<semaphore_mem>>)
      } else {
      }
      %dma_wait3A_262 = arith.constant 0 : i32
      %dma_wait3A_263 = tpu.memref_slice %arg4[%dma_wait3A_262] : memref<3200000xi32, #tpu.memory_space<hbm>> -> memref<1280xi32, #tpu.memory_space<hbm>>
      %dma_wait3A_264 = arith.constant 0 : i32
      %dma_wait3A_265 = tpu.memref_slice %arg4[%dma_wait3A_264] : memref<3200000xi32, #tpu.memory_space<hbm>> -> memref<1280xi32, #tpu.memory_space<hbm>>
      tpu.wait_dma2 semaphore(%arg31 : memref<!tpu.dma_semaphore, #tpu.memory_space<semaphore_mem>>) src(%dma_wait3A_265 : memref<1280xi32, #tpu.memory_space<hbm>>) dst(%arg11 : memref<1280xi32, #tpu.memory_space<vmem>>)
      %dma_wait3A_266 = arith.constant 0 : i32
      %dma_wait3A_267 = tpu.memref_slice %arg4[%dma_wait3A_266] : memref<3200000xi32, #tpu.memory_space<hbm>> -> memref<1280xi32, #tpu.memory_space<hbm>>
      %dma_wait3A_268 = arith.constant 0 : i32
      %dma_wait3A_269 = tpu.memref_slice %arg4[%dma_wait3A_268] : memref<3200000xi32, #tpu.memory_space<hbm>> -> memref<1280xi32, #tpu.memory_space<hbm>>
      tpu.wait_dma2 semaphore(%arg31 : memref<!tpu.dma_semaphore, #tpu.memory_space<semaphore_mem>>) src(%dma_wait3A_269 : memref<1280xi32, #tpu.memory_space<hbm>>) dst(%arg15 : memref<1280xi32, #tpu.memory_space<vmem>>)
      %scan3A_270 = arith.constant 0 : i32
      %scan3A_271 = arith.constant 0 : i32
      %scan3A_272 = arith.constant 80 : i32
      %scan3A_273 = arith.addi %scan3A_271, %scan3A_272 : i32
      %scan3A_274 = arith.constant 1 : i32
      scf.for %scan3A_348 = %scan3A_271 to %scan3A_273 step %scan3A_274  : i32 {
        %mul3A_349 = arith.constant 16 : i32
        %mul3A_350 = arith.muli %scan3A_348, %mul3A_349 : i32
        %get3A = arith.index_cast %mul3A_350 : i32 to index
        %get3A_351 = tpu.vector_load %arg11[%get3A] {strides = array<i32>} : memref<1280xi32, #tpu.memory_space<vmem>>, vector<16xi32>,
        %gather3A = tpu.vector_load_idx %arg8[%get3A_351] : memref<50000xf32, #tpu.memory_space<vmem>>[vector<16xi32>], vector<16xf32>,
        %swap3A = arith.index_cast %mul3A_350 : i32 to index
        %swap3A_352 = tpu.vector_load %arg19[%swap3A] {strides = array<i32>} : memref<1280xf32, #tpu.memory_space<vmem>>, vector<16xf32>,
        tpu.vector_store %arg19[%swap3A], %gather3A {strides = array<i32>} : memref<1280xf32, #tpu.memory_space<vmem>>, vector<16xf32>,
        %gather3A_353 = tpu.vector_load_idx %arg9[%get3A_351] : memref<50000xf32, #tpu.memory_space<vmem>>[vector<16xi32>], vector<16xf32>,
        %swap3A_354 = arith.index_cast %mul3A_350 : i32 to index
        %swap3A_355 = tpu.vector_load %arg21[%swap3A_354] {strides = array<i32>} : memref<1280xf32, #tpu.memory_space<vmem>>, vector<16xf32>,
        tpu.vector_store %arg21[%swap3A_354], %gather3A_353 {strides = array<i32>} : memref<1280xf32, #tpu.memory_space<vmem>>, vector<16xf32>,
      }
      %scan3A_275 = arith.constant 80 : i32
      %dma_start3A_276 = arith.constant 0 : i32
      %dma_start3A_277 = tpu.memref_slice %arg24[%dma_start3A_276] : memref<50176xf32, #tpu.memory_space<vmem_shared>> -> memref<50176xf32, #tpu.memory_space<vmem_shared>>
      tpu.enqueue_indirect_dma source(%arg19 : memref<1280xf32, #tpu.memory_space<vmem>>) target(%dma_start3A_277 : memref<50176xf32, #tpu.memory_space<vmem_shared>>) offsets(%arg15 : memref<1280xi32, #tpu.memory_space<vmem>>) semaphore(%arg35 : memref<!tpu.dma_semaphore, #tpu.memory_space<semaphore_mem>>) {add = true}
      %dma_start3A_278 = arith.constant 0 : i32
      %dma_start3A_279 = tpu.memref_slice %arg25[%dma_start3A_278] : memref<50176xf32, #tpu.memory_space<vmem_shared>> -> memref<50176xf32, #tpu.memory_space<vmem_shared>>
      tpu.enqueue_indirect_dma source(%arg21 : memref<1280xf32, #tpu.memory_space<vmem>>) target(%dma_start3A_279 : memref<50176xf32, #tpu.memory_space<vmem_shared>>) offsets(%arg15 : memref<1280xi32, #tpu.memory_space<vmem>>) semaphore(%arg35 : memref<!tpu.dma_semaphore, #tpu.memory_space<semaphore_mem>>) {add = true}
      %mul3A_280 = arith.constant 4 : i32
      %mul3A_281 = arith.muli %scan3A_215, %mul3A_280 : i32
      %add3A_282 = arith.constant 2 : i32
      %add3A_283 = arith.addi %mul3A_281, %add3A_282 : i32
      %ge3A_284 = arith.constant 2 : i32
      %ge3A_285 = arith.cmpi sge, %add3A_283, %ge3A_284 : i32
      %convert_element_type3A_286 = arith.extui %ge3A_285 : i1 to i32
      %cond3A_287 = arith.constant 0 : i32
      %cond3A_288 = arith.cmpi ne, %convert_element_type3A_286, %cond3A_287 : i32
      scf.if %cond3A_288 {
        %dma_wait3A_348 = arith.constant 0 : i32
        %dma_wait3A_349 = tpu.memref_slice %arg24[%dma_wait3A_348] : memref<50176xf32, #tpu.memory_space<vmem_shared>> -> memref<50176xf32, #tpu.memory_space<vmem_shared>>
        tpu.wait_indirect_dma semaphore(%arg34 : memref<!tpu.dma_semaphore, #tpu.memory_space<semaphore_mem>>) src(%arg18 : memref<1280xf32, #tpu.memory_space<vmem>>) dst(%dma_wait3A_349 : memref<50176xf32, #tpu.memory_space<vmem_shared>>)
        %dma_wait3A_350 = arith.constant 0 : i32
        %dma_wait3A_351 = tpu.memref_slice %arg25[%dma_wait3A_350] : memref<50176xf32, #tpu.memory_space<vmem_shared>> -> memref<50176xf32, #tpu.memory_space<vmem_shared>>
        tpu.wait_indirect_dma semaphore(%arg34 : memref<!tpu.dma_semaphore, #tpu.memory_space<semaphore_mem>>) src(%arg20 : memref<1280xf32, #tpu.memory_space<vmem>>) dst(%dma_wait3A_351 : memref<50176xf32, #tpu.memory_space<vmem_shared>>)
      } else {
      }
      %add3A_289 = arith.constant 2 : i32
      %add3A_290 = arith.addi %add3A_283, %add3A_289 : i32
      %lt3A_291 = arith.constant 78 : i32
      %lt3A_292 = arith.cmpi slt, %add3A_290, %lt3A_291 : i32
      %convert_element_type3A_293 = arith.extui %lt3A_292 : i1 to i32
      %cond3A_294 = arith.constant 0 : i32
      %cond3A_295 = arith.cmpi ne, %convert_element_type3A_293, %cond3A_294 : i32
      scf.if %cond3A_295 {
        %add3A_348 = arith.constant 2 : i32
        %add3A_349 = arith.addi %add3A_283, %add3A_348 : i32
        %mul3A_350 = arith.constant 1280 : i32
        %mul3A_351 = arith.muli %add3A_349, %mul3A_350 : i32
        %add3A_352 = arith.addi %mul3A_55, %mul3A_351 : i32
        %dma_start3A_353 = tpu.memref_slice %arg4[%add3A_352] : memref<3200000xi32, #tpu.memory_space<hbm>> -> memref<1280xi32, #tpu.memory_space<hbm>>
        %dma_start3A_354 = tpu.memref_slice %arg4[%add3A_352] : memref<3200000xi32, #tpu.memory_space<hbm>> -> memref<1280xi32, #tpu.memory_space<hbm>>
        tpu.enqueue_dma source(%dma_start3A_354 : memref<1280xi32, #tpu.memory_space<hbm>>) target(%arg10 : memref<1280xi32, #tpu.memory_space<vmem>>) target_semaphore(%arg30 : memref<!tpu.dma_semaphore, #tpu.memory_space<semaphore_mem>>)
        %dma_start3A_355 = tpu.memref_slice %arg5[%add3A_352] : memref<3200000xi32, #tpu.memory_space<hbm>> -> memref<1280xi32, #tpu.memory_space<hbm>>
        %dma_start3A_356 = tpu.memref_slice %arg5[%add3A_352] : memref<3200000xi32, #tpu.memory_space<hbm>> -> memref<1280xi32, #tpu.memory_space<hbm>>
        tpu.enqueue_dma source(%dma_start3A_356 : memref<1280xi32, #tpu.memory_space<hbm>>) target(%arg14 : memref<1280xi32, #tpu.memory_space<vmem>>) target_semaphore(%arg30 : memref<!tpu.dma_semaphore, #tpu.memory_space<semaphore_mem>>)
      } else {
      }
      %dma_wait3A_296 = arith.constant 0 : i32
      %dma_wait3A_297 = tpu.memref_slice %arg4[%dma_wait3A_296] : memref<3200000xi32, #tpu.memory_space<hbm>> -> memref<1280xi32, #tpu.memory_space<hbm>>
      %dma_wait3A_298 = arith.constant 0 : i32
      %dma_wait3A_299 = tpu.memref_slice %arg4[%dma_wait3A_298] : memref<3200000xi32, #tpu.memory_space<hbm>> -> memref<1280xi32, #tpu.memory_space<hbm>>
      tpu.wait_dma2 semaphore(%arg32 : memref<!tpu.dma_semaphore, #tpu.memory_space<semaphore_mem>>) src(%dma_wait3A_299 : memref<1280xi32, #tpu.memory_space<hbm>>) dst(%arg12 : memref<1280xi32, #tpu.memory_space<vmem>>)
      %dma_wait3A_300 = arith.constant 0 : i32
      %dma_wait3A_301 = tpu.memref_slice %arg4[%dma_wait3A_300] : memref<3200000xi32, #tpu.memory_space<hbm>> -> memref<1280xi32, #tpu.memory_space<hbm>>
      %dma_wait3A_302 = arith.constant 0 : i32
      %dma_wait3A_303 = tpu.memref_slice %arg4[%dma_wait3A_302] : memref<3200000xi32, #tpu.memory_space<hbm>> -> memref<1280xi32, #tpu.memory_space<hbm>>
      tpu.wait_dma2 semaphore(%arg32 : memref<!tpu.dma_semaphore, #tpu.memory_space<semaphore_mem>>) src(%dma_wait3A_303 : memref<1280xi32, #tpu.memory_space<hbm>>) dst(%arg16 : memref<1280xi32, #tpu.memory_space<vmem>>)
      %scan3A_304 = arith.constant 0 : i32
      %scan3A_305 = arith.constant 0 : i32
      %scan3A_306 = arith.constant 80 : i32
      %scan3A_307 = arith.addi %scan3A_305, %scan3A_306 : i32
      %scan3A_308 = arith.constant 1 : i32
      scf.for %scan3A_348 = %scan3A_305 to %scan3A_307 step %scan3A_308  : i32 {
        %mul3A_349 = arith.constant 16 : i32
        %mul3A_350 = arith.muli %scan3A_348, %mul3A_349 : i32
        %get3A = arith.index_cast %mul3A_350 : i32 to index
        %get3A_351 = tpu.vector_load %arg12[%get3A] {strides = array<i32>} : memref<1280xi32, #tpu.memory_space<vmem>>, vector<16xi32>,
        %gather3A = tpu.vector_load_idx %arg8[%get3A_351] : memref<50000xf32, #tpu.memory_space<vmem>>[vector<16xi32>], vector<16xf32>,
        %swap3A = arith.index_cast %mul3A_350 : i32 to index
        %swap3A_352 = tpu.vector_load %arg18[%swap3A] {strides = array<i32>} : memref<1280xf32, #tpu.memory_space<vmem>>, vector<16xf32>,
        tpu.vector_store %arg18[%swap3A], %gather3A {strides = array<i32>} : memref<1280xf32, #tpu.memory_space<vmem>>, vector<16xf32>,
        %gather3A_353 = tpu.vector_load_idx %arg9[%get3A_351] : memref<50000xf32, #tpu.memory_space<vmem>>[vector<16xi32>], vector<16xf32>,
        %swap3A_354 = arith.index_cast %mul3A_350 : i32 to index
        %swap3A_355 = tpu.vector_load %arg20[%swap3A_354] {strides = array<i32>} : memref<1280xf32, #tpu.memory_space<vmem>>, vector<16xf32>,
        tpu.vector_store %arg20[%swap3A_354], %gather3A_353 {strides = array<i32>} : memref<1280xf32, #tpu.memory_space<vmem>>, vector<16xf32>,
      }
      %scan3A_309 = arith.constant 80 : i32
      %dma_start3A_310 = arith.constant 0 : i32
      %dma_start3A_311 = tpu.memref_slice %arg24[%dma_start3A_310] : memref<50176xf32, #tpu.memory_space<vmem_shared>> -> memref<50176xf32, #tpu.memory_space<vmem_shared>>
      tpu.enqueue_indirect_dma source(%arg18 : memref<1280xf32, #tpu.memory_space<vmem>>) target(%dma_start3A_311 : memref<50176xf32, #tpu.memory_space<vmem_shared>>) offsets(%arg16 : memref<1280xi32, #tpu.memory_space<vmem>>) semaphore(%arg34 : memref<!tpu.dma_semaphore, #tpu.memory_space<semaphore_mem>>) {add = true}
      %dma_start3A_312 = arith.constant 0 : i32
      %dma_start3A_313 = tpu.memref_slice %arg25[%dma_start3A_312] : memref<50176xf32, #tpu.memory_space<vmem_shared>> -> memref<50176xf32, #tpu.memory_space<vmem_shared>>
      tpu.enqueue_indirect_dma source(%arg20 : memref<1280xf32, #tpu.memory_space<vmem>>) target(%dma_start3A_313 : memref<50176xf32, #tpu.memory_space<vmem_shared>>) offsets(%arg16 : memref<1280xi32, #tpu.memory_space<vmem>>) semaphore(%arg34 : memref<!tpu.dma_semaphore, #tpu.memory_space<semaphore_mem>>) {add = true}
      %mul3A_314 = arith.constant 4 : i32
      %mul3A_315 = arith.muli %scan3A_215, %mul3A_314 : i32
      %add3A_316 = arith.constant 3 : i32
      %add3A_317 = arith.addi %mul3A_315, %add3A_316 : i32
      %ge3A_318 = arith.constant 2 : i32
      %ge3A_319 = arith.cmpi sge, %add3A_317, %ge3A_318 : i32
      %convert_element_type3A_320 = arith.extui %ge3A_319 : i1 to i32
      %cond3A_321 = arith.constant 0 : i32
      %cond3A_322 = arith.cmpi ne, %convert_element_type3A_320, %cond3A_321 : i32
      scf.if %cond3A_322 {
        %dma_wait3A_348 = arith.constant 0 : i32
        %dma_wait3A_349 = tpu.memref_slice %arg24[%dma_wait3A_348] : memref<50176xf32, #tpu.memory_space<vmem_shared>> -> memref<50176xf32, #tpu.memory_space<vmem_shared>>
        tpu.wait_indirect_dma semaphore(%arg35 : memref<!tpu.dma_semaphore, #tpu.memory_space<semaphore_mem>>) src(%arg19 : memref<1280xf32, #tpu.memory_space<vmem>>) dst(%dma_wait3A_349 : memref<50176xf32, #tpu.memory_space<vmem_shared>>)
        %dma_wait3A_350 = arith.constant 0 : i32
        %dma_wait3A_351 = tpu.memref_slice %arg25[%dma_wait3A_350] : memref<50176xf32, #tpu.memory_space<vmem_shared>> -> memref<50176xf32, #tpu.memory_space<vmem_shared>>
        tpu.wait_indirect_dma semaphore(%arg35 : memref<!tpu.dma_semaphore, #tpu.memory_space<semaphore_mem>>) src(%arg21 : memref<1280xf32, #tpu.memory_space<vmem>>) dst(%dma_wait3A_351 : memref<50176xf32, #tpu.memory_space<vmem_shared>>)
      } else {
      }
      %add3A_323 = arith.constant 2 : i32
      %add3A_324 = arith.addi %add3A_317, %add3A_323 : i32
      %lt3A_325 = arith.constant 78 : i32
      %lt3A_326 = arith.cmpi slt, %add3A_324, %lt3A_325 : i32
      %convert_element_type3A_327 = arith.extui %lt3A_326 : i1 to i32
      %cond3A_328 = arith.constant 0 : i32
      %cond3A_329 = arith.cmpi ne, %convert_element_type3A_327, %cond3A_328 : i32
      scf.if %cond3A_329 {
        %add3A_348 = arith.constant 2 : i32
        %add3A_349 = arith.addi %add3A_317, %add3A_348 : i32
        %mul3A_350 = arith.constant 1280 : i32
        %mul3A_351 = arith.muli %add3A_349, %mul3A_350 : i32
        %add3A_352 = arith.addi %mul3A_55, %mul3A_351 : i32
        %dma_start3A_353 = tpu.memref_slice %arg4[%add3A_352] : memref<3200000xi32, #tpu.memory_space<hbm>> -> memref<1280xi32, #tpu.memory_space<hbm>>
        %dma_start3A_354 = tpu.memref_slice %arg4[%add3A_352] : memref<3200000xi32, #tpu.memory_space<hbm>> -> memref<1280xi32, #tpu.memory_space<hbm>>
        tpu.enqueue_dma source(%dma_start3A_354 : memref<1280xi32, #tpu.memory_space<hbm>>) target(%arg11 : memref<1280xi32, #tpu.memory_space<vmem>>) target_semaphore(%arg31 : memref<!tpu.dma_semaphore, #tpu.memory_space<semaphore_mem>>)
        %dma_start3A_355 = tpu.memref_slice %arg5[%add3A_352] : memref<3200000xi32, #tpu.memory_space<hbm>> -> memref<1280xi32, #tpu.memory_space<hbm>>
        %dma_start3A_356 = tpu.memref_slice %arg5[%add3A_352] : memref<3200000xi32, #tpu.memory_space<hbm>> -> memref<1280xi32, #tpu.memory_space<hbm>>
        tpu.enqueue_dma source(%dma_start3A_356 : memref<1280xi32, #tpu.memory_space<hbm>>) target(%arg15 : memref<1280xi32, #tpu.memory_space<vmem>>) target_semaphore(%arg31 : memref<!tpu.dma_semaphore, #tpu.memory_space<semaphore_mem>>)
      } else {
      }
      %dma_wait3A_330 = arith.constant 0 : i32
      %dma_wait3A_331 = tpu.memref_slice %arg4[%dma_wait3A_330] : memref<3200000xi32, #tpu.memory_space<hbm>> -> memref<1280xi32, #tpu.memory_space<hbm>>
      %dma_wait3A_332 = arith.constant 0 : i32
      %dma_wait3A_333 = tpu.memref_slice %arg4[%dma_wait3A_332] : memref<3200000xi32, #tpu.memory_space<hbm>> -> memref<1280xi32, #tpu.memory_space<hbm>>
      tpu.wait_dma2 semaphore(%arg33 : memref<!tpu.dma_semaphore, #tpu.memory_space<semaphore_mem>>) src(%dma_wait3A_333 : memref<1280xi32, #tpu.memory_space<hbm>>) dst(%arg13 : memref<1280xi32, #tpu.memory_space<vmem>>)
      %dma_wait3A_334 = arith.constant 0 : i32
      %dma_wait3A_335 = tpu.memref_slice %arg4[%dma_wait3A_334] : memref<3200000xi32, #tpu.memory_space<hbm>> -> memref<1280xi32, #tpu.memory_space<hbm>>
      %dma_wait3A_336 = arith.constant 0 : i32
      %dma_wait3A_337 = tpu.memref_slice %arg4[%dma_wait3A_336] : memref<3200000xi32, #tpu.memory_space<hbm>> -> memref<1280xi32, #tpu.memory_space<hbm>>
      tpu.wait_dma2 semaphore(%arg33 : memref<!tpu.dma_semaphore, #tpu.memory_space<semaphore_mem>>) src(%dma_wait3A_337 : memref<1280xi32, #tpu.memory_space<hbm>>) dst(%arg17 : memref<1280xi32, #tpu.memory_space<vmem>>)
      %scan3A_338 = arith.constant 0 : i32
      %scan3A_339 = arith.constant 0 : i32
      %scan3A_340 = arith.constant 80 : i32
      %scan3A_341 = arith.addi %scan3A_339, %scan3A_340 : i32
      %scan3A_342 = arith.constant 1 : i32
      scf.for %scan3A_348 = %scan3A_339 to %scan3A_341 step %scan3A_342  : i32 {
        %mul3A_349 = arith.constant 16 : i32
        %mul3A_350 = arith.muli %scan3A_348, %mul3A_349 : i32
        %get3A = arith.index_cast %mul3A_350 : i32 to index
        %get3A_351 = tpu.vector_load %arg13[%get3A] {strides = array<i32>} : memref<1280xi32, #tpu.memory_space<vmem>>, vector<16xi32>,
        %gather3A = tpu.vector_load_idx %arg8[%get3A_351] : memref<50000xf32, #tpu.memory_space<vmem>>[vector<16xi32>], vector<16xf32>,
        %swap3A = arith.index_cast %mul3A_350 : i32 to index
        %swap3A_352 = tpu.vector_load %arg19[%swap3A] {strides = array<i32>} : memref<1280xf32, #tpu.memory_space<vmem>>, vector<16xf32>,
        tpu.vector_store %arg19[%swap3A], %gather3A {strides = array<i32>} : memref<1280xf32, #tpu.memory_space<vmem>>, vector<16xf32>,
        %gather3A_353 = tpu.vector_load_idx %arg9[%get3A_351] : memref<50000xf32, #tpu.memory_space<vmem>>[vector<16xi32>], vector<16xf32>,
        %swap3A_354 = arith.index_cast %mul3A_350 : i32 to index
        %swap3A_355 = tpu.vector_load %arg21[%swap3A_354] {strides = array<i32>} : memref<1280xf32, #tpu.memory_space<vmem>>, vector<16xf32>,
        tpu.vector_store %arg21[%swap3A_354], %gather3A_353 {strides = array<i32>} : memref<1280xf32, #tpu.memory_space<vmem>>, vector<16xf32>,
      }
      %scan3A_343 = arith.constant 80 : i32
      %dma_start3A_344 = arith.constant 0 : i32
      %dma_start3A_345 = tpu.memref_slice %arg24[%dma_start3A_344] : memref<50176xf32, #tpu.memory_space<vmem_shared>> -> memref<50176xf32, #tpu.memory_space<vmem_shared>>
      tpu.enqueue_indirect_dma source(%arg19 : memref<1280xf32, #tpu.memory_space<vmem>>) target(%dma_start3A_345 : memref<50176xf32, #tpu.memory_space<vmem_shared>>) offsets(%arg17 : memref<1280xi32, #tpu.memory_space<vmem>>) semaphore(%arg35 : memref<!tpu.dma_semaphore, #tpu.memory_space<semaphore_mem>>) {add = true}
      %dma_start3A_346 = arith.constant 0 : i32
      %dma_start3A_347 = tpu.memref_slice %arg25[%dma_start3A_346] : memref<50176xf32, #tpu.memory_space<vmem_shared>> -> memref<50176xf32, #tpu.memory_space<vmem_shared>>
      tpu.enqueue_indirect_dma source(%arg21 : memref<1280xf32, #tpu.memory_space<vmem>>) target(%dma_start3A_347 : memref<50176xf32, #tpu.memory_space<vmem_shared>>) offsets(%arg17 : memref<1280xi32, #tpu.memory_space<vmem>>) semaphore(%arg35 : memref<!tpu.dma_semaphore, #tpu.memory_space<semaphore_mem>>) {add = true}
    }
    %scan3A_79 = arith.constant 19 : i32
    %dma_wait3A_80 = arith.constant 0 : i32
    %dma_wait3A_81 = tpu.memref_slice %arg24[%dma_wait3A_80] : memref<50176xf32, #tpu.memory_space<vmem_shared>> -> memref<50176xf32, #tpu.memory_space<vmem_shared>>
    tpu.wait_indirect_dma semaphore(%arg34 : memref<!tpu.dma_semaphore, #tpu.memory_space<semaphore_mem>>) src(%arg18 : memref<1280xf32, #tpu.memory_space<vmem>>) dst(%dma_wait3A_81 : memref<50176xf32, #tpu.memory_space<vmem_shared>>)
    %dma_wait3A_82 = arith.constant 0 : i32
    %dma_wait3A_83 = tpu.memref_slice %arg25[%dma_wait3A_82] : memref<50176xf32, #tpu.memory_space<vmem_shared>> -> memref<50176xf32, #tpu.memory_space<vmem_shared>>
    tpu.wait_indirect_dma semaphore(%arg34 : memref<!tpu.dma_semaphore, #tpu.memory_space<semaphore_mem>>) src(%arg20 : memref<1280xf32, #tpu.memory_space<vmem>>) dst(%dma_wait3A_83 : memref<50176xf32, #tpu.memory_space<vmem_shared>>)
    %dma_wait3A_84 = arith.constant 0 : i32
    %dma_wait3A_85 = tpu.memref_slice %arg4[%dma_wait3A_84] : memref<3200000xi32, #tpu.memory_space<hbm>> -> memref<1280xi32, #tpu.memory_space<hbm>>
    %dma_wait3A_86 = arith.constant 0 : i32
    %dma_wait3A_87 = tpu.memref_slice %arg4[%dma_wait3A_86] : memref<3200000xi32, #tpu.memory_space<hbm>> -> memref<1280xi32, #tpu.memory_space<hbm>>
    tpu.wait_dma2 semaphore(%arg30 : memref<!tpu.dma_semaphore, #tpu.memory_space<semaphore_mem>>) src(%dma_wait3A_87 : memref<1280xi32, #tpu.memory_space<hbm>>) dst(%arg10 : memref<1280xi32, #tpu.memory_space<vmem>>)
    %dma_wait3A_88 = arith.constant 0 : i32
    %dma_wait3A_89 = tpu.memref_slice %arg4[%dma_wait3A_88] : memref<3200000xi32, #tpu.memory_space<hbm>> -> memref<1280xi32, #tpu.memory_space<hbm>>
    %dma_wait3A_90 = arith.constant 0 : i32
    %dma_wait3A_91 = tpu.memref_slice %arg4[%dma_wait3A_90] : memref<3200000xi32, #tpu.memory_space<hbm>> -> memref<1280xi32, #tpu.memory_space<hbm>>
    tpu.wait_dma2 semaphore(%arg30 : memref<!tpu.dma_semaphore, #tpu.memory_space<semaphore_mem>>) src(%dma_wait3A_91 : memref<1280xi32, #tpu.memory_space<hbm>>) dst(%arg14 : memref<1280xi32, #tpu.memory_space<vmem>>)
    %scan3A_92 = arith.constant 0 : i32
    %scan3A_93 = arith.constant 0 : i32
    %scan3A_94 = arith.constant 80 : i32
    %scan3A_95 = arith.addi %scan3A_93, %scan3A_94 : i32
    %scan3A_96 = arith.constant 1 : i32
    scf.for %scan3A_215 = %scan3A_93 to %scan3A_95 step %scan3A_96  : i32 {
      %mul3A_216 = arith.constant 16 : i32
      %mul3A_217 = arith.muli %scan3A_215, %mul3A_216 : i32
      %get3A = arith.index_cast %mul3A_217 : i32 to index
      %get3A_218 = tpu.vector_load %arg10[%get3A] {strides = array<i32>} : memref<1280xi32, #tpu.memory_space<vmem>>, vector<16xi32>,
      %gather3A = tpu.vector_load_idx %arg8[%get3A_218] : memref<50000xf32, #tpu.memory_space<vmem>>[vector<16xi32>], vector<16xf32>,
      %swap3A = arith.index_cast %mul3A_217 : i32 to index
      %swap3A_219 = tpu.vector_load %arg18[%swap3A] {strides = array<i32>} : memref<1280xf32, #tpu.memory_space<vmem>>, vector<16xf32>,
      tpu.vector_store %arg18[%swap3A], %gather3A {strides = array<i32>} : memref<1280xf32, #tpu.memory_space<vmem>>, vector<16xf32>,
      %gather3A_220 = tpu.vector_load_idx %arg9[%get3A_218] : memref<50000xf32, #tpu.memory_space<vmem>>[vector<16xi32>], vector<16xf32>,
      %swap3A_221 = arith.index_cast %mul3A_217 : i32 to index
      %swap3A_222 = tpu.vector_load %arg20[%swap3A_221] {strides = array<i32>} : memref<1280xf32, #tpu.memory_space<vmem>>, vector<16xf32>,
      tpu.vector_store %arg20[%swap3A_221], %gather3A_220 {strides = array<i32>} : memref<1280xf32, #tpu.memory_space<vmem>>, vector<16xf32>,
    }
    %scan3A_97 = arith.constant 80 : i32
    %dma_start3A_98 = arith.constant 0 : i32
    %dma_start3A_99 = tpu.memref_slice %arg24[%dma_start3A_98] : memref<50176xf32, #tpu.memory_space<vmem_shared>> -> memref<50176xf32, #tpu.memory_space<vmem_shared>>
    tpu.enqueue_indirect_dma source(%arg18 : memref<1280xf32, #tpu.memory_space<vmem>>) target(%dma_start3A_99 : memref<50176xf32, #tpu.memory_space<vmem_shared>>) offsets(%arg14 : memref<1280xi32, #tpu.memory_space<vmem>>) semaphore(%arg34 : memref<!tpu.dma_semaphore, #tpu.memory_space<semaphore_mem>>) {add = true}
    %dma_start3A_100 = arith.constant 0 : i32
    %dma_start3A_101 = tpu.memref_slice %arg25[%dma_start3A_100] : memref<50176xf32, #tpu.memory_space<vmem_shared>> -> memref<50176xf32, #tpu.memory_space<vmem_shared>>
    tpu.enqueue_indirect_dma source(%arg20 : memref<1280xf32, #tpu.memory_space<vmem>>) target(%dma_start3A_101 : memref<50176xf32, #tpu.memory_space<vmem_shared>>) offsets(%arg14 : memref<1280xi32, #tpu.memory_space<vmem>>) semaphore(%arg34 : memref<!tpu.dma_semaphore, #tpu.memory_space<semaphore_mem>>) {add = true}
    %dma_wait3A_102 = arith.constant 0 : i32
    %dma_wait3A_103 = tpu.memref_slice %arg24[%dma_wait3A_102] : memref<50176xf32, #tpu.memory_space<vmem_shared>> -> memref<50176xf32, #tpu.memory_space<vmem_shared>>
    tpu.wait_indirect_dma semaphore(%arg35 : memref<!tpu.dma_semaphore, #tpu.memory_space<semaphore_mem>>) src(%arg19 : memref<1280xf32, #tpu.memory_space<vmem>>) dst(%dma_wait3A_103 : memref<50176xf32, #tpu.memory_space<vmem_shared>>)
    %dma_wait3A_104 = arith.constant 0 : i32
    %dma_wait3A_105 = tpu.memref_slice %arg25[%dma_wait3A_104] : memref<50176xf32, #tpu.memory_space<vmem_shared>> -> memref<50176xf32, #tpu.memory_space<vmem_shared>>
    tpu.wait_indirect_dma semaphore(%arg35 : memref<!tpu.dma_semaphore, #tpu.memory_space<semaphore_mem>>) src(%arg21 : memref<1280xf32, #tpu.memory_space<vmem>>) dst(%dma_wait3A_105 : memref<50176xf32, #tpu.memory_space<vmem_shared>>)
    %dma_wait3A_106 = arith.constant 0 : i32
    %dma_wait3A_107 = tpu.memref_slice %arg4[%dma_wait3A_106] : memref<3200000xi32, #tpu.memory_space<hbm>> -> memref<1280xi32, #tpu.memory_space<hbm>>
    %dma_wait3A_108 = arith.constant 0 : i32
    %dma_wait3A_109 = tpu.memref_slice %arg4[%dma_wait3A_108] : memref<3200000xi32, #tpu.memory_space<hbm>> -> memref<1280xi32, #tpu.memory_space<hbm>>
    tpu.wait_dma2 semaphore(%arg31 : memref<!tpu.dma_semaphore, #tpu.memory_space<semaphore_mem>>) src(%dma_wait3A_109 : memref<1280xi32, #tpu.memory_space<hbm>>) dst(%arg11 : memref<1280xi32, #tpu.memory_space<vmem>>)
    %dma_wait3A_110 = arith.constant 0 : i32
    %dma_wait3A_111 = tpu.memref_slice %arg4[%dma_wait3A_110] : memref<3200000xi32, #tpu.memory_space<hbm>> -> memref<1280xi32, #tpu.memory_space<hbm>>
    %dma_wait3A_112 = arith.constant 0 : i32
    %dma_wait3A_113 = tpu.memref_slice %arg4[%dma_wait3A_112] : memref<3200000xi32, #tpu.memory_space<hbm>> -> memref<1280xi32, #tpu.memory_space<hbm>>
    tpu.wait_dma2 semaphore(%arg31 : memref<!tpu.dma_semaphore, #tpu.memory_space<semaphore_mem>>) src(%dma_wait3A_113 : memref<1280xi32, #tpu.memory_space<hbm>>) dst(%arg15 : memref<1280xi32, #tpu.memory_space<vmem>>)
    %scan3A_114 = arith.constant 0 : i32
    %scan3A_115 = arith.constant 0 : i32
    %scan3A_116 = arith.constant 80 : i32
    %scan3A_117 = arith.addi %scan3A_115, %scan3A_116 : i32
    %scan3A_118 = arith.constant 1 : i32
    scf.for %scan3A_215 = %scan3A_115 to %scan3A_117 step %scan3A_118  : i32 {
      %mul3A_216 = arith.constant 16 : i32
      %mul3A_217 = arith.muli %scan3A_215, %mul3A_216 : i32
      %get3A = arith.index_cast %mul3A_217 : i32 to index
      %get3A_218 = tpu.vector_load %arg11[%get3A] {strides = array<i32>} : memref<1280xi32, #tpu.memory_space<vmem>>, vector<16xi32>,
      %gather3A = tpu.vector_load_idx %arg8[%get3A_218] : memref<50000xf32, #tpu.memory_space<vmem>>[vector<16xi32>], vector<16xf32>,
      %swap3A = arith.index_cast %mul3A_217 : i32 to index
      %swap3A_219 = tpu.vector_load %arg19[%swap3A] {strides = array<i32>} : memref<1280xf32, #tpu.memory_space<vmem>>, vector<16xf32>,
      tpu.vector_store %arg19[%swap3A], %gather3A {strides = array<i32>} : memref<1280xf32, #tpu.memory_space<vmem>>, vector<16xf32>,
      %gather3A_220 = tpu.vector_load_idx %arg9[%get3A_218] : memref<50000xf32, #tpu.memory_space<vmem>>[vector<16xi32>], vector<16xf32>,
      %swap3A_221 = arith.index_cast %mul3A_217 : i32 to index
      %swap3A_222 = tpu.vector_load %arg21[%swap3A_221] {strides = array<i32>} : memref<1280xf32, #tpu.memory_space<vmem>>, vector<16xf32>,
      tpu.vector_store %arg21[%swap3A_221], %gather3A_220 {strides = array<i32>} : memref<1280xf32, #tpu.memory_space<vmem>>, vector<16xf32>,
    }
    %scan3A_119 = arith.constant 80 : i32
    %dma_start3A_120 = arith.constant 0 : i32
    %dma_start3A_121 = tpu.memref_slice %arg24[%dma_start3A_120] : memref<50176xf32, #tpu.memory_space<vmem_shared>> -> memref<50176xf32, #tpu.memory_space<vmem_shared>>
    tpu.enqueue_indirect_dma source(%arg19 : memref<1280xf32, #tpu.memory_space<vmem>>) target(%dma_start3A_121 : memref<50176xf32, #tpu.memory_space<vmem_shared>>) offsets(%arg15 : memref<1280xi32, #tpu.memory_space<vmem>>) semaphore(%arg35 : memref<!tpu.dma_semaphore, #tpu.memory_space<semaphore_mem>>) {add = true}
    %dma_start3A_122 = arith.constant 0 : i32
    %dma_start3A_123 = tpu.memref_slice %arg25[%dma_start3A_122] : memref<50176xf32, #tpu.memory_space<vmem_shared>> -> memref<50176xf32, #tpu.memory_space<vmem_shared>>
    tpu.enqueue_indirect_dma source(%arg21 : memref<1280xf32, #tpu.memory_space<vmem>>) target(%dma_start3A_123 : memref<50176xf32, #tpu.memory_space<vmem_shared>>) offsets(%arg15 : memref<1280xi32, #tpu.memory_space<vmem>>) semaphore(%arg35 : memref<!tpu.dma_semaphore, #tpu.memory_space<semaphore_mem>>) {add = true}
    %dma_wait3A_124 = arith.constant 0 : i32
    %dma_wait3A_125 = tpu.memref_slice %arg4[%dma_wait3A_124] : memref<3200000xi32, #tpu.memory_space<hbm>> -> memref<160xi32, #tpu.memory_space<hbm>>
    %dma_wait3A_126 = arith.constant 0 : i32
    %dma_wait3A_127 = tpu.memref_slice %arg4[%dma_wait3A_126] : memref<3200000xi32, #tpu.memory_space<hbm>> -> memref<160xi32, #tpu.memory_space<hbm>>
    tpu.wait_dma2 semaphore(%arg36 : memref<!tpu.dma_semaphore, #tpu.memory_space<semaphore_mem>>) src(%dma_wait3A_127 : memref<160xi32, #tpu.memory_space<hbm>>) dst(%arg26 : memref<160xi32, #tpu.memory_space<vmem>>)
    %dma_wait3A_128 = arith.constant 0 : i32
    %dma_wait3A_129 = tpu.memref_slice %arg4[%dma_wait3A_128] : memref<3200000xi32, #tpu.memory_space<hbm>> -> memref<160xi32, #tpu.memory_space<hbm>>
    %dma_wait3A_130 = arith.constant 0 : i32
    %dma_wait3A_131 = tpu.memref_slice %arg4[%dma_wait3A_130] : memref<3200000xi32, #tpu.memory_space<hbm>> -> memref<160xi32, #tpu.memory_space<hbm>>
    tpu.wait_dma2 semaphore(%arg36 : memref<!tpu.dma_semaphore, #tpu.memory_space<semaphore_mem>>) src(%dma_wait3A_131 : memref<160xi32, #tpu.memory_space<hbm>>) dst(%arg27 : memref<160xi32, #tpu.memory_space<vmem>>)
    %scan3A_132 = arith.constant 0 : i32
    %scan3A_133 = arith.constant 0 : i32
    %scan3A_134 = arith.constant 10 : i32
    %scan3A_135 = arith.addi %scan3A_133, %scan3A_134 : i32
    %scan3A_136 = arith.constant 1 : i32
    scf.for %scan3A_215 = %scan3A_133 to %scan3A_135 step %scan3A_136  : i32 {
      %mul3A_216 = arith.constant 16 : i32
      %mul3A_217 = arith.muli %scan3A_215, %mul3A_216 : i32
      %get3A = arith.index_cast %mul3A_217 : i32 to index
      %get3A_218 = tpu.vector_load %arg26[%get3A] {strides = array<i32>} : memref<160xi32, #tpu.memory_space<vmem>>, vector<16xi32>,
      %gather3A = tpu.vector_load_idx %arg8[%get3A_218] : memref<50000xf32, #tpu.memory_space<vmem>>[vector<16xi32>], vector<16xf32>,
      %swap3A = arith.index_cast %mul3A_217 : i32 to index
      %swap3A_219 = tpu.vector_load %arg28[%swap3A] {strides = array<i32>} : memref<160xf32, #tpu.memory_space<vmem>>, vector<16xf32>,
      tpu.vector_store %arg28[%swap3A], %gather3A {strides = array<i32>} : memref<160xf32, #tpu.memory_space<vmem>>, vector<16xf32>,
      %gather3A_220 = tpu.vector_load_idx %arg9[%get3A_218] : memref<50000xf32, #tpu.memory_space<vmem>>[vector<16xi32>], vector<16xf32>,
      %swap3A_221 = arith.index_cast %mul3A_217 : i32 to index
      %swap3A_222 = tpu.vector_load %arg29[%swap3A_221] {strides = array<i32>} : memref<160xf32, #tpu.memory_space<vmem>>, vector<16xf32>,
      tpu.vector_store %arg29[%swap3A_221], %gather3A_220 {strides = array<i32>} : memref<160xf32, #tpu.memory_space<vmem>>, vector<16xf32>,
    }
    %scan3A_137 = arith.constant 10 : i32
    %dma_start3A_138 = arith.constant 0 : i32
    %dma_start3A_139 = tpu.memref_slice %arg24[%dma_start3A_138] : memref<50176xf32, #tpu.memory_space<vmem_shared>> -> memref<50176xf32, #tpu.memory_space<vmem_shared>>
    tpu.enqueue_indirect_dma source(%arg28 : memref<160xf32, #tpu.memory_space<vmem>>) target(%dma_start3A_139 : memref<50176xf32, #tpu.memory_space<vmem_shared>>) offsets(%arg27 : memref<160xi32, #tpu.memory_space<vmem>>) semaphore(%arg36 : memref<!tpu.dma_semaphore, #tpu.memory_space<semaphore_mem>>) {add = true}
    %dma_start3A_140 = arith.constant 0 : i32
    %dma_start3A_141 = tpu.memref_slice %arg25[%dma_start3A_140] : memref<50176xf32, #tpu.memory_space<vmem_shared>> -> memref<50176xf32, #tpu.memory_space<vmem_shared>>
    tpu.enqueue_indirect_dma source(%arg29 : memref<160xf32, #tpu.memory_space<vmem>>) target(%dma_start3A_141 : memref<50176xf32, #tpu.memory_space<vmem_shared>>) offsets(%arg27 : memref<160xi32, #tpu.memory_space<vmem>>) semaphore(%arg36 : memref<!tpu.dma_semaphore, #tpu.memory_space<semaphore_mem>>) {add = true}
    %dma_wait3A_142 = arith.constant 0 : i32
    %dma_wait3A_143 = tpu.memref_slice %arg24[%dma_wait3A_142] : memref<50176xf32, #tpu.memory_space<vmem_shared>> -> memref<50176xf32, #tpu.memory_space<vmem_shared>>
    tpu.wait_indirect_dma semaphore(%arg34 : memref<!tpu.dma_semaphore, #tpu.memory_space<semaphore_mem>>) src(%arg18 : memref<1280xf32, #tpu.memory_space<vmem>>) dst(%dma_wait3A_143 : memref<50176xf32, #tpu.memory_space<vmem_shared>>)
    %dma_wait3A_144 = arith.constant 0 : i32
    %dma_wait3A_145 = tpu.memref_slice %arg25[%dma_wait3A_144] : memref<50176xf32, #tpu.memory_space<vmem_shared>> -> memref<50176xf32, #tpu.memory_space<vmem_shared>>
    tpu.wait_indirect_dma semaphore(%arg34 : memref<!tpu.dma_semaphore, #tpu.memory_space<semaphore_mem>>) src(%arg20 : memref<1280xf32, #tpu.memory_space<vmem>>) dst(%dma_wait3A_145 : memref<50176xf32, #tpu.memory_space<vmem_shared>>)
    %dma_wait3A_146 = arith.constant 0 : i32
    %dma_wait3A_147 = tpu.memref_slice %arg24[%dma_wait3A_146] : memref<50176xf32, #tpu.memory_space<vmem_shared>> -> memref<50176xf32, #tpu.memory_space<vmem_shared>>
    tpu.wait_indirect_dma semaphore(%arg35 : memref<!tpu.dma_semaphore, #tpu.memory_space<semaphore_mem>>) src(%arg19 : memref<1280xf32, #tpu.memory_space<vmem>>) dst(%dma_wait3A_147 : memref<50176xf32, #tpu.memory_space<vmem_shared>>)
    %dma_wait3A_148 = arith.constant 0 : i32
    %dma_wait3A_149 = tpu.memref_slice %arg25[%dma_wait3A_148] : memref<50176xf32, #tpu.memory_space<vmem_shared>> -> memref<50176xf32, #tpu.memory_space<vmem_shared>>
    tpu.wait_indirect_dma semaphore(%arg35 : memref<!tpu.dma_semaphore, #tpu.memory_space<semaphore_mem>>) src(%arg21 : memref<1280xf32, #tpu.memory_space<vmem>>) dst(%dma_wait3A_149 : memref<50176xf32, #tpu.memory_space<vmem_shared>>)
    %dma_wait3A_150 = arith.constant 0 : i32
    %dma_wait3A_151 = tpu.memref_slice %arg24[%dma_wait3A_150] : memref<50176xf32, #tpu.memory_space<vmem_shared>> -> memref<50176xf32, #tpu.memory_space<vmem_shared>>
    tpu.wait_indirect_dma semaphore(%arg36 : memref<!tpu.dma_semaphore, #tpu.memory_space<semaphore_mem>>) src(%arg28 : memref<160xf32, #tpu.memory_space<vmem>>) dst(%dma_wait3A_151 : memref<50176xf32, #tpu.memory_space<vmem_shared>>)
    %dma_wait3A_152 = arith.constant 0 : i32
    %dma_wait3A_153 = tpu.memref_slice %arg25[%dma_wait3A_152] : memref<50176xf32, #tpu.memory_space<vmem_shared>> -> memref<50176xf32, #tpu.memory_space<vmem_shared>>
    tpu.wait_indirect_dma semaphore(%arg36 : memref<!tpu.dma_semaphore, #tpu.memory_space<semaphore_mem>>) src(%arg29 : memref<160xf32, #tpu.memory_space<vmem>>) dst(%dma_wait3A_153 : memref<50176xf32, #tpu.memory_space<vmem_shared>>)
    %barrier3A_154 = arith.constant 0 : index
    tpu.barrier barrier_id(%barrier3A_154)
    %mul3A_155 = arith.constant 3136 : i32
    %mul3A_156 = arith.muli %arg1, %mul3A_155 : i32
    %add3A_157 = arith.constant 0 : i32
    %add3A_158 = arith.addi %mul3A_156, %add3A_157 : i32
    %mul3A_159 = arith.constant 50176 : i32
    %mul3A_160 = arith.muli %arg0, %mul3A_159 : i32
    %mul3A_161 = arith.constant 3136 : i32
    %mul3A_162 = arith.muli %arg1, %mul3A_161 : i32
    %add3A_163 = arith.addi %mul3A_160, %mul3A_162 : i32
    %add3A_164 = arith.constant 0 : i32
    %add3A_165 = arith.addi %add3A_163, %add3A_164 : i32
    %mul3A_166 = arith.constant 3136 : i32
    %mul3A_167 = arith.muli %arg1, %mul3A_166 : i32
    %add3A_168 = arith.constant 1568 : i32
    %add3A_169 = arith.addi %mul3A_167, %add3A_168 : i32
    %mul3A_170 = arith.constant 50176 : i32
    %mul3A_171 = arith.muli %arg0, %mul3A_170 : i32
    %mul3A_172 = arith.constant 3136 : i32
    %mul3A_173 = arith.muli %arg1, %mul3A_172 : i32
    %add3A_174 = arith.addi %mul3A_171, %mul3A_173 : i32
    %add3A_175 = arith.constant 1568 : i32
    %add3A_176 = arith.addi %add3A_174, %add3A_175 : i32
    %mul3A_177 = arith.constant 3136 : i32
    %mul3A_178 = arith.muli %arg1, %mul3A_177 : i32
    %add3A_179 = arith.constant 0 : i32
    %add3A_180 = arith.addi %mul3A_178, %add3A_179 : i32
    %mul3A_181 = arith.constant 50176 : i32
    %mul3A_182 = arith.muli %arg0, %mul3A_181 : i32
    %mul3A_183 = arith.constant 3136 : i32
    %mul3A_184 = arith.muli %arg1, %mul3A_183 : i32
    %add3A_185 = arith.addi %mul3A_182, %mul3A_184 : i32
    %add3A_186 = arith.constant 0 : i32
    %add3A_187 = arith.addi %add3A_185, %add3A_186 : i32
    %mul3A_188 = arith.constant 3136 : i32
    %mul3A_189 = arith.muli %arg1, %mul3A_188 : i32
    %add3A_190 = arith.constant 1568 : i32
    %add3A_191 = arith.addi %mul3A_189, %add3A_190 : i32
    %mul3A_192 = arith.constant 50176 : i32
    %mul3A_193 = arith.muli %arg0, %mul3A_192 : i32
    %mul3A_194 = arith.constant 3136 : i32
    %mul3A_195 = arith.muli %arg1, %mul3A_194 : i32
    %add3A_196 = arith.addi %mul3A_193, %mul3A_195 : i32
    %add3A_197 = arith.constant 1568 : i32
    %add3A_198 = arith.addi %add3A_196, %add3A_197 : i32
    "tpu.region"() ({
      %run_scoped3A = tpu.sem_alloc : memref<!tpu.dma_semaphore, #tpu.memory_space<semaphore_mem>>
      %dma_start3A_215 = tpu.memref_slice %arg24[%add3A_158] : memref<50176xf32, #tpu.memory_space<vmem_shared>> -> memref<1568xf32, #tpu.memory_space<vmem_shared>>
      %dma_start3A_216 = tpu.memref_slice %arg24[%add3A_158] : memref<50176xf32, #tpu.memory_space<vmem_shared>> -> memref<1568xf32, #tpu.memory_space<vmem_shared>>
      tpu.enqueue_dma source(%dma_start3A_216 : memref<1568xf32, #tpu.memory_space<vmem_shared>>) target(%arg22 : memref<1568xf32, #tpu.memory_space<vmem>>) target_semaphore(%run_scoped3A : memref<!tpu.dma_semaphore, #tpu.memory_space<semaphore_mem>>)
      %dma_wait3A_217 = tpu.memref_slice %arg24[%add3A_158] : memref<50176xf32, #tpu.memory_space<vmem_shared>> -> memref<1568xf32, #tpu.memory_space<vmem_shared>>
      %dma_wait3A_218 = tpu.memref_slice %arg24[%add3A_158] : memref<50176xf32, #tpu.memory_space<vmem_shared>> -> memref<1568xf32, #tpu.memory_space<vmem_shared>>
      tpu.wait_dma2 semaphore(%run_scoped3A : memref<!tpu.dma_semaphore, #tpu.memory_space<semaphore_mem>>) src(%dma_wait3A_218 : memref<1568xf32, #tpu.memory_space<vmem_shared>>) dst(%arg22 : memref<1568xf32, #tpu.memory_space<vmem>>)
      tpu.yield
    }) : () -> ()
    %dma_start3A_199 = tpu.memref_slice %arg6[%add3A_165] : memref<100352xf32, #tpu.memory_space<hbm>> -> memref<1568xf32, #tpu.memory_space<hbm>>
    %dma_start3A_200 = tpu.memref_slice %arg6[%add3A_165] : memref<100352xf32, #tpu.memory_space<hbm>> -> memref<1568xf32, #tpu.memory_space<hbm>>
    tpu.enqueue_dma source(%arg22 : memref<1568xf32, #tpu.memory_space<vmem>>) target(%dma_start3A_200 : memref<1568xf32, #tpu.memory_space<hbm>>) target_semaphore(%arg36 : memref<!tpu.dma_semaphore, #tpu.memory_space<semaphore_mem>>)
    "tpu.region"() ({
      %run_scoped3A = tpu.sem_alloc : memref<!tpu.dma_semaphore, #tpu.memory_space<semaphore_mem>>
      %dma_start3A_215 = tpu.memref_slice %arg24[%add3A_169] : memref<50176xf32, #tpu.memory_space<vmem_shared>> -> memref<1568xf32, #tpu.memory_space<vmem_shared>>
      %dma_start3A_216 = tpu.memref_slice %arg24[%add3A_169] : memref<50176xf32, #tpu.memory_space<vmem_shared>> -> memref<1568xf32, #tpu.memory_space<vmem_shared>>
      tpu.enqueue_dma source(%dma_start3A_216 : memref<1568xf32, #tpu.memory_space<vmem_shared>>) target(%arg23 : memref<1568xf32, #tpu.memory_space<vmem>>) target_semaphore(%run_scoped3A : memref<!tpu.dma_semaphore, #tpu.memory_space<semaphore_mem>>)
      %dma_wait3A_217 = tpu.memref_slice %arg24[%add3A_169] : memref<50176xf32, #tpu.memory_space<vmem_shared>> -> memref<1568xf32, #tpu.memory_space<vmem_shared>>
      %dma_wait3A_218 = tpu.memref_slice %arg24[%add3A_169] : memref<50176xf32, #tpu.memory_space<vmem_shared>> -> memref<1568xf32, #tpu.memory_space<vmem_shared>>
      tpu.wait_dma2 semaphore(%run_scoped3A : memref<!tpu.dma_semaphore, #tpu.memory_space<semaphore_mem>>) src(%dma_wait3A_218 : memref<1568xf32, #tpu.memory_space<vmem_shared>>) dst(%arg23 : memref<1568xf32, #tpu.memory_space<vmem>>)
      tpu.yield
    }) : () -> ()
    %dma_start3A_201 = tpu.memref_slice %arg6[%add3A_176] : memref<100352xf32, #tpu.memory_space<hbm>> -> memref<1568xf32, #tpu.memory_space<hbm>>
    %dma_start3A_202 = tpu.memref_slice %arg6[%add3A_176] : memref<100352xf32, #tpu.memory_space<hbm>> -> memref<1568xf32, #tpu.memory_space<hbm>>
    tpu.enqueue_dma source(%arg23 : memref<1568xf32, #tpu.memory_space<vmem>>) target(%dma_start3A_202 : memref<1568xf32, #tpu.memory_space<hbm>>) target_semaphore(%arg36 : memref<!tpu.dma_semaphore, #tpu.memory_space<semaphore_mem>>)
    %dma_wait3A_203 = tpu.memref_slice %arg6[%add3A_165] : memref<100352xf32, #tpu.memory_space<hbm>> -> memref<1568xf32, #tpu.memory_space<hbm>>
    %dma_wait3A_204 = tpu.memref_slice %arg6[%add3A_165] : memref<100352xf32, #tpu.memory_space<hbm>> -> memref<1568xf32, #tpu.memory_space<hbm>>
    tpu.wait_dma2 semaphore(%arg36 : memref<!tpu.dma_semaphore, #tpu.memory_space<semaphore_mem>>) src(%arg22 : memref<1568xf32, #tpu.memory_space<vmem>>) dst(%dma_wait3A_204 : memref<1568xf32, #tpu.memory_space<hbm>>)
    "tpu.region"() ({
      %run_scoped3A = tpu.sem_alloc : memref<!tpu.dma_semaphore, #tpu.memory_space<semaphore_mem>>
      %dma_start3A_215 = tpu.memref_slice %arg25[%add3A_180] : memref<50176xf32, #tpu.memory_space<vmem_shared>> -> memref<1568xf32, #tpu.memory_space<vmem_shared>>
      %dma_start3A_216 = tpu.memref_slice %arg25[%add3A_180] : memref<50176xf32, #tpu.memory_space<vmem_shared>> -> memref<1568xf32, #tpu.memory_space<vmem_shared>>
      tpu.enqueue_dma source(%dma_start3A_216 : memref<1568xf32, #tpu.memory_space<vmem_shared>>) target(%arg22 : memref<1568xf32, #tpu.memory_space<vmem>>) target_semaphore(%run_scoped3A : memref<!tpu.dma_semaphore, #tpu.memory_space<semaphore_mem>>)
      %dma_wait3A_217 = tpu.memref_slice %arg25[%add3A_180] : memref<50176xf32, #tpu.memory_space<vmem_shared>> -> memref<1568xf32, #tpu.memory_space<vmem_shared>>
      %dma_wait3A_218 = tpu.memref_slice %arg25[%add3A_180] : memref<50176xf32, #tpu.memory_space<vmem_shared>> -> memref<1568xf32, #tpu.memory_space<vmem_shared>>
      tpu.wait_dma2 semaphore(%run_scoped3A : memref<!tpu.dma_semaphore, #tpu.memory_space<semaphore_mem>>) src(%dma_wait3A_218 : memref<1568xf32, #tpu.memory_space<vmem_shared>>) dst(%arg22 : memref<1568xf32, #tpu.memory_space<vmem>>)
      tpu.yield
    }) : () -> ()
    %dma_start3A_205 = tpu.memref_slice %arg7[%add3A_187] : memref<100352xf32, #tpu.memory_space<hbm>> -> memref<1568xf32, #tpu.memory_space<hbm>>
    %dma_start3A_206 = tpu.memref_slice %arg7[%add3A_187] : memref<100352xf32, #tpu.memory_space<hbm>> -> memref<1568xf32, #tpu.memory_space<hbm>>
    tpu.enqueue_dma source(%arg22 : memref<1568xf32, #tpu.memory_space<vmem>>) target(%dma_start3A_206 : memref<1568xf32, #tpu.memory_space<hbm>>) target_semaphore(%arg36 : memref<!tpu.dma_semaphore, #tpu.memory_space<semaphore_mem>>)
    %dma_wait3A_207 = tpu.memref_slice %arg6[%add3A_176] : memref<100352xf32, #tpu.memory_space<hbm>> -> memref<1568xf32, #tpu.memory_space<hbm>>
    %dma_wait3A_208 = tpu.memref_slice %arg6[%add3A_176] : memref<100352xf32, #tpu.memory_space<hbm>> -> memref<1568xf32, #tpu.memory_space<hbm>>
    tpu.wait_dma2 semaphore(%arg36 : memref<!tpu.dma_semaphore, #tpu.memory_space<semaphore_mem>>) src(%arg23 : memref<1568xf32, #tpu.memory_space<vmem>>) dst(%dma_wait3A_208 : memref<1568xf32, #tpu.memory_space<hbm>>)
    "tpu.region"() ({
      %run_scoped3A = tpu.sem_alloc : memref<!tpu.dma_semaphore, #tpu.memory_space<semaphore_mem>>
      %dma_start3A_215 = tpu.memref_slice %arg25[%add3A_191] : memref<50176xf32, #tpu.memory_space<vmem_shared>> -> memref<1568xf32, #tpu.memory_space<vmem_shared>>
      %dma_start3A_216 = tpu.memref_slice %arg25[%add3A_191] : memref<50176xf32, #tpu.memory_space<vmem_shared>> -> memref<1568xf32, #tpu.memory_space<vmem_shared>>
      tpu.enqueue_dma source(%dma_start3A_216 : memref<1568xf32, #tpu.memory_space<vmem_shared>>) target(%arg23 : memref<1568xf32, #tpu.memory_space<vmem>>) target_semaphore(%run_scoped3A : memref<!tpu.dma_semaphore, #tpu.memory_space<semaphore_mem>>)
      %dma_wait3A_217 = tpu.memref_slice %arg25[%add3A_191] : memref<50176xf32, #tpu.memory_space<vmem_shared>> -> memref<1568xf32, #tpu.memory_space<vmem_shared>>
      %dma_wait3A_218 = tpu.memref_slice %arg25[%add3A_191] : memref<50176xf32, #tpu.memory_space<vmem_shared>> -> memref<1568xf32, #tpu.memory_space<vmem_shared>>
      tpu.wait_dma2 semaphore(%run_scoped3A : memref<!tpu.dma_semaphore, #tpu.memory_space<semaphore_mem>>) src(%dma_wait3A_218 : memref<1568xf32, #tpu.memory_space<vmem_shared>>) dst(%arg23 : memref<1568xf32, #tpu.memory_space<vmem>>)
      tpu.yield
    }) : () -> ()
    %dma_start3A_209 = tpu.memref_slice %arg7[%add3A_198] : memref<100352xf32, #tpu.memory_space<hbm>> -> memref<1568xf32, #tpu.memory_space<hbm>>
    %dma_start3A_210 = tpu.memref_slice %arg7[%add3A_198] : memref<100352xf32, #tpu.memory_space<hbm>> -> memref<1568xf32, #tpu.memory_space<hbm>>
    tpu.enqueue_dma source(%arg23 : memref<1568xf32, #tpu.memory_space<vmem>>) target(%dma_start3A_210 : memref<1568xf32, #tpu.memory_space<hbm>>) target_semaphore(%arg36 : memref<!tpu.dma_semaphore, #tpu.memory_space<semaphore_mem>>)
    %dma_wait3A_211 = tpu.memref_slice %arg7[%add3A_187] : memref<100352xf32, #tpu.memory_space<hbm>> -> memref<1568xf32, #tpu.memory_space<hbm>>
    %dma_wait3A_212 = tpu.memref_slice %arg7[%add3A_187] : memref<100352xf32, #tpu.memory_space<hbm>> -> memref<1568xf32, #tpu.memory_space<hbm>>
    tpu.wait_dma2 semaphore(%arg36 : memref<!tpu.dma_semaphore, #tpu.memory_space<semaphore_mem>>) src(%arg22 : memref<1568xf32, #tpu.memory_space<vmem>>) dst(%dma_wait3A_212 : memref<1568xf32, #tpu.memory_space<hbm>>)
    %dma_wait3A_213 = tpu.memref_slice %arg7[%add3A_198] : memref<100352xf32, #tpu.memory_space<hbm>> -> memref<1568xf32, #tpu.memory_space<hbm>>
    %dma_wait3A_214 = tpu.memref_slice %arg7[%add3A_198] : memref<100352xf32, #tpu.memory_space<hbm>> -> memref<1568xf32, #tpu.memory_space<hbm>>
    tpu.wait_dma2 semaphore(%arg36 : memref<!tpu.dma_semaphore, #tpu.memory_space<semaphore_mem>>) src(%arg23 : memref<1568xf32, #tpu.memory_space<vmem>>) dst(%dma_wait3A_214 : memref<1568xf32, #tpu.memory_space<hbm>>)
    return
  }
}

module attributes {stable_mosaic.version = 14 : i64} {
  func.func @_tc_body(%arg0: i32, %arg1: memref<49x1024xf32, #tpu.memory_space<vmem>>, %arg2: memref<49x1024xf32, #tpu.memory_space<vmem>>, %arg3: memref<98x1024xf32, #tpu.memory_space<vmem>>, %arg4: memref<98x1024xf32, #tpu.memory_space<vmem>>, %arg5: memref<49x1024xf32, #tpu.memory_space<vmem>>, %arg6: memref<49x1024xf32, #tpu.memory_space<vmem>>, %arg7: memref<49x1024xf32, #tpu.memory_space<vmem>>, %arg8: memref<49x1024xf32, #tpu.memory_space<vmem>>, %arg9: memref<49x1024xf32, #tpu.memory_space<vmem>>, %arg10: memref<1x1024xf32, #tpu.memory_space<vmem>>, %arg11: memref<1x1024xf32, #tpu.memory_space<vmem>>, %arg12: memref<1024x1024xf32, #tpu.memory_space<vmem>>, %arg13: memref<1x1024xf32, #tpu.memory_space<vmem>>, %arg14: memref<1x1xf32, #tpu.memory_space<vmem>>, %arg15: memref<2x1024xf32, #tpu.memory_space<vmem>>) attributes {dimension_semantics = [#tpu.dimension_semantics<arbitrary>], iteration_bounds = array<i64: 49>, scalar_prefetch = 0 : i64, scratch_operands = 1 : i64, tpu.core_type = #tpu.core_type<tc>, window_params = [{pipeline_mode = #tpu.pipeline_mode<synchronous>, transform_indices = @transform_0, window_bounds = array<i64: 49, 1024>}, {pipeline_mode = #tpu.pipeline_mode<synchronous>, transform_indices = @transform_1, window_bounds = array<i64: 49, 1024>}, {pipeline_mode = #tpu.pipeline_mode<synchronous>, transform_indices = @transform_2, window_bounds = array<i64: 98, 1024>}, {pipeline_mode = #tpu.pipeline_mode<synchronous>, transform_indices = @transform_3, window_bounds = array<i64: 98, 1024>}, {pipeline_mode = #tpu.pipeline_mode<synchronous>, transform_indices = @transform_4, window_bounds = array<i64: 49, 1024>}, {pipeline_mode = #tpu.pipeline_mode<synchronous>, transform_indices = @transform_5, window_bounds = array<i64: 49, 1024>}, {pipeline_mode = #tpu.pipeline_mode<synchronous>, transform_indices = @transform_6, window_bounds = array<i64: 49, 1024>}, {pipeline_mode = #tpu.pipeline_mode<synchronous>, transform_indices = @transform_7, window_bounds = array<i64: 49, 1024>}, {pipeline_mode = #tpu.pipeline_mode<synchronous>, transform_indices = @transform_8, window_bounds = array<i64: 49, 1024>}, {pipeline_mode = #tpu.pipeline_mode<synchronous>, transform_indices = @transform_9, window_bounds = array<i64: 1, 1024>}, {pipeline_mode = #tpu.pipeline_mode<synchronous>, transform_indices = @transform_10, window_bounds = array<i64: 1, 1024>}, {transform_indices = @transform_11, window_bounds = array<i64: 1024, 1024>}, {pipeline_mode = #tpu.pipeline_mode<synchronous>, transform_indices = @transform_12, window_bounds = array<i64: 1, 1024>}, {pipeline_mode = #tpu.pipeline_mode<synchronous>, transform_indices = @transform_13, window_bounds = array<i64: 1, 1>}]} {
    %eq3A = arith.constant 0 : i32
    %eq3A_0 = arith.cmpi eq, %arg0, %eq3A : i32
    %convert_element_type3A = arith.extui %eq3A_0 : i1 to i32
    %cond3A = arith.constant 0 : i32
    %cond3A_1 = arith.cmpi ne, %convert_element_type3A, %cond3A : i32
    scf.if %cond3A_1 {
      %broadcast_in_dim3A_79 = arith.constant 0.000000e+00 : f32
      %broadcast_in_dim3A_80 = vector.broadcast %broadcast_in_dim3A_79 : f32 to vector<2x1024xf32>
      %swap3A_81 = arith.constant 0 : index
      %swap3A_82 = arith.constant 0 : index
      %swap3A_83 = vector.load %arg15[%swap3A_81, %swap3A_82] : memref<2x1024xf32, #tpu.memory_space<vmem>>, vector<2x1024xf32>
      tpu.vector_store %arg15[%swap3A_81, %swap3A_82], %broadcast_in_dim3A_80 {strides = array<i32>} : memref<2x1024xf32, #tpu.memory_space<vmem>>, vector<2x1024xf32>,
    } else {
    }
    %add3A = arith.constant 49 : i32
    %add3A_2 = arith.addi %add3A, %arg0 : i32
    %get3A = arith.index_cast %arg0 : i32 to index
    %get3A_3 = arith.constant 0 : index
    %get3A_4 = vector.load %arg5[%get3A, %get3A_3] : memref<49x1024xf32, #tpu.memory_space<vmem>>, vector<1x1024xf32>
    %get3A_5 = arith.constant 0 : index
    %get3A_6 = arith.constant 0 : index
    %get3A_7 = vector.load %arg10[%get3A_5, %get3A_6] : memref<1x1024xf32, #tpu.memory_space<vmem>>, vector<1x1024xf32>
    %get3A_8 = arith.constant 0 : index
    %get3A_9 = arith.constant 0 : index
    %get3A_10 = vector.load %arg11[%get3A_8, %get3A_9] : memref<1x1024xf32, #tpu.memory_space<vmem>>, vector<1x1024xf32>
    %get3A_11 = arith.index_cast %arg0 : i32 to index
    %get3A_12 = arith.constant 0 : index
    %get3A_13 = vector.load %arg3[%get3A_11, %get3A_12] : memref<98x1024xf32, #tpu.memory_space<vmem>>, vector<1x1024xf32>
    %get3A_14 = arith.index_cast %add3A_2 : i32 to index
    %get3A_15 = arith.constant 0 : index
    %get3A_16 = vector.load %arg3[%get3A_14, %get3A_15] : memref<98x1024xf32, #tpu.memory_space<vmem>>, vector<1x1024xf32>
    %add3A_17 = arith.addf %get3A_13, %get3A_16 : vector<1x1024xf32>
    %get3A_18 = arith.index_cast %arg0 : i32 to index
    %get3A_19 = arith.constant 0 : index
    %get3A_20 = vector.load %arg1[%get3A_18, %get3A_19] : memref<49x1024xf32, #tpu.memory_space<vmem>>, vector<1x1024xf32>
    %mul3A = arith.mulf %add3A_17, %get3A_4 : vector<1x1024xf32>
    %add3A_21 = arith.addf %get3A_20, %mul3A : vector<1x1024xf32>
    %mul3A_22 = arith.mulf %add3A_21, %get3A_7 : vector<1x1024xf32>
    %add3A_23 = arith.addf %mul3A_22, %get3A_10 : vector<1x1024xf32>
    %get3A_24 = arith.index_cast %arg0 : i32 to index
    %get3A_25 = arith.constant 0 : index
    %get3A_26 = vector.load %arg6[%get3A_24, %get3A_25] : memref<49x1024xf32, #tpu.memory_space<vmem>>, vector<1x1024xf32>
    %get3A_27 = arith.index_cast %arg0 : i32 to index
    %get3A_28 = arith.constant 0 : index
    %get3A_29 = vector.load %arg8[%get3A_27, %get3A_28] : memref<49x1024xf32, #tpu.memory_space<vmem>>, vector<1x1024xf32>
    %add3A_30 = arith.addf %get3A_26, %get3A_29 : vector<1x1024xf32>
    %add3A_31 = arith.addf %add3A_30, %add3A_23 : vector<1x1024xf32>
    %mul3A_32 = arith.constant 0.333333343 : f32
    %mul3A_33 = vector.broadcast %mul3A_32 : f32 to vector<1x1024xf32>
    %mul3A_34 = arith.mulf %add3A_31, %mul3A_33 : vector<1x1024xf32>
    %get3A_35 = arith.index_cast %arg0 : i32 to index
    %get3A_36 = arith.constant 0 : index
    %get3A_37 = vector.load %arg4[%get3A_35, %get3A_36] : memref<98x1024xf32, #tpu.memory_space<vmem>>, vector<1x1024xf32>
    %get3A_38 = arith.index_cast %add3A_2 : i32 to index
    %get3A_39 = arith.constant 0 : index
    %get3A_40 = vector.load %arg4[%get3A_38, %get3A_39] : memref<98x1024xf32, #tpu.memory_space<vmem>>, vector<1x1024xf32>
    %add3A_41 = arith.addf %get3A_37, %get3A_40 : vector<1x1024xf32>
    %get3A_42 = arith.index_cast %arg0 : i32 to index
    %get3A_43 = arith.constant 0 : index
    %get3A_44 = vector.load %arg2[%get3A_42, %get3A_43] : memref<49x1024xf32, #tpu.memory_space<vmem>>, vector<1x1024xf32>
    %mul3A_45 = arith.mulf %add3A_41, %get3A_4 : vector<1x1024xf32>
    %add3A_46 = arith.addf %get3A_44, %mul3A_45 : vector<1x1024xf32>
    %mul3A_47 = arith.mulf %add3A_46, %get3A_7 : vector<1x1024xf32>
    %add3A_48 = arith.addf %mul3A_47, %get3A_10 : vector<1x1024xf32>
    %get3A_49 = arith.index_cast %arg0 : i32 to index
    %get3A_50 = arith.constant 0 : index
    %get3A_51 = vector.load %arg7[%get3A_49, %get3A_50] : memref<49x1024xf32, #tpu.memory_space<vmem>>, vector<1x1024xf32>
    %get3A_52 = arith.index_cast %arg0 : i32 to index
    %get3A_53 = arith.constant 0 : index
    %get3A_54 = vector.load %arg9[%get3A_52, %get3A_53] : memref<49x1024xf32, #tpu.memory_space<vmem>>, vector<1x1024xf32>
    %add3A_55 = arith.addf %get3A_51, %get3A_54 : vector<1x1024xf32>
    %add3A_56 = arith.addf %add3A_55, %add3A_48 : vector<1x1024xf32>
    %mul3A_57 = arith.constant 0.333333343 : f32
    %mul3A_58 = vector.broadcast %mul3A_57 : f32 to vector<1x1024xf32>
    %mul3A_59 = arith.mulf %add3A_56, %mul3A_58 : vector<1x1024xf32>
    %concatenate3A = tpu.concatenate %mul3A_34, %mul3A_59 in 0 : vector<1x1024xf32>, vector<1x1024xf32> -> vector<2x1024xf32>
    %mul3A_60 = arith.constant 1024 : i32
    %mul3A_61 = arith.muli %arg0, %mul3A_60 : i32
    %sub3A = arith.constant 50000 : i32
    %sub3A_62 = arith.subi %sub3A, %mul3A_61 : i32
    %iota3A = tpu.iota {dimensions = array<i32: 0>} : vector<1024x1024xi32>
    %lt3A = vector.broadcast %sub3A_62 : i32 to vector<1024x1024xi32>
    %lt3A_63 = arith.cmpi slt, %iota3A, %lt3A : vector<1024x1024xi32>
    %get3A_64 = arith.constant 0 : index
    %get3A_65 = arith.constant 0 : index
    %get3A_66 = vector.load %arg12[%get3A_64, %get3A_65] : memref<1024x1024xf32, #tpu.memory_space<vmem>>, vector<1024x1024xf32>
    %jit3A = arith.constant 0.000000e+00 : f32
    %broadcast_in_dim3A = vector.broadcast %jit3A : f32 to vector<1024x1024xf32>
    %select_n3A = arith.select %lt3A_63, %get3A_66, %broadcast_in_dim3A : vector<1024x1024xi1>, vector<1024x1024xf32>
    %get3A_67 = arith.constant 0 : index
    %get3A_68 = arith.constant 0 : index
    %get3A_69 = vector.load %arg15[%get3A_67, %get3A_68] : memref<2x1024xf32, #tpu.memory_space<vmem>>, vector<2x1024xf32>
    %dot_general3A = arith.constant dense<0.000000e+00> : vector<2x1024xf32>
    %dot_general3A_70 = tpu.matmul %concatenate3A, %select_n3A, %dot_general3A {dimension_numbers = #tpu.dot_dimension_numbers<[1], [0], [0], [1], [0, 0, 1, 1], [], []>, transpose_lhs_hint = false} : vector<2x1024xf32>, vector<1024x1024xf32>, vector<2x1024xf32> -> vector<2x1024xf32>
    %add3A_71 = arith.addf %get3A_69, %dot_general3A_70 : vector<2x1024xf32>
    %swap3A = arith.constant 0 : index
    %swap3A_72 = arith.constant 0 : index
    %swap3A_73 = vector.load %arg15[%swap3A, %swap3A_72] : memref<2x1024xf32, #tpu.memory_space<vmem>>, vector<2x1024xf32>
    tpu.vector_store %arg15[%swap3A, %swap3A_72], %add3A_71 {strides = array<i32>} : memref<2x1024xf32, #tpu.memory_space<vmem>>, vector<2x1024xf32>,
    %eq3A_74 = arith.constant 48 : i32
    %eq3A_75 = arith.cmpi eq, %arg0, %eq3A_74 : i32
    %convert_element_type3A_76 = arith.extui %eq3A_75 : i1 to i32
    %cond3A_77 = arith.constant 0 : i32
    %cond3A_78 = arith.cmpi ne, %convert_element_type3A_76, %cond3A_77 : i32
    scf.if %cond3A_78 {
      %get3A_79 = arith.constant 0 : index
      %get3A_80 = arith.constant 0 : index
      %get3A_81 = vector.load %arg15[%get3A_79, %get3A_80] : memref<2x1024xf32, #tpu.memory_space<vmem>>, vector<1x1024xf32>
      %get3A_82 = arith.constant 0 : index
      %get3A_83 = arith.constant 0 : index
      %get3A_84 = vector.load %arg13[%get3A_82, %get3A_83] : memref<1x1024xf32, #tpu.memory_space<vmem>>, vector<1x1024xf32>
      %add3A_85 = arith.addf %get3A_81, %get3A_84 : vector<1x1024xf32>
      %get3A_86 = arith.constant 1 : index
      %get3A_87 = arith.constant 0 : index
      %get3A_88 = vector.load %arg15[%get3A_86, %get3A_87] : memref<2x1024xf32, #tpu.memory_space<vmem>>, vector<1x1024xf32>
      %get3A_89 = arith.constant 0 : index
      %get3A_90 = arith.constant 0 : index
      %get3A_91 = vector.load %arg13[%get3A_89, %get3A_90] : memref<1x1024xf32, #tpu.memory_space<vmem>>, vector<1x1024xf32>
      %add3A_92 = arith.addf %get3A_88, %get3A_91 : vector<1x1024xf32>
      %mul3A_93 = arith.mulf %add3A_85, %add3A_92 : vector<1x1024xf32>
      %reduce_sum3A = arith.constant dense<0.000000e+00> : vector<1xf32>
      %reduce_sum3A_94 = vector.multi_reduction <add>, %mul3A_93, %reduce_sum3A [1] : vector<1x1024xf32> to vector<1xf32>
      %broadcast_in_dim3A_95 = vector.shape_cast %reduce_sum3A_94 : vector<1xf32> to vector<1x1xf32>
      %logistic3A = arith.negf %broadcast_in_dim3A_95 : vector<1x1xf32>
      %logistic3A_96 = math.exp %logistic3A : vector<1x1xf32>
      %logistic3A_97 = arith.constant 1.000000e+00 : f32
      %logistic3A_98 = vector.broadcast %logistic3A_97 : f32 to vector<1x1xf32>
      %logistic3A_99 = arith.addf %logistic3A_98, %logistic3A_96 : vector<1x1xf32>
      %logistic3A_100 = arith.divf %logistic3A_98, %logistic3A_99 : vector<1x1xf32>
      %swap3A_101 = arith.constant 0 : index
      %swap3A_102 = arith.constant 0 : index
      %swap3A_103 = vector.load %arg14[%swap3A_101, %swap3A_102] : memref<1x1xf32, #tpu.memory_space<vmem>>, vector<1x1xf32>
      tpu.vector_store %arg14[%swap3A_101, %swap3A_102], %logistic3A_100 {strides = array<i32>} : memref<1x1xf32, #tpu.memory_space<vmem>>, vector<1x1xf32>,
    } else {
    }
    return
  }
  func.func @transform_0(%arg0: i32) -> (i32, i32) {
    %c0_i32 = arith.constant 0 : i32
    %c0_i32_0 = arith.constant 0 : i32
    %c0_i32_1 = arith.constant 0 : i32
    return %c0_i32, %c0_i32_0 : i32, i32
  }
  func.func @transform_1(%arg0: i32) -> (i32, i32) {
    %c0_i32 = arith.constant 0 : i32
    %c0_i32_0 = arith.constant 0 : i32
    %c0_i32_1 = arith.constant 0 : i32
    return %c0_i32, %c0_i32_0 : i32, i32
  }
  func.func @transform_2(%arg0: i32) -> (i32, i32) {
    %c0_i32 = arith.constant 0 : i32
    %c0_i32_0 = arith.constant 0 : i32
    %c0_i32_1 = arith.constant 0 : i32
    return %c0_i32, %c0_i32_0 : i32, i32
  }
  func.func @transform_3(%arg0: i32) -> (i32, i32) {
    %c0_i32 = arith.constant 0 : i32
    %c0_i32_0 = arith.constant 0 : i32
    %c0_i32_1 = arith.constant 0 : i32
    return %c0_i32, %c0_i32_0 : i32, i32
  }
  func.func @transform_4(%arg0: i32) -> (i32, i32) {
    %c0_i32 = arith.constant 0 : i32
    %c0_i32_0 = arith.constant 0 : i32
    %c0_i32_1 = arith.constant 0 : i32
    return %c0_i32, %c0_i32_0 : i32, i32
  }
  func.func @transform_5(%arg0: i32) -> (i32, i32) {
    %c0_i32 = arith.constant 0 : i32
    %c0_i32_0 = arith.constant 0 : i32
    %c0_i32_1 = arith.constant 0 : i32
    return %c0_i32, %c0_i32_0 : i32, i32
  }
  func.func @transform_6(%arg0: i32) -> (i32, i32) {
    %c0_i32 = arith.constant 0 : i32
    %c0_i32_0 = arith.constant 0 : i32
    %c0_i32_1 = arith.constant 0 : i32
    return %c0_i32, %c0_i32_0 : i32, i32
  }
  func.func @transform_7(%arg0: i32) -> (i32, i32) {
    %c0_i32 = arith.constant 0 : i32
    %c0_i32_0 = arith.constant 0 : i32
    %c0_i32_1 = arith.constant 0 : i32
    return %c0_i32, %c0_i32_0 : i32, i32
  }
  func.func @transform_8(%arg0: i32) -> (i32, i32) {
    %c0_i32 = arith.constant 0 : i32
    %c0_i32_0 = arith.constant 0 : i32
    %c0_i32_1 = arith.constant 0 : i32
    return %c0_i32, %c0_i32_0 : i32, i32
  }
  func.func @transform_9(%arg0: i32) -> (i32, i32) {
    %c0_i32 = arith.constant 0 : i32
    %c0_i32_0 = arith.constant 0 : i32
    %c0_i32_1 = arith.constant 0 : i32
    return %c0_i32, %c0_i32_0 : i32, i32
  }
  func.func @transform_10(%arg0: i32) -> (i32, i32) {
    %c0_i32 = arith.constant 0 : i32
    %c0_i32_0 = arith.constant 0 : i32
    %c0_i32_1 = arith.constant 0 : i32
    return %c0_i32, %c0_i32_0 : i32, i32
  }
  func.func @transform_11(%arg0: i32) -> (i32, i32) {
    %c0_i32 = arith.constant 0 : i32
    %c0_i32_0 = arith.constant 0 : i32
    return %arg0, %c0_i32 : i32, i32
  }
  func.func @transform_12(%arg0: i32) -> (i32, i32) {
    %c0_i32 = arith.constant 0 : i32
    %c0_i32_0 = arith.constant 0 : i32
    %c0_i32_1 = arith.constant 0 : i32
    return %c0_i32, %c0_i32_0 : i32, i32
  }
  func.func @transform_13(%arg0: i32) -> (i32, i32) {
    %c0_i32 = arith.constant 0 : i32
    %c0_i32_0 = arith.constant 0 : i32
    %c0_i32_1 = arith.constant 0 : i32
    return %c0_i32, %c0_i32_0 : i32, i32
  }
}

</mosaic_0001>

<sc_bundles>
// kernel: kernel.11.cloned.1.call-start
scs
__scs_entry_jumppad:
0x0: {  	(pc) =	sbr.rel $0x88, $3  }
0x1: {  	(tag) =	ssettag $0x0;
	lr =	simm.s32 $0x1  }
0x2: {  	[smem:$0x3F9A] =	sst lr;
	_ =	strace $0xD0000000  }
0x3: {  	_ = 	snop  }
0x4: {  	_ = 	snop  }
0x5: {  	_ = 	snop  }
0x6: {  	_ = 	snop  }
0x7: {  	_ = 	snop  }
__scs_overlays_trampoline_lowered:
0x8: {  	[smem:$0x3FA9] =	sst s0  }
0x9: {  	[smem:$0x3FAA] =	sst s1  }
0xa: {  	[smem:$0x3FAB] =	sst s2  }
0xb: {  	[smem:$0x3FAC] =	sst s3  }
0xc: {  	[smem:$0x3FAD] =	sst s4  }
0xd: {  	[smem:$0x3FAE] =	sst s5  }
0xe: {  	[smem:$0x3FAF] =	sst s6  }
0xf: {  	[smem:$0x3FB0] =	sst s7  }
0x10: {  	[smem:$0x3FB1] =	sst s8  }
0x11: {  	[smem:$0x3FB2] =	sst s9;
	s0 =	simm.s32 @!p0 $0x0  }
0x12: {  	s1 =	sld [smem:$0x3F98];
	s0 =	simm.s32 @p0 $0x1  }
0x13: {  	[smem:$0x3FB3] =	sst s0;
	s0 =	simm.s32 @!p1 $0x0  }
0x14: {  	s2 =	sld [smem:$0x3F97];
	s0 =	simm.s32 @p1 $0x1  }
0x15: {  	[smem:$0x3FB4] =	sst s0;
	s0 =	simm.s32 @!p2 $0x0  }
0x16: {  	s3 =	sld [smem:$0x3FDB];
	s0 =	simm.s32 @p2 $0x1  }
0x17: {  	s4 =	simm.s32 $0x1BF5;
	[smem:$0x3FB6] =	sst s0  }
0x18: {  	s0 =	sld [smem:$0x3F99];
	_ =	swait.ge [sflag:s4], $0x0  }
0x19: {  	s7 =	sld [smem:$0x3F9A]  }
0x1a: {  	s8 =	sadd.s32 $0xFFFFE003, lr  }
0x1b: {  	s9 =	sadd.s32 $0xFFFFFEF7, lr;
	s5 =	simm.s32 $0xFFFFFFFF;
	p2 =	slt.u32 s8, $0xFFFFF086  }
0x1c: {  	p1 =	slt.u32 s9, $0xF7A;
	s5 =	simm.s32 @!p2 $0x0  }
0x1d: {  	s5 =	simm.s32 @p1 $0x1;
	p0 =	seq.s32 s7, s2  }
0x1e: {  	s7 =	smul.u32 @!p0 $0xF7A, s2;
	p2 =	seq.s32 @!p0 s5, $0x0  }
0x1f: {  	s9 =	smul.u32 $0xF7A, s1;
	s8 =	simm.s32 @!p0 $0x1BF5;
	p2 =	por !p2, p0  }
0x20: {  	[sflag:s8] =	ssyncset.s32 @!p0 $0xFFFFF086;
	s6 =	sadd.s32 @!p0 s3, s7;
	s7 =	simm.s32 @!p0 $0x108  }
0x21: {  	s3 =	sadd.s32 s3, s9;
	s6 =	sadd.s32 @!p0 $0x88, s6;
	s7 =	simm.s32 @p2 $0x1082  }
0x22: {  	[simem:s7], [sflag:s8] =	dma.local @!p0 [hbm:s6], $0xF7A  }
0x23: {  	s9 =	sor.u32 $0xD0000000, s2;
	s6 =	simm.s32 $0x108;
	_ =	swait.ge @!p0 [sflag:s8], $0x0  }
0x24: {  	s3 =	sadd.s32 $0x88, s3;
	s6 =	simm.s32 @!p1 $0x1082;
	[sflag:s4] =	ssyncset.s32 $0xFFFFF086  }
0x25: {  	[simem:s6], [sflag:s4] =	dma.local [hbm:s3], $0xF7A  }
0x26: {  	[smem:$0x3F9A] =	sst s1;
	(tag) =	ssettag s2;
	_ =	strace s9  }
0x27: {  	s1 =	sld [smem:$0x3FAA]  }
0x28: {  	s2 =	sld [smem:$0x3FAB]  }
0x29: {  	s4 =	sld [smem:$0x3FAD]  }
0x2a: {  	p0 =	seq.s32 s5, $0x0;
	s5 =	sld [smem:$0x3FAE]  }
0x2b: {  	s6 =	sld [smem:$0x3FAF]  }
0x2c: {  	s7 =	sld [smem:$0x3FB0]  }
0x2d: {  	s3 =	simm.s32 $0x108;
	s8 =	sld [smem:$0x3FB1]  }
0x2e: {  	s3 =	simm.s32 @!p0 $0x1082;
	s9 =	sld [smem:$0x3FB2]  }
0x2f: {  	lr =	sadd.s32 s0, s3;
	s0 =	sld [smem:$0x3FA9]  }
0x30: {  	s3 =	sld [smem:$0x3FAC]  }
0x31: {  	[smem:$0x3FB5] =	sst s10  }
0x32: {  	s10 =	sld [smem:$0x3FB3];
	_ =	sdelay $0x3  }
0x33: {  	p0 =	seq.s32 s10, $0x1;
	s10 =	sld [smem:$0x3FB5];
	_ =	sdelay $0x3  }
0x34: {  	[smem:$0x3FB5] =	sst s10  }
0x35: {  	s10 =	sld [smem:$0x3FB4];
	_ =	sdelay $0x3  }
0x36: {  	p1 =	seq.s32 s10, $0x1;
	s10 =	sld [smem:$0x3FB5];
	_ =	sdelay $0x3  }
0x37: {  	[smem:$0x3FB5] =	sst s10  }
0x38: {  	s10 =	sld [smem:$0x3FB6]  }
0x39: {  	_ = 	snop;
	(pc) =	sbr.ind lr, $3  }
0x3a: {  	_ = 	snop  }
0x3b: {  	_ = 	snop  }
0x3c: {  	p2 =	seq.s32 s10, $0x1;
	s10 =	sld [smem:$0x3FB5]  }
0x3d: {  	_ =	shalt  }
0x3e: {  	_ =	shalt  }
0x3f: {  	_ =	shalt  }
0x40: {  	_ =	shalt  }
0x41: {  	_ =	shalt  }
0x42: {  	_ =	shalt  }
0x43: {  	_ =	shalt  }
0x44: {  	_ =	shalt  }
0x45: {  	_ =	shalt  }
0x46: {  	_ =	shalt  }
0x47: {  	_ =	shalt  }
0x48: {  	_ =	shalt  }
0x49: {  	_ =	shalt  }
0x4a: {  	_ =	shalt  }
0x4b: {  	_ =	shalt  }
0x4c: {  	_ =	shalt  }
0x4d: {  	_ =	shalt  }
0x4e: {  	_ =	shalt  }
0x4f: {  	_ =	shalt  }
0x50: {  	_ =	shalt  }
0x51: {  	_ =	shalt  }
0x52: {  	_ =	shalt  }
0x53: {  	_ =	shalt  }
0x54: {  	_ =	shalt  }
0x55: {  	_ =	shalt  }
0x56: {  	_ =	shalt  }
0x57: {  	_ =	shalt  }
0x58: {  	_ =	shalt  }
0x59: {  	_ =	shalt  }
0x5a: {  	_ =	shalt  }
0x5b: {  	_ =	shalt  }
0x5c: {  	_ =	shalt  }
0x5d: {  	_ =	shalt  }
0x5e: {  	_ =	shalt  }
0x5f: {  	_ =	shalt  }
0x60: {  	_ =	shalt  }
0x61: {  	_ =	shalt  }
0x62: {  	_ =	shalt  }
0x63: {  	_ =	shalt  }
0x64: {  	_ =	shalt  }
0x65: {  	_ =	shalt  }
0x66: {  	_ =	shalt  }
0x67: {  	_ =	shalt  }
0x68: {  	_ =	shalt  }
0x69: {  	_ =	shalt  }
0x6a: {  	_ =	shalt  }
0x6b: {  	_ =	shalt  }
0x6c: {  	_ =	shalt  }
0x6d: {  	_ =	shalt  }
0x6e: {  	_ =	shalt  }
0x6f: {  	_ =	shalt  }
0x70: {  	_ =	shalt  }
0x71: {  	_ =	shalt  }
0x72: {  	_ =	shalt  }
0x73: {  	_ =	shalt  }
0x74: {  	_ =	shalt  }
0x75: {  	_ =	shalt  }
0x76: {  	_ =	shalt  }
0x77: {  	_ =	shalt  }
0x78: {  	_ =	shalt  }
0x79: {  	_ =	shalt  }
0x7a: {  	_ =	shalt  }
0x7b: {  	_ =	shalt  }
0x7c: {  	_ =	shalt  }
0x7d: {  	_ =	shalt  }
0x7e: {  	_ =	shalt  }
0x7f: {  	_ =	shalt  }
0x80: {  	_ =	shalt  }
0x81: {  	_ =	shalt  }
0x82: {  	_ =	shalt  }
0x83: {  	_ =	shalt  }
0x84: {  	_ =	shalt  }
0x85: {  	_ =	shalt  }
0x86: {  	_ =	shalt  }
0x87: {  	_ =	shalt  }
.Lfunc_end0:
.L_simem_size_0:
called_computation.1_lowered:
.L_overlay_start_0:
0x88: {  	s2 =	sld [smem:$0x3FD9]  }
0x89: {  	s3 =	sld [smem:$0x3FFE];
	_ =	sdelay $0x1  }
0x8a: {  	s1 =	srdreg.scid  }
0x8b: {  	s0 =	sand.u32 $0x1, s1  }
0x8c: {  	s16 =	sshll.u32 s0, $0xA;
	s2 =	sadd.s32 s3, s2  }
0x8d: {  	s2 =	sadd.s32 s2, s16  }
0x8e: {  	[smem:$0x3FC1] =	sst s2  }
0x8f: {  	_ = 	snop  }
0x90: {  	(tm) =	ssettm $0x1  }
0x91: {  	s17 =	sld [smem:$0x3FFB];
	_ =	sdelay $0x3  }
0x92: {  	_ =	strace s17  }
0x93: {  	s2 =	sld [smem:$0x3FFC];
	_ =	sdelay $0x3  }
0x94: {  	_ =	strace s2  }
0x95: {  	s2 =	sld [smem:$0x3FFD];
	_ =	sdelay $0x3  }
0x96: {  	_ =	strace s2  }
0x97: {  	_ =	strace $0x8FFFFFFF  }
0x98: {  	s18 =	sld [smem:$0x3FDB];
	_ =	sdelay $0x1  }
0x99: {  	s19 =	simm.s32 $_scs_section_size  }
0x9a: {  	s4 =	simm.s32 $_size__tile_overlayer_lowered;
	s5 =	simm.s32 $_tile_overlayer_lowered  }
0x9b: {  	s22 =	simm.s32 $0x1BFF;
	s21 =	sshll.u32 s5, $0x1;
	s2 =	sadd.s32 s19, s18  }
0x9c: {  	s6 =	simm.s32 $0x0;
	s20 =	sshll.u32 s4, $0x1;
	s4 =	sadd.s32 s21, s2  }
0x9d: {  	[timem:s6], [sflag:s22] =	dma.local [hbm:s4], s20  }
0x9e: {  	_ =	swait.ge [sflag:s22], s20  }
0x9f: {  	s3 =	ssub.s32 $0x0, s20;
	[sflag:s22] =	ssyncset.done $0x0  }
0xa0: {  	[sflag:s22] =	ssyncadd.s32 s3;
	_ =	sdelay $0x1  }
0xa1: {  	s23 =	simm.s32 $0x1B8B  }
0xa2: {  	_ =	swait.ge [sflag:s23], $0x1  }
0xa3: {  	[sflag:s23] =	ssyncset.done $0x0  }
0xa4: {  	s25 =	simm.s32 $0x1B8E;
	s24 =	sld [smem:$0x3FFE];
	[sflag:s23] =	ssyncadd.s32 $0xFFFFFFFF  }
0xa5: {  	s26 =	simm.s32 $execute0_lowered;
	[smem:$0x3FD2] =	sst s25  }
0xa6: {  	s4 =	sshll.u32 s26, $0x1;
	_ =	strace $0x80000049;
	[dreg:$0x1] =	wrdreg $0xFFFFFFFF  }
0xa7: {  	s28 =	simm.s32 $_size_execute0_lowered;
	s2 =	sadd.s32 s2, s4;
	[dreg:$0x0] =	wrdreg $0x0  }
0xa8: {  	s4 =	sshll.u32 s28, $0x1;
	[dreg:$0x2] =	wrdreg s2  }
0xa9: {  	[dreg:$0x3] =	wrdreg s4  }
0xaa: {  	[dreg:$0x4] =	wrdreg $0xC0  }
0xab: {  	_ =	task [dreg:s6], $0x5FFFF  }
0xac: {  	[dreg:$0x1] =	wrdreg $0xFFFFFFFF  }
0xad: {  	[dreg:$0x0] =	wrdreg $0x60  }
0xae: {  	[dreg:$0x2] =	wrdreg s24  }
0xaf: {  	[dreg:$0x3] =	wrdreg $0x9  }
0xb0: {  	_ =	task.clear_ibuf [dreg:s6], $0x4FFFF;
	_ =	strace $0x90000049  }
0xb1: {  	s29 =	simm.s32 $0x9;
	_ =	strace $0x8000004B  }
0xb2: {  	_ =	swait.ge [sflag:s29], $0x1  }
0xb3: {  	[sflag:s29] =	ssyncadd.s32 $0xFFFFFFFF  }
0xb4: {  	_ =	strace $0x9000004B  }
0xb5: {  	_ =	sfence  }
0xb6: {  	s30 =	sld [smem:$0x0];
	_ =	sdelay $0x2  }
0xb7: {  	s31 =	sshll.u32 s1, $0xD;
	s1 =	sshrl.u32 s1, $0x2  }
0xb8: {  	s3 =	sand.u32 $0x4000, s31;
	s1 =	sadd.s32 s1, s30  }
0xb9: {  	s0 =	sor.u32 s3, s0;
	s1 =	sshll.u32 s1, $0x11  }
0xba: {  	s0 =	sor.u32 s1, s0  }
0xbb: {  	s0 =	sadd.s32 $0x8F2B, s0  }
0xbc: {  	[sflag:s0] =	ssyncadd.remote.s32 $0x1  }
0xbd: {  	_ =	sfence.sel $0xFFFF  }
0xbe: {  	[dreg:$0x0] =	wrdreg $0xFFFFFFFF;
	(pc) =	sbr.abs _section_cstart, $3  }
0xbf: {  	[dreg:$0x1] =	wrdreg $0xFFFFFFFF  }
0xc0: {  	_ =	task.clear_ibuf [dreg:s6], $0x2FFFF;
	_ =	strace $0x9FFFFFFF  }
0xc1: {  	(tm) =	ssettm $0x7FFFFFFF  }
tec
execute0_lowered:
.L_overlay_start_1:
0x0: {  	(tag) =	ssettag $0x1  }
0x1: {  	s0 =	srdreg.scid;
	s2 =	stileid.u32  }
0x2: {  	s1 =	rddreg [dreg:$0x0];
	s23 =	simm.s32 $0x1;
	s28 =	simm.s32 $0x2700  }
0x3: {  	s29 =	simm.s32 $0x2D80;
	s30 =	simm.s32 $0x3A80;
	s31 =	simm.s32 $0x4100  }
0x4: {  	s19 =	simm.s32 $0x3400;
	s20 =	simm.s32 $0x0;
	s0 =	sand.u32 $0x1, s0  }
0x5: {  	s3 =	sshll.u32 s2, $0x1;
	s2 =	simm.s32 $0x0;
	s8 =	sadd.s32 $0xCA800, s1  }
0x6: {  	s10 =	sadd.s32 $0xCDA00, s1;
	s12 =	sadd.s32 $0xD0C00, s1;
	s3 =	sor.u32 s0, s3  }
0x7: {  	[smem:$0x7FF] =	sst s2;
	s0 =	ssub.s32 $0x2, s0;
	s3 =	smul.u32 $0x620, s3  }
0x8: {  	s4 =	sadd.s32 $0xD4800, s1;
	_ =	strace $0x8000004A;
	s5 =	sshrl.u32 s0, $0x1  }
0x9: {  	s0 =	ssub.s32 s0, s5;
	s11 =	sshrl.u32 s3, $0x3;
	s3 =	sadd.s32 $0xD3E00, s1  }
0xa: {  	s18 =	smax.u32 s0, $0x1;
	s0 =	simm.s32 $0x4E00;
	s17 =	sadd.s32 s11, s1  }
0xb: {  	s7 =	sadd.s32 s8, s11;
	s26 =	sadd.s32 $0x1880, s11;
	s9 =	sadd.s32 s10, s11  }
0xc: {  	s11 =	sadd.s32 s12, s11;
	s1 =	simm.s32 $0x4780;
	s5 =	sadd.s32 $0xC7400, s17  }
0xd: {  	s6 =	sadd.s32 $0xC8E00, s17;
	s8 =	sadd.s32 s8, s26;
	s10 =	sadd.s32 s10, s26  }
0xe: {  	s12 =	sadd.s32 s12, s26;
	s13 =	sadd.s32 $0xD9800, s17;
	s14 =	sadd.s32 $0xDB200, s17  }
0xf: {  	s15 =	sadd.s32 $0xD4A00, s17;
	s16 =	sadd.s32 $0xD6400, s17;
	s17 =	sadd.s32 $0xD7E00, s17  }
.LBB2_1:
0x10: {  	s21 =	simm.s32 $0x5480  }
0x11: {  	[tilespmem:s21], [sflag:$0x1] =	stream.linear.gather [hbm4b:s3+s2], $0x80, $0x38;
	[tilespmem:$0x5580] =	vst v63  }
0x12: {  	s25 =	simm.s32 $0x5500  }
0x13: {  	[tilespmem:s25], [sflag:$0x1] =	stream.linear.gather [hbm4b:s4+s2], $0x80, $0x38;
	[tilespmem:$0x5580] =	vst v63  }
0x14: {  	_ = 	snop  }
0x15: {  	[tilespmem:s2], [sflag:$0x1] =	stream.linear.gather [hbm4b:s5+s2], $0x620, $0x38;
	[tilespmem:$0x5580] =	vst v63  }
0x16: {  	s26 =	simm.s32 $0x680  }
0x17: {  	[tilespmem:s26], [sflag:$0x1] =	stream.linear.gather [hbm4b:s6+s2], $0x620, $0x38;
	[tilespmem:$0x5580] =	vst v63  }
0x18: {  	s22 =	simm.s32 $0xD00  }
0x19: {  	[tilespmem:s22], [sflag:$0x1] =	stream.linear.gather [hbm4b:s7+s2], $0x620, $0x38;
	[tilespmem:$0x5580] =	vst v63  }
0x1a: {  	_ =	swait.ge [sflag:s23], $0x80  }
0x1b: {  	[sflag:s23] =	ssyncset.done $0x0  }
0x1c: {  	[sflag:s23] =	ssyncadd.s32 $0xFFFFFF80  }
0x1d: {  	_ =	swait.ge [sflag:s23], $0x80  }
0x1e: {  	[sflag:s23] =	ssyncset.done $0x0  }
0x1f: {  	[sflag:s23] =	ssyncadd.s32 $0xFFFFFF80  }
0x20: {  	_ =	swait.ge [sflag:s23], $0x620  }
0x21: {  	[sflag:s23] =	ssyncset.done $0x0  }
0x22: {  	[sflag:s23] =	ssyncadd.s32 $0xFFFFF9E0  }
0x23: {  	_ =	swait.ge [sflag:s23], $0x620  }
0x24: {  	[sflag:s23] =	ssyncset.done $0x0  }
0x25: {  	[sflag:s23] =	ssyncadd.s32 $0xFFFFF9E0  }
0x26: {  	_ =	swait.ge [sflag:s23], $0x620  }
0x27: {  	[sflag:s23] =	ssyncset.done $0x0  }
0x28: {  	s24 =	simm.s32 $0x1380;
	[sflag:s23] =	ssyncadd.s32 $0xFFFFF9E0  }
0x29: {  	[tilespmem:s24], [sflag:$0x1] =	stream.linear.gather [hbm4b:s8+s2], $0x620, $0x38;
	[tilespmem:$0x5580] =	vst v63  }
0x2a: {  	s25 =	simm.s32 $0x1A00  }
0x2b: {  	[tilespmem:s25], [sflag:$0x1] =	stream.linear.gather [hbm4b:s9+s2], $0x620, $0x38;
	[tilespmem:$0x5580] =	vst v63  }
0x2c: {  	s26 =	simm.s32 $0x2080  }
0x2d: {  	[tilespmem:s26], [sflag:$0x1] =	stream.linear.gather [hbm4b:s10+s2], $0x620, $0x38;
	[tilespmem:$0x5580] =	vst v63  }
0x2e: {  	_ = 	snop  }
0x2f: {  	[tilespmem:s28], [sflag:$0x1] =	stream.linear.gather [hbm4b:s11+s2], $0x620, $0x38;
	[tilespmem:$0x5580] =	vst v63  }
0x30: {  	_ = 	snop  }
0x31: {  	[tilespmem:s29], [sflag:$0x1] =	stream.linear.gather [hbm4b:s12+s2], $0x620, $0x38;
	[tilespmem:$0x5580] =	vst v63  }
0x32: {  	_ =	swait.ge [sflag:s23], $0x620  }
0x33: {  	[sflag:s23] =	ssyncset.done $0x0  }
0x34: {  	[sflag:s23] =	ssyncadd.s32 $0xFFFFF9E0  }
0x35: {  	_ =	swait.ge [sflag:s23], $0x620  }
0x36: {  	[sflag:s23] =	ssyncset.done $0x0  }
0x37: {  	[sflag:s23] =	ssyncadd.s32 $0xFFFFF9E0  }
0x38: {  	_ =	swait.ge [sflag:s23], $0x620  }
0x39: {  	[sflag:s23] =	ssyncset.done $0x0  }
0x3a: {  	[sflag:s23] =	ssyncadd.s32 $0xFFFFF9E0  }
0x3b: {  	_ =	swait.ge [sflag:s23], $0x620  }
0x3c: {  	[sflag:s23] =	ssyncset.done $0x0  }
0x3d: {  	[sflag:s23] =	ssyncadd.s32 $0xFFFFF9E0  }
0x3e: {  	_ =	swait.ge [sflag:s23], $0x620  }
0x3f: {  	[sflag:s23] =	ssyncset.done $0x0  }
0x40: {  	s21 =	simm.s32 $0x0;
	[sflag:s23] =	ssyncadd.s32 $0xFFFFF9E0  }
0x41: {  	v0 =	vld [tilespmem:s21+$0x2700]  }
0x42: {  	s22 =	simm.s32 $0x10;
	v1 =	vld [tilespmem:s21+$0x2D80]  }
0x43: {  	v2 =	vld [tilespmem:s22+$0x2700]  }
0x44: {  	v3 =	vld [tilespmem:s22+$0x2D80];
	_ =	sdelay $0x2  }
0x45: {  	v4 =	vadd.f32 v1, v0;
	_ =	sdelay $0x1  }
0x46: {  	v3 =	vadd.f32 v3, v2;
	v2 =	vmax.f32 v4, $1.000000000e+00  }
0x47: {  	(erf) = vrcp.f32 v2  }
0x48: {  	v1 =	vld [tilespmem:$0x5480]  }
0x49: {  	s24 =	simm.s32 $0x20;
	v0 =	vld [tilespmem:$0x5500];
	v4 =	vmax.f32 v3, $1.000000000e+00  }
0x4a: {  	v3 =	vld [tilespmem:s24+$0x2D80];
	(erf) = vrcp.f32 v4  }
0x4b: {  	v2 =	vld [tilespmem:s24+$0x2700];
	_ =	sdelay $0x1  }
0x4c: {  	s25 =	simm.s32 $0xC0  }
.LBB2_2:
0x4d: {  	p0 =	sne.s32 s25, $0x1840  }
.Ltmp0:
0x4e: {  	s26 =	sshra.s32 s25, $0x2;
	(pc) =	sbr.rel @p0 .LBB2_2-.Ltmp0, $4  }
0x4f: {  	s25 =	sadd.s32 $0x40, s25;
	v5 =	vpop (erf);
	v4 =	vadd.f32 v3, v2;
	v2 =	vld [tilespmem:s26+$0x2700]  }
0x50: {  	v3 =	vld [tilespmem:s26+$0x2D80];
	[tilespmem:s21+$0x3400] =	vst v5;
	s21 =	smov.u32 s22;
	s22 =	smov.u32 s24;
	s24 =	smov.u32 s26  }
0x51: {  	v4 =	vmax.f32 v4, $1.000000000e+00  }
0x52: {  	(erf) = vrcp.f32 v4  }
0x53: {  	_ =	sdelay $0x1  }
0x54: {  	v2 =	vadd.f32 v3, v2;
	_ =	sdelay $0x1  }
0x55: {  	v2 =	vmax.f32 v2, $1.000000000e+00  }
0x56: {  	(erf) = vrcp.f32 v2;
	_ =	sdelay $0x6  }
0x57: {  	v2 =	vpop (erf)  }
0x58: {  	[tilespmem:s21+$0x3400] =	vst v2;
	v2 =	vpop (erf)  }
0x59: {  	[tilespmem:s22+$0x3400] =	vst v2;
	v2 =	vpop (erf)  }
0x5a: {  	s22 =	simm.s32 $0x0;
	[tilespmem:s24+$0x3400] =	vst v2  }
0x5b: {  	v2 =	vld [tilespmem:s22+$0x1A00]  }
0x5c: {  	v3 =	vld [tilespmem:s22+$0x2080]  }
0x5d: {  	v4 =	vld [tilespmem:s22+$0xD00]  }
0x5e: {  	v5 =	vld [tilespmem:s22+$0x3400]  }
0x5f: {  	v6 =	vld [tilespmem:s22+$0x1380]  }
0x60: {  	v7 =	vld [tilespmem:s22+$0x680]  }
0x61: {  	s21 =	simm.s32 $0x10;
	v9 =	vld [tilespmem:s22+$0x0];
	v2 =	vadd.f32 v3, v2  }
0x62: {  	v8 =	vld [tilespmem:s21+$0x1A00]  }
0x63: {  	v10 =	vld [tilespmem:s21+$0x2080];
	v3 =	vmul.f32 v2, v5  }
0x64: {  	v11 =	vadd.f32 v6, v4;
	v4 =	vld [tilespmem:s21+$0x3400]  }
0x65: {  	v6 =	vld [tilespmem:s21+$0x1380];
	v3 =	vadd.f32 v3, v7  }
0x66: {  	v2 =	vld [tilespmem:s21+$0xD00];
	v7 =	vmul.f32 v11, v5  }
0x67: {  	v5 =	vld [tilespmem:s21+$0x680];
	v11 =	vmul.f32 v3, v1  }
0x68: {  	s24 =	simm.s32 $0x20;
	v8 =	vadd.f32 v10, v8;
	v3 =	vld [tilespmem:s21+$0x0];
	v9 =	vadd.f32 v7, v9  }
0x69: {  	s25 =	simm.s32 $0xC0;
	v7 =	vld [tilespmem:s24+$0x1A00];
	v10 =	vadd.f32 v11, v0  }
.LBB2_4:
0x6a: {  	p0 =	sne.s32 s25, $0x1840;
	v11 =	vld [tilespmem:s24+$0x2080];
	v8 =	vmul.f32 v8, v4;
	v9 =	vmul.f32 v9, v1;
	v12 =	vmov v4  }
0x6b: {  	v13 =	vadd.f32 v6, v2;
	v2 =	vld [tilespmem:s24+$0xD00];
	[tilespmem:s22+$0x4100] =	vst v10;
	v6 =	vmax.f32 v10, $0.0e+00  }
.Ltmp1:
0x6c: {  	v4 =	vld [tilespmem:s24+$0x3400];
	v8 =	vadd.f32 v8, v5;
	v9 =	vadd.f32 v9, v0;
	[tilespmem:s22+$0x4E00] =	vst v6;
	(pc) =	sbr.rel @p0 .LBB2_4-.Ltmp1, $4  }
0x6d: {  	v6 =	vld [tilespmem:s24+$0x1380];
	v10 =	vmul.f32 v13, v12  }
0x6e: {  	v5 =	vld [tilespmem:s24+$0x680];
	v12 =	vmul.f32 v8, v1;
	[tilespmem:s22+$0x3A80] =	vst v9;
	v13 =	vmax.f32 v9, $0.0e+00  }
0x6f: {  	v8 =	vadd.f32 v11, v7;
	v9 =	vadd.f32 v10, v3;
	v3 =	vld [tilespmem:s24+$0x0];
	[tilespmem:s22+$0x4780] =	vst v13;
	s22 =	smov.u32 s21;
	s21 =	smov.u32 s24;
	s24 =	sshra.s32 s25, $0x2  }
0x70: {  	s25 =	sadd.s32 $0x40, s25;
	v7 =	vld [tilespmem:s24+$0x1A00];
	v10 =	vadd.f32 v12, v0  }
0x71: {  	v11 =	vld [tilespmem:s24+$0x2080]  }
0x72: {  	v12 =	vld [tilespmem:s24+$0xD00];
	[tilespmem:s22+$0x4100] =	vst v10;
	v53 =	vmax.f32 v10, $0.0e+00  }
0x73: {  	v9 =	vmul.f32 v9, v1;
	v13 =	vld [tilespmem:s24+$0x3400];
	[tilespmem:s22+$0x4E00] =	vst v53  }
0x74: {  	v8 =	vmul.f32 v8, v4;
	v10 =	vld [tilespmem:s24+$0x1380]  }
0x75: {  	v2 =	vadd.f32 v6, v2;
	v54 =	vadd.f32 v9, v0  }
0x76: {  	v5 =	vadd.f32 v8, v5;
	v55 =	vld [tilespmem:s24+$0x680]  }
0x77: {  	v2 =	vmul.f32 v2, v4;
	[tilespmem:s22+$0x3A80] =	vst v54;
	v56 =	vadd.f32 v11, v7  }
0x78: {  	v5 =	vmul.f32 v5, v1;
	v57 =	vld [tilespmem:s24+$0x0]  }
0x79: {  	v2 =	vadd.f32 v2, v3;
	v58 =	vmul.f32 v56, v13;
	v59 =	vadd.f32 v10, v12  }
0x7a: {  	v6 =	vmax.f32 v54, $0.0e+00;
	v5 =	vadd.f32 v5, v0  }
0x7b: {  	v2 =	vmul.f32 v2, v1;
	v3 =	vadd.f32 v58, v55;
	v4 =	vmul.f32 v59, v13  }
0x7c: {  	[tilespmem:s22+$0x4780] =	vst v6;
	v60 =	vmax.f32 v5, $0.0e+00  }
0x7d: {  	[tilespmem:s21+$0x4100] =	vst v5;
	v2 =	vadd.f32 v2, v0;
	v3 =	vmul.f32 v3, v1;
	v4 =	vadd.f32 v4, v57  }
0x7e: {  	[tilespmem:s21+$0x4E00] =	vst v60  }
0x7f: {  	[tilespmem:s21+$0x3A80] =	vst v2;
	v2 =	vmax.f32 v2, $0.0e+00;
	v3 =	vadd.f32 v3, v0;
	v61 =	vmul.f32 v4, v1  }
0x80: {  	[tilespmem:s21+$0x4780] =	vst v2  }
0x81: {  	[tilespmem:s24+$0x4100] =	vst v3;
	v62 =	vmax.f32 v3, $0.0e+00;
	v63 =	vadd.f32 v61, v0  }
0x82: {  	[tilespmem:s24+$0x4E00] =	vst v62  }
0x83: {  	[tilespmem:s24+$0x3A80] =	vst v63;
	v0 =	vmax.f32 v63, $0.0e+00  }
0x84: {  	[tilespmem:s24+$0x4780] =	vst v0  }
0x85: {  	[hbm4b:s13+s2] =	stream.linear.scatter [tilespmem:s30], [sflag:$0x1], $0x620, $0x38;
	[tilespmem:$0x5580] =	vst v63  }
0x86: {  	_ = 	snop  }
0x87: {  	[hbm4b:s14+s2] =	stream.linear.scatter [tilespmem:s31], [sflag:$0x1], $0x620, $0x38;
	[tilespmem:$0x5580] =	vst v63  }
0x88: {  	_ = 	snop  }
0x89: {  	[hbm4b:s15+s2] =	stream.linear.scatter [tilespmem:s1], [sflag:$0x1], $0x620, $0x38;
	[tilespmem:$0x5580] =	vst v63  }
0x8a: {  	_ = 	snop  }
0x8b: {  	[hbm4b:s16+s2] =	stream.linear.scatter [tilespmem:s0], [sflag:$0x1], $0x620, $0x38;
	[tilespmem:$0x5580] =	vst v63  }
0x8c: {  	_ = 	snop  }
0x8d: {  	[hbm4b:s17+s2] =	stream.linear.scatter [tilespmem:s19], [sflag:$0x1], $0x620, $0x38;
	[tilespmem:$0x5580] =	vst v63  }
0x8e: {  	_ =	swait.ge [sflag:s23], $0x620  }
0x8f: {  	[sflag:s23] =	ssyncset.done $0x0  }
0x90: {  	[sflag:s23] =	ssyncadd.s32 $0xFFFFF9E0  }
0x91: {  	_ =	swait.ge [sflag:s23], $0x620  }
0x92: {  	[sflag:s23] =	ssyncset.done $0x0  }
0x93: {  	[sflag:s23] =	ssyncadd.s32 $0xFFFFF9E0  }
0x94: {  	_ =	swait.ge [sflag:s23], $0x620  }
0x95: {  	[sflag:s23] =	ssyncset.done $0x0  }
0x96: {  	s20 =	sadd.s32 $0x1, s20;
	[sflag:s23] =	ssyncadd.s32 $0xFFFFF9E0  }
0x97: {  	p0 =	sne.s32 s20, s18;
	_ =	swait.ge [sflag:s23], $0x620  }
.Ltmp2:
0x98: {  	[sflag:s23] =	ssyncset.done $0x0;
	(pc) =	sbr.rel @p0 .LBB2_1-.Ltmp2, $4  }
0x99: {  	[sflag:s23] =	ssyncadd.s32 $0xFFFFF9E0  }
0x9a: {  	_ =	swait.ge [sflag:s23], $0x620  }
0x9b: {  	[sflag:s23] =	ssyncset.done $0x0  }
0x9c: {  	[sflag:s23] =	ssyncadd.s32 $0xFFFFF9E0  }
0x9d: {  	_ =	sfence.sel $0x180000  }
0x9e: {  	[bflag:$0x0] =	sbarrier.arrive $0xFFFF  }
0x9f: {  	_ =	strace $0x9000004A  }
0xa0: {  	s0 =	stileid.u32;
	[bflag:$0x2] =	sbarrier.arrive $0xFFFF  }
0xa1: {  	p0 =	sne.s32 s0, $0x0;
	s0 =	rddreg [dreg:$0x1]  }
0xa2: {  	s0 =	sadd.s32 @!p0 $0x100000, s0  }
0xa3: {  	[sflag:s0] =	ssyncadd.tile.s32 @!p0 $0x1;
	_ =	shalt  }
.Lfunc_end2:
_tile_overlayer_lowered:
.L_overlay_start_2:
0xa4: {  	(tag) =	ssettag $0x2  }
0xa5: {  	s0 =	rddreg [dreg:$0x0];
	s2 =	stileid.u32  }
0xa6: {  	s1 =	rddreg [dreg:$0x1];
	p0 =	sne.s32 s2, $0x0  }
0xa7: {  	s3 =	rddreg [dreg:$0x2];
	[bflag:$0x3] =	sbarrier.arrive $0xFFFF;
	s2 =	simm.s32 @!p0 $0x1C02  }
0xa8: {  	[timem:s3], [sflag:s2] =	dma.local @!p0 [hbm:s0], s1  }
0xa9: {  	s0 =	simm.s32 @!p0 $0x2  }
0xaa: {  	_ =	swait.ge @!p0 [sflag:s0], s1  }
0xab: {  	s1 =	ssub.s32 @!p0 $0x0, s1;
	[sflag:s0] =	ssyncset.done @!p0 $0x0  }
0xac: {  	[sflag:s0] =	ssyncadd.s32 @!p0 s1  }
0xad: {  	[bflag:$0x3] =	sbarrier.arrive $0xFFFF  }
0xae: {  	_ =	shalt  }

// kernel: kernel.14.cloned.1.call-start
scs
__scs_entry_jumppad:
0x0: {  	(pc) =	sbr.rel $0x88, $3  }
0x1: {  	(tag) =	ssettag $0x0;
	lr =	simm.s32 $0x1  }
0x2: {  	[smem:$0x3F9A] =	sst lr;
	_ =	strace $0xD0000000  }
0x3: {  	_ = 	snop  }
0x4: {  	_ = 	snop  }
0x5: {  	_ = 	snop  }
0x6: {  	_ = 	snop  }
0x7: {  	_ = 	snop  }
__scs_overlays_trampoline_lowered:
0x8: {  	[smem:$0x3FA9] =	sst s0  }
0x9: {  	[smem:$0x3FAA] =	sst s1  }
0xa: {  	[smem:$0x3FAB] =	sst s2  }
0xb: {  	[smem:$0x3FAC] =	sst s3  }
0xc: {  	[smem:$0x3FAD] =	sst s4  }
0xd: {  	[smem:$0x3FAE] =	sst s5  }
0xe: {  	[smem:$0x3FAF] =	sst s6  }
0xf: {  	[smem:$0x3FB0] =	sst s7  }
0x10: {  	[smem:$0x3FB1] =	sst s8  }
0x11: {  	[smem:$0x3FB2] =	sst s9;
	s0 =	simm.s32 @!p0 $0x0  }
0x12: {  	s1 =	sld [smem:$0x3F98];
	s0 =	simm.s32 @p0 $0x1  }
0x13: {  	[smem:$0x3FB3] =	sst s0;
	s0 =	simm.s32 @!p1 $0x0  }
0x14: {  	s2 =	sld [smem:$0x3F97];
	s0 =	simm.s32 @p1 $0x1  }
0x15: {  	[smem:$0x3FB4] =	sst s0;
	s0 =	simm.s32 @!p2 $0x0  }
0x16: {  	s3 =	sld [smem:$0x3FDB];
	s0 =	simm.s32 @p2 $0x1  }
0x17: {  	s4 =	simm.s32 $0x1BF5;
	[smem:$0x3FB6] =	sst s0  }
0x18: {  	s0 =	sld [smem:$0x3F99];
	_ =	swait.ge [sflag:s4], $0x0  }
0x19: {  	s7 =	sld [smem:$0x3F9A]  }
0x1a: {  	s8 =	sadd.s32 $0xFFFFE003, lr  }
0x1b: {  	s9 =	sadd.s32 $0xFFFFFEF7, lr;
	s5 =	simm.s32 $0xFFFFFFFF;
	p2 =	slt.u32 s8, $0xFFFFF086  }
0x1c: {  	p1 =	slt.u32 s9, $0xF7A;
	s5 =	simm.s32 @!p2 $0x0  }
0x1d: {  	s5 =	simm.s32 @p1 $0x1;
	p0 =	seq.s32 s7, s2  }
0x1e: {  	s7 =	smul.u32 @!p0 $0xF7A, s2;
	p2 =	seq.s32 @!p0 s5, $0x0  }
0x1f: {  	s9 =	smul.u32 $0xF7A, s1;
	s8 =	simm.s32 @!p0 $0x1BF5;
	p2 =	por !p2, p0  }
0x20: {  	[sflag:s8] =	ssyncset.s32 @!p0 $0xFFFFF086;
	s6 =	sadd.s32 @!p0 s3, s7;
	s7 =	simm.s32 @!p0 $0x108  }
0x21: {  	s3 =	sadd.s32 s3, s9;
	s6 =	sadd.s32 @!p0 $0x88, s6;
	s7 =	simm.s32 @p2 $0x1082  }
0x22: {  	[simem:s7], [sflag:s8] =	dma.local @!p0 [hbm:s6], $0xF7A  }
0x23: {  	s9 =	sor.u32 $0xD0000000, s2;
	s6 =	simm.s32 $0x108;
	_ =	swait.ge @!p0 [sflag:s8], $0x0  }
0x24: {  	s3 =	sadd.s32 $0x88, s3;
	s6 =	simm.s32 @!p1 $0x1082;
	[sflag:s4] =	ssyncset.s32 $0xFFFFF086  }
0x25: {  	[simem:s6], [sflag:s4] =	dma.local [hbm:s3], $0xF7A  }
0x26: {  	[smem:$0x3F9A] =	sst s1;
	(tag) =	ssettag s2;
	_ =	strace s9  }
0x27: {  	s1 =	sld [smem:$0x3FAA]  }
0x28: {  	s2 =	sld [smem:$0x3FAB]  }
0x29: {  	s4 =	sld [smem:$0x3FAD]  }
0x2a: {  	p0 =	seq.s32 s5, $0x0;
	s5 =	sld [smem:$0x3FAE]  }
0x2b: {  	s6 =	sld [smem:$0x3FAF]  }
0x2c: {  	s7 =	sld [smem:$0x3FB0]  }
0x2d: {  	s3 =	simm.s32 $0x108;
	s8 =	sld [smem:$0x3FB1]  }
0x2e: {  	s3 =	simm.s32 @!p0 $0x1082;
	s9 =	sld [smem:$0x3FB2]  }
0x2f: {  	lr =	sadd.s32 s0, s3;
	s0 =	sld [smem:$0x3FA9]  }
0x30: {  	s3 =	sld [smem:$0x3FAC]  }
0x31: {  	[smem:$0x3FB5] =	sst s10  }
0x32: {  	s10 =	sld [smem:$0x3FB3];
	_ =	sdelay $0x3  }
0x33: {  	p0 =	seq.s32 s10, $0x1;
	s10 =	sld [smem:$0x3FB5];
	_ =	sdelay $0x3  }
0x34: {  	[smem:$0x3FB5] =	sst s10  }
0x35: {  	s10 =	sld [smem:$0x3FB4];
	_ =	sdelay $0x3  }
0x36: {  	p1 =	seq.s32 s10, $0x1;
	s10 =	sld [smem:$0x3FB5];
	_ =	sdelay $0x3  }
0x37: {  	[smem:$0x3FB5] =	sst s10  }
0x38: {  	s10 =	sld [smem:$0x3FB6]  }
0x39: {  	_ = 	snop;
	(pc) =	sbr.ind lr, $3  }
0x3a: {  	_ = 	snop  }
0x3b: {  	_ = 	snop  }
0x3c: {  	p2 =	seq.s32 s10, $0x1;
	s10 =	sld [smem:$0x3FB5]  }
0x3d: {  	_ =	shalt  }
0x3e: {  	_ =	shalt  }
0x3f: {  	_ =	shalt  }
0x40: {  	_ =	shalt  }
0x41: {  	_ =	shalt  }
0x42: {  	_ =	shalt  }
0x43: {  	_ =	shalt  }
0x44: {  	_ =	shalt  }
0x45: {  	_ =	shalt  }
0x46: {  	_ =	shalt  }
0x47: {  	_ =	shalt  }
0x48: {  	_ =	shalt  }
0x49: {  	_ =	shalt  }
0x4a: {  	_ =	shalt  }
0x4b: {  	_ =	shalt  }
0x4c: {  	_ =	shalt  }
0x4d: {  	_ =	shalt  }
0x4e: {  	_ =	shalt  }
0x4f: {  	_ =	shalt  }
0x50: {  	_ =	shalt  }
0x51: {  	_ =	shalt  }
0x52: {  	_ =	shalt  }
0x53: {  	_ =	shalt  }
0x54: {  	_ =	shalt  }
0x55: {  	_ =	shalt  }
0x56: {  	_ =	shalt  }
0x57: {  	_ =	shalt  }
0x58: {  	_ =	shalt  }
0x59: {  	_ =	shalt  }
0x5a: {  	_ =	shalt  }
0x5b: {  	_ =	shalt  }
0x5c: {  	_ =	shalt  }
0x5d: {  	_ =	shalt  }
0x5e: {  	_ =	shalt  }
0x5f: {  	_ =	shalt  }
0x60: {  	_ =	shalt  }
0x61: {  	_ =	shalt  }
0x62: {  	_ =	shalt  }
0x63: {  	_ =	shalt  }
0x64: {  	_ =	shalt  }
0x65: {  	_ =	shalt  }
0x66: {  	_ =	shalt  }
0x67: {  	_ =	shalt  }
0x68: {  	_ =	shalt  }
0x69: {  	_ =	shalt  }
0x6a: {  	_ =	shalt  }
0x6b: {  	_ =	shalt  }
0x6c: {  	_ =	shalt  }
0x6d: {  	_ =	shalt  }
0x6e: {  	_ =	shalt  }
0x6f: {  	_ =	shalt  }
0x70: {  	_ =	shalt  }
0x71: {  	_ =	shalt  }
0x72: {  	_ =	shalt  }
0x73: {  	_ =	shalt  }
0x74: {  	_ =	shalt  }
0x75: {  	_ =	shalt  }
0x76: {  	_ =	shalt  }
0x77: {  	_ =	shalt  }
0x78: {  	_ =	shalt  }
0x79: {  	_ =	shalt  }
0x7a: {  	_ =	shalt  }
0x7b: {  	_ =	shalt  }
0x7c: {  	_ =	shalt  }
0x7d: {  	_ =	shalt  }
0x7e: {  	_ =	shalt  }
0x7f: {  	_ =	shalt  }
0x80: {  	_ =	shalt  }
0x81: {  	_ =	shalt  }
0x82: {  	_ =	shalt  }
0x83: {  	_ =	shalt  }
0x84: {  	_ =	shalt  }
0x85: {  	_ =	shalt  }
0x86: {  	_ =	shalt  }
0x87: {  	_ =	shalt  }
.Lfunc_end0:
.L_simem_size_0:
called_computation.2_lowered:
.L_overlay_start_0:
0x88: {  	s2 =	sld [smem:$0x3FD9]  }
0x89: {  	s3 =	sld [smem:$0x3FFE];
	_ =	sdelay $0x1  }
0x8a: {  	s1 =	srdreg.scid  }
0x8b: {  	s0 =	sand.u32 $0x1, s1  }
0x8c: {  	s16 =	sshll.u32 s0, $0xA;
	s2 =	sadd.s32 s3, s2  }
0x8d: {  	s2 =	sadd.s32 s2, s16  }
0x8e: {  	[smem:$0x3FC1] =	sst s2  }
0x8f: {  	_ = 	snop  }
0x90: {  	(tm) =	ssettm $0x1  }
0x91: {  	s17 =	sld [smem:$0x3FFB];
	_ =	sdelay $0x3  }
0x92: {  	_ =	strace s17  }
0x93: {  	s2 =	sld [smem:$0x3FFC];
	_ =	sdelay $0x3  }
0x94: {  	_ =	strace s2  }
0x95: {  	s2 =	sld [smem:$0x3FFD];
	_ =	sdelay $0x3  }
0x96: {  	_ =	strace s2  }
0x97: {  	_ =	strace $0x8FFFFFFF  }
0x98: {  	s18 =	sld [smem:$0x3FDB];
	_ =	sdelay $0x1  }
0x99: {  	s19 =	simm.s32 $_scs_section_size  }
0x9a: {  	s4 =	simm.s32 $_size__tile_overlayer_lowered;
	s5 =	simm.s32 $_tile_overlayer_lowered  }
0x9b: {  	s22 =	simm.s32 $0x1BFF;
	s21 =	sshll.u32 s5, $0x1;
	s2 =	sadd.s32 s19, s18  }
0x9c: {  	s6 =	simm.s32 $0x0;
	s20 =	sshll.u32 s4, $0x1;
	s4 =	sadd.s32 s21, s2  }
0x9d: {  	[timem:s6], [sflag:s22] =	dma.local [hbm:s4], s20  }
0x9e: {  	_ =	swait.ge [sflag:s22], s20  }
0x9f: {  	s3 =	ssub.s32 $0x0, s20;
	[sflag:s22] =	ssyncset.done $0x0  }
0xa0: {  	[sflag:s22] =	ssyncadd.s32 s3;
	_ =	sdelay $0x1  }
0xa1: {  	s23 =	simm.s32 $0x1B8B  }
0xa2: {  	_ =	swait.ge [sflag:s23], $0x1  }
0xa3: {  	[sflag:s23] =	ssyncset.done $0x0  }
0xa4: {  	s25 =	simm.s32 $0x1B8E;
	s24 =	sld [smem:$0x3FFE];
	[sflag:s23] =	ssyncadd.s32 $0xFFFFFFFF  }
0xa5: {  	s26 =	simm.s32 $execute0_lowered;
	[smem:$0x3FD2] =	sst s25  }
0xa6: {  	s4 =	sshll.u32 s26, $0x1;
	_ =	strace $0x8000004C;
	[dreg:$0x1] =	wrdreg $0xFFFFFFFF  }
0xa7: {  	s28 =	simm.s32 $_size_execute0_lowered;
	s2 =	sadd.s32 s2, s4;
	[dreg:$0x0] =	wrdreg $0x0  }
0xa8: {  	s4 =	sshll.u32 s28, $0x1;
	[dreg:$0x2] =	wrdreg s2  }
0xa9: {  	[dreg:$0x3] =	wrdreg s4  }
0xaa: {  	[dreg:$0x4] =	wrdreg $0xC0  }
0xab: {  	_ =	task [dreg:s6], $0x5FFFF  }
0xac: {  	[dreg:$0x1] =	wrdreg $0xFFFFFFFF  }
0xad: {  	[dreg:$0x0] =	wrdreg $0x60  }
0xae: {  	[dreg:$0x2] =	wrdreg s24  }
0xaf: {  	[dreg:$0x3] =	wrdreg $0x1D0000  }
0xb0: {  	[dreg:$0x4] =	wrdreg $0x1DC400  }
0xb1: {  	[dreg:$0x5] =	wrdreg $0x9  }
0xb2: {  	_ =	task.clear_ibuf [dreg:s6], $0x6FFFF;
	_ =	strace $0x9000004C  }
0xb3: {  	s29 =	simm.s32 $0x9;
	_ =	strace $0x8000004E  }
0xb4: {  	_ =	swait.ge [sflag:s29], $0x1  }
0xb5: {  	[sflag:s29] =	ssyncadd.s32 $0xFFFFFFFF  }
0xb6: {  	_ =	strace $0x9000004E  }
0xb7: {  	_ =	sfence  }
0xb8: {  	s30 =	sld [smem:$0x0];
	_ =	sdelay $0x2  }
0xb9: {  	s31 =	sshll.u32 s1, $0xD;
	s1 =	sshrl.u32 s1, $0x2  }
0xba: {  	s3 =	sand.u32 $0x4000, s31;
	s1 =	sadd.s32 s1, s30  }
0xbb: {  	s0 =	sor.u32 s3, s0;
	s1 =	sshll.u32 s1, $0x11  }
0xbc: {  	s0 =	sor.u32 s1, s0  }
0xbd: {  	s0 =	sadd.s32 $0x8F2B, s0  }
0xbe: {  	[sflag:s0] =	ssyncadd.remote.s32 $0x1  }
0xbf: {  	_ =	sfence.sel $0xFFFF  }
0xc0: {  	[dreg:$0x0] =	wrdreg $0xFFFFFFFF;
	(pc) =	sbr.abs _section_cstart, $3  }
0xc1: {  	[dreg:$0x1] =	wrdreg $0xFFFFFFFF  }
0xc2: {  	_ =	task.clear_ibuf [dreg:s6], $0x2FFFF;
	_ =	strace $0x9FFFFFFF  }
0xc3: {  	(tm) =	ssettm $0x7FFFFFFF  }
tec
execute0_lowered:
.L_overlay_start_1:
0x0: {  	(tag) =	ssettag $0x1  }
0x1: {  	s0 =	rddreg [dreg:$0x0]  }
0x2: {  	s1 =	rddreg [dreg:$0x1]  }
0x3: {  	s2 =	rddreg [dreg:$0x2];
	s3 =	simm.s32 $0x0;
	s16 =	srdreg.scid  }
0x4: {  	s10 =	stileid.u32;
	s29 =	simm.s32 $0xC380;
	s28 =	simm.s32 $0x1E980  }
0x5: {  	s14 =	simm.s32 $0x1BE00;
	[smem:$0x7FF] =	sst s3;
	s4 =	sadd.s32 $0xD4A00, s0  }
0x6: {  	s15 =	sadd.s32 $0xD6400, s0;
	s7 =	sadd.s32 $0x65800, s0;
	s8 =	sadd.s32 $0x3C00, s0  }
0x7: {  	s5 =	sadd.s32 $0xC7400, s0;
	s9 =	sshll.u32 s10, $0x1;
	s10 =	smul.u32 $0xC40, s10  }
0x8: {  	s0 =	sadd.s32 $0xCA600, s0;
	_ =	strace $0x8000004D;
	[dreg:$0x4] =	wrdreg s4  }
0x9: {  	[dreg:$0x5] =	wrdreg s15;
	s4 =	sand.u32 $0x1, s16;
	s16 =	simm.s32 $0x1A500  }
0xa: {  	s6 =	ssub.s32 $0x2, s4;
	s9 =	sor.u32 s4, s9;
	s17 =	sadd.s32 $0x620, s10  }
0xb: {  	s15 =	sadd.s32 s10, s1;
	s18 =	sadd.s32 s10, s2;
	s4 =	smul.u32 $0xC400, s4  }
0xc: {  	s11 =	sshrl.u32 s6, $0x1;
	s9 =	smul.u32 $0x186A0, s9;
	[dreg:$0x8] =	wrdreg s18  }
0xd: {  	s12 =	sadd.s32 s17, s1;
	s18 =	simm.s32 $0x500;
	[dreg:$0x6] =	wrdreg s15  }
0xe: {  	s6 =	ssub.s32 s6, s11;
	[dreg:$0x7] =	wrdreg s12;
	s11 =	sadd.s32 s17, s2  }
0xf: {  	s4 =	sadd.s32 s10, s4;
	s17 =	simm.s32 $0x1;
	s10 =	simm.s32 $0x5  }
0x10: {  	s12 =	simm.s32 $0x6;
	[dreg:$0x9] =	wrdreg s11;
	s19 =	sshrl.u32 s9, $0x3  }
0x11: {  	s4 =	sshrl.u32 s4, $0x3;
	s31 =	smax.u32 s6, $0x1;
	s6 =	simm.s32 $0x19B00  }
0x12: {  	s20 =	sadd.s32 s7, s19;
	s21 =	sadd.s32 s8, s19;
	[dreg:$0x14] =	wrdreg s31  }
0x13: {  	s22 =	sadd.s32 $0xA0, s19;
	s11 =	sadd.s32 $0x30C0, s19;
	[dreg:$0xa] =	wrdreg s20  }
0x14: {  	s26 =	sadd.s32 s5, s4;
	s30 =	sadd.s32 $0xC4, s4;
	[dreg:$0xb] =	wrdreg s21  }
0x15: {  	s4 =	sadd.s32 s0, s4;
	s19 =	simm.s32 $0x1AF00;
	[dreg:$0x10] =	wrdreg s26  }
0x16: {  	s13 =	sadd.s32 s7, s22;
	s23 =	sadd.s32 s8, s22;
	[dreg:$0x12] =	wrdreg s4  }
0x17: {  	s24 =	sadd.s32 s7, s11;
	s25 =	sadd.s32 s8, s11;
	[dreg:$0xc] =	wrdreg s13  }
0x18: {  	s5 =	sadd.s32 s5, s30;
	s0 =	sadd.s32 s0, s30;
	[dreg:$0xd] =	wrdreg s23  }
0x19: {  	s26 =	sadd.s32 $0x1900, s9;
	s4 =	simm.s32 $0x8;
	[dreg:$0xe] =	wrdreg s24  }
0x1a: {  	s20 =	simm.s32 $0x1B900;
	s22 =	simm.s32 $0x1AA00;
	[dreg:$0xf] =	wrdreg s25  }
0x1b: {  	s11 =	simm.s32 $0x3;
	s21 =	simm.s32 $0x0;
	[dreg:$0x11] =	wrdreg s5  }
0x1c: {  	[dreg:$0x13] =	wrdreg s0;
	s24 =	sadd.s32 $0x1400, s9;
	s5 =	simm.s32 $0x1A000  }
0x1d: {  	v0 =	vimm.f32 $0.0e+00;
	s23 =	simm.s32 $0x2;
	s25 =	simm.s32 $0x1B400;
	s13 =	simm.s32 $0x4  }
.LBB2_1:
0x1e: {  	[dreg:$0x15] =	wrdreg s21  }
0x1f: {  	s0 =	rddreg [dreg:$0x4]  }
0x20: {  	[tilespmem:s3], [sflag:$0x8] =	stream.linear.gather [hbm4b:s0+s3], $0xC350, $0x38;
	[tilespmem:$0x1EC80] =	vst v63  }
0x21: {  	_ =	swait.ge [sflag:s4], $0xC350  }
0x22: {  	[sflag:s4] =	ssyncset.done $0x0  }
0x23: {  	s31 =	rddreg [dreg:$0x5];
	[sflag:s4] =	ssyncadd.s32 $0xFFFF3CB0  }
0x24: {  	[tilespmem:s29], [sflag:$0x8] =	stream.linear.gather [hbm4b:s31+s3], $0xC350, $0x38;
	[tilespmem:$0x1EC80] =	vst v63  }
0x25: {  	_ =	swait.ge [sflag:s4], $0xC350  }
0x26: {  	[sflag:s4] =	ssyncset.done $0x0  }
0x27: {  	s0 =	simm.s32 $0x40;
	[sflag:s4] =	ssyncadd.s32 $0xFFFF3CB0;
	s4 =	simm.s32 $0x0  }
.LBB2_2:
0x28: {  	p0 =	sne.s32 s0, $0x1840;
	[tilespmem:s4+$0x1C300] =	vst v0;
	s4 =	smov.u32 s0;
	s0 =	sadd.s32 $0x40, s0  }
.Ltmp0:
0x29: {  	(pc) =	sbr.rel @p0 .LBB2_2-.Ltmp0, $2  }
0x2a: {  	_ =	sdelay $0x2  }
0x2b: {  	s4 =	sshra.s32 s4, $0x2  }
0x2c: {  	[tilespmem:s4+$0x1C300] =	vst v0;
	s0 =	simm.s32 $0x1C300  }
0x2d: {  	[spmem:s15] =	stream.linear.scatter [tilespmem:s0], [sflag:$0x7], $0x620, $0x38;
	[tilespmem:$0x1EC80] =	vst v63  }
0x2e: {  	s15 =	rddreg [dreg:$0x7]  }
0x2f: {  	[spmem:s15] =	stream.linear.scatter [tilespmem:s0], [sflag:$0x7], $0x620, $0x38;
	[tilespmem:$0x1EC80] =	vst v63  }
0x30: {  	s21 =	rddreg [dreg:$0x8]  }
0x31: {  	[spmem:s21] =	stream.linear.scatter [tilespmem:s0], [sflag:$0x7], $0x620, $0x38;
	[tilespmem:$0x1EC80] =	vst v63  }
0x32: {  	s31 =	rddreg [dreg:$0x9];
	s15 =	simm.s32 $0x7  }
0x33: {  	[spmem:s31] =	stream.linear.scatter [tilespmem:s0], [sflag:$0x7], $0x620, $0x38;
	[tilespmem:$0x1EC80] =	vst v63  }
0x34: {  	_ =	swait.ge [sflag:s15], $0x620  }
0x35: {  	[sflag:s15] =	ssyncset.done $0x0  }
0x36: {  	[sflag:s15] =	ssyncadd.s32 $0xFFFFF9E0  }
0x37: {  	_ =	swait.ge [sflag:s15], $0x620  }
0x38: {  	[sflag:s15] =	ssyncset.done $0x0  }
0x39: {  	[sflag:s15] =	ssyncadd.s32 $0xFFFFF9E0  }
0x3a: {  	_ =	swait.ge [sflag:s15], $0x620  }
0x3b: {  	[sflag:s15] =	ssyncset.done $0x0  }
0x3c: {  	[sflag:s15] =	ssyncadd.s32 $0xFFFFF9E0  }
0x3d: {  	_ =	swait.ge [sflag:s15], $0x620  }
0x3e: {  	[sflag:s15] =	ssyncset.done $0x0  }
0x3f: {  	[sflag:s15] =	ssyncadd.s32 $0xFFFFF9E0  }
0x40: {  	[bflag:$0x0] =	sbarrier.arrive $0xFFFF  }
0x41: {  	s30 =	simm.s32 $0x0;
	s31 =	simm.s32 $0x18700;
	s21 =	rddreg [dreg:$0xa]  }
0x42: {  	[tilespmem:s31], [sflag:$0x1] =	stream.linear.gather [hbm4b:s21+s30], $0x500, $0x38;
	[tilespmem:$0x1EC80] =	vst v63  }
0x43: {  	s15 =	rddreg [dreg:$0xb]  }
0x44: {  	[tilespmem:s6], [sflag:$0x1] =	stream.linear.gather [hbm4b:s15+s30], $0x500, $0x38;
	[tilespmem:$0x1EC80] =	vst v63  }
0x45: {  	s21 =	rddreg [dreg:$0xc];
	s31 =	simm.s32 $0x18C00  }
0x46: {  	[tilespmem:s31], [sflag:$0x2] =	stream.linear.gather [hbm4b:s21+s30], $0x500, $0x38;
	[tilespmem:$0x1EC80] =	vst v63  }
0x47: {  	s4 =	rddreg [dreg:$0xd]  }
0x48: {  	[tilespmem:s5], [sflag:$0x2] =	stream.linear.gather [hbm4b:s4+s30], $0x500, $0x38;
	[tilespmem:$0x1EC80] =	vst v63  }
0x49: {  	s15 =	rddreg [dreg:$0xe];
	s21 =	simm.s32 $0x1E880  }
0x4a: {  	[tilespmem:s21], [sflag:$0x7] =	stream.linear.gather [hbm4b:s15+s30], $0xA0, $0x38;
	[tilespmem:$0x1EC80] =	vst v63  }
0x4b: {  	s31 =	rddreg [dreg:$0xf]  }
0x4c: {  	[tilespmem:s28], [sflag:$0x7] =	stream.linear.gather [hbm4b:s31+s30], $0xA0, $0x38;
	[tilespmem:$0x1EC80] =	vst v63  }
0x4d: {  	s28 =	simm.s32 $0x0  }
.LBB2_4:
0x4e: {  	p0 =	seq.s32 s28, $0x0  }
0x4f: {  	s0 =	simm.s32 @!p0 $0x5;
	s15 =	smul.u32 @!p0 $0x1400, s28  }
0x50: {  	_ =	swait.ge @!p0 [sflag:s0], $0x500  }
0x51: {  	[sflag:s0] =	ssyncset.done @!p0 $0x0;
	s4 =	sadd.s32 @!p0 $0xA00, s15  }
0x52: {  	[sflag:s0] =	ssyncadd.s32 @!p0 $0xFFFFFB00;
	s4 =	simm.s32 @p0 $0xA00  }
0x53: {  	_ =	swait.ge @!p0 [sflag:s0], $0x500;
	s4 =	sadd.s32 s9, s4  }
0x54: {  	[sflag:s0] =	ssyncset.done @!p0 $0x0;
	s4 =	sshrl.u32 s4, $0x3  }
0x55: {  	s21 =	simm.s32 $0x19100;
	[sflag:s0] =	ssyncadd.s32 @!p0 $0xFFFFFB00;
	s31 =	sadd.s32 s7, s4  }
0x56: {  	[tilespmem:s21], [sflag:$0x3] =	stream.linear.gather [hbm4b:s31+s30], $0x500, $0x38;
	[tilespmem:$0x1EC80] =	vst v63  }
0x57: {  	s31 =	sadd.s32 s8, s4  }
0x58: {  	[tilespmem:s16], [sflag:$0x3] =	stream.linear.gather [hbm4b:s31+s30], $0x500, $0x38;
	[tilespmem:$0x1EC80] =	vst v63  }
0x59: {  	_ =	swait.ge [sflag:s17], $0x500  }
0x5a: {  	[sflag:s17] =	ssyncset.done $0x0  }
0x5b: {  	[sflag:s17] =	ssyncadd.s32 $0xFFFFFB00  }
0x5c: {  	_ =	swait.ge [sflag:s17], $0x500  }
0x5d: {  	[sflag:s17] =	ssyncset.done $0x0  }
0x5e: {  	s21 =	simm.s32 $0x0;
	[sflag:s17] =	ssyncadd.s32 $0xFFFFFB00  }
0x5f: {  	v1 =	vld [tilespmem:s21+$0x18700];
	_ =	sdelay $0x7  }
0x60: {  	v2 =	vld.idx.msk [tilespmem:v1+s3+$0x0], $0xffff;
	_ =	sdelay $0x3  }
0x61: {  	s0 =	simm.s32 $0x10;
	s4 =	simm.s32 $0x80  }
.LBB2_5:
0x62: {  	p1 =	sne.s32 s4, $0x13C0;
	v3 =	vld [tilespmem:s0+$0x18700];
	[tilespmem:s21+$0x1AF00] =	vst v2  }
0x63: {  	v2 =	vld.idx.msk [tilespmem:v1+s29+$0x0], $0xffff;
	_ =	sdelay $0x3  }
0x64: {  	v1 =	vmov v3;
	_ =	sdelay $0x1  }
0x65: {  	[tilespmem:s21+$0x1B900] =	vst v2;
	s21 =	smov.u32 s0  }
0x66: {  	v2 =	vld.idx.msk [tilespmem:v3+s3+$0x0], $0xffff  }
.Ltmp1:
0x67: {  	(pc) =	sbr.rel @p1 .LBB2_5-.Ltmp1, $2  }
0x68: {  	_ =	sdelay $0x2  }
0x69: {  	s0 =	sshra.s32 s4, $0x2;
	s4 =	sadd.s32 $0x40, s4  }
0x6a: {  	_ =	sdelay $0x1  }
0x6b: {  	v3 =	vld [tilespmem:s0+$0x18700]  }
0x6c: {  	[tilespmem:s21+$0x1AF00] =	vst v2  }
0x6d: {  	v1 =	vld.idx.msk [tilespmem:v1+s29+$0x0], $0xffff;
	_ =	sdelay $0x4  }
0x6e: {  	[tilespmem:s21+$0x1B900] =	vst v1  }
0x6f: {  	v1 =	vld.idx.msk [tilespmem:v3+s3+$0x0], $0xffff;
	_ =	sdelay $0x4  }
0x70: {  	[tilespmem:s0+$0x1AF00] =	vst v1  }
0x71: {  	v1 =	vld.idx.msk [tilespmem:v3+s29+$0x0], $0xffff;
	_ =	sdelay $0x4  }
0x72: {  	[tilespmem:s0+$0x1B900] =	vst v1  }
0x73: {  	[spmem:s1] =	stream.indirect.scatter.add.f32 [tilespmem:s19], [sflag:$0x5], $0x1, s6, s18, $0xb8;
	[tilespmem:$0x1EC80] =	vst v63  }
0x74: {  	s0 =	simm.s32 @!p0 $0x6  }
0x75: {  	[spmem:s2] =	stream.indirect.scatter.add.f32 [tilespmem:s20], [sflag:$0x5], $0x1, s6, s18, $0xb8;
	[tilespmem:$0x1EC80] =	vst v63  }
0x76: {  	_ =	swait.ge @!p0 [sflag:s0], $0x500  }
0x77: {  	s4 =	sadd.s32 @!p0 $0xF00, s15;
	[sflag:s0] =	ssyncset.done @!p0 $0x0  }
0x78: {  	s4 =	simm.s32 @p0 $0xF00;
	[sflag:s0] =	ssyncadd.s32 @!p0 $0xFFFFFB00  }
0x79: {  	s4 =	sadd.s32 s9, s4;
	_ =	swait.ge @!p0 [sflag:s0], $0x500  }
0x7a: {  	s15 =	simm.s32 $0x0;
	s4 =	sshrl.u32 s4, $0x3;
	[sflag:s0] =	ssyncset.done @!p0 $0x0  }
0x7b: {  	s31 =	simm.s32 $0x19600;
	s21 =	sadd.s32 s7, s4;
	[sflag:s0] =	ssyncadd.s32 @!p0 $0xFFFFFB00  }
0x7c: {  	[tilespmem:s31], [sflag:$0x4] =	stream.linear.gather [hbm4b:s21+s15], $0x500, $0x38;
	[tilespmem:$0x1EC80] =	vst v63  }
0x7d: {  	s31 =	sadd.s32 s8, s4  }
0x7e: {  	[tilespmem:s22], [sflag:$0x4] =	stream.linear.gather [hbm4b:s31+s15], $0x500, $0x38;
	[tilespmem:$0x1EC80] =	vst v63  }
0x7f: {  	_ =	swait.ge [sflag:s23], $0x500  }
0x80: {  	[sflag:s23] =	ssyncset.done $0x0  }
0x81: {  	[sflag:s23] =	ssyncadd.s32 $0xFFFFFB00  }
0x82: {  	_ =	swait.ge [sflag:s23], $0x500  }
0x83: {  	[sflag:s23] =	ssyncset.done $0x0  }
0x84: {  	s15 =	simm.s32 $0x0;
	[sflag:s23] =	ssyncadd.s32 $0xFFFFFB00  }
0x85: {  	v1 =	vld [tilespmem:s15+$0x18C00];
	_ =	sdelay $0x7  }
0x86: {  	v2 =	vld.idx.msk [tilespmem:v1+s3+$0x0], $0xffff;
	_ =	sdelay $0x3  }
0x87: {  	s0 =	simm.s32 $0x10;
	s4 =	simm.s32 $0x80  }
.LBB2_7:
0x88: {  	p0 =	sne.s32 s4, $0x13C0;
	v3 =	vld [tilespmem:s0+$0x18C00];
	[tilespmem:s15+$0x1B400] =	vst v2  }
0x89: {  	v2 =	vld.idx.msk [tilespmem:v1+s29+$0x0], $0xffff;
	_ =	sdelay $0x3  }
0x8a: {  	v1 =	vmov v3;
	_ =	sdelay $0x1  }
0x8b: {  	[tilespmem:s15+$0x1BE00] =	vst v2;
	s15 =	smov.u32 s0  }
0x8c: {  	v2 =	vld.idx.msk [tilespmem:v3+s3+$0x0], $0xffff  }
.Ltmp2:
0x8d: {  	(pc) =	sbr.rel @p0 .LBB2_7-.Ltmp2, $2  }
0x8e: {  	_ =	sdelay $0x2  }
0x8f: {  	s0 =	sshra.s32 s4, $0x2;
	s4 =	sadd.s32 $0x40, s4  }
0x90: {  	_ =	sdelay $0x1  }
0x91: {  	v3 =	vld [tilespmem:s0+$0x18C00]  }
0x92: {  	[tilespmem:s15+$0x1B400] =	vst v2  }
0x93: {  	v1 =	vld.idx.msk [tilespmem:v1+s29+$0x0], $0xffff;
	_ =	sdelay $0x4  }
0x94: {  	[tilespmem:s15+$0x1BE00] =	vst v1  }
0x95: {  	v1 =	vld.idx.msk [tilespmem:v3+s3+$0x0], $0xffff;
	_ =	sdelay $0x4  }
0x96: {  	[tilespmem:s0+$0x1B400] =	vst v1  }
0x97: {  	v1 =	vld.idx.msk [tilespmem:v3+s29+$0x0], $0xffff;
	_ =	sdelay $0x4  }
0x98: {  	[tilespmem:s0+$0x1BE00] =	vst v1  }
0x99: {  	[spmem:s1] =	stream.indirect.scatter.add.f32 [tilespmem:s25], [sflag:$0x6], $0x1, s5, s18, $0xb8;
	[tilespmem:$0x1EC80] =	vst v63  }
0x9a: {  	_ = 	snop  }
0x9b: {  	[spmem:s2] =	stream.indirect.scatter.add.f32 [tilespmem:s14], [sflag:$0x6], $0x1, s5, s18, $0xb8;
	[tilespmem:$0x1EC80] =	vst v63  }
0x9c: {  	_ =	swait.ge [sflag:s10], $0x500  }
0x9d: {  	s15 =	smul.u32 $0x1400, s28;
	[sflag:s10] =	ssyncset.done $0x0  }
0x9e: {  	[sflag:s10] =	ssyncadd.s32 $0xFFFFFB00  }
0x9f: {  	s31 =	sadd.s32 s15, s24;
	_ =	swait.ge [sflag:s10], $0x500  }
0xa0: {  	s21 =	simm.s32 $0x0;
	s0 =	sshrl.u32 s31, $0x3;
	[sflag:s10] =	ssyncset.done $0x0  }
0xa1: {  	s31 =	simm.s32 $0x18700;
	s4 =	sadd.s32 s7, s0;
	[sflag:s10] =	ssyncadd.s32 $0xFFFFFB00  }
0xa2: {  	[tilespmem:s31], [sflag:$0x1] =	stream.linear.gather [hbm4b:s4+s21], $0x500, $0x38;
	[tilespmem:$0x1EC80] =	vst v63  }
0xa3: {  	s0 =	sadd.s32 s8, s0  }
0xa4: {  	[tilespmem:s6], [sflag:$0x1] =	stream.linear.gather [hbm4b:s0+s21], $0x500, $0x38;
	[tilespmem:$0x1EC80] =	vst v63  }
0xa5: {  	_ =	swait.ge [sflag:s11], $0x500  }
0xa6: {  	[sflag:s11] =	ssyncset.done $0x0  }
0xa7: {  	[sflag:s11] =	ssyncadd.s32 $0xFFFFFB00  }
0xa8: {  	_ =	swait.ge [sflag:s11], $0x500  }
0xa9: {  	[sflag:s11] =	ssyncset.done $0x0  }
0xaa: {  	s21 =	simm.s32 $0x0;
	[sflag:s11] =	ssyncadd.s32 $0xFFFFFB00  }
0xab: {  	v1 =	vld [tilespmem:s21+$0x19100];
	_ =	sdelay $0x7  }
0xac: {  	v2 =	vld.idx.msk [tilespmem:v1+s3+$0x0], $0xffff;
	_ =	sdelay $0x3  }
0xad: {  	s4 =	simm.s32 $0x80;
	s0 =	simm.s32 $0x10  }
.LBB2_9:
0xae: {  	p0 =	sne.s32 s4, $0x13C0;
	v3 =	vld [tilespmem:s0+$0x19100];
	[tilespmem:s21+$0x1AF00] =	vst v2  }
0xaf: {  	v2 =	vld.idx.msk [tilespmem:v1+s29+$0x0], $0xffff;
	_ =	sdelay $0x3  }
0xb0: {  	v1 =	vmov v3;
	_ =	sdelay $0x1  }
0xb1: {  	[tilespmem:s21+$0x1B900] =	vst v2;
	s21 =	smov.u32 s0  }
0xb2: {  	v2 =	vld.idx.msk [tilespmem:v3+s3+$0x0], $0xffff  }
.Ltmp3:
0xb3: {  	(pc) =	sbr.rel @p0 .LBB2_9-.Ltmp3, $2  }
0xb4: {  	_ =	sdelay $0x2  }
0xb5: {  	s0 =	sshra.s32 s4, $0x2;
	s4 =	sadd.s32 $0x40, s4  }
0xb6: {  	_ =	sdelay $0x1  }
0xb7: {  	v3 =	vld [tilespmem:s0+$0x19100]  }
0xb8: {  	[tilespmem:s21+$0x1AF00] =	vst v2  }
0xb9: {  	v1 =	vld.idx.msk [tilespmem:v1+s29+$0x0], $0xffff;
	_ =	sdelay $0x4  }
0xba: {  	[tilespmem:s21+$0x1B900] =	vst v1  }
0xbb: {  	v1 =	vld.idx.msk [tilespmem:v3+s3+$0x0], $0xffff;
	_ =	sdelay $0x4  }
0xbc: {  	[tilespmem:s0+$0x1AF00] =	vst v1  }
0xbd: {  	v1 =	vld.idx.msk [tilespmem:v3+s29+$0x0], $0xffff;
	_ =	sdelay $0x4  }
0xbe: {  	[tilespmem:s0+$0x1B900] =	vst v1  }
0xbf: {  	[spmem:s1] =	stream.indirect.scatter.add.f32 [tilespmem:s19], [sflag:$0x5], $0x1, s16, s18, $0xb8;
	[tilespmem:$0x1EC80] =	vst v63  }
0xc0: {  	_ = 	snop  }
0xc1: {  	[spmem:s2] =	stream.indirect.scatter.add.f32 [tilespmem:s20], [sflag:$0x5], $0x1, s16, s18, $0xb8;
	[tilespmem:$0x1EC80] =	vst v63  }
0xc2: {  	_ =	swait.ge [sflag:s12], $0x500  }
0xc3: {  	[sflag:s12] =	ssyncset.done $0x0  }
0xc4: {  	[sflag:s12] =	ssyncadd.s32 $0xFFFFFB00  }
0xc5: {  	s21 =	sadd.s32 s15, s26;
	_ =	swait.ge [sflag:s12], $0x500  }
0xc6: {  	s31 =	simm.s32 $0x18C00;
	s0 =	sshrl.u32 s21, $0x3;
	[sflag:s12] =	ssyncset.done $0x0  }
0xc7: {  	s15 =	simm.s32 $0x0;
	s4 =	sadd.s32 s7, s0;
	[sflag:s12] =	ssyncadd.s32 $0xFFFFFB00  }
0xc8: {  	[tilespmem:s31], [sflag:$0x2] =	stream.linear.gather [hbm4b:s4+s15], $0x500, $0x38;
	[tilespmem:$0x1EC80] =	vst v63  }
0xc9: {  	s0 =	sadd.s32 s8, s0  }
0xca: {  	[tilespmem:s5], [sflag:$0x2] =	stream.linear.gather [hbm4b:s0+s15], $0x500, $0x38;
	[tilespmem:$0x1EC80] =	vst v63  }
0xcb: {  	_ =	swait.ge [sflag:s13], $0x500  }
0xcc: {  	[sflag:s13] =	ssyncset.done $0x0  }
0xcd: {  	[sflag:s13] =	ssyncadd.s32 $0xFFFFFB00  }
0xce: {  	_ =	swait.ge [sflag:s13], $0x500  }
0xcf: {  	[sflag:s13] =	ssyncset.done $0x0  }
0xd0: {  	s15 =	simm.s32 $0x0;
	[sflag:s13] =	ssyncadd.s32 $0xFFFFFB00  }
0xd1: {  	v1 =	vld [tilespmem:s15+$0x19600];
	_ =	sdelay $0x7  }
0xd2: {  	v2 =	vld.idx.msk [tilespmem:v1+s3+$0x0], $0xffff;
	_ =	sdelay $0x3  }
0xd3: {  	s4 =	simm.s32 $0x80;
	s0 =	simm.s32 $0x10  }
.LBB2_11:
0xd4: {  	p0 =	sne.s32 s4, $0x13C0;
	v3 =	vld [tilespmem:s0+$0x19600];
	[tilespmem:s15+$0x1B400] =	vst v2  }
0xd5: {  	v2 =	vld.idx.msk [tilespmem:v1+s29+$0x0], $0xffff;
	_ =	sdelay $0x3  }
0xd6: {  	v1 =	vmov v3;
	_ =	sdelay $0x1  }
0xd7: {  	[tilespmem:s15+$0x1BE00] =	vst v2;
	s15 =	smov.u32 s0  }
0xd8: {  	v2 =	vld.idx.msk [tilespmem:v3+s3+$0x0], $0xffff  }
.Ltmp4:
0xd9: {  	(pc) =	sbr.rel @p0 .LBB2_11-.Ltmp4, $2  }
0xda: {  	_ =	sdelay $0x2  }
0xdb: {  	s0 =	sshra.s32 s4, $0x2;
	s4 =	sadd.s32 $0x40, s4  }
0xdc: {  	_ =	sdelay $0x1  }
0xdd: {  	v3 =	vld [tilespmem:s0+$0x19600]  }
0xde: {  	[tilespmem:s15+$0x1B400] =	vst v2  }
0xdf: {  	v1 =	vld.idx.msk [tilespmem:v1+s29+$0x0], $0xffff;
	_ =	sdelay $0x4  }
0xe0: {  	[tilespmem:s15+$0x1BE00] =	vst v1  }
0xe1: {  	v1 =	vld.idx.msk [tilespmem:v3+s3+$0x0], $0xffff;
	_ =	sdelay $0x4  }
0xe2: {  	[tilespmem:s0+$0x1B400] =	vst v1  }
0xe3: {  	v1 =	vld.idx.msk [tilespmem:v3+s29+$0x0], $0xffff;
	_ =	sdelay $0x1  }
0xe4: {  	s28 =	sadd.s32 $0x1, s28  }
0xe5: {  	p0 =	sne.s32 s28, $0x13  }
.Ltmp5:
0xe6: {  	_ = 	snop;
	(pc) =	sbr.rel @p0 .LBB2_4-.Ltmp5, $4  }
0xe7: {  	[tilespmem:s0+$0x1BE00] =	vst v1  }
0xe8: {  	[spmem:s1] =	stream.indirect.scatter.add.f32 [tilespmem:s25], [sflag:$0x6], $0x1, s22, s18, $0xb8;
	[tilespmem:$0x1EC80] =	vst v63  }
0xe9: {  	_ = 	snop  }
0xea: {  	[spmem:s2] =	stream.indirect.scatter.add.f32 [tilespmem:s14], [sflag:$0x6], $0x1, s22, s18, $0xb8;
	[tilespmem:$0x1EC80] =	vst v63  }
0xeb: {  	_ =	swait.ge [sflag:s10], $0x500  }
0xec: {  	[sflag:s10] =	ssyncset.done $0x0  }
0xed: {  	[sflag:s10] =	ssyncadd.s32 $0xFFFFFB00  }
0xee: {  	_ =	swait.ge [sflag:s10], $0x500  }
0xef: {  	[sflag:s10] =	ssyncset.done $0x0  }
0xf0: {  	[sflag:s10] =	ssyncadd.s32 $0xFFFFFB00  }
0xf1: {  	_ =	swait.ge [sflag:s17], $0x500  }
0xf2: {  	[sflag:s17] =	ssyncset.done $0x0  }
0xf3: {  	[sflag:s17] =	ssyncadd.s32 $0xFFFFFB00  }
0xf4: {  	_ =	swait.ge [sflag:s17], $0x500  }
0xf5: {  	[sflag:s17] =	ssyncset.done $0x0  }
0xf6: {  	s15 =	simm.s32 $0x0;
	[sflag:s17] =	ssyncadd.s32 $0xFFFFFB00  }
0xf7: {  	v1 =	vld [tilespmem:s15+$0x18700];
	_ =	sdelay $0x7  }
0xf8: {  	v2 =	vld.idx.msk [tilespmem:v1+s3+$0x0], $0xffff;
	_ =	sdelay $0x3  }
0xf9: {  	s0 =	simm.s32 $0x10;
	s4 =	simm.s32 $0x80  }
.LBB2_14:
0xfa: {  	p0 =	sne.s32 s4, $0x13C0;
	v3 =	vld [tilespmem:s0+$0x18700];
	[tilespmem:s15+$0x1AF00] =	vst v2  }
0xfb: {  	v2 =	vld.idx.msk [tilespmem:v1+s29+$0x0], $0xffff;
	_ =	sdelay $0x3  }
0xfc: {  	v1 =	vmov v3;
	_ =	sdelay $0x1  }
0xfd: {  	[tilespmem:s15+$0x1B900] =	vst v2;
	s15 =	smov.u32 s0  }
0xfe: {  	v2 =	vld.idx.msk [tilespmem:v3+s3+$0x0], $0xffff  }
.Ltmp6:
0xff: {  	(pc) =	sbr.rel @p0 .LBB2_14-.Ltmp6, $2  }
0x100: {  	_ =	sdelay $0x2  }
0x101: {  	s0 =	sshra.s32 s4, $0x2;
	s4 =	sadd.s32 $0x40, s4  }
0x102: {  	_ =	sdelay $0x1  }
0x103: {  	v3 =	vld [tilespmem:s0+$0x18700]  }
0x104: {  	[tilespmem:s15+$0x1AF00] =	vst v2  }
0x105: {  	v1 =	vld.idx.msk [tilespmem:v1+s29+$0x0], $0xffff;
	_ =	sdelay $0x4  }
0x106: {  	[tilespmem:s15+$0x1B900] =	vst v1  }
0x107: {  	v1 =	vld.idx.msk [tilespmem:v3+s3+$0x0], $0xffff;
	_ =	sdelay $0x4  }
0x108: {  	[tilespmem:s0+$0x1AF00] =	vst v1  }
0x109: {  	v1 =	vld.idx.msk [tilespmem:v3+s29+$0x0], $0xffff;
	_ =	sdelay $0x4  }
0x10a: {  	[tilespmem:s0+$0x1B900] =	vst v1  }
0x10b: {  	[spmem:s1] =	stream.indirect.scatter.add.f32 [tilespmem:s19], [sflag:$0x5], $0x1, s6, s18, $0xb8;
	[tilespmem:$0x1EC80] =	vst v63  }
0x10c: {  	_ = 	snop  }
0x10d: {  	[spmem:s2] =	stream.indirect.scatter.add.f32 [tilespmem:s20], [sflag:$0x5], $0x1, s6, s18, $0xb8;
	[tilespmem:$0x1EC80] =	vst v63  }
0x10e: {  	_ =	swait.ge [sflag:s12], $0x500  }
0x10f: {  	[sflag:s12] =	ssyncset.done $0x0  }
0x110: {  	[sflag:s12] =	ssyncadd.s32 $0xFFFFFB00  }
0x111: {  	_ =	swait.ge [sflag:s12], $0x500  }
0x112: {  	[sflag:s12] =	ssyncset.done $0x0  }
0x113: {  	[sflag:s12] =	ssyncadd.s32 $0xFFFFFB00  }
0x114: {  	_ =	swait.ge [sflag:s23], $0x500  }
0x115: {  	[sflag:s23] =	ssyncset.done $0x0  }
0x116: {  	[sflag:s23] =	ssyncadd.s32 $0xFFFFFB00  }
0x117: {  	_ =	swait.ge [sflag:s23], $0x500  }
0x118: {  	[sflag:s23] =	ssyncset.done $0x0  }
0x119: {  	s15 =	simm.s32 $0x0;
	[sflag:s23] =	ssyncadd.s32 $0xFFFFFB00  }
0x11a: {  	v1 =	vld [tilespmem:s15+$0x18C00];
	_ =	sdelay $0x7  }
0x11b: {  	v2 =	vld.idx.msk [tilespmem:v1+s3+$0x0], $0xffff;
	_ =	sdelay $0x3  }
0x11c: {  	s4 =	simm.s32 $0x80;
	s0 =	simm.s32 $0x10  }
.LBB2_16:
0x11d: {  	p0 =	sne.s32 s4, $0x13C0;
	v3 =	vld [tilespmem:s0+$0x18C00];
	[tilespmem:s15+$0x1B400] =	vst v2  }
0x11e: {  	v2 =	vld.idx.msk [tilespmem:v1+s29+$0x0], $0xffff;
	_ =	sdelay $0x3  }
0x11f: {  	v1 =	vmov v3;
	_ =	sdelay $0x1  }
0x120: {  	[tilespmem:s15+$0x1BE00] =	vst v2;
	s15 =	smov.u32 s0  }
0x121: {  	v2 =	vld.idx.msk [tilespmem:v3+s3+$0x0], $0xffff  }
.Ltmp7:
0x122: {  	(pc) =	sbr.rel @p0 .LBB2_16-.Ltmp7, $2  }
0x123: {  	_ =	sdelay $0x2  }
0x124: {  	s0 =	sshra.s32 s4, $0x2;
	s4 =	sadd.s32 $0x40, s4  }
0x125: {  	_ =	sdelay $0x1  }
0x126: {  	v3 =	vld [tilespmem:s0+$0x18C00]  }
0x127: {  	[tilespmem:s15+$0x1B400] =	vst v2  }
0x128: {  	v1 =	vld.idx.msk [tilespmem:v1+s29+$0x0], $0xffff;
	_ =	sdelay $0x4  }
0x129: {  	[tilespmem:s15+$0x1BE00] =	vst v1  }
0x12a: {  	v1 =	vld.idx.msk [tilespmem:v3+s3+$0x0], $0xffff;
	_ =	sdelay $0x4  }
0x12b: {  	[tilespmem:s0+$0x1B400] =	vst v1  }
0x12c: {  	v1 =	vld.idx.msk [tilespmem:v3+s29+$0x0], $0xffff;
	_ =	sdelay $0x4  }
0x12d: {  	[tilespmem:s0+$0x1BE00] =	vst v1  }
0x12e: {  	[spmem:s1] =	stream.indirect.scatter.add.f32 [tilespmem:s25], [sflag:$0x6], $0x1, s5, s18, $0xb8;
	[tilespmem:$0x1EC80] =	vst v63  }
0x12f: {  	s31 =	simm.s32 $0x7  }
0x130: {  	[spmem:s2] =	stream.indirect.scatter.add.f32 [tilespmem:s14], [sflag:$0x6], $0x1, s5, s18, $0xb8;
	[tilespmem:$0x1EC80] =	vst v63  }
0x131: {  	_ =	swait.ge [sflag:s31], $0xA0  }
0x132: {  	[sflag:s31] =	ssyncset.done $0x0  }
0x133: {  	[sflag:s31] =	ssyncadd.s32 $0xFFFFFF60  }
0x134: {  	_ =	swait.ge [sflag:s31], $0xA0  }
0x135: {  	[sflag:s31] =	ssyncset.done $0x0  }
0x136: {  	[sflag:s31] =	ssyncadd.s32 $0xFFFFFF60  }
0x137: {  	v1 =	vld [tilespmem:$0x1E880];
	_ =	sdelay $0x7  }
0x138: {  	v2 =	vld.idx.msk [tilespmem:v1+s3+$0x0], $0xffff;
	_ =	sdelay $0x3  }
0x139: {  	v3 =	vld [tilespmem:$0x1E890]  }
0x13a: {  	[tilespmem:$0x1EA80] =	vst v2  }
0x13b: {  	v1 =	vld.idx.msk [tilespmem:v1+s29+$0x0], $0xffff;
	_ =	sdelay $0x4  }
0x13c: {  	[tilespmem:$0x1EB80] =	vst v1  }
0x13d: {  	v1 =	vld.idx.msk [tilespmem:v3+s3+$0x0], $0xffff;
	_ =	sdelay $0x3  }
0x13e: {  	v2 =	vld [tilespmem:$0x1E8A0]  }
0x13f: {  	[tilespmem:$0x1EA90] =	vst v1  }
0x140: {  	v1 =	vld.idx.msk [tilespmem:v3+s29+$0x0], $0xffff;
	_ =	sdelay $0x4  }
0x141: {  	[tilespmem:$0x1EB90] =	vst v1  }
0x142: {  	v1 =	vld.idx.msk [tilespmem:v2+s3+$0x0], $0xffff;
	_ =	sdelay $0x3  }
0x143: {  	v3 =	vld [tilespmem:$0x1E8B0]  }
0x144: {  	[tilespmem:$0x1EAA0] =	vst v1  }
0x145: {  	v1 =	vld.idx.msk [tilespmem:v2+s29+$0x0], $0xffff;
	_ =	sdelay $0x4  }
0x146: {  	[tilespmem:$0x1EBA0] =	vst v1  }
0x147: {  	v1 =	vld.idx.msk [tilespmem:v3+s3+$0x0], $0xffff;
	_ =	sdelay $0x3  }
0x148: {  	v2 =	vld [tilespmem:$0x1E8C0]  }
0x149: {  	[tilespmem:$0x1EAB0] =	vst v1  }
0x14a: {  	v1 =	vld.idx.msk [tilespmem:v3+s29+$0x0], $0xffff;
	_ =	sdelay $0x4  }
0x14b: {  	[tilespmem:$0x1EBB0] =	vst v1  }
0x14c: {  	v1 =	vld.idx.msk [tilespmem:v2+s3+$0x0], $0xffff;
	_ =	sdelay $0x3  }
0x14d: {  	v3 =	vld [tilespmem:$0x1E8D0]  }
0x14e: {  	[tilespmem:$0x1EAC0] =	vst v1  }
0x14f: {  	v1 =	vld.idx.msk [tilespmem:v2+s29+$0x0], $0xffff;
	_ =	sdelay $0x4  }
0x150: {  	[tilespmem:$0x1EBC0] =	vst v1  }
0x151: {  	v1 =	vld.idx.msk [tilespmem:v3+s3+$0x0], $0xffff;
	_ =	sdelay $0x3  }
0x152: {  	v2 =	vld [tilespmem:$0x1E8E0]  }
0x153: {  	[tilespmem:$0x1EAD0] =	vst v1  }
0x154: {  	v1 =	vld.idx.msk [tilespmem:v3+s29+$0x0], $0xffff;
	_ =	sdelay $0x4  }
0x155: {  	[tilespmem:$0x1EBD0] =	vst v1  }
0x156: {  	v1 =	vld.idx.msk [tilespmem:v2+s3+$0x0], $0xffff;
	_ =	sdelay $0x3  }
0x157: {  	v3 =	vld [tilespmem:$0x1E8F0]  }
0x158: {  	[tilespmem:$0x1EAE0] =	vst v1  }
0x159: {  	v1 =	vld.idx.msk [tilespmem:v2+s29+$0x0], $0xffff;
	_ =	sdelay $0x4  }
0x15a: {  	[tilespmem:$0x1EBE0] =	vst v1  }
0x15b: {  	v1 =	vld.idx.msk [tilespmem:v3+s3+$0x0], $0xffff;
	_ =	sdelay $0x3  }
0x15c: {  	v2 =	vld [tilespmem:$0x1E900]  }
0x15d: {  	[tilespmem:$0x1EAF0] =	vst v1  }
0x15e: {  	v1 =	vld.idx.msk [tilespmem:v3+s29+$0x0], $0xffff;
	_ =	sdelay $0x4  }
0x15f: {  	[tilespmem:$0x1EBF0] =	vst v1  }
0x160: {  	v1 =	vld.idx.msk [tilespmem:v2+s3+$0x0], $0xffff;
	_ =	sdelay $0x3  }
0x161: {  	v3 =	vld [tilespmem:$0x1E910]  }
0x162: {  	[tilespmem:$0x1EB00] =	vst v1  }
0x163: {  	v1 =	vld.idx.msk [tilespmem:v2+s29+$0x0], $0xffff;
	_ =	sdelay $0x4  }
0x164: {  	[tilespmem:$0x1EC00] =	vst v1  }
0x165: {  	v1 =	vld.idx.msk [tilespmem:v3+s3+$0x0], $0xffff;
	_ =	sdelay $0x4  }
0x166: {  	[tilespmem:$0x1EB10] =	vst v1  }
0x167: {  	v1 =	vld.idx.msk [tilespmem:v3+s29+$0x0], $0xffff;
	_ =	sdelay $0x4  }
0x168: {  	s4 =	simm.s32 $0xA0;
	s30 =	simm.s32 $0x1EA80;
	s0 =	simm.s32 $0x1E980;
	[tilespmem:$0x1EC10] =	vst v1  }
0x169: {  	[spmem:s1] =	stream.indirect.scatter.add.f32 [tilespmem:s30], [sflag:$0x7], $0x1, s0, s4, $0xb8;
	[tilespmem:$0x1EC80] =	vst v63  }
0x16a: {  	s21 =	simm.s32 $0x1EB80  }
0x16b: {  	[spmem:s2] =	stream.indirect.scatter.add.f32 [tilespmem:s21], [sflag:$0x7], $0x1, s0, s4, $0xb8;
	[tilespmem:$0x1EC80] =	vst v63  }
0x16c: {  	_ =	swait.ge [sflag:s10], $0x500  }
0x16d: {  	[sflag:s10] =	ssyncset.done $0x0  }
0x16e: {  	[sflag:s10] =	ssyncadd.s32 $0xFFFFFB00  }
0x16f: {  	_ =	swait.ge [sflag:s10], $0x500  }
0x170: {  	[sflag:s10] =	ssyncset.done $0x0  }
0x171: {  	[sflag:s10] =	ssyncadd.s32 $0xFFFFFB00  }
0x172: {  	_ =	swait.ge [sflag:s12], $0x500  }
0x173: {  	[sflag:s12] =	ssyncset.done $0x0  }
0x174: {  	[sflag:s12] =	ssyncadd.s32 $0xFFFFFB00  }
0x175: {  	_ =	swait.ge [sflag:s12], $0x500  }
0x176: {  	[sflag:s12] =	ssyncset.done $0x0  }
0x177: {  	[sflag:s12] =	ssyncadd.s32 $0xFFFFFB00  }
0x178: {  	_ =	swait.ge [sflag:s31], $0xA0  }
0x179: {  	[sflag:s31] =	ssyncset.done $0x0  }
0x17a: {  	[sflag:s31] =	ssyncadd.s32 $0xFFFFFF60  }
0x17b: {  	_ =	swait.ge [sflag:s31], $0xA0  }
0x17c: {  	[sflag:s31] =	ssyncset.done $0x0  }
0x17d: {  	[sflag:s31] =	ssyncadd.s32 $0xFFFFFF60  }
0x17e: {  	[bflag:$0x0] =	sbarrier.arrive $0xFFFF  }
0x17f: {  	s21 =	simm.s32 $0x1C300;
	s4 =	simm.s32 $0x8;
	s15 =	rddreg [dreg:$0x6]  }
0x180: {  	[tilespmem:s21], [sflag:$0x8] =	stream.linear.gather [spmem:s15], $0x620, $0x38;
	[tilespmem:$0x1EC80] =	vst v63  }
0x181: {  	_ =	swait.ge [sflag:s4], $0x620  }
0x182: {  	[sflag:s4] =	ssyncset.done $0x0  }
0x183: {  	s30 =	rddreg [dreg:$0x10];
	[sflag:s4] =	ssyncadd.s32 $0xFFFFF9E0  }
0x184: {  	[hbm4b:s30+s3] =	stream.linear.scatter [tilespmem:s21], [sflag:$0x7], $0x620, $0x38;
	[tilespmem:$0x1EC80] =	vst v63  }
0x185: {  	s0 =	rddreg [dreg:$0x7];
	s30 =	simm.s32 $0x1C980  }
0x186: {  	[tilespmem:s30], [sflag:$0x8] =	stream.linear.gather [spmem:s0], $0x620, $0x38;
	[tilespmem:$0x1EC80] =	vst v63  }
0x187: {  	_ =	swait.ge [sflag:s4], $0x620  }
0x188: {  	[sflag:s4] =	ssyncset.done $0x0  }
0x189: {  	s0 =	rddreg [dreg:$0x11];
	[sflag:s4] =	ssyncadd.s32 $0xFFFFF9E0  }
0x18a: {  	[hbm4b:s0+s3] =	stream.linear.scatter [tilespmem:s30], [sflag:$0x7], $0x620, $0x38;
	[tilespmem:$0x1EC80] =	vst v63  }
0x18b: {  	_ =	swait.ge [sflag:s31], $0x620  }
0x18c: {  	[sflag:s31] =	ssyncset.done $0x0  }
0x18d: {  	s0 =	rddreg [dreg:$0x8];
	[sflag:s31] =	ssyncadd.s32 $0xFFFFF9E0  }
0x18e: {  	[tilespmem:s21], [sflag:$0x8] =	stream.linear.gather [spmem:s0], $0x620, $0x38;
	[tilespmem:$0x1EC80] =	vst v63  }
0x18f: {  	_ =	swait.ge [sflag:s4], $0x620  }
0x190: {  	[sflag:s4] =	ssyncset.done $0x0  }
0x191: {  	s0 =	rddreg [dreg:$0x12];
	[sflag:s4] =	ssyncadd.s32 $0xFFFFF9E0  }
0x192: {  	[hbm4b:s0+s3] =	stream.linear.scatter [tilespmem:s21], [sflag:$0x7], $0x620, $0x38;
	[tilespmem:$0x1EC80] =	vst v63  }
0x193: {  	_ =	swait.ge [sflag:s31], $0x620  }
0x194: {  	[sflag:s31] =	ssyncset.done $0x0  }
0x195: {  	s21 =	rddreg [dreg:$0x9];
	[sflag:s31] =	ssyncadd.s32 $0xFFFFF9E0  }
0x196: {  	[tilespmem:s30], [sflag:$0x8] =	stream.linear.gather [spmem:s21], $0x620, $0x38;
	[tilespmem:$0x1EC80] =	vst v63  }
0x197: {  	_ =	swait.ge [sflag:s4], $0x620  }
0x198: {  	[sflag:s4] =	ssyncset.done $0x0  }
0x199: {  	s21 =	rddreg [dreg:$0x13];
	[sflag:s4] =	ssyncadd.s32 $0xFFFFF9E0  }
0x19a: {  	[hbm4b:s21+s3] =	stream.linear.scatter [tilespmem:s30], [sflag:$0x7], $0x620, $0x38;
	[tilespmem:$0x1EC80] =	vst v63  }
0x19b: {  	_ =	swait.ge [sflag:s31], $0x620  }
0x19c: {  	[sflag:s31] =	ssyncset.done $0x0  }
0x19d: {  	[sflag:s31] =	ssyncadd.s32 $0xFFFFF9E0  }
0x19e: {  	_ =	swait.ge [sflag:s31], $0x620  }
0x19f: {  	s0 =	rddreg [dreg:$0x15]  }
0x1a0: {  	s30 =	rddreg [dreg:$0x14];
	s21 =	sadd.s32 $0x1, s0  }
0x1a1: {  	p0 =	sne.s32 s21, s30  }
.Ltmp8:
0x1a2: {  	_ = 	snop;
	(pc) =	sbr.rel @p0 .LBB2_1-.Ltmp8, $3  }
0x1a3: {  	_ =	sdelay $0x1  }
0x1a4: {  	[sflag:s31] =	ssyncset.done $0x0  }
0x1a5: {  	s28 =	simm.s32 $0x1E980;
	[sflag:s31] =	ssyncadd.s32 $0xFFFFF9E0  }
0x1a6: {  	_ =	sfence.sel $0x180000  }
0x1a7: {  	[bflag:$0x0] =	sbarrier.arrive $0xFFFF  }
0x1a8: {  	_ =	strace $0x9000004D  }
0x1a9: {  	s0 =	stileid.u32;
	[bflag:$0x2] =	sbarrier.arrive $0xFFFF  }
0x1aa: {  	p0 =	sne.s32 s0, $0x0;
	s0 =	rddreg [dreg:$0x3]  }
0x1ab: {  	s0 =	sadd.s32 @!p0 $0x100000, s0  }
0x1ac: {  	[sflag:s0] =	ssyncadd.tile.s32 @!p0 $0x1;
	_ =	shalt  }
.Lfunc_end2:
_tile_overlayer_lowered:
.L_overlay_start_2:
0x1ad: {  	(tag) =	ssettag $0x2  }
0x1ae: {  	s0 =	rddreg [dreg:$0x0];
	s2 =	stileid.u32  }
0x1af: {  	s1 =	rddreg [dreg:$0x1];
	p0 =	sne.s32 s2, $0x0  }
0x1b0: {  	s3 =	rddreg [dreg:$0x2];
	[bflag:$0x3] =	sbarrier.arrive $0xFFFF;
	s2 =	simm.s32 @!p0 $0x1C08  }
0x1b1: {  	[timem:s3], [sflag:s2] =	dma.local @!p0 [hbm:s0], s1  }
0x1b2: {  	s0 =	simm.s32 @!p0 $0x8  }
0x1b3: {  	_ =	swait.ge @!p0 [sflag:s0], s1  }
0x1b4: {  	s1 =	ssub.s32 @!p0 $0x0, s1;
	[sflag:s0] =	ssyncset.done @!p0 $0x0  }
0x1b5: {  	[sflag:s0] =	ssyncadd.s32 @!p0 s1  }
0x1b6: {  	[bflag:$0x3] =	sbarrier.arrive $0xFFFF  }
0x1b7: {  	_ =	shalt  }

// kernel: kernel.17.cloned.1.call-start
scs
__scs_entry_jumppad:
0x0: {  	(pc) =	sbr.rel $0x88, $3  }
0x1: {  	(tag) =	ssettag $0x0;
	lr =	simm.s32 $0x1  }
0x2: {  	[smem:$0x3F9A] =	sst lr;
	_ =	strace $0xD0000000  }
0x3: {  	_ = 	snop  }
0x4: {  	_ = 	snop  }
0x5: {  	_ = 	snop  }
0x6: {  	_ = 	snop  }
0x7: {  	_ = 	snop  }
__scs_overlays_trampoline_lowered:
0x8: {  	[smem:$0x3FA9] =	sst s0  }
0x9: {  	[smem:$0x3FAA] =	sst s1  }
0xa: {  	[smem:$0x3FAB] =	sst s2  }
0xb: {  	[smem:$0x3FAC] =	sst s3  }
0xc: {  	[smem:$0x3FAD] =	sst s4  }
0xd: {  	[smem:$0x3FAE] =	sst s5  }
0xe: {  	[smem:$0x3FAF] =	sst s6  }
0xf: {  	[smem:$0x3FB0] =	sst s7  }
0x10: {  	[smem:$0x3FB1] =	sst s8  }
0x11: {  	[smem:$0x3FB2] =	sst s9;
	s0 =	simm.s32 @!p0 $0x0  }
0x12: {  	s1 =	sld [smem:$0x3F98];
	s0 =	simm.s32 @p0 $0x1  }
0x13: {  	[smem:$0x3FB3] =	sst s0;
	s0 =	simm.s32 @!p1 $0x0  }
0x14: {  	s2 =	sld [smem:$0x3F97];
	s0 =	simm.s32 @p1 $0x1  }
0x15: {  	[smem:$0x3FB4] =	sst s0;
	s0 =	simm.s32 @!p2 $0x0  }
0x16: {  	s3 =	sld [smem:$0x3FDB];
	s0 =	simm.s32 @p2 $0x1  }
0x17: {  	s4 =	simm.s32 $0x1BF5;
	[smem:$0x3FB6] =	sst s0  }
0x18: {  	s0 =	sld [smem:$0x3F99];
	_ =	swait.ge [sflag:s4], $0x0  }
0x19: {  	s7 =	sld [smem:$0x3F9A]  }
0x1a: {  	s8 =	sadd.s32 $0xFFFFE003, lr  }
0x1b: {  	s9 =	sadd.s32 $0xFFFFFEF7, lr;
	s5 =	simm.s32 $0xFFFFFFFF;
	p2 =	slt.u32 s8, $0xFFFFF086  }
0x1c: {  	p1 =	slt.u32 s9, $0xF7A;
	s5 =	simm.s32 @!p2 $0x0  }
0x1d: {  	s5 =	simm.s32 @p1 $0x1;
	p0 =	seq.s32 s7, s2  }
0x1e: {  	s7 =	smul.u32 @!p0 $0xF7A, s2;
	p2 =	seq.s32 @!p0 s5, $0x0  }
0x1f: {  	s9 =	smul.u32 $0xF7A, s1;
	s8 =	simm.s32 @!p0 $0x1BF5;
	p2 =	por !p2, p0  }
0x20: {  	[sflag:s8] =	ssyncset.s32 @!p0 $0xFFFFF086;
	s6 =	sadd.s32 @!p0 s3, s7;
	s7 =	simm.s32 @!p0 $0x108  }
0x21: {  	s3 =	sadd.s32 s3, s9;
	s6 =	sadd.s32 @!p0 $0x88, s6;
	s7 =	simm.s32 @p2 $0x1082  }
0x22: {  	[simem:s7], [sflag:s8] =	dma.local @!p0 [hbm:s6], $0xF7A  }
0x23: {  	s9 =	sor.u32 $0xD0000000, s2;
	s6 =	simm.s32 $0x108;
	_ =	swait.ge @!p0 [sflag:s8], $0x0  }
0x24: {  	s3 =	sadd.s32 $0x88, s3;
	s6 =	simm.s32 @!p1 $0x1082;
	[sflag:s4] =	ssyncset.s32 $0xFFFFF086  }
0x25: {  	[simem:s6], [sflag:s4] =	dma.local [hbm:s3], $0xF7A  }
0x26: {  	[smem:$0x3F9A] =	sst s1;
	(tag) =	ssettag s2;
	_ =	strace s9  }
0x27: {  	s1 =	sld [smem:$0x3FAA]  }
0x28: {  	s2 =	sld [smem:$0x3FAB]  }
0x29: {  	s4 =	sld [smem:$0x3FAD]  }
0x2a: {  	p0 =	seq.s32 s5, $0x0;
	s5 =	sld [smem:$0x3FAE]  }
0x2b: {  	s6 =	sld [smem:$0x3FAF]  }
0x2c: {  	s7 =	sld [smem:$0x3FB0]  }
0x2d: {  	s3 =	simm.s32 $0x108;
	s8 =	sld [smem:$0x3FB1]  }
0x2e: {  	s3 =	simm.s32 @!p0 $0x1082;
	s9 =	sld [smem:$0x3FB2]  }
0x2f: {  	lr =	sadd.s32 s0, s3;
	s0 =	sld [smem:$0x3FA9]  }
0x30: {  	s3 =	sld [smem:$0x3FAC]  }
0x31: {  	[smem:$0x3FB5] =	sst s10  }
0x32: {  	s10 =	sld [smem:$0x3FB3];
	_ =	sdelay $0x3  }
0x33: {  	p0 =	seq.s32 s10, $0x1;
	s10 =	sld [smem:$0x3FB5];
	_ =	sdelay $0x3  }
0x34: {  	[smem:$0x3FB5] =	sst s10  }
0x35: {  	s10 =	sld [smem:$0x3FB4];
	_ =	sdelay $0x3  }
0x36: {  	p1 =	seq.s32 s10, $0x1;
	s10 =	sld [smem:$0x3FB5];
	_ =	sdelay $0x3  }
0x37: {  	[smem:$0x3FB5] =	sst s10  }
0x38: {  	s10 =	sld [smem:$0x3FB6]  }
0x39: {  	_ = 	snop;
	(pc) =	sbr.ind lr, $3  }
0x3a: {  	_ = 	snop  }
0x3b: {  	_ = 	snop  }
0x3c: {  	p2 =	seq.s32 s10, $0x1;
	s10 =	sld [smem:$0x3FB5]  }
0x3d: {  	_ =	shalt  }
0x3e: {  	_ =	shalt  }
0x3f: {  	_ =	shalt  }
0x40: {  	_ =	shalt  }
0x41: {  	_ =	shalt  }
0x42: {  	_ =	shalt  }
0x43: {  	_ =	shalt  }
0x44: {  	_ =	shalt  }
0x45: {  	_ =	shalt  }
0x46: {  	_ =	shalt  }
0x47: {  	_ =	shalt  }
0x48: {  	_ =	shalt  }
0x49: {  	_ =	shalt  }
0x4a: {  	_ =	shalt  }
0x4b: {  	_ =	shalt  }
0x4c: {  	_ =	shalt  }
0x4d: {  	_ =	shalt  }
0x4e: {  	_ =	shalt  }
0x4f: {  	_ =	shalt  }
0x50: {  	_ =	shalt  }
0x51: {  	_ =	shalt  }
0x52: {  	_ =	shalt  }
0x53: {  	_ =	shalt  }
0x54: {  	_ =	shalt  }
0x55: {  	_ =	shalt  }
0x56: {  	_ =	shalt  }
0x57: {  	_ =	shalt  }
0x58: {  	_ =	shalt  }
0x59: {  	_ =	shalt  }
0x5a: {  	_ =	shalt  }
0x5b: {  	_ =	shalt  }
0x5c: {  	_ =	shalt  }
0x5d: {  	_ =	shalt  }
0x5e: {  	_ =	shalt  }
0x5f: {  	_ =	shalt  }
0x60: {  	_ =	shalt  }
0x61: {  	_ =	shalt  }
0x62: {  	_ =	shalt  }
0x63: {  	_ =	shalt  }
0x64: {  	_ =	shalt  }
0x65: {  	_ =	shalt  }
0x66: {  	_ =	shalt  }
0x67: {  	_ =	shalt  }
0x68: {  	_ =	shalt  }
0x69: {  	_ =	shalt  }
0x6a: {  	_ =	shalt  }
0x6b: {  	_ =	shalt  }
0x6c: {  	_ =	shalt  }
0x6d: {  	_ =	shalt  }
0x6e: {  	_ =	shalt  }
0x6f: {  	_ =	shalt  }
0x70: {  	_ =	shalt  }
0x71: {  	_ =	shalt  }
0x72: {  	_ =	shalt  }
0x73: {  	_ =	shalt  }
0x74: {  	_ =	shalt  }
0x75: {  	_ =	shalt  }
0x76: {  	_ =	shalt  }
0x77: {  	_ =	shalt  }
0x78: {  	_ =	shalt  }
0x79: {  	_ =	shalt  }
0x7a: {  	_ =	shalt  }
0x7b: {  	_ =	shalt  }
0x7c: {  	_ =	shalt  }
0x7d: {  	_ =	shalt  }
0x7e: {  	_ =	shalt  }
0x7f: {  	_ =	shalt  }
0x80: {  	_ =	shalt  }
0x81: {  	_ =	shalt  }
0x82: {  	_ =	shalt  }
0x83: {  	_ =	shalt  }
0x84: {  	_ =	shalt  }
0x85: {  	_ =	shalt  }
0x86: {  	_ =	shalt  }
0x87: {  	_ =	shalt  }
.Lfunc_end0:
.L_simem_size_0:
called_computation.3_lowered:
.L_overlay_start_0:
0x88: {  	s2 =	sld [smem:$0x3FD9]  }
0x89: {  	s3 =	sld [smem:$0x3FFE];
	_ =	sdelay $0x1  }
0x8a: {  	s1 =	srdreg.scid  }
0x8b: {  	s0 =	sand.u32 $0x1, s1  }
0x8c: {  	s16 =	sshll.u32 s0, $0xA;
	s2 =	sadd.s32 s3, s2  }
0x8d: {  	s2 =	sadd.s32 s2, s16  }
0x8e: {  	[smem:$0x3FC1] =	sst s2  }
0x8f: {  	_ = 	snop  }
0x90: {  	(tm) =	ssettm $0x1  }
0x91: {  	s17 =	sld [smem:$0x3FFB];
	_ =	sdelay $0x3  }
0x92: {  	_ =	strace s17  }
0x93: {  	s2 =	sld [smem:$0x3FFC];
	_ =	sdelay $0x3  }
0x94: {  	_ =	strace s2  }
0x95: {  	s2 =	sld [smem:$0x3FFD];
	_ =	sdelay $0x3  }
0x96: {  	_ =	strace s2  }
0x97: {  	_ =	strace $0x8FFFFFFF  }
0x98: {  	s18 =	sld [smem:$0x3FDB];
	_ =	sdelay $0x1  }
0x99: {  	s19 =	simm.s32 $_scs_section_size  }
0x9a: {  	s4 =	simm.s32 $_size__tile_overlayer_lowered;
	s5 =	simm.s32 $_tile_overlayer_lowered  }
0x9b: {  	s22 =	simm.s32 $0x1BFF;
	s21 =	sshll.u32 s5, $0x1;
	s2 =	sadd.s32 s19, s18  }
0x9c: {  	s6 =	simm.s32 $0x0;
	s20 =	sshll.u32 s4, $0x1;
	s4 =	sadd.s32 s21, s2  }
0x9d: {  	[timem:s6], [sflag:s22] =	dma.local [hbm:s4], s20  }
0x9e: {  	_ =	swait.ge [sflag:s22], s20  }
0x9f: {  	s3 =	ssub.s32 $0x0, s20;
	[sflag:s22] =	ssyncset.done $0x0  }
0xa0: {  	[sflag:s22] =	ssyncadd.s32 s3;
	_ =	sdelay $0x1  }
0xa1: {  	s23 =	simm.s32 $0x1B8B  }
0xa2: {  	_ =	swait.ge [sflag:s23], $0x1  }
0xa3: {  	[sflag:s23] =	ssyncset.done $0x0  }
0xa4: {  	s25 =	simm.s32 $0x1B8E;
	s24 =	sld [smem:$0x3FFE];
	[sflag:s23] =	ssyncadd.s32 $0xFFFFFFFF  }
0xa5: {  	s26 =	simm.s32 $execute0_lowered;
	[smem:$0x3FD2] =	sst s25  }
0xa6: {  	s4 =	sshll.u32 s26, $0x1;
	_ =	strace $0x8000004F;
	[dreg:$0x1] =	wrdreg $0xFFFFFFFF  }
0xa7: {  	s28 =	simm.s32 $_size_execute0_lowered;
	s2 =	sadd.s32 s2, s4;
	[dreg:$0x0] =	wrdreg $0x0  }
0xa8: {  	s4 =	sshll.u32 s28, $0x1;
	[dreg:$0x2] =	wrdreg s2  }
0xa9: {  	[dreg:$0x3] =	wrdreg s4  }
0xaa: {  	[dreg:$0x4] =	wrdreg $0xC0  }
0xab: {  	_ =	task [dreg:s6], $0x5FFFF  }
0xac: {  	[dreg:$0x1] =	wrdreg $0xFFFFFFFF  }
0xad: {  	[dreg:$0x0] =	wrdreg $0x60  }
0xae: {  	[dreg:$0x2] =	wrdreg s24  }
0xaf: {  	[dreg:$0x3] =	wrdreg $0x9  }
0xb0: {  	_ =	task.clear_ibuf [dreg:s6], $0x4FFFF;
	_ =	strace $0x9000004F  }
0xb1: {  	s29 =	simm.s32 $0x9;
	_ =	strace $0x80000051  }
0xb2: {  	_ =	swait.ge [sflag:s29], $0x1  }
0xb3: {  	[sflag:s29] =	ssyncadd.s32 $0xFFFFFFFF  }
0xb4: {  	_ =	strace $0x90000051  }
0xb5: {  	_ =	sfence  }
0xb6: {  	s30 =	sld [smem:$0x0];
	_ =	sdelay $0x2  }
0xb7: {  	s31 =	sshll.u32 s1, $0xD;
	s1 =	sshrl.u32 s1, $0x2  }
0xb8: {  	s3 =	sand.u32 $0x4000, s31;
	s1 =	sadd.s32 s1, s30  }
0xb9: {  	s0 =	sor.u32 s3, s0;
	s1 =	sshll.u32 s1, $0x11  }
0xba: {  	s0 =	sor.u32 s1, s0  }
0xbb: {  	s0 =	sadd.s32 $0x8F2B, s0  }
0xbc: {  	[sflag:s0] =	ssyncadd.remote.s32 $0x1  }
0xbd: {  	_ =	sfence.sel $0xFFFF  }
0xbe: {  	[dreg:$0x0] =	wrdreg $0xFFFFFFFF;
	(pc) =	sbr.abs _section_cstart, $3  }
0xbf: {  	[dreg:$0x1] =	wrdreg $0xFFFFFFFF  }
0xc0: {  	_ =	task.clear_ibuf [dreg:s6], $0x2FFFF;
	_ =	strace $0x9FFFFFFF  }
0xc1: {  	(tm) =	ssettm $0x7FFFFFFF  }
tec
execute0_lowered:
.L_overlay_start_1:
0x0: {  	(tag) =	ssettag $0x1  }
0x1: {  	s0 =	rddreg [dreg:$0x0];
	s1 =	srdreg.scid  }
0x2: {  	s3 =	stileid.u32;
	s2 =	simm.s32 $0x0;
	s19 =	simm.s32 $0x680  }
0x3: {  	s20 =	simm.s32 $0xD00;
	s21 =	simm.s32 $0x1;
	s22 =	simm.s32 $0x1380  }
0x4: {  	s23 =	simm.s32 $0x1A00;
	s24 =	simm.s32 $0x2080;
	s25 =	simm.s32 $0x2700  }
0x5: {  	s26 =	simm.s32 $0x2D80;
	s28 =	simm.s32 $0x3400;
	s29 =	simm.s32 $0x3A80  }
0x6: {  	s30 =	simm.s32 $0x4100;
	s1 =	sand.u32 $0x1, s1;
	s3 =	sshll.u32 s3, $0x1  }
0x7: {  	s31 =	simm.s32 $0x0;
	[smem:$0x7FF] =	sst s2;
	s3 =	sor.u32 s1, s3  }
0x8: {  	s8 =	sadd.s32 $0xC7400, s0;
	s1 =	ssub.s32 $0x2, s1;
	s4 =	smul.u32 $0x620, s3  }
0x9: {  	s10 =	sadd.s32 $0xCA600, s0;
	_ =	strace $0x80000050;
	s5 =	sshrl.u32 s1, $0x1  }
0xa: {  	s3 =	sadd.s32 $0xD4800, s0;
	s1 =	ssub.s32 s1, s5;
	s9 =	sshrl.u32 s4, $0x3  }
0xb: {  	s4 =	sadd.s32 $0xD4400, s0;
	s16 =	smax.u32 s1, $0x1;
	s0 =	sadd.s32 s9, s0  }
0xc: {  	s11 =	sadd.s32 $0x1880, s9;
	s7 =	sadd.s32 s8, s9;
	s9 =	sadd.s32 s10, s9  }
0xd: {  	s5 =	sadd.s32 $0xD4A00, s0;
	s6 =	sadd.s32 $0xD6400, s0;
	s8 =	sadd.s32 s8, s11  }
0xe: {  	s10 =	sadd.s32 s10, s11;
	s11 =	sadd.s32 $0xD7E00, s0;
	s12 =	sadd.s32 $0xCD800, s0  }
0xf: {  	s13 =	sadd.s32 $0xCF200, s0;
	s14 =	sadd.s32 $0xD0C00, s0;
	s15 =	sadd.s32 $0xD2600, s0  }
.LBB2_1:
0x10: {  	s0 =	simm.s32 $0x4780  }
0x11: {  	[tilespmem:s0], [sflag:$0x1] =	stream.linear.gather [hbm4b:s3+s2], $0x80, $0x38;
	[tilespmem:$0x4880] =	vst v63  }
0x12: {  	s18 =	simm.s32 $0x4800  }
0x13: {  	[tilespmem:s18], [sflag:$0x1] =	stream.linear.gather [hbm4b:s4+s2], $0x80, $0x38;
	[tilespmem:$0x4880] =	vst v63  }
0x14: {  	_ = 	snop  }
0x15: {  	[tilespmem:s2], [sflag:$0x1] =	stream.linear.gather [hbm4b:s5+s2], $0x620, $0x38;
	[tilespmem:$0x4880] =	vst v63  }
0x16: {  	_ = 	snop  }
0x17: {  	[tilespmem:s19], [sflag:$0x1] =	stream.linear.gather [hbm4b:s6+s2], $0x620, $0x38;
	[tilespmem:$0x4880] =	vst v63  }
0x18: {  	_ = 	snop  }
0x19: {  	[tilespmem:s20], [sflag:$0x1] =	stream.linear.gather [hbm4b:s7+s2], $0x620, $0x38;
	[tilespmem:$0x4880] =	vst v63  }
0x1a: {  	_ =	swait.ge [sflag:s21], $0x80  }
0x1b: {  	[sflag:s21] =	ssyncset.done $0x0  }
0x1c: {  	[sflag:s21] =	ssyncadd.s32 $0xFFFFFF80  }
0x1d: {  	_ =	swait.ge [sflag:s21], $0x80  }
0x1e: {  	[sflag:s21] =	ssyncset.done $0x0  }
0x1f: {  	[sflag:s21] =	ssyncadd.s32 $0xFFFFFF80  }
0x20: {  	_ =	swait.ge [sflag:s21], $0x620  }
0x21: {  	[sflag:s21] =	ssyncset.done $0x0  }
0x22: {  	[sflag:s21] =	ssyncadd.s32 $0xFFFFF9E0  }
0x23: {  	_ =	swait.ge [sflag:s21], $0x620  }
0x24: {  	[sflag:s21] =	ssyncset.done $0x0  }
0x25: {  	[sflag:s21] =	ssyncadd.s32 $0xFFFFF9E0  }
0x26: {  	_ =	swait.ge [sflag:s21], $0x620  }
0x27: {  	[sflag:s21] =	ssyncset.done $0x0  }
0x28: {  	[sflag:s21] =	ssyncadd.s32 $0xFFFFF9E0  }
0x29: {  	[tilespmem:s22], [sflag:$0x1] =	stream.linear.gather [hbm4b:s8+s2], $0x620, $0x38;
	[tilespmem:$0x4880] =	vst v63  }
0x2a: {  	_ = 	snop  }
0x2b: {  	[tilespmem:s23], [sflag:$0x1] =	stream.linear.gather [hbm4b:s9+s2], $0x620, $0x38;
	[tilespmem:$0x4880] =	vst v63  }
0x2c: {  	_ = 	snop  }
0x2d: {  	[tilespmem:s24], [sflag:$0x1] =	stream.linear.gather [hbm4b:s10+s2], $0x620, $0x38;
	[tilespmem:$0x4880] =	vst v63  }
0x2e: {  	_ = 	snop  }
0x2f: {  	[tilespmem:s25], [sflag:$0x1] =	stream.linear.gather [hbm4b:s11+s2], $0x620, $0x38;
	[tilespmem:$0x4880] =	vst v63  }
0x30: {  	_ =	swait.ge [sflag:s21], $0x620  }
0x31: {  	[sflag:s21] =	ssyncset.done $0x0  }
0x32: {  	[sflag:s21] =	ssyncadd.s32 $0xFFFFF9E0  }
0x33: {  	_ =	swait.ge [sflag:s21], $0x620  }
0x34: {  	[sflag:s21] =	ssyncset.done $0x0  }
0x35: {  	[sflag:s21] =	ssyncadd.s32 $0xFFFFF9E0  }
0x36: {  	_ =	swait.ge [sflag:s21], $0x620  }
0x37: {  	[sflag:s21] =	ssyncset.done $0x0  }
0x38: {  	[sflag:s21] =	ssyncadd.s32 $0xFFFFF9E0  }
0x39: {  	_ =	swait.ge [sflag:s21], $0x620  }
0x3a: {  	[sflag:s21] =	ssyncset.done $0x0  }
0x3b: {  	[sflag:s21] =	ssyncadd.s32 $0xFFFFF9E0  }
0x3c: {  	v1 =	vld [tilespmem:$0x4780]  }
0x3d: {  	s1 =	simm.s32 $0x0;
	v0 =	vld [tilespmem:$0x4800]  }
0x3e: {  	v2 =	vld [tilespmem:s1+$0x1A00]  }
0x3f: {  	v3 =	vld [tilespmem:s1+$0x2080]  }
0x40: {  	v4 =	vld [tilespmem:s1+$0xD00]  }
0x41: {  	v5 =	vld [tilespmem:s1+$0x2700]  }
0x42: {  	v6 =	vld [tilespmem:s1+$0x1380]  }
0x43: {  	v7 =	vld [tilespmem:s1+$0x680]  }
0x44: {  	s0 =	simm.s32 $0x10;
	v9 =	vld [tilespmem:s1+$0x0];
	v2 =	vadd.f32 v3, v2  }
0x45: {  	v8 =	vld [tilespmem:s0+$0x1A00]  }
0x46: {  	v10 =	vld [tilespmem:s0+$0x2080];
	v3 =	vmul.f32 v2, v5  }
0x47: {  	v11 =	vadd.f32 v6, v4;
	v4 =	vld [tilespmem:s0+$0x2700]  }
0x48: {  	v6 =	vld [tilespmem:s0+$0x1380];
	v3 =	vadd.f32 v3, v7  }
0x49: {  	v2 =	vld [tilespmem:s0+$0xD00];
	v7 =	vmul.f32 v11, v5  }
0x4a: {  	v5 =	vld [tilespmem:s0+$0x680];
	v11 =	vmul.f32 v3, v1  }
0x4b: {  	s17 =	simm.s32 $0x20;
	v8 =	vadd.f32 v10, v8;
	v3 =	vld [tilespmem:s0+$0x0];
	v9 =	vadd.f32 v7, v9  }
0x4c: {  	s18 =	simm.s32 $0xC0;
	v7 =	vld [tilespmem:s17+$0x1A00];
	v10 =	vadd.f32 v11, v0  }
.LBB2_2:
0x4d: {  	p0 =	sne.s32 s18, $0x1840;
	v11 =	vld [tilespmem:s17+$0x2080];
	v8 =	vmul.f32 v8, v4;
	v9 =	vmul.f32 v9, v1;
	v12 =	vmov v4  }
0x4e: {  	v13 =	vadd.f32 v6, v2;
	v2 =	vld [tilespmem:s17+$0xD00];
	[tilespmem:s1+$0x3400] =	vst v10;
	v6 =	vmax.f32 v10, $0.0e+00  }
.Ltmp0:
0x4f: {  	v4 =	vld [tilespmem:s17+$0x2700];
	v8 =	vadd.f32 v8, v5;
	v9 =	vadd.f32 v9, v0;
	[tilespmem:s1+$0x4100] =	vst v6;
	(pc) =	sbr.rel @p0 .LBB2_2-.Ltmp0, $4  }
0x50: {  	v6 =	vld [tilespmem:s17+$0x1380];
	v10 =	vmul.f32 v13, v12  }
0x51: {  	v5 =	vld [tilespmem:s17+$0x680];
	v12 =	vmul.f32 v8, v1;
	[tilespmem:s1+$0x2D80] =	vst v9;
	v13 =	vmax.f32 v9, $0.0e+00  }
0x52: {  	v8 =	vadd.f32 v11, v7;
	v9 =	vadd.f32 v10, v3;
	v3 =	vld [tilespmem:s17+$0x0];
	[tilespmem:s1+$0x3A80] =	vst v13;
	s1 =	smov.u32 s0;
	s0 =	smov.u32 s17;
	s17 =	sshra.s32 s18, $0x2  }
0x53: {  	s18 =	sadd.s32 $0x40, s18;
	v7 =	vld [tilespmem:s17+$0x1A00];
	v10 =	vadd.f32 v12, v0  }
0x54: {  	v11 =	vld [tilespmem:s17+$0x2080]  }
0x55: {  	v12 =	vld [tilespmem:s17+$0xD00];
	[tilespmem:s1+$0x3400] =	vst v10;
	v53 =	vmax.f32 v10, $0.0e+00  }
0x56: {  	v9 =	vmul.f32 v9, v1;
	v13 =	vld [tilespmem:s17+$0x2700];
	[tilespmem:s1+$0x4100] =	vst v53  }
0x57: {  	v8 =	vmul.f32 v8, v4;
	v10 =	vld [tilespmem:s17+$0x1380]  }
0x58: {  	v2 =	vadd.f32 v6, v2;
	v54 =	vadd.f32 v9, v0  }
0x59: {  	v5 =	vadd.f32 v8, v5;
	v55 =	vld [tilespmem:s17+$0x680]  }
0x5a: {  	v2 =	vmul.f32 v2, v4;
	[tilespmem:s1+$0x2D80] =	vst v54;
	v56 =	vadd.f32 v11, v7  }
0x5b: {  	v5 =	vmul.f32 v5, v1;
	v57 =	vld [tilespmem:s17+$0x0]  }
0x5c: {  	v2 =	vadd.f32 v2, v3;
	v58 =	vmul.f32 v56, v13;
	v59 =	vadd.f32 v10, v12  }
0x5d: {  	v6 =	vmax.f32 v54, $0.0e+00;
	v5 =	vadd.f32 v5, v0  }
0x5e: {  	v2 =	vmul.f32 v2, v1;
	v3 =	vadd.f32 v58, v55;
	v4 =	vmul.f32 v59, v13  }
0x5f: {  	[tilespmem:s1+$0x3A80] =	vst v6;
	v60 =	vmax.f32 v5, $0.0e+00  }
0x60: {  	[tilespmem:s0+$0x3400] =	vst v5;
	v2 =	vadd.f32 v2, v0;
	v3 =	vmul.f32 v3, v1;
	v4 =	vadd.f32 v4, v57  }
0x61: {  	[tilespmem:s0+$0x4100] =	vst v60  }
0x62: {  	[tilespmem:s0+$0x2D80] =	vst v2;
	v2 =	vmax.f32 v2, $0.0e+00;
	v3 =	vadd.f32 v3, v0;
	v61 =	vmul.f32 v4, v1  }
0x63: {  	[tilespmem:s0+$0x3A80] =	vst v2  }
0x64: {  	[tilespmem:s17+$0x3400] =	vst v3;
	v62 =	vmax.f32 v3, $0.0e+00;
	v63 =	vadd.f32 v61, v0  }
0x65: {  	[tilespmem:s17+$0x4100] =	vst v62  }
0x66: {  	[tilespmem:s17+$0x2D80] =	vst v63;
	v0 =	vmax.f32 v63, $0.0e+00  }
0x67: {  	[tilespmem:s17+$0x3A80] =	vst v0  }
0x68: {  	[hbm4b:s12+s2] =	stream.linear.scatter [tilespmem:s26], [sflag:$0x1], $0x620, $0x38;
	[tilespmem:$0x4880] =	vst v63  }
0x69: {  	_ = 	snop  }
0x6a: {  	[hbm4b:s13+s2] =	stream.linear.scatter [tilespmem:s28], [sflag:$0x1], $0x620, $0x38;
	[tilespmem:$0x4880] =	vst v63  }
0x6b: {  	_ = 	snop  }
0x6c: {  	[hbm4b:s14+s2] =	stream.linear.scatter [tilespmem:s29], [sflag:$0x1], $0x620, $0x38;
	[tilespmem:$0x4880] =	vst v63  }
0x6d: {  	_ = 	snop  }
0x6e: {  	[hbm4b:s15+s2] =	stream.linear.scatter [tilespmem:s30], [sflag:$0x1], $0x620, $0x38;
	[tilespmem:$0x4880] =	vst v63  }
0x6f: {  	_ =	swait.ge [sflag:s21], $0x620  }
0x70: {  	[sflag:s21] =	ssyncset.done $0x0  }
0x71: {  	[sflag:s21] =	ssyncadd.s32 $0xFFFFF9E0  }
0x72: {  	_ =	swait.ge [sflag:s21], $0x620  }
0x73: {  	[sflag:s21] =	ssyncset.done $0x0  }
0x74: {  	s31 =	sadd.s32 $0x1, s31;
	[sflag:s21] =	ssyncadd.s32 $0xFFFFF9E0  }
0x75: {  	p0 =	sne.s32 s31, s16;
	_ =	swait.ge [sflag:s21], $0x620  }
.Ltmp1:
0x76: {  	[sflag:s21] =	ssyncset.done $0x0;
	(pc) =	sbr.rel @p0 .LBB2_1-.Ltmp1, $4  }
0x77: {  	[sflag:s21] =	ssyncadd.s32 $0xFFFFF9E0  }
0x78: {  	_ =	swait.ge [sflag:s21], $0x620  }
0x79: {  	[sflag:s21] =	ssyncset.done $0x0  }
0x7a: {  	[sflag:s21] =	ssyncadd.s32 $0xFFFFF9E0  }
0x7b: {  	_ =	sfence.sel $0x180000  }
0x7c: {  	[bflag:$0x0] =	sbarrier.arrive $0xFFFF  }
0x7d: {  	_ =	strace $0x90000050  }
0x7e: {  	s0 =	stileid.u32;
	[bflag:$0x2] =	sbarrier.arrive $0xFFFF  }
0x7f: {  	p0 =	sne.s32 s0, $0x0;
	s0 =	rddreg [dreg:$0x1]  }
0x80: {  	s0 =	sadd.s32 @!p0 $0x100000, s0  }
0x81: {  	[sflag:s0] =	ssyncadd.tile.s32 @!p0 $0x1;
	_ =	shalt  }
.Lfunc_end2:
_tile_overlayer_lowered:
.L_overlay_start_2:
0x82: {  	(tag) =	ssettag $0x2  }
0x83: {  	s0 =	rddreg [dreg:$0x0];
	s2 =	stileid.u32  }
0x84: {  	s1 =	rddreg [dreg:$0x1];
	p0 =	sne.s32 s2, $0x0  }
0x85: {  	s3 =	rddreg [dreg:$0x2];
	[bflag:$0x3] =	sbarrier.arrive $0xFFFF;
	s2 =	simm.s32 @!p0 $0x1C02  }
0x86: {  	[timem:s3], [sflag:s2] =	dma.local @!p0 [hbm:s0], s1  }
0x87: {  	s0 =	simm.s32 @!p0 $0x2  }
0x88: {  	_ =	swait.ge @!p0 [sflag:s0], s1  }
0x89: {  	s1 =	ssub.s32 @!p0 $0x0, s1;
	[sflag:s0] =	ssyncset.done @!p0 $0x0  }
0x8a: {  	[sflag:s0] =	ssyncadd.s32 @!p0 s1  }
0x8b: {  	[bflag:$0x3] =	sbarrier.arrive $0xFFFF  }
0x8c: {  	_ =	shalt  }

// kernel: kernel.20.cloned.1.call-start
scs
__scs_entry_jumppad:
0x0: {  	(pc) =	sbr.rel $0x88, $3  }
0x1: {  	(tag) =	ssettag $0x0;
	lr =	simm.s32 $0x1  }
0x2: {  	[smem:$0x3F9A] =	sst lr;
	_ =	strace $0xD0000000  }
0x3: {  	_ = 	snop  }
0x4: {  	_ = 	snop  }
0x5: {  	_ = 	snop  }
0x6: {  	_ = 	snop  }
0x7: {  	_ = 	snop  }
__scs_overlays_trampoline_lowered:
0x8: {  	[smem:$0x3FA9] =	sst s0  }
0x9: {  	[smem:$0x3FAA] =	sst s1  }
0xa: {  	[smem:$0x3FAB] =	sst s2  }
0xb: {  	[smem:$0x3FAC] =	sst s3  }
0xc: {  	[smem:$0x3FAD] =	sst s4  }
0xd: {  	[smem:$0x3FAE] =	sst s5  }
0xe: {  	[smem:$0x3FAF] =	sst s6  }
0xf: {  	[smem:$0x3FB0] =	sst s7  }
0x10: {  	[smem:$0x3FB1] =	sst s8  }
0x11: {  	[smem:$0x3FB2] =	sst s9;
	s0 =	simm.s32 @!p0 $0x0  }
0x12: {  	s1 =	sld [smem:$0x3F98];
	s0 =	simm.s32 @p0 $0x1  }
0x13: {  	[smem:$0x3FB3] =	sst s0;
	s0 =	simm.s32 @!p1 $0x0  }
0x14: {  	s2 =	sld [smem:$0x3F97];
	s0 =	simm.s32 @p1 $0x1  }
0x15: {  	[smem:$0x3FB4] =	sst s0;
	s0 =	simm.s32 @!p2 $0x0  }
0x16: {  	s3 =	sld [smem:$0x3FDB];
	s0 =	simm.s32 @p2 $0x1  }
0x17: {  	s4 =	simm.s32 $0x1BF5;
	[smem:$0x3FB6] =	sst s0  }
0x18: {  	s0 =	sld [smem:$0x3F99];
	_ =	swait.ge [sflag:s4], $0x0  }
0x19: {  	s7 =	sld [smem:$0x3F9A]  }
0x1a: {  	s8 =	sadd.s32 $0xFFFFE003, lr  }
0x1b: {  	s9 =	sadd.s32 $0xFFFFFEF7, lr;
	s5 =	simm.s32 $0xFFFFFFFF;
	p2 =	slt.u32 s8, $0xFFFFF086  }
0x1c: {  	p1 =	slt.u32 s9, $0xF7A;
	s5 =	simm.s32 @!p2 $0x0  }
0x1d: {  	s5 =	simm.s32 @p1 $0x1;
	p0 =	seq.s32 s7, s2  }
0x1e: {  	s7 =	smul.u32 @!p0 $0xF7A, s2;
	p2 =	seq.s32 @!p0 s5, $0x0  }
0x1f: {  	s9 =	smul.u32 $0xF7A, s1;
	s8 =	simm.s32 @!p0 $0x1BF5;
	p2 =	por !p2, p0  }
0x20: {  	[sflag:s8] =	ssyncset.s32 @!p0 $0xFFFFF086;
	s6 =	sadd.s32 @!p0 s3, s7;
	s7 =	simm.s32 @!p0 $0x108  }
0x21: {  	s3 =	sadd.s32 s3, s9;
	s6 =	sadd.s32 @!p0 $0x88, s6;
	s7 =	simm.s32 @p2 $0x1082  }
0x22: {  	[simem:s7], [sflag:s8] =	dma.local @!p0 [hbm:s6], $0xF7A  }
0x23: {  	s9 =	sor.u32 $0xD0000000, s2;
	s6 =	simm.s32 $0x108;
	_ =	swait.ge @!p0 [sflag:s8], $0x0  }
0x24: {  	s3 =	sadd.s32 $0x88, s3;
	s6 =	simm.s32 @!p1 $0x1082;
	[sflag:s4] =	ssyncset.s32 $0xFFFFF086  }
0x25: {  	[simem:s6], [sflag:s4] =	dma.local [hbm:s3], $0xF7A  }
0x26: {  	[smem:$0x3F9A] =	sst s1;
	(tag) =	ssettag s2;
	_ =	strace s9  }
0x27: {  	s1 =	sld [smem:$0x3FAA]  }
0x28: {  	s2 =	sld [smem:$0x3FAB]  }
0x29: {  	s4 =	sld [smem:$0x3FAD]  }
0x2a: {  	p0 =	seq.s32 s5, $0x0;
	s5 =	sld [smem:$0x3FAE]  }
0x2b: {  	s6 =	sld [smem:$0x3FAF]  }
0x2c: {  	s7 =	sld [smem:$0x3FB0]  }
0x2d: {  	s3 =	simm.s32 $0x108;
	s8 =	sld [smem:$0x3FB1]  }
0x2e: {  	s3 =	simm.s32 @!p0 $0x1082;
	s9 =	sld [smem:$0x3FB2]  }
0x2f: {  	lr =	sadd.s32 s0, s3;
	s0 =	sld [smem:$0x3FA9]  }
0x30: {  	s3 =	sld [smem:$0x3FAC]  }
0x31: {  	[smem:$0x3FB5] =	sst s10  }
0x32: {  	s10 =	sld [smem:$0x3FB3];
	_ =	sdelay $0x3  }
0x33: {  	p0 =	seq.s32 s10, $0x1;
	s10 =	sld [smem:$0x3FB5];
	_ =	sdelay $0x3  }
0x34: {  	[smem:$0x3FB5] =	sst s10  }
0x35: {  	s10 =	sld [smem:$0x3FB4];
	_ =	sdelay $0x3  }
0x36: {  	p1 =	seq.s32 s10, $0x1;
	s10 =	sld [smem:$0x3FB5];
	_ =	sdelay $0x3  }
0x37: {  	[smem:$0x3FB5] =	sst s10  }
0x38: {  	s10 =	sld [smem:$0x3FB6]  }
0x39: {  	_ = 	snop;
	(pc) =	sbr.ind lr, $3  }
0x3a: {  	_ = 	snop  }
0x3b: {  	_ = 	snop  }
0x3c: {  	p2 =	seq.s32 s10, $0x1;
	s10 =	sld [smem:$0x3FB5]  }
0x3d: {  	_ =	shalt  }
0x3e: {  	_ =	shalt  }
0x3f: {  	_ =	shalt  }
0x40: {  	_ =	shalt  }
0x41: {  	_ =	shalt  }
0x42: {  	_ =	shalt  }
0x43: {  	_ =	shalt  }
0x44: {  	_ =	shalt  }
0x45: {  	_ =	shalt  }
0x46: {  	_ =	shalt  }
0x47: {  	_ =	shalt  }
0x48: {  	_ =	shalt  }
0x49: {  	_ =	shalt  }
0x4a: {  	_ =	shalt  }
0x4b: {  	_ =	shalt  }
0x4c: {  	_ =	shalt  }
0x4d: {  	_ =	shalt  }
0x4e: {  	_ =	shalt  }
0x4f: {  	_ =	shalt  }
0x50: {  	_ =	shalt  }
0x51: {  	_ =	shalt  }
0x52: {  	_ =	shalt  }
0x53: {  	_ =	shalt  }
0x54: {  	_ =	shalt  }
0x55: {  	_ =	shalt  }
0x56: {  	_ =	shalt  }
0x57: {  	_ =	shalt  }
0x58: {  	_ =	shalt  }
0x59: {  	_ =	shalt  }
0x5a: {  	_ =	shalt  }
0x5b: {  	_ =	shalt  }
0x5c: {  	_ =	shalt  }
0x5d: {  	_ =	shalt  }
0x5e: {  	_ =	shalt  }
0x5f: {  	_ =	shalt  }
0x60: {  	_ =	shalt  }
0x61: {  	_ =	shalt  }
0x62: {  	_ =	shalt  }
0x63: {  	_ =	shalt  }
0x64: {  	_ =	shalt  }
0x65: {  	_ =	shalt  }
0x66: {  	_ =	shalt  }
0x67: {  	_ =	shalt  }
0x68: {  	_ =	shalt  }
0x69: {  	_ =	shalt  }
0x6a: {  	_ =	shalt  }
0x6b: {  	_ =	shalt  }
0x6c: {  	_ =	shalt  }
0x6d: {  	_ =	shalt  }
0x6e: {  	_ =	shalt  }
0x6f: {  	_ =	shalt  }
0x70: {  	_ =	shalt  }
0x71: {  	_ =	shalt  }
0x72: {  	_ =	shalt  }
0x73: {  	_ =	shalt  }
0x74: {  	_ =	shalt  }
0x75: {  	_ =	shalt  }
0x76: {  	_ =	shalt  }
0x77: {  	_ =	shalt  }
0x78: {  	_ =	shalt  }
0x79: {  	_ =	shalt  }
0x7a: {  	_ =	shalt  }
0x7b: {  	_ =	shalt  }
0x7c: {  	_ =	shalt  }
0x7d: {  	_ =	shalt  }
0x7e: {  	_ =	shalt  }
0x7f: {  	_ =	shalt  }
0x80: {  	_ =	shalt  }
0x81: {  	_ =	shalt  }
0x82: {  	_ =	shalt  }
0x83: {  	_ =	shalt  }
0x84: {  	_ =	shalt  }
0x85: {  	_ =	shalt  }
0x86: {  	_ =	shalt  }
0x87: {  	_ =	shalt  }
.Lfunc_end0:
.L_simem_size_0:
called_computation.4_lowered:
.L_overlay_start_0:
0x88: {  	s2 =	sld [smem:$0x3FD9]  }
0x89: {  	s3 =	sld [smem:$0x3FFE];
	_ =	sdelay $0x1  }
0x8a: {  	s1 =	srdreg.scid  }
0x8b: {  	s0 =	sand.u32 $0x1, s1  }
0x8c: {  	s16 =	sshll.u32 s0, $0xA;
	s2 =	sadd.s32 s3, s2  }
0x8d: {  	s2 =	sadd.s32 s2, s16  }
0x8e: {  	[smem:$0x3FC1] =	sst s2  }
0x8f: {  	_ = 	snop  }
0x90: {  	(tm) =	ssettm $0x1  }
0x91: {  	s17 =	sld [smem:$0x3FFB];
	_ =	sdelay $0x3  }
0x92: {  	_ =	strace s17  }
0x93: {  	s2 =	sld [smem:$0x3FFC];
	_ =	sdelay $0x3  }
0x94: {  	_ =	strace s2  }
0x95: {  	s2 =	sld [smem:$0x3FFD];
	_ =	sdelay $0x3  }
0x96: {  	_ =	strace s2  }
0x97: {  	_ =	strace $0x8FFFFFFF  }
0x98: {  	s18 =	sld [smem:$0x3FDB];
	_ =	sdelay $0x1  }
0x99: {  	s19 =	simm.s32 $_scs_section_size  }
0x9a: {  	s4 =	simm.s32 $_size__tile_overlayer_lowered;
	s5 =	simm.s32 $_tile_overlayer_lowered  }
0x9b: {  	s22 =	simm.s32 $0x1BFF;
	s21 =	sshll.u32 s5, $0x1;
	s2 =	sadd.s32 s19, s18  }
0x9c: {  	s6 =	simm.s32 $0x0;
	s20 =	sshll.u32 s4, $0x1;
	s4 =	sadd.s32 s21, s2  }
0x9d: {  	[timem:s6], [sflag:s22] =	dma.local [hbm:s4], s20  }
0x9e: {  	_ =	swait.ge [sflag:s22], s20  }
0x9f: {  	s3 =	ssub.s32 $0x0, s20;
	[sflag:s22] =	ssyncset.done $0x0  }
0xa0: {  	[sflag:s22] =	ssyncadd.s32 s3;
	_ =	sdelay $0x1  }
0xa1: {  	s23 =	simm.s32 $0x1B8B  }
0xa2: {  	_ =	swait.ge [sflag:s23], $0x1  }
0xa3: {  	[sflag:s23] =	ssyncset.done $0x0  }
0xa4: {  	s25 =	simm.s32 $0x1B8E;
	s24 =	sld [smem:$0x3FFE];
	[sflag:s23] =	ssyncadd.s32 $0xFFFFFFFF  }
0xa5: {  	s26 =	simm.s32 $execute0_lowered;
	[smem:$0x3FD2] =	sst s25  }
0xa6: {  	s4 =	sshll.u32 s26, $0x1;
	_ =	strace $0x80000052;
	[dreg:$0x1] =	wrdreg $0xFFFFFFFF  }
0xa7: {  	s28 =	simm.s32 $_size_execute0_lowered;
	s2 =	sadd.s32 s2, s4;
	[dreg:$0x0] =	wrdreg $0x0  }
0xa8: {  	s4 =	sshll.u32 s28, $0x1;
	[dreg:$0x2] =	wrdreg s2  }
0xa9: {  	[dreg:$0x3] =	wrdreg s4  }
0xaa: {  	[dreg:$0x4] =	wrdreg $0xC0  }
0xab: {  	_ =	task [dreg:s6], $0x5FFFF  }
0xac: {  	[dreg:$0x1] =	wrdreg $0xFFFFFFFF  }
0xad: {  	[dreg:$0x0] =	wrdreg $0x60  }
0xae: {  	[dreg:$0x2] =	wrdreg s24  }
0xaf: {  	[dreg:$0x3] =	wrdreg $0x1D0000  }
0xb0: {  	[dreg:$0x4] =	wrdreg $0x1DC400  }
0xb1: {  	[dreg:$0x5] =	wrdreg $0x9  }
0xb2: {  	_ =	task.clear_ibuf [dreg:s6], $0x6FFFF;
	_ =	strace $0x90000052  }
0xb3: {  	s29 =	simm.s32 $0x9;
	_ =	strace $0x80000054  }
0xb4: {  	_ =	swait.ge [sflag:s29], $0x1  }
0xb5: {  	[sflag:s29] =	ssyncadd.s32 $0xFFFFFFFF  }
0xb6: {  	_ =	strace $0x90000054  }
0xb7: {  	_ =	sfence  }
0xb8: {  	s30 =	sld [smem:$0x0];
	_ =	sdelay $0x2  }
0xb9: {  	s31 =	sshll.u32 s1, $0xD;
	s1 =	sshrl.u32 s1, $0x2  }
0xba: {  	s3 =	sand.u32 $0x4000, s31;
	s1 =	sadd.s32 s1, s30  }
0xbb: {  	s0 =	sor.u32 s3, s0;
	s1 =	sshll.u32 s1, $0x11  }
0xbc: {  	s0 =	sor.u32 s1, s0  }
0xbd: {  	s0 =	sadd.s32 $0x8F2B, s0  }
0xbe: {  	[sflag:s0] =	ssyncadd.remote.s32 $0x1  }
0xbf: {  	_ =	sfence.sel $0xFFFF  }
0xc0: {  	[dreg:$0x0] =	wrdreg $0xFFFFFFFF;
	(pc) =	sbr.abs _section_cstart, $3  }
0xc1: {  	[dreg:$0x1] =	wrdreg $0xFFFFFFFF  }
0xc2: {  	_ =	task.clear_ibuf [dreg:s6], $0x2FFFF;
	_ =	strace $0x9FFFFFFF  }
0xc3: {  	(tm) =	ssettm $0x7FFFFFFF  }
tec
execute0_lowered:
.L_overlay_start_1:
0x0: {  	(tag) =	ssettag $0x1  }
0x1: {  	s0 =	rddreg [dreg:$0x0]  }
0x2: {  	s1 =	rddreg [dreg:$0x1]  }
0x3: {  	s2 =	rddreg [dreg:$0x2];
	s3 =	simm.s32 $0x0;
	s16 =	srdreg.scid  }
0x4: {  	s10 =	stileid.u32;
	s29 =	simm.s32 $0xC380;
	s28 =	simm.s32 $0x1E980  }
0x5: {  	s14 =	simm.s32 $0x1BE00;
	[smem:$0x7FF] =	sst s3;
	s4 =	sadd.s32 $0xD0C00, s0  }
0x6: {  	s15 =	sadd.s32 $0xD2600, s0;
	s7 =	sadd.s32 $0x65800, s0;
	s8 =	sadd.s32 $0x3C00, s0  }
0x7: {  	s5 =	sadd.s32 $0xD4400, s0;
	s9 =	sshll.u32 s10, $0x1;
	s10 =	smul.u32 $0xC40, s10  }
0x8: {  	s0 =	sadd.s32 $0xC7400, s0;
	_ =	strace $0x80000053;
	[dreg:$0x4] =	wrdreg s4  }
0x9: {  	[dreg:$0x5] =	wrdreg s15;
	s4 =	sand.u32 $0x1, s16;
	s16 =	simm.s32 $0x1A500  }
0xa: {  	s6 =	ssub.s32 $0x2, s4;
	s9 =	sor.u32 s4, s9;
	s17 =	sadd.s32 $0x620, s10  }
0xb: {  	s15 =	sadd.s32 s10, s1;
	s18 =	sadd.s32 s10, s2;
	s4 =	smul.u32 $0xC400, s4  }
0xc: {  	s11 =	sshrl.u32 s6, $0x1;
	s9 =	smul.u32 $0x186A0, s9;
	[dreg:$0x8] =	wrdreg s18  }
0xd: {  	s12 =	sadd.s32 s17, s1;
	s18 =	simm.s32 $0x500;
	[dreg:$0x6] =	wrdreg s15  }
0xe: {  	s6 =	ssub.s32 s6, s11;
	[dreg:$0x7] =	wrdreg s12;
	s11 =	sadd.s32 s17, s2  }
0xf: {  	s4 =	sadd.s32 s10, s4;
	s17 =	simm.s32 $0x1;
	s10 =	simm.s32 $0x5  }
0x10: {  	s12 =	simm.s32 $0x6;
	[dreg:$0x9] =	wrdreg s11;
	s19 =	sshrl.u32 s9, $0x3  }
0x11: {  	s4 =	sshrl.u32 s4, $0x3;
	s31 =	smax.u32 s6, $0x1;
	s6 =	simm.s32 $0x19B00  }
0x12: {  	s20 =	sadd.s32 s7, s19;
	s21 =	sadd.s32 s8, s19;
	[dreg:$0x14] =	wrdreg s31  }
0x13: {  	s22 =	sadd.s32 $0xA0, s19;
	s11 =	sadd.s32 $0x30C0, s19;
	[dreg:$0xa] =	wrdreg s20  }
0x14: {  	s26 =	sadd.s32 s5, s4;
	s30 =	sadd.s32 $0xC4, s4;
	[dreg:$0xb] =	wrdreg s21  }
0x15: {  	s4 =	sadd.s32 s0, s4;
	s19 =	simm.s32 $0x1AF00;
	[dreg:$0x10] =	wrdreg s26  }
0x16: {  	s13 =	sadd.s32 s7, s22;
	s23 =	sadd.s32 s8, s22;
	[dreg:$0x12] =	wrdreg s4  }
0x17: {  	s24 =	sadd.s32 s7, s11;
	s25 =	sadd.s32 s8, s11;
	[dreg:$0xc] =	wrdreg s13  }
0x18: {  	s5 =	sadd.s32 s5, s30;
	s0 =	sadd.s32 s0, s30;
	[dreg:$0xd] =	wrdreg s23  }
0x19: {  	s26 =	sadd.s32 $0x1900, s9;
	s4 =	simm.s32 $0x8;
	[dreg:$0xe] =	wrdreg s24  }
0x1a: {  	s20 =	simm.s32 $0x1B900;
	s22 =	simm.s32 $0x1AA00;
	[dreg:$0xf] =	wrdreg s25  }
0x1b: {  	s11 =	simm.s32 $0x3;
	s21 =	simm.s32 $0x0;
	[dreg:$0x11] =	wrdreg s5  }
0x1c: {  	[dreg:$0x13] =	wrdreg s0;
	s24 =	sadd.s32 $0x1400, s9;
	s5 =	simm.s32 $0x1A000  }
0x1d: {  	v0 =	vimm.f32 $0.0e+00;
	s23 =	simm.s32 $0x2;
	s25 =	simm.s32 $0x1B400;
	s13 =	simm.s32 $0x4  }
.LBB2_1:
0x1e: {  	[dreg:$0x15] =	wrdreg s21  }
0x1f: {  	s0 =	rddreg [dreg:$0x4]  }
0x20: {  	[tilespmem:s3], [sflag:$0x8] =	stream.linear.gather [hbm4b:s0+s3], $0xC350, $0x38;
	[tilespmem:$0x1EC80] =	vst v63  }
0x21: {  	_ =	swait.ge [sflag:s4], $0xC350  }
0x22: {  	[sflag:s4] =	ssyncset.done $0x0  }
0x23: {  	s31 =	rddreg [dreg:$0x5];
	[sflag:s4] =	ssyncadd.s32 $0xFFFF3CB0  }
0x24: {  	[tilespmem:s29], [sflag:$0x8] =	stream.linear.gather [hbm4b:s31+s3], $0xC350, $0x38;
	[tilespmem:$0x1EC80] =	vst v63  }
0x25: {  	_ =	swait.ge [sflag:s4], $0xC350  }
0x26: {  	[sflag:s4] =	ssyncset.done $0x0  }
0x27: {  	s0 =	simm.s32 $0x40;
	[sflag:s4] =	ssyncadd.s32 $0xFFFF3CB0;
	s4 =	simm.s32 $0x0  }
.LBB2_2:
0x28: {  	p0 =	sne.s32 s0, $0x1840;
	[tilespmem:s4+$0x1C300] =	vst v0;
	s4 =	smov.u32 s0;
	s0 =	sadd.s32 $0x40, s0  }
.Ltmp0:
0x29: {  	(pc) =	sbr.rel @p0 .LBB2_2-.Ltmp0, $2  }
0x2a: {  	_ =	sdelay $0x2  }
0x2b: {  	s4 =	sshra.s32 s4, $0x2  }
0x2c: {  	[tilespmem:s4+$0x1C300] =	vst v0;
	s0 =	simm.s32 $0x1C300  }
0x2d: {  	[spmem:s15] =	stream.linear.scatter [tilespmem:s0], [sflag:$0x7], $0x620, $0x38;
	[tilespmem:$0x1EC80] =	vst v63  }
0x2e: {  	s15 =	rddreg [dreg:$0x7]  }
0x2f: {  	[spmem:s15] =	stream.linear.scatter [tilespmem:s0], [sflag:$0x7], $0x620, $0x38;
	[tilespmem:$0x1EC80] =	vst v63  }
0x30: {  	s21 =	rddreg [dreg:$0x8]  }
0x31: {  	[spmem:s21] =	stream.linear.scatter [tilespmem:s0], [sflag:$0x7], $0x620, $0x38;
	[tilespmem:$0x1EC80] =	vst v63  }
0x32: {  	s31 =	rddreg [dreg:$0x9];
	s15 =	simm.s32 $0x7  }
0x33: {  	[spmem:s31] =	stream.linear.scatter [tilespmem:s0], [sflag:$0x7], $0x620, $0x38;
	[tilespmem:$0x1EC80] =	vst v63  }
0x34: {  	_ =	swait.ge [sflag:s15], $0x620  }
0x35: {  	[sflag:s15] =	ssyncset.done $0x0  }
0x36: {  	[sflag:s15] =	ssyncadd.s32 $0xFFFFF9E0  }
0x37: {  	_ =	swait.ge [sflag:s15], $0x620  }
0x38: {  	[sflag:s15] =	ssyncset.done $0x0  }
0x39: {  	[sflag:s15] =	ssyncadd.s32 $0xFFFFF9E0  }
0x3a: {  	_ =	swait.ge [sflag:s15], $0x620  }
0x3b: {  	[sflag:s15] =	ssyncset.done $0x0  }
0x3c: {  	[sflag:s15] =	ssyncadd.s32 $0xFFFFF9E0  }
0x3d: {  	_ =	swait.ge [sflag:s15], $0x620  }
0x3e: {  	[sflag:s15] =	ssyncset.done $0x0  }
0x3f: {  	[sflag:s15] =	ssyncadd.s32 $0xFFFFF9E0  }
0x40: {  	[bflag:$0x0] =	sbarrier.arrive $0xFFFF  }
0x41: {  	s30 =	simm.s32 $0x0;
	s31 =	simm.s32 $0x18700;
	s21 =	rddreg [dreg:$0xa]  }
0x42: {  	[tilespmem:s31], [sflag:$0x1] =	stream.linear.gather [hbm4b:s21+s30], $0x500, $0x38;
	[tilespmem:$0x1EC80] =	vst v63  }
0x43: {  	s15 =	rddreg [dreg:$0xb]  }
0x44: {  	[tilespmem:s6], [sflag:$0x1] =	stream.linear.gather [hbm4b:s15+s30], $0x500, $0x38;
	[tilespmem:$0x1EC80] =	vst v63  }
0x45: {  	s21 =	rddreg [dreg:$0xc];
	s31 =	simm.s32 $0x18C00  }
0x46: {  	[tilespmem:s31], [sflag:$0x2] =	stream.linear.gather [hbm4b:s21+s30], $0x500, $0x38;
	[tilespmem:$0x1EC80] =	vst v63  }
0x47: {  	s4 =	rddreg [dreg:$0xd]  }
0x48: {  	[tilespmem:s5], [sflag:$0x2] =	stream.linear.gather [hbm4b:s4+s30], $0x500, $0x38;
	[tilespmem:$0x1EC80] =	vst v63  }
0x49: {  	s15 =	rddreg [dreg:$0xe];
	s21 =	simm.s32 $0x1E880  }
0x4a: {  	[tilespmem:s21], [sflag:$0x7] =	stream.linear.gather [hbm4b:s15+s30], $0xA0, $0x38;
	[tilespmem:$0x1EC80] =	vst v63  }
0x4b: {  	s31 =	rddreg [dreg:$0xf]  }
0x4c: {  	[tilespmem:s28], [sflag:$0x7] =	stream.linear.gather [hbm4b:s31+s30], $0xA0, $0x38;
	[tilespmem:$0x1EC80] =	vst v63  }
0x4d: {  	s28 =	simm.s32 $0x0  }
.LBB2_4:
0x4e: {  	p0 =	seq.s32 s28, $0x0  }
0x4f: {  	s0 =	simm.s32 @!p0 $0x5;
	s15 =	smul.u32 @!p0 $0x1400, s28  }
0x50: {  	_ =	swait.ge @!p0 [sflag:s0], $0x500  }
0x51: {  	[sflag:s0] =	ssyncset.done @!p0 $0x0;
	s4 =	sadd.s32 @!p0 $0xA00, s15  }
0x52: {  	[sflag:s0] =	ssyncadd.s32 @!p0 $0xFFFFFB00;
	s4 =	simm.s32 @p0 $0xA00  }
0x53: {  	_ =	swait.ge @!p0 [sflag:s0], $0x500;
	s4 =	sadd.s32 s9, s4  }
0x54: {  	[sflag:s0] =	ssyncset.done @!p0 $0x0;
	s4 =	sshrl.u32 s4, $0x3  }
0x55: {  	s21 =	simm.s32 $0x19100;
	[sflag:s0] =	ssyncadd.s32 @!p0 $0xFFFFFB00;
	s31 =	sadd.s32 s7, s4  }
0x56: {  	[tilespmem:s21], [sflag:$0x3] =	stream.linear.gather [hbm4b:s31+s30], $0x500, $0x38;
	[tilespmem:$0x1EC80] =	vst v63  }
0x57: {  	s31 =	sadd.s32 s8, s4  }
0x58: {  	[tilespmem:s16], [sflag:$0x3] =	stream.linear.gather [hbm4b:s31+s30], $0x500, $0x38;
	[tilespmem:$0x1EC80] =	vst v63  }
0x59: {  	_ =	swait.ge [sflag:s17], $0x500  }
0x5a: {  	[sflag:s17] =	ssyncset.done $0x0  }
0x5b: {  	[sflag:s17] =	ssyncadd.s32 $0xFFFFFB00  }
0x5c: {  	_ =	swait.ge [sflag:s17], $0x500  }
0x5d: {  	[sflag:s17] =	ssyncset.done $0x0  }
0x5e: {  	s21 =	simm.s32 $0x0;
	[sflag:s17] =	ssyncadd.s32 $0xFFFFFB00  }
0x5f: {  	v1 =	vld [tilespmem:s21+$0x18700];
	_ =	sdelay $0x7  }
0x60: {  	v2 =	vld.idx.msk [tilespmem:v1+s3+$0x0], $0xffff;
	_ =	sdelay $0x3  }
0x61: {  	s0 =	simm.s32 $0x10;
	s4 =	simm.s32 $0x80  }
.LBB2_5:
0x62: {  	p1 =	sne.s32 s4, $0x13C0;
	v3 =	vld [tilespmem:s0+$0x18700];
	[tilespmem:s21+$0x1AF00] =	vst v2  }
0x63: {  	v2 =	vld.idx.msk [tilespmem:v1+s29+$0x0], $0xffff;
	_ =	sdelay $0x3  }
0x64: {  	v1 =	vmov v3;
	_ =	sdelay $0x1  }
0x65: {  	[tilespmem:s21+$0x1B900] =	vst v2;
	s21 =	smov.u32 s0  }
0x66: {  	v2 =	vld.idx.msk [tilespmem:v3+s3+$0x0], $0xffff  }
.Ltmp1:
0x67: {  	(pc) =	sbr.rel @p1 .LBB2_5-.Ltmp1, $2  }
0x68: {  	_ =	sdelay $0x2  }
0x69: {  	s0 =	sshra.s32 s4, $0x2;
	s4 =	sadd.s32 $0x40, s4  }
0x6a: {  	_ =	sdelay $0x1  }
0x6b: {  	v3 =	vld [tilespmem:s0+$0x18700]  }
0x6c: {  	[tilespmem:s21+$0x1AF00] =	vst v2  }
0x6d: {  	v1 =	vld.idx.msk [tilespmem:v1+s29+$0x0], $0xffff;
	_ =	sdelay $0x4  }
0x6e: {  	[tilespmem:s21+$0x1B900] =	vst v1  }
0x6f: {  	v1 =	vld.idx.msk [tilespmem:v3+s3+$0x0], $0xffff;
	_ =	sdelay $0x4  }
0x70: {  	[tilespmem:s0+$0x1AF00] =	vst v1  }
0x71: {  	v1 =	vld.idx.msk [tilespmem:v3+s29+$0x0], $0xffff;
	_ =	sdelay $0x4  }
0x72: {  	[tilespmem:s0+$0x1B900] =	vst v1  }
0x73: {  	[spmem:s1] =	stream.indirect.scatter.add.f32 [tilespmem:s19], [sflag:$0x5], $0x1, s6, s18, $0xb8;
	[tilespmem:$0x1EC80] =	vst v63  }
0x74: {  	s0 =	simm.s32 @!p0 $0x6  }
0x75: {  	[spmem:s2] =	stream.indirect.scatter.add.f32 [tilespmem:s20], [sflag:$0x5], $0x1, s6, s18, $0xb8;
	[tilespmem:$0x1EC80] =	vst v63  }
0x76: {  	_ =	swait.ge @!p0 [sflag:s0], $0x500  }
0x77: {  	s4 =	sadd.s32 @!p0 $0xF00, s15;
	[sflag:s0] =	ssyncset.done @!p0 $0x0  }
0x78: {  	s4 =	simm.s32 @p0 $0xF00;
	[sflag:s0] =	ssyncadd.s32 @!p0 $0xFFFFFB00  }
0x79: {  	s4 =	sadd.s32 s9, s4;
	_ =	swait.ge @!p0 [sflag:s0], $0x500  }
0x7a: {  	s15 =	simm.s32 $0x0;
	s4 =	sshrl.u32 s4, $0x3;
	[sflag:s0] =	ssyncset.done @!p0 $0x0  }
0x7b: {  	s31 =	simm.s32 $0x19600;
	s21 =	sadd.s32 s7, s4;
	[sflag:s0] =	ssyncadd.s32 @!p0 $0xFFFFFB00  }
0x7c: {  	[tilespmem:s31], [sflag:$0x4] =	stream.linear.gather [hbm4b:s21+s15], $0x500, $0x38;
	[tilespmem:$0x1EC80] =	vst v63  }
0x7d: {  	s31 =	sadd.s32 s8, s4  }
0x7e: {  	[tilespmem:s22], [sflag:$0x4] =	stream.linear.gather [hbm4b:s31+s15], $0x500, $0x38;
	[tilespmem:$0x1EC80] =	vst v63  }
0x7f: {  	_ =	swait.ge [sflag:s23], $0x500  }
0x80: {  	[sflag:s23] =	ssyncset.done $0x0  }
0x81: {  	[sflag:s23] =	ssyncadd.s32 $0xFFFFFB00  }
0x82: {  	_ =	swait.ge [sflag:s23], $0x500  }
0x83: {  	[sflag:s23] =	ssyncset.done $0x0  }
0x84: {  	s15 =	simm.s32 $0x0;
	[sflag:s23] =	ssyncadd.s32 $0xFFFFFB00  }
0x85: {  	v1 =	vld [tilespmem:s15+$0x18C00];
	_ =	sdelay $0x7  }
0x86: {  	v2 =	vld.idx.msk [tilespmem:v1+s3+$0x0], $0xffff;
	_ =	sdelay $0x3  }
0x87: {  	s0 =	simm.s32 $0x10;
	s4 =	simm.s32 $0x80  }
.LBB2_7:
0x88: {  	p0 =	sne.s32 s4, $0x13C0;
	v3 =	vld [tilespmem:s0+$0x18C00];
	[tilespmem:s15+$0x1B400] =	vst v2  }
0x89: {  	v2 =	vld.idx.msk [tilespmem:v1+s29+$0x0], $0xffff;
	_ =	sdelay $0x3  }
0x8a: {  	v1 =	vmov v3;
	_ =	sdelay $0x1  }
0x8b: {  	[tilespmem:s15+$0x1BE00] =	vst v2;
	s15 =	smov.u32 s0  }
0x8c: {  	v2 =	vld.idx.msk [tilespmem:v3+s3+$0x0], $0xffff  }
.Ltmp2:
0x8d: {  	(pc) =	sbr.rel @p0 .LBB2_7-.Ltmp2, $2  }
0x8e: {  	_ =	sdelay $0x2  }
0x8f: {  	s0 =	sshra.s32 s4, $0x2;
	s4 =	sadd.s32 $0x40, s4  }
0x90: {  	_ =	sdelay $0x1  }
0x91: {  	v3 =	vld [tilespmem:s0+$0x18C00]  }
0x92: {  	[tilespmem:s15+$0x1B400] =	vst v2  }
0x93: {  	v1 =	vld.idx.msk [tilespmem:v1+s29+$0x0], $0xffff;
	_ =	sdelay $0x4  }
0x94: {  	[tilespmem:s15+$0x1BE00] =	vst v1  }
0x95: {  	v1 =	vld.idx.msk [tilespmem:v3+s3+$0x0], $0xffff;
	_ =	sdelay $0x4  }
0x96: {  	[tilespmem:s0+$0x1B400] =	vst v1  }
0x97: {  	v1 =	vld.idx.msk [tilespmem:v3+s29+$0x0], $0xffff;
	_ =	sdelay $0x4  }
0x98: {  	[tilespmem:s0+$0x1BE00] =	vst v1  }
0x99: {  	[spmem:s1] =	stream.indirect.scatter.add.f32 [tilespmem:s25], [sflag:$0x6], $0x1, s5, s18, $0xb8;
	[tilespmem:$0x1EC80] =	vst v63  }
0x9a: {  	_ = 	snop  }
0x9b: {  	[spmem:s2] =	stream.indirect.scatter.add.f32 [tilespmem:s14], [sflag:$0x6], $0x1, s5, s18, $0xb8;
	[tilespmem:$0x1EC80] =	vst v63  }
0x9c: {  	_ =	swait.ge [sflag:s10], $0x500  }
0x9d: {  	s15 =	smul.u32 $0x1400, s28;
	[sflag:s10] =	ssyncset.done $0x0  }
0x9e: {  	[sflag:s10] =	ssyncadd.s32 $0xFFFFFB00  }
0x9f: {  	s31 =	sadd.s32 s15, s24;
	_ =	swait.ge [sflag:s10], $0x500  }
0xa0: {  	s21 =	simm.s32 $0x0;
	s0 =	sshrl.u32 s31, $0x3;
	[sflag:s10] =	ssyncset.done $0x0  }
0xa1: {  	s31 =	simm.s32 $0x18700;
	s4 =	sadd.s32 s7, s0;
	[sflag:s10] =	ssyncadd.s32 $0xFFFFFB00  }
0xa2: {  	[tilespmem:s31], [sflag:$0x1] =	stream.linear.gather [hbm4b:s4+s21], $0x500, $0x38;
	[tilespmem:$0x1EC80] =	vst v63  }
0xa3: {  	s0 =	sadd.s32 s8, s0  }
0xa4: {  	[tilespmem:s6], [sflag:$0x1] =	stream.linear.gather [hbm4b:s0+s21], $0x500, $0x38;
	[tilespmem:$0x1EC80] =	vst v63  }
0xa5: {  	_ =	swait.ge [sflag:s11], $0x500  }
0xa6: {  	[sflag:s11] =	ssyncset.done $0x0  }
0xa7: {  	[sflag:s11] =	ssyncadd.s32 $0xFFFFFB00  }
0xa8: {  	_ =	swait.ge [sflag:s11], $0x500  }
0xa9: {  	[sflag:s11] =	ssyncset.done $0x0  }
0xaa: {  	s21 =	simm.s32 $0x0;
	[sflag:s11] =	ssyncadd.s32 $0xFFFFFB00  }
0xab: {  	v1 =	vld [tilespmem:s21+$0x19100];
	_ =	sdelay $0x7  }
0xac: {  	v2 =	vld.idx.msk [tilespmem:v1+s3+$0x0], $0xffff;
	_ =	sdelay $0x3  }
0xad: {  	s4 =	simm.s32 $0x80;
	s0 =	simm.s32 $0x10  }
.LBB2_9:
0xae: {  	p0 =	sne.s32 s4, $0x13C0;
	v3 =	vld [tilespmem:s0+$0x19100];
	[tilespmem:s21+$0x1AF00] =	vst v2  }
0xaf: {  	v2 =	vld.idx.msk [tilespmem:v1+s29+$0x0], $0xffff;
	_ =	sdelay $0x3  }
0xb0: {  	v1 =	vmov v3;
	_ =	sdelay $0x1  }
0xb1: {  	[tilespmem:s21+$0x1B900] =	vst v2;
	s21 =	smov.u32 s0  }
0xb2: {  	v2 =	vld.idx.msk [tilespmem:v3+s3+$0x0], $0xffff  }
.Ltmp3:
0xb3: {  	(pc) =	sbr.rel @p0 .LBB2_9-.Ltmp3, $2  }
0xb4: {  	_ =	sdelay $0x2  }
0xb5: {  	s0 =	sshra.s32 s4, $0x2;
	s4 =	sadd.s32 $0x40, s4  }
0xb6: {  	_ =	sdelay $0x1  }
0xb7: {  	v3 =	vld [tilespmem:s0+$0x19100]  }
0xb8: {  	[tilespmem:s21+$0x1AF00] =	vst v2  }
0xb9: {  	v1 =	vld.idx.msk [tilespmem:v1+s29+$0x0], $0xffff;
	_ =	sdelay $0x4  }
0xba: {  	[tilespmem:s21+$0x1B900] =	vst v1  }
0xbb: {  	v1 =	vld.idx.msk [tilespmem:v3+s3+$0x0], $0xffff;
	_ =	sdelay $0x4  }
0xbc: {  	[tilespmem:s0+$0x1AF00] =	vst v1  }
0xbd: {  	v1 =	vld.idx.msk [tilespmem:v3+s29+$0x0], $0xffff;
	_ =	sdelay $0x4  }
0xbe: {  	[tilespmem:s0+$0x1B900] =	vst v1  }
0xbf: {  	[spmem:s1] =	stream.indirect.scatter.add.f32 [tilespmem:s19], [sflag:$0x5], $0x1, s16, s18, $0xb8;
	[tilespmem:$0x1EC80] =	vst v63  }
0xc0: {  	_ = 	snop  }
0xc1: {  	[spmem:s2] =	stream.indirect.scatter.add.f32 [tilespmem:s20], [sflag:$0x5], $0x1, s16, s18, $0xb8;
	[tilespmem:$0x1EC80] =	vst v63  }
0xc2: {  	_ =	swait.ge [sflag:s12], $0x500  }
0xc3: {  	[sflag:s12] =	ssyncset.done $0x0  }
0xc4: {  	[sflag:s12] =	ssyncadd.s32 $0xFFFFFB00  }
0xc5: {  	s21 =	sadd.s32 s15, s26;
	_ =	swait.ge [sflag:s12], $0x500  }
0xc6: {  	s31 =	simm.s32 $0x18C00;
	s0 =	sshrl.u32 s21, $0x3;
	[sflag:s12] =	ssyncset.done $0x0  }
0xc7: {  	s15 =	simm.s32 $0x0;
	s4 =	sadd.s32 s7, s0;
	[sflag:s12] =	ssyncadd.s32 $0xFFFFFB00  }
0xc8: {  	[tilespmem:s31], [sflag:$0x2] =	stream.linear.gather [hbm4b:s4+s15], $0x500, $0x38;
	[tilespmem:$0x1EC80] =	vst v63  }
0xc9: {  	s0 =	sadd.s32 s8, s0  }
0xca: {  	[tilespmem:s5], [sflag:$0x2] =	stream.linear.gather [hbm4b:s0+s15], $0x500, $0x38;
	[tilespmem:$0x1EC80] =	vst v63  }
0xcb: {  	_ =	swait.ge [sflag:s13], $0x500  }
0xcc: {  	[sflag:s13] =	ssyncset.done $0x0  }
0xcd: {  	[sflag:s13] =	ssyncadd.s32 $0xFFFFFB00  }
0xce: {  	_ =	swait.ge [sflag:s13], $0x500  }
0xcf: {  	[sflag:s13] =	ssyncset.done $0x0  }
0xd0: {  	s15 =	simm.s32 $0x0;
	[sflag:s13] =	ssyncadd.s32 $0xFFFFFB00  }
0xd1: {  	v1 =	vld [tilespmem:s15+$0x19600];
	_ =	sdelay $0x7  }
0xd2: {  	v2 =	vld.idx.msk [tilespmem:v1+s3+$0x0], $0xffff;
	_ =	sdelay $0x3  }
0xd3: {  	s4 =	simm.s32 $0x80;
	s0 =	simm.s32 $0x10  }
.LBB2_11:
0xd4: {  	p0 =	sne.s32 s4, $0x13C0;
	v3 =	vld [tilespmem:s0+$0x19600];
	[tilespmem:s15+$0x1B400] =	vst v2  }
0xd5: {  	v2 =	vld.idx.msk [tilespmem:v1+s29+$0x0], $0xffff;
	_ =	sdelay $0x3  }
0xd6: {  	v1 =	vmov v3;
	_ =	sdelay $0x1  }
0xd7: {  	[tilespmem:s15+$0x1BE00] =	vst v2;
	s15 =	smov.u32 s0  }
0xd8: {  	v2 =	vld.idx.msk [tilespmem:v3+s3+$0x0], $0xffff  }
.Ltmp4:
0xd9: {  	(pc) =	sbr.rel @p0 .LBB2_11-.Ltmp4, $2  }
0xda: {  	_ =	sdelay $0x2  }
0xdb: {  	s0 =	sshra.s32 s4, $0x2;
	s4 =	sadd.s32 $0x40, s4  }
0xdc: {  	_ =	sdelay $0x1  }
0xdd: {  	v3 =	vld [tilespmem:s0+$0x19600]  }
0xde: {  	[tilespmem:s15+$0x1B400] =	vst v2  }
0xdf: {  	v1 =	vld.idx.msk [tilespmem:v1+s29+$0x0], $0xffff;
	_ =	sdelay $0x4  }
0xe0: {  	[tilespmem:s15+$0x1BE00] =	vst v1  }
0xe1: {  	v1 =	vld.idx.msk [tilespmem:v3+s3+$0x0], $0xffff;
	_ =	sdelay $0x4  }
0xe2: {  	[tilespmem:s0+$0x1B400] =	vst v1  }
0xe3: {  	v1 =	vld.idx.msk [tilespmem:v3+s29+$0x0], $0xffff;
	_ =	sdelay $0x1  }
0xe4: {  	s28 =	sadd.s32 $0x1, s28  }
0xe5: {  	p0 =	sne.s32 s28, $0x13  }
.Ltmp5:
0xe6: {  	_ = 	snop;
	(pc) =	sbr.rel @p0 .LBB2_4-.Ltmp5, $4  }
0xe7: {  	[tilespmem:s0+$0x1BE00] =	vst v1  }
0xe8: {  	[spmem:s1] =	stream.indirect.scatter.add.f32 [tilespmem:s25], [sflag:$0x6], $0x1, s22, s18, $0xb8;
	[tilespmem:$0x1EC80] =	vst v63  }
0xe9: {  	_ = 	snop  }
0xea: {  	[spmem:s2] =	stream.indirect.scatter.add.f32 [tilespmem:s14], [sflag:$0x6], $0x1, s22, s18, $0xb8;
	[tilespmem:$0x1EC80] =	vst v63  }
0xeb: {  	_ =	swait.ge [sflag:s10], $0x500  }
0xec: {  	[sflag:s10] =	ssyncset.done $0x0  }
0xed: {  	[sflag:s10] =	ssyncadd.s32 $0xFFFFFB00  }
0xee: {  	_ =	swait.ge [sflag:s10], $0x500  }
0xef: {  	[sflag:s10] =	ssyncset.done $0x0  }
0xf0: {  	[sflag:s10] =	ssyncadd.s32 $0xFFFFFB00  }
0xf1: {  	_ =	swait.ge [sflag:s17], $0x500  }
0xf2: {  	[sflag:s17] =	ssyncset.done $0x0  }
0xf3: {  	[sflag:s17] =	ssyncadd.s32 $0xFFFFFB00  }
0xf4: {  	_ =	swait.ge [sflag:s17], $0x500  }
0xf5: {  	[sflag:s17] =	ssyncset.done $0x0  }
0xf6: {  	s15 =	simm.s32 $0x0;
	[sflag:s17] =	ssyncadd.s32 $0xFFFFFB00  }
0xf7: {  	v1 =	vld [tilespmem:s15+$0x18700];
	_ =	sdelay $0x7  }
0xf8: {  	v2 =	vld.idx.msk [tilespmem:v1+s3+$0x0], $0xffff;
	_ =	sdelay $0x3  }
0xf9: {  	s0 =	simm.s32 $0x10;
	s4 =	simm.s32 $0x80  }
.LBB2_14:
0xfa: {  	p0 =	sne.s32 s4, $0x13C0;
	v3 =	vld [tilespmem:s0+$0x18700];
	[tilespmem:s15+$0x1AF00] =	vst v2  }
0xfb: {  	v2 =	vld.idx.msk [tilespmem:v1+s29+$0x0], $0xffff;
	_ =	sdelay $0x3  }
0xfc: {  	v1 =	vmov v3;
	_ =	sdelay $0x1  }
0xfd: {  	[tilespmem:s15+$0x1B900] =	vst v2;
	s15 =	smov.u32 s0  }
0xfe: {  	v2 =	vld.idx.msk [tilespmem:v3+s3+$0x0], $0xffff  }
.Ltmp6:
0xff: {  	(pc) =	sbr.rel @p0 .LBB2_14-.Ltmp6, $2  }
0x100: {  	_ =	sdelay $0x2  }
0x101: {  	s0 =	sshra.s32 s4, $0x2;
	s4 =	sadd.s32 $0x40, s4  }
0x102: {  	_ =	sdelay $0x1  }
0x103: {  	v3 =	vld [tilespmem:s0+$0x18700]  }
0x104: {  	[tilespmem:s15+$0x1AF00] =	vst v2  }
0x105: {  	v1 =	vld.idx.msk [tilespmem:v1+s29+$0x0], $0xffff;
	_ =	sdelay $0x4  }
0x106: {  	[tilespmem:s15+$0x1B900] =	vst v1  }
0x107: {  	v1 =	vld.idx.msk [tilespmem:v3+s3+$0x0], $0xffff;
	_ =	sdelay $0x4  }
0x108: {  	[tilespmem:s0+$0x1AF00] =	vst v1  }
0x109: {  	v1 =	vld.idx.msk [tilespmem:v3+s29+$0x0], $0xffff;
	_ =	sdelay $0x4  }
0x10a: {  	[tilespmem:s0+$0x1B900] =	vst v1  }
0x10b: {  	[spmem:s1] =	stream.indirect.scatter.add.f32 [tilespmem:s19], [sflag:$0x5], $0x1, s6, s18, $0xb8;
	[tilespmem:$0x1EC80] =	vst v63  }
0x10c: {  	_ = 	snop  }
0x10d: {  	[spmem:s2] =	stream.indirect.scatter.add.f32 [tilespmem:s20], [sflag:$0x5], $0x1, s6, s18, $0xb8;
	[tilespmem:$0x1EC80] =	vst v63  }
0x10e: {  	_ =	swait.ge [sflag:s12], $0x500  }
0x10f: {  	[sflag:s12] =	ssyncset.done $0x0  }
0x110: {  	[sflag:s12] =	ssyncadd.s32 $0xFFFFFB00  }
0x111: {  	_ =	swait.ge [sflag:s12], $0x500  }
0x112: {  	[sflag:s12] =	ssyncset.done $0x0  }
0x113: {  	[sflag:s12] =	ssyncadd.s32 $0xFFFFFB00  }
0x114: {  	_ =	swait.ge [sflag:s23], $0x500  }
0x115: {  	[sflag:s23] =	ssyncset.done $0x0  }
0x116: {  	[sflag:s23] =	ssyncadd.s32 $0xFFFFFB00  }
0x117: {  	_ =	swait.ge [sflag:s23], $0x500  }
0x118: {  	[sflag:s23] =	ssyncset.done $0x0  }
0x119: {  	s15 =	simm.s32 $0x0;
	[sflag:s23] =	ssyncadd.s32 $0xFFFFFB00  }
0x11a: {  	v1 =	vld [tilespmem:s15+$0x18C00];
	_ =	sdelay $0x7  }
0x11b: {  	v2 =	vld.idx.msk [tilespmem:v1+s3+$0x0], $0xffff;
	_ =	sdelay $0x3  }
0x11c: {  	s4 =	simm.s32 $0x80;
	s0 =	simm.s32 $0x10  }
.LBB2_16:
0x11d: {  	p0 =	sne.s32 s4, $0x13C0;
	v3 =	vld [tilespmem:s0+$0x18C00];
	[tilespmem:s15+$0x1B400] =	vst v2  }
0x11e: {  	v2 =	vld.idx.msk [tilespmem:v1+s29+$0x0], $0xffff;
	_ =	sdelay $0x3  }
0x11f: {  	v1 =	vmov v3;
	_ =	sdelay $0x1  }
0x120: {  	[tilespmem:s15+$0x1BE00] =	vst v2;
	s15 =	smov.u32 s0  }
0x121: {  	v2 =	vld.idx.msk [tilespmem:v3+s3+$0x0], $0xffff  }
.Ltmp7:
0x122: {  	(pc) =	sbr.rel @p0 .LBB2_16-.Ltmp7, $2  }
0x123: {  	_ =	sdelay $0x2  }
0x124: {  	s0 =	sshra.s32 s4, $0x2;
	s4 =	sadd.s32 $0x40, s4  }
0x125: {  	_ =	sdelay $0x1  }
0x126: {  	v3 =	vld [tilespmem:s0+$0x18C00]  }
0x127: {  	[tilespmem:s15+$0x1B400] =	vst v2  }
0x128: {  	v1 =	vld.idx.msk [tilespmem:v1+s29+$0x0], $0xffff;
	_ =	sdelay $0x4  }
0x129: {  	[tilespmem:s15+$0x1BE00] =	vst v1  }
0x12a: {  	v1 =	vld.idx.msk [tilespmem:v3+s3+$0x0], $0xffff;
	_ =	sdelay $0x4  }
0x12b: {  	[tilespmem:s0+$0x1B400] =	vst v1  }
0x12c: {  	v1 =	vld.idx.msk [tilespmem:v3+s29+$0x0], $0xffff;
	_ =	sdelay $0x4  }
0x12d: {  	[tilespmem:s0+$0x1BE00] =	vst v1  }
0x12e: {  	[spmem:s1] =	stream.indirect.scatter.add.f32 [tilespmem:s25], [sflag:$0x6], $0x1, s5, s18, $0xb8;
	[tilespmem:$0x1EC80] =	vst v63  }
0x12f: {  	s31 =	simm.s32 $0x7  }
0x130: {  	[spmem:s2] =	stream.indirect.scatter.add.f32 [tilespmem:s14], [sflag:$0x6], $0x1, s5, s18, $0xb8;
	[tilespmem:$0x1EC80] =	vst v63  }
0x131: {  	_ =	swait.ge [sflag:s31], $0xA0  }
0x132: {  	[sflag:s31] =	ssyncset.done $0x0  }
0x133: {  	[sflag:s31] =	ssyncadd.s32 $0xFFFFFF60  }
0x134: {  	_ =	swait.ge [sflag:s31], $0xA0  }
0x135: {  	[sflag:s31] =	ssyncset.done $0x0  }
0x136: {  	[sflag:s31] =	ssyncadd.s32 $0xFFFFFF60  }
0x137: {  	v1 =	vld [tilespmem:$0x1E880];
	_ =	sdelay $0x7  }
0x138: {  	v2 =	vld.idx.msk [tilespmem:v1+s3+$0x0], $0xffff;
	_ =	sdelay $0x3  }
0x139: {  	v3 =	vld [tilespmem:$0x1E890]  }
0x13a: {  	[tilespmem:$0x1EA80] =	vst v2  }
0x13b: {  	v1 =	vld.idx.msk [tilespmem:v1+s29+$0x0], $0xffff;
	_ =	sdelay $0x4  }
0x13c: {  	[tilespmem:$0x1EB80] =	vst v1  }
0x13d: {  	v1 =	vld.idx.msk [tilespmem:v3+s3+$0x0], $0xffff;
	_ =	sdelay $0x3  }
0x13e: {  	v2 =	vld [tilespmem:$0x1E8A0]  }
0x13f: {  	[tilespmem:$0x1EA90] =	vst v1  }
0x140: {  	v1 =	vld.idx.msk [tilespmem:v3+s29+$0x0], $0xffff;
	_ =	sdelay $0x4  }
0x141: {  	[tilespmem:$0x1EB90] =	vst v1  }
0x142: {  	v1 =	vld.idx.msk [tilespmem:v2+s3+$0x0], $0xffff;
	_ =	sdelay $0x3  }
0x143: {  	v3 =	vld [tilespmem:$0x1E8B0]  }
0x144: {  	[tilespmem:$0x1EAA0] =	vst v1  }
0x145: {  	v1 =	vld.idx.msk [tilespmem:v2+s29+$0x0], $0xffff;
	_ =	sdelay $0x4  }
0x146: {  	[tilespmem:$0x1EBA0] =	vst v1  }
0x147: {  	v1 =	vld.idx.msk [tilespmem:v3+s3+$0x0], $0xffff;
	_ =	sdelay $0x3  }
0x148: {  	v2 =	vld [tilespmem:$0x1E8C0]  }
0x149: {  	[tilespmem:$0x1EAB0] =	vst v1  }
0x14a: {  	v1 =	vld.idx.msk [tilespmem:v3+s29+$0x0], $0xffff;
	_ =	sdelay $0x4  }
0x14b: {  	[tilespmem:$0x1EBB0] =	vst v1  }
0x14c: {  	v1 =	vld.idx.msk [tilespmem:v2+s3+$0x0], $0xffff;
	_ =	sdelay $0x3  }
0x14d: {  	v3 =	vld [tilespmem:$0x1E8D0]  }
0x14e: {  	[tilespmem:$0x1EAC0] =	vst v1  }
0x14f: {  	v1 =	vld.idx.msk [tilespmem:v2+s29+$0x0], $0xffff;
	_ =	sdelay $0x4  }
0x150: {  	[tilespmem:$0x1EBC0] =	vst v1  }
0x151: {  	v1 =	vld.idx.msk [tilespmem:v3+s3+$0x0], $0xffff;
	_ =	sdelay $0x3  }
0x152: {  	v2 =	vld [tilespmem:$0x1E8E0]  }
0x153: {  	[tilespmem:$0x1EAD0] =	vst v1  }
0x154: {  	v1 =	vld.idx.msk [tilespmem:v3+s29+$0x0], $0xffff;
	_ =	sdelay $0x4  }
0x155: {  	[tilespmem:$0x1EBD0] =	vst v1  }
0x156: {  	v1 =	vld.idx.msk [tilespmem:v2+s3+$0x0], $0xffff;
	_ =	sdelay $0x3  }
0x157: {  	v3 =	vld [tilespmem:$0x1E8F0]  }
0x158: {  	[tilespmem:$0x1EAE0] =	vst v1  }
0x159: {  	v1 =	vld.idx.msk [tilespmem:v2+s29+$0x0], $0xffff;
	_ =	sdelay $0x4  }
0x15a: {  	[tilespmem:$0x1EBE0] =	vst v1  }
0x15b: {  	v1 =	vld.idx.msk [tilespmem:v3+s3+$0x0], $0xffff;
	_ =	sdelay $0x3  }
0x15c: {  	v2 =	vld [tilespmem:$0x1E900]  }
0x15d: {  	[tilespmem:$0x1EAF0] =	vst v1  }
0x15e: {  	v1 =	vld.idx.msk [tilespmem:v3+s29+$0x0], $0xffff;
	_ =	sdelay $0x4  }
0x15f: {  	[tilespmem:$0x1EBF0] =	vst v1  }
0x160: {  	v1 =	vld.idx.msk [tilespmem:v2+s3+$0x0], $0xffff;
	_ =	sdelay $0x3  }
0x161: {  	v3 =	vld [tilespmem:$0x1E910]  }
0x162: {  	[tilespmem:$0x1EB00] =	vst v1  }
0x163: {  	v1 =	vld.idx.msk [tilespmem:v2+s29+$0x0], $0xffff;
	_ =	sdelay $0x4  }
0x164: {  	[tilespmem:$0x1EC00] =	vst v1  }
0x165: {  	v1 =	vld.idx.msk [tilespmem:v3+s3+$0x0], $0xffff;
	_ =	sdelay $0x4  }
0x166: {  	[tilespmem:$0x1EB10] =	vst v1  }
0x167: {  	v1 =	vld.idx.msk [tilespmem:v3+s29+$0x0], $0xffff;
	_ =	sdelay $0x4  }
0x168: {  	s4 =	simm.s32 $0xA0;
	s30 =	simm.s32 $0x1EA80;
	s0 =	simm.s32 $0x1E980;
	[tilespmem:$0x1EC10] =	vst v1  }
0x169: {  	[spmem:s1] =	stream.indirect.scatter.add.f32 [tilespmem:s30], [sflag:$0x7], $0x1, s0, s4, $0xb8;
	[tilespmem:$0x1EC80] =	vst v63  }
0x16a: {  	s21 =	simm.s32 $0x1EB80  }
0x16b: {  	[spmem:s2] =	stream.indirect.scatter.add.f32 [tilespmem:s21], [sflag:$0x7], $0x1, s0, s4, $0xb8;
	[tilespmem:$0x1EC80] =	vst v63  }
0x16c: {  	_ =	swait.ge [sflag:s10], $0x500  }
0x16d: {  	[sflag:s10] =	ssyncset.done $0x0  }
0x16e: {  	[sflag:s10] =	ssyncadd.s32 $0xFFFFFB00  }
0x16f: {  	_ =	swait.ge [sflag:s10], $0x500  }
0x170: {  	[sflag:s10] =	ssyncset.done $0x0  }
0x171: {  	[sflag:s10] =	ssyncadd.s32 $0xFFFFFB00  }
0x172: {  	_ =	swait.ge [sflag:s12], $0x500  }
0x173: {  	[sflag:s12] =	ssyncset.done $0x0  }
0x174: {  	[sflag:s12] =	ssyncadd.s32 $0xFFFFFB00  }
0x175: {  	_ =	swait.ge [sflag:s12], $0x500  }
0x176: {  	[sflag:s12] =	ssyncset.done $0x0  }
0x177: {  	[sflag:s12] =	ssyncadd.s32 $0xFFFFFB00  }
0x178: {  	_ =	swait.ge [sflag:s31], $0xA0  }
0x179: {  	[sflag:s31] =	ssyncset.done $0x0  }
0x17a: {  	[sflag:s31] =	ssyncadd.s32 $0xFFFFFF60  }
0x17b: {  	_ =	swait.ge [sflag:s31], $0xA0  }
0x17c: {  	[sflag:s31] =	ssyncset.done $0x0  }
0x17d: {  	[sflag:s31] =	ssyncadd.s32 $0xFFFFFF60  }
0x17e: {  	[bflag:$0x0] =	sbarrier.arrive $0xFFFF  }
0x17f: {  	s21 =	simm.s32 $0x1C300;
	s4 =	simm.s32 $0x8;
	s15 =	rddreg [dreg:$0x6]  }
0x180: {  	[tilespmem:s21], [sflag:$0x8] =	stream.linear.gather [spmem:s15], $0x620, $0x38;
	[tilespmem:$0x1EC80] =	vst v63  }
0x181: {  	_ =	swait.ge [sflag:s4], $0x620  }
0x182: {  	[sflag:s4] =	ssyncset.done $0x0  }
0x183: {  	s30 =	rddreg [dreg:$0x10];
	[sflag:s4] =	ssyncadd.s32 $0xFFFFF9E0  }
0x184: {  	[hbm4b:s30+s3] =	stream.linear.scatter [tilespmem:s21], [sflag:$0x7], $0x620, $0x38;
	[tilespmem:$0x1EC80] =	vst v63  }
0x185: {  	s0 =	rddreg [dreg:$0x7];
	s30 =	simm.s32 $0x1C980  }
0x186: {  	[tilespmem:s30], [sflag:$0x8] =	stream.linear.gather [spmem:s0], $0x620, $0x38;
	[tilespmem:$0x1EC80] =	vst v63  }
0x187: {  	_ =	swait.ge [sflag:s4], $0x620  }
0x188: {  	[sflag:s4] =	ssyncset.done $0x0  }
0x189: {  	s0 =	rddreg [dreg:$0x11];
	[sflag:s4] =	ssyncadd.s32 $0xFFFFF9E0  }
0x18a: {  	[hbm4b:s0+s3] =	stream.linear.scatter [tilespmem:s30], [sflag:$0x7], $0x620, $0x38;
	[tilespmem:$0x1EC80] =	vst v63  }
0x18b: {  	_ =	swait.ge [sflag:s31], $0x620  }
0x18c: {  	[sflag:s31] =	ssyncset.done $0x0  }
0x18d: {  	s0 =	rddreg [dreg:$0x8];
	[sflag:s31] =	ssyncadd.s32 $0xFFFFF9E0  }
0x18e: {  	[tilespmem:s21], [sflag:$0x8] =	stream.linear.gather [spmem:s0], $0x620, $0x38;
	[tilespmem:$0x1EC80] =	vst v63  }
0x18f: {  	_ =	swait.ge [sflag:s4], $0x620  }
0x190: {  	[sflag:s4] =	ssyncset.done $0x0  }
0x191: {  	s0 =	rddreg [dreg:$0x12];
	[sflag:s4] =	ssyncadd.s32 $0xFFFFF9E0  }
0x192: {  	[hbm4b:s0+s3] =	stream.linear.scatter [tilespmem:s21], [sflag:$0x7], $0x620, $0x38;
	[tilespmem:$0x1EC80] =	vst v63  }
0x193: {  	_ =	swait.ge [sflag:s31], $0x620  }
0x194: {  	[sflag:s31] =	ssyncset.done $0x0  }
0x195: {  	s21 =	rddreg [dreg:$0x9];
	[sflag:s31] =	ssyncadd.s32 $0xFFFFF9E0  }
0x196: {  	[tilespmem:s30], [sflag:$0x8] =	stream.linear.gather [spmem:s21], $0x620, $0x38;
	[tilespmem:$0x1EC80] =	vst v63  }
0x197: {  	_ =	swait.ge [sflag:s4], $0x620  }
0x198: {  	[sflag:s4] =	ssyncset.done $0x0  }
0x199: {  	s21 =	rddreg [dreg:$0x13];
	[sflag:s4] =	ssyncadd.s32 $0xFFFFF9E0  }
0x19a: {  	[hbm4b:s21+s3] =	stream.linear.scatter [tilespmem:s30], [sflag:$0x7], $0x620, $0x38;
	[tilespmem:$0x1EC80] =	vst v63  }
0x19b: {  	_ =	swait.ge [sflag:s31], $0x620  }
0x19c: {  	[sflag:s31] =	ssyncset.done $0x0  }
0x19d: {  	[sflag:s31] =	ssyncadd.s32 $0xFFFFF9E0  }
0x19e: {  	_ =	swait.ge [sflag:s31], $0x620  }
0x19f: {  	s0 =	rddreg [dreg:$0x15]  }
0x1a0: {  	s30 =	rddreg [dreg:$0x14];
	s21 =	sadd.s32 $0x1, s0  }
0x1a1: {  	p0 =	sne.s32 s21, s30  }
.Ltmp8:
0x1a2: {  	_ = 	snop;
	(pc) =	sbr.rel @p0 .LBB2_1-.Ltmp8, $3  }
0x1a3: {  	_ =	sdelay $0x1  }
0x1a4: {  	[sflag:s31] =	ssyncset.done $0x0  }
0x1a5: {  	s28 =	simm.s32 $0x1E980;
	[sflag:s31] =	ssyncadd.s32 $0xFFFFF9E0  }
0x1a6: {  	_ =	sfence.sel $0x180000  }
0x1a7: {  	[bflag:$0x0] =	sbarrier.arrive $0xFFFF  }
0x1a8: {  	_ =	strace $0x90000053  }
0x1a9: {  	s0 =	stileid.u32;
	[bflag:$0x2] =	sbarrier.arrive $0xFFFF  }
0x1aa: {  	p0 =	sne.s32 s0, $0x0;
	s0 =	rddreg [dreg:$0x3]  }
0x1ab: {  	s0 =	sadd.s32 @!p0 $0x100000, s0  }
0x1ac: {  	[sflag:s0] =	ssyncadd.tile.s32 @!p0 $0x1;
	_ =	shalt  }
.Lfunc_end2:
_tile_overlayer_lowered:
.L_overlay_start_2:
0x1ad: {  	(tag) =	ssettag $0x2  }
0x1ae: {  	s0 =	rddreg [dreg:$0x0];
	s2 =	stileid.u32  }
0x1af: {  	s1 =	rddreg [dreg:$0x1];
	p0 =	sne.s32 s2, $0x0  }
0x1b0: {  	s3 =	rddreg [dreg:$0x2];
	[bflag:$0x3] =	sbarrier.arrive $0xFFFF;
	s2 =	simm.s32 @!p0 $0x1C08  }
0x1b1: {  	[timem:s3], [sflag:s2] =	dma.local @!p0 [hbm:s0], s1  }
0x1b2: {  	s0 =	simm.s32 @!p0 $0x8  }
0x1b3: {  	_ =	swait.ge @!p0 [sflag:s0], s1  }
0x1b4: {  	s1 =	ssub.s32 @!p0 $0x0, s1;
	[sflag:s0] =	ssyncset.done @!p0 $0x0  }
0x1b5: {  	[sflag:s0] =	ssyncadd.s32 @!p0 s1  }
0x1b6: {  	[bflag:$0x3] =	sbarrier.arrive $0xFFFF  }
0x1b7: {  	_ =	shalt  }

// kernel: kernel.8.cloned.1.call-start
scs
__scs_entry_jumppad:
0x0: {  	(pc) =	sbr.rel $0x88, $3  }
0x1: {  	(tag) =	ssettag $0x0;
	lr =	simm.s32 $0x1  }
0x2: {  	[smem:$0x3F9A] =	sst lr;
	_ =	strace $0xD0000000  }
0x3: {  	_ = 	snop  }
0x4: {  	_ = 	snop  }
0x5: {  	_ = 	snop  }
0x6: {  	_ = 	snop  }
0x7: {  	_ = 	snop  }
__scs_overlays_trampoline_lowered:
0x8: {  	[smem:$0x3FA9] =	sst s0  }
0x9: {  	[smem:$0x3FAA] =	sst s1  }
0xa: {  	[smem:$0x3FAB] =	sst s2  }
0xb: {  	[smem:$0x3FAC] =	sst s3  }
0xc: {  	[smem:$0x3FAD] =	sst s4  }
0xd: {  	[smem:$0x3FAE] =	sst s5  }
0xe: {  	[smem:$0x3FAF] =	sst s6  }
0xf: {  	[smem:$0x3FB0] =	sst s7  }
0x10: {  	[smem:$0x3FB1] =	sst s8  }
0x11: {  	[smem:$0x3FB2] =	sst s9;
	s0 =	simm.s32 @!p0 $0x0  }
0x12: {  	s1 =	sld [smem:$0x3F98];
	s0 =	simm.s32 @p0 $0x1  }
0x13: {  	[smem:$0x3FB3] =	sst s0;
	s0 =	simm.s32 @!p1 $0x0  }
0x14: {  	s2 =	sld [smem:$0x3F97];
	s0 =	simm.s32 @p1 $0x1  }
0x15: {  	[smem:$0x3FB4] =	sst s0;
	s0 =	simm.s32 @!p2 $0x0  }
0x16: {  	s3 =	sld [smem:$0x3FDB];
	s0 =	simm.s32 @p2 $0x1  }
0x17: {  	s4 =	simm.s32 $0x1BF5;
	[smem:$0x3FB6] =	sst s0  }
0x18: {  	s0 =	sld [smem:$0x3F99];
	_ =	swait.ge [sflag:s4], $0x0  }
0x19: {  	s7 =	sld [smem:$0x3F9A]  }
0x1a: {  	s8 =	sadd.s32 $0xFFFFE003, lr  }
0x1b: {  	s9 =	sadd.s32 $0xFFFFFEF7, lr;
	s5 =	simm.s32 $0xFFFFFFFF;
	p2 =	slt.u32 s8, $0xFFFFF086  }
0x1c: {  	p1 =	slt.u32 s9, $0xF7A;
	s5 =	simm.s32 @!p2 $0x0  }
0x1d: {  	s5 =	simm.s32 @p1 $0x1;
	p0 =	seq.s32 s7, s2  }
0x1e: {  	s7 =	smul.u32 @!p0 $0xF7A, s2;
	p2 =	seq.s32 @!p0 s5, $0x0  }
0x1f: {  	s9 =	smul.u32 $0xF7A, s1;
	s8 =	simm.s32 @!p0 $0x1BF5;
	p2 =	por !p2, p0  }
0x20: {  	[sflag:s8] =	ssyncset.s32 @!p0 $0xFFFFF086;
	s6 =	sadd.s32 @!p0 s3, s7;
	s7 =	simm.s32 @!p0 $0x108  }
0x21: {  	s3 =	sadd.s32 s3, s9;
	s6 =	sadd.s32 @!p0 $0x88, s6;
	s7 =	simm.s32 @p2 $0x1082  }
0x22: {  	[simem:s7], [sflag:s8] =	dma.local @!p0 [hbm:s6], $0xF7A  }
0x23: {  	s9 =	sor.u32 $0xD0000000, s2;
	s6 =	simm.s32 $0x108;
	_ =	swait.ge @!p0 [sflag:s8], $0x0  }
0x24: {  	s3 =	sadd.s32 $0x88, s3;
	s6 =	simm.s32 @!p1 $0x1082;
	[sflag:s4] =	ssyncset.s32 $0xFFFFF086  }
0x25: {  	[simem:s6], [sflag:s4] =	dma.local [hbm:s3], $0xF7A  }
0x26: {  	[smem:$0x3F9A] =	sst s1;
	(tag) =	ssettag s2;
	_ =	strace s9  }
0x27: {  	s1 =	sld [smem:$0x3FAA]  }
0x28: {  	s2 =	sld [smem:$0x3FAB]  }
0x29: {  	s4 =	sld [smem:$0x3FAD]  }
0x2a: {  	p0 =	seq.s32 s5, $0x0;
	s5 =	sld [smem:$0x3FAE]  }
0x2b: {  	s6 =	sld [smem:$0x3FAF]  }
0x2c: {  	s7 =	sld [smem:$0x3FB0]  }
0x2d: {  	s3 =	simm.s32 $0x108;
	s8 =	sld [smem:$0x3FB1]  }
0x2e: {  	s3 =	simm.s32 @!p0 $0x1082;
	s9 =	sld [smem:$0x3FB2]  }
0x2f: {  	lr =	sadd.s32 s0, s3;
	s0 =	sld [smem:$0x3FA9]  }
0x30: {  	s3 =	sld [smem:$0x3FAC]  }
0x31: {  	[smem:$0x3FB5] =	sst s10  }
0x32: {  	s10 =	sld [smem:$0x3FB3];
	_ =	sdelay $0x3  }
0x33: {  	p0 =	seq.s32 s10, $0x1;
	s10 =	sld [smem:$0x3FB5];
	_ =	sdelay $0x3  }
0x34: {  	[smem:$0x3FB5] =	sst s10  }
0x35: {  	s10 =	sld [smem:$0x3FB4];
	_ =	sdelay $0x3  }
0x36: {  	p1 =	seq.s32 s10, $0x1;
	s10 =	sld [smem:$0x3FB5];
	_ =	sdelay $0x3  }
0x37: {  	[smem:$0x3FB5] =	sst s10  }
0x38: {  	s10 =	sld [smem:$0x3FB6]  }
0x39: {  	_ = 	snop;
	(pc) =	sbr.ind lr, $3  }
0x3a: {  	_ = 	snop  }
0x3b: {  	_ = 	snop  }
0x3c: {  	p2 =	seq.s32 s10, $0x1;
	s10 =	sld [smem:$0x3FB5]  }
0x3d: {  	_ =	shalt  }
0x3e: {  	_ =	shalt  }
0x3f: {  	_ =	shalt  }
0x40: {  	_ =	shalt  }
0x41: {  	_ =	shalt  }
0x42: {  	_ =	shalt  }
0x43: {  	_ =	shalt  }
0x44: {  	_ =	shalt  }
0x45: {  	_ =	shalt  }
0x46: {  	_ =	shalt  }
0x47: {  	_ =	shalt  }
0x48: {  	_ =	shalt  }
0x49: {  	_ =	shalt  }
0x4a: {  	_ =	shalt  }
0x4b: {  	_ =	shalt  }
0x4c: {  	_ =	shalt  }
0x4d: {  	_ =	shalt  }
0x4e: {  	_ =	shalt  }
0x4f: {  	_ =	shalt  }
0x50: {  	_ =	shalt  }
0x51: {  	_ =	shalt  }
0x52: {  	_ =	shalt  }
0x53: {  	_ =	shalt  }
0x54: {  	_ =	shalt  }
0x55: {  	_ =	shalt  }
0x56: {  	_ =	shalt  }
0x57: {  	_ =	shalt  }
0x58: {  	_ =	shalt  }
0x59: {  	_ =	shalt  }
0x5a: {  	_ =	shalt  }
0x5b: {  	_ =	shalt  }
0x5c: {  	_ =	shalt  }
0x5d: {  	_ =	shalt  }
0x5e: {  	_ =	shalt  }
0x5f: {  	_ =	shalt  }
0x60: {  	_ =	shalt  }
0x61: {  	_ =	shalt  }
0x62: {  	_ =	shalt  }
0x63: {  	_ =	shalt  }
0x64: {  	_ =	shalt  }
0x65: {  	_ =	shalt  }
0x66: {  	_ =	shalt  }
0x67: {  	_ =	shalt  }
0x68: {  	_ =	shalt  }
0x69: {  	_ =	shalt  }
0x6a: {  	_ =	shalt  }
0x6b: {  	_ =	shalt  }
0x6c: {  	_ =	shalt  }
0x6d: {  	_ =	shalt  }
0x6e: {  	_ =	shalt  }
0x6f: {  	_ =	shalt  }
0x70: {  	_ =	shalt  }
0x71: {  	_ =	shalt  }
0x72: {  	_ =	shalt  }
0x73: {  	_ =	shalt  }
0x74: {  	_ =	shalt  }
0x75: {  	_ =	shalt  }
0x76: {  	_ =	shalt  }
0x77: {  	_ =	shalt  }
0x78: {  	_ =	shalt  }
0x79: {  	_ =	shalt  }
0x7a: {  	_ =	shalt  }
0x7b: {  	_ =	shalt  }
0x7c: {  	_ =	shalt  }
0x7d: {  	_ =	shalt  }
0x7e: {  	_ =	shalt  }
0x7f: {  	_ =	shalt  }
0x80: {  	_ =	shalt  }
0x81: {  	_ =	shalt  }
0x82: {  	_ =	shalt  }
0x83: {  	_ =	shalt  }
0x84: {  	_ =	shalt  }
0x85: {  	_ =	shalt  }
0x86: {  	_ =	shalt  }
0x87: {  	_ =	shalt  }
.Lfunc_end0:
.L_simem_size_0:
called_computation_lowered:
.L_overlay_start_0:
0x88: {  	s2 =	sld [smem:$0x3FD9]  }
0x89: {  	s3 =	sld [smem:$0x3FFE];
	_ =	sdelay $0x1  }
0x8a: {  	s1 =	srdreg.scid  }
0x8b: {  	s0 =	sand.u32 $0x1, s1  }
0x8c: {  	s16 =	sshll.u32 s0, $0xA;
	s2 =	sadd.s32 s3, s2  }
0x8d: {  	s2 =	sadd.s32 s2, s16  }
0x8e: {  	[smem:$0x3FC1] =	sst s2  }
0x8f: {  	_ = 	snop  }
0x90: {  	(tm) =	ssettm $0x1  }
0x91: {  	s17 =	sld [smem:$0x3FFB];
	_ =	sdelay $0x3  }
0x92: {  	_ =	strace s17  }
0x93: {  	s2 =	sld [smem:$0x3FFC];
	_ =	sdelay $0x3  }
0x94: {  	_ =	strace s2  }
0x95: {  	s2 =	sld [smem:$0x3FFD];
	_ =	sdelay $0x3  }
0x96: {  	_ =	strace s2  }
0x97: {  	_ =	strace $0x8FFFFFFF  }
0x98: {  	s18 =	sld [smem:$0x3FDB];
	_ =	sdelay $0x1  }
0x99: {  	s19 =	simm.s32 $_scs_section_size  }
0x9a: {  	s4 =	simm.s32 $_size__tile_overlayer_lowered;
	s5 =	simm.s32 $_tile_overlayer_lowered  }
0x9b: {  	s22 =	simm.s32 $0x1BFF;
	s21 =	sshll.u32 s5, $0x1;
	s2 =	sadd.s32 s19, s18  }
0x9c: {  	s6 =	simm.s32 $0x0;
	s20 =	sshll.u32 s4, $0x1;
	s4 =	sadd.s32 s21, s2  }
0x9d: {  	[timem:s6], [sflag:s22] =	dma.local [hbm:s4], s20  }
0x9e: {  	_ =	swait.ge [sflag:s22], s20  }
0x9f: {  	s3 =	ssub.s32 $0x0, s20;
	[sflag:s22] =	ssyncset.done $0x0  }
0xa0: {  	[sflag:s22] =	ssyncadd.s32 s3;
	_ =	sdelay $0x1  }
0xa1: {  	s23 =	simm.s32 $0x1B8B  }
0xa2: {  	_ =	swait.ge [sflag:s23], $0x1  }
0xa3: {  	[sflag:s23] =	ssyncset.done $0x0  }
0xa4: {  	s25 =	simm.s32 $0x1B8E;
	s24 =	sld [smem:$0x3FFE];
	[sflag:s23] =	ssyncadd.s32 $0xFFFFFFFF  }
0xa5: {  	s26 =	simm.s32 $execute0_lowered;
	[smem:$0x3FD2] =	sst s25  }
0xa6: {  	s4 =	sshll.u32 s26, $0x1;
	_ =	strace $0x80000046;
	[dreg:$0x1] =	wrdreg $0xFFFFFFFF  }
0xa7: {  	s28 =	simm.s32 $_size_execute0_lowered;
	s2 =	sadd.s32 s2, s4;
	[dreg:$0x0] =	wrdreg $0x0  }
0xa8: {  	s4 =	sshll.u32 s28, $0x1;
	[dreg:$0x2] =	wrdreg s2  }
0xa9: {  	[dreg:$0x3] =	wrdreg s4  }
0xaa: {  	[dreg:$0x4] =	wrdreg $0xC0  }
0xab: {  	_ =	task [dreg:s6], $0x5FFFF  }
0xac: {  	[dreg:$0x1] =	wrdreg $0xFFFFFFFF  }
0xad: {  	[dreg:$0x0] =	wrdreg $0x60  }
0xae: {  	[dreg:$0x2] =	wrdreg s24  }
0xaf: {  	[dreg:$0x3] =	wrdreg $0x1D0000  }
0xb0: {  	[dreg:$0x4] =	wrdreg $0x1DC400  }
0xb1: {  	[dreg:$0x5] =	wrdreg $0x1E8800  }
0xb2: {  	[dreg:$0x6] =	wrdreg $0x9  }
0xb3: {  	_ =	task.clear_ibuf [dreg:s6], $0x7FFFF;
	_ =	strace $0x90000046  }
0xb4: {  	s29 =	simm.s32 $0x9;
	_ =	strace $0x80000048  }
0xb5: {  	_ =	swait.ge [sflag:s29], $0x1  }
0xb6: {  	[sflag:s29] =	ssyncadd.s32 $0xFFFFFFFF  }
0xb7: {  	_ =	strace $0x90000048  }
0xb8: {  	_ =	sfence  }
0xb9: {  	s30 =	sld [smem:$0x0];
	_ =	sdelay $0x2  }
0xba: {  	s31 =	sshll.u32 s1, $0xD;
	s1 =	sshrl.u32 s1, $0x2  }
0xbb: {  	s3 =	sand.u32 $0x4000, s31;
	s1 =	sadd.s32 s1, s30  }
0xbc: {  	s0 =	sor.u32 s3, s0;
	s1 =	sshll.u32 s1, $0x11  }
0xbd: {  	s0 =	sor.u32 s1, s0  }
0xbe: {  	s0 =	sadd.s32 $0x8F2B, s0  }
0xbf: {  	[sflag:s0] =	ssyncadd.remote.s32 $0x1  }
0xc0: {  	_ =	sfence.sel $0xFFFF  }
0xc1: {  	[dreg:$0x0] =	wrdreg $0xFFFFFFFF;
	(pc) =	sbr.abs _section_cstart, $3  }
0xc2: {  	[dreg:$0x1] =	wrdreg $0xFFFFFFFF  }
0xc3: {  	_ =	task.clear_ibuf [dreg:s6], $0x2FFFF;
	_ =	strace $0x9FFFFFFF  }
0xc4: {  	(tm) =	ssettm $0x7FFFFFFF  }
0xc5: {  	_ =	shalt  }
tec
execute0_lowered:
.L_overlay_start_1:
0x0: {  	(tag) =	ssettag $0x1  }
0x1: {  	s0 =	rddreg [dreg:$0x0]  }
0x2: {  	s1 =	rddreg [dreg:$0x1]  }
0x3: {  	s2 =	rddreg [dreg:$0x2]  }
0x4: {  	s3 =	rddreg [dreg:$0x3];
	s4 =	simm.s32 $0x0;
	s17 =	srdreg.scid  }
0x5: {  	s13 =	stileid.u32;
	s31 =	simm.s32 $0x1FAC0;
	s28 =	simm.s32 $0x1AF00  }
0x6: {  	[smem:$0x7FF] =	sst s4;
	s5 =	sadd.s32 $0xC7400, s0;
	s16 =	sadd.s32 $0xC8E00, s0  }
0x7: {  	s8 =	sadd.s32 $0x65800, s0;
	s9 =	sadd.s32 $0x3C00, s0;
	s6 =	sadd.s32 $0xCA800, s0  }
0x8: {  	s10 =	sadd.s32 $0xCDA00, s0;
	s12 =	smul.u32 $0xC40, s13;
	s18 =	sshll.u32 s13, $0x1  }
0x9: {  	_ =	strace $0x80000047;
	[dreg:$0x5] =	wrdreg s5;
	s5 =	sand.u32 $0x1, s17  }
0xa: {  	[dreg:$0x6] =	wrdreg s16;
	s7 =	ssub.s32 $0x2, s5;
	s20 =	sadd.s32 s12, s2  }
0xb: {  	s19 =	sadd.s32 $0x620, s12;
	s22 =	sadd.s32 s12, s3;
	[dreg:$0x9] =	wrdreg s20  }
0xc: {  	s11 =	sshrl.u32 s7, $0x1;
	s14 =	sadd.s32 s19, s1;
	[dreg:$0xb] =	wrdreg s22  }
0xd: {  	s7 =	ssub.s32 s7, s11;
	s11 =	sor.u32 s5, s18;
	s5 =	smul.u32 $0xC400, s5  }
0xe: {  	s21 =	sadd.s32 s19, s2;
	s23 =	sadd.s32 s19, s3;
	[dreg:$0x8] =	wrdreg s14  }
0xf: {  	s18 =	sadd.s32 s12, s1;
	[dreg:$0xa] =	wrdreg s21;
	s5 =	sadd.s32 s12, s5  }
0x10: {  	[dreg:$0xc] =	wrdreg s23;
	s14 =	smul.u32 $0x186A0, s11;
	s5 =	sshrl.u32 s5, $0x3  }
0x11: {  	s0 =	sadd.s32 $0xD0C00, s0;
	[dreg:$0x7] =	wrdreg s18;
	s25 =	sadd.s32 s6, s5  }
0x12: {  	s24 =	sshrl.u32 s14, $0x3;
	s13 =	sadd.s32 s10, s5;
	[dreg:$0xd] =	wrdreg s25  }
0x13: {  	s26 =	sadd.s32 $0xC4, s5;
	s5 =	sadd.s32 s0, s5;
	[dreg:$0xf] =	wrdreg s13  }
0x14: {  	s29 =	simm.s32 $0x1B900;
	s16 =	sadd.s32 s8, s24;
	[dreg:$0x11] =	wrdreg s5  }
0x15: {  	s17 =	sadd.s32 s9, s24;
	s19 =	sadd.s32 $0xA0, s24;
	[dreg:$0x13] =	wrdreg s16  }
0x16: {  	s20 =	sadd.s32 $0x30C0, s24;
	s24 =	smax.u32 s7, $0x1;
	[dreg:$0x14] =	wrdreg s17  }
0x17: {  	s30 =	simm.s32 $0x1F4C0;
	s6 =	sadd.s32 s6, s26;
	[dreg:$0x19] =	wrdreg s24  }
0x18: {  	s11 =	simm.s32 $0x1AA00;
	s15 =	sadd.s32 s10, s26;
	[dreg:$0xe] =	wrdreg s6  }
0x19: {  	s12 =	simm.s32 $0x2;
	s0 =	sadd.s32 s0, s26;
	[dreg:$0x10] =	wrdreg s15  }
0x1a: {  	s7 =	simm.s32 $0x4;
	s21 =	sadd.s32 s8, s19;
	[dreg:$0x12] =	wrdreg s0  }
0x1b: {  	s22 =	sadd.s32 s8, s20;
	s23 =	sadd.s32 s9, s20;
	[dreg:$0x15] =	wrdreg s21  }
0x1c: {  	s25 =	sadd.s32 $0x1400, s14;
	s26 =	sadd.s32 $0x1900, s14;
	[dreg:$0x17] =	wrdreg s22  }
0x1d: {  	s17 =	simm.s32 $0x8;
	s5 =	simm.s32 $0xC380;
	[dreg:$0x18] =	wrdreg s23  }
0x1e: {  	s24 =	simm.s32 $0x1A500;
	s13 =	simm.s32 $0x1B400;
	[dreg:$0x1a] =	wrdreg s25  }
0x1f: {  	s16 =	simm.s32 $0x5;
	s0 =	sadd.s32 s9, s19;
	[dreg:$0x1b] =	wrdreg s26  }
0x20: {  	s19 =	simm.s32 $0x19B00;
	s21 =	simm.s32 $0x1A000;
	s25 =	simm.s32 $0x1  }
0x21: {  	s26 =	simm.s32 $0x500;
	s15 =	simm.s32 $0x1BE00;
	s22 =	simm.s32 $0x3  }
0x22: {  	v0 =	vimm.f32 $0.0e+00;
	v1 =	vimm.f32 $1.000000000e+00;
	s6 =	simm.s32 $0x6;
	[dreg:$0x16] =	wrdreg s0;
	s0 =	simm.s32 $0x0  }
.LBB2_1:
0x23: {  	s10 =	rddreg [dreg:$0x5]  }
0x24: {  	[tilespmem:s4], [sflag:$0x8] =	stream.linear.gather [hbm4b:s10+s4], $0xC350, $0x38;
	[tilespmem:$0x1FEC0] =	vst v63  }
0x25: {  	_ =	swait.ge [sflag:s17], $0xC350  }
0x26: {  	[sflag:s17] =	ssyncset.done $0x0  }
0x27: {  	s23 =	rddreg [dreg:$0x6];
	[sflag:s17] =	ssyncadd.s32 $0xFFFF3CB0  }
0x28: {  	[tilespmem:s5], [sflag:$0x8] =	stream.linear.gather [hbm4b:s23+s4], $0xC350, $0x38;
	[tilespmem:$0x1FEC0] =	vst v63  }
0x29: {  	_ =	swait.ge [sflag:s17], $0xC350  }
0x2a: {  	[sflag:s17] =	ssyncset.done $0x0  }
0x2b: {  	s10 =	simm.s32 $0x40;
	[sflag:s17] =	ssyncadd.s32 $0xFFFF3CB0;
	s17 =	simm.s32 $0x0  }
.LBB2_2:
0x2c: {  	p0 =	sne.s32 s10, $0x1840;
	[tilespmem:s17+$0x1C300] =	vst v0;
	s17 =	smov.u32 s10;
	s10 =	sadd.s32 $0x40, s10  }
.Ltmp0:
0x2d: {  	(pc) =	sbr.rel @p0 .LBB2_2-.Ltmp0, $2  }
0x2e: {  	_ =	sdelay $0x2  }
0x2f: {  	s17 =	sshra.s32 s17, $0x2  }
0x30: {  	[dreg:$0x1c] =	wrdreg s0;
	[tilespmem:s17+$0x1C300] =	vst v0;
	s17 =	simm.s32 $0x1C300  }
0x31: {  	[spmem:s18] =	stream.linear.scatter [tilespmem:s17], [sflag:$0x7], $0x620, $0x38;
	[tilespmem:$0x1FEC0] =	vst v63  }
0x32: {  	s23 =	rddreg [dreg:$0x8]  }
0x33: {  	[spmem:s23] =	stream.linear.scatter [tilespmem:s17], [sflag:$0x7], $0x620, $0x38;
	[tilespmem:$0x1FEC0] =	vst v63  }
0x34: {  	s10 =	rddreg [dreg:$0x9]  }
0x35: {  	[spmem:s10] =	stream.linear.scatter [tilespmem:s17], [sflag:$0x7], $0x620, $0x38;
	[tilespmem:$0x1FEC0] =	vst v63  }
0x36: {  	s18 =	rddreg [dreg:$0xa]  }
0x37: {  	[spmem:s18] =	stream.linear.scatter [tilespmem:s17], [sflag:$0x7], $0x620, $0x38;
	[tilespmem:$0x1FEC0] =	vst v63  }
0x38: {  	s10 =	rddreg [dreg:$0xb]  }
0x39: {  	[spmem:s10] =	stream.linear.scatter [tilespmem:s17], [sflag:$0x7], $0x620, $0x38;
	[tilespmem:$0x1FEC0] =	vst v63  }
0x3a: {  	s20 =	rddreg [dreg:$0xc];
	s23 =	simm.s32 $0x7  }
0x3b: {  	[spmem:s20] =	stream.linear.scatter [tilespmem:s17], [sflag:$0x7], $0x620, $0x38;
	[tilespmem:$0x1FEC0] =	vst v63  }
0x3c: {  	_ =	swait.ge [sflag:s23], $0x620  }
0x3d: {  	[sflag:s23] =	ssyncset.done $0x0  }
0x3e: {  	[sflag:s23] =	ssyncadd.s32 $0xFFFFF9E0  }
0x3f: {  	_ =	swait.ge [sflag:s23], $0x620  }
0x40: {  	[sflag:s23] =	ssyncset.done $0x0  }
0x41: {  	[sflag:s23] =	ssyncadd.s32 $0xFFFFF9E0  }
0x42: {  	_ =	swait.ge [sflag:s23], $0x620  }
0x43: {  	[sflag:s23] =	ssyncset.done $0x0  }
0x44: {  	[sflag:s23] =	ssyncadd.s32 $0xFFFFF9E0  }
0x45: {  	_ =	swait.ge [sflag:s23], $0x620  }
0x46: {  	[sflag:s23] =	ssyncset.done $0x0  }
0x47: {  	[sflag:s23] =	ssyncadd.s32 $0xFFFFF9E0  }
0x48: {  	_ =	swait.ge [sflag:s23], $0x620  }
0x49: {  	[sflag:s23] =	ssyncset.done $0x0  }
0x4a: {  	[sflag:s23] =	ssyncadd.s32 $0xFFFFF9E0  }
0x4b: {  	_ =	swait.ge [sflag:s23], $0x620  }
0x4c: {  	[sflag:s23] =	ssyncset.done $0x0  }
0x4d: {  	s10 =	simm.s32 $0x40;
	s17 =	simm.s32 $0x0;
	[sflag:s23] =	ssyncadd.s32 $0xFFFFF9E0  }
.LBB2_4:
0x4e: {  	p0 =	sne.s32 s10, $0x13C0;
	[tilespmem:s17+$0x1F4C0] =	vst v1;
	s17 =	smov.u32 s10;
	s10 =	sadd.s32 $0x40, s10  }
.Ltmp1:
0x4f: {  	(pc) =	sbr.rel @p0 .LBB2_4-.Ltmp1, $2  }
0x50: {  	_ =	sdelay $0x2  }
0x51: {  	s17 =	sshra.s32 s17, $0x2  }
0x52: {  	[tilespmem:s17+$0x1F4C0] =	vst v1  }
0x53: {  	[tilespmem:$0x1FDC0] =	vst v1  }
0x54: {  	[tilespmem:$0x1FDD0] =	vst v1  }
0x55: {  	[tilespmem:$0x1FDE0] =	vst v1  }
0x56: {  	[tilespmem:$0x1FDF0] =	vst v1  }
0x57: {  	[tilespmem:$0x1FE00] =	vst v1  }
0x58: {  	[tilespmem:$0x1FE10] =	vst v1  }
0x59: {  	[tilespmem:$0x1FE20] =	vst v1  }
0x5a: {  	[tilespmem:$0x1FE30] =	vst v1  }
0x5b: {  	[tilespmem:$0x1FE40] =	vst v1  }
0x5c: {  	[tilespmem:$0x1FE50] =	vst v1  }
0x5d: {  	[bflag:$0x0] =	sbarrier.arrive $0xFFFF  }
0x5e: {  	s23 =	simm.s32 $0x0;
	s0 =	simm.s32 $0x18700;
	s10 =	rddreg [dreg:$0x13]  }
0x5f: {  	[tilespmem:s0], [sflag:$0x1] =	stream.linear.gather [hbm4b:s10+s23], $0x500, $0x38;
	[tilespmem:$0x1FEC0] =	vst v63  }
0x60: {  	s17 =	rddreg [dreg:$0x14]  }
0x61: {  	[tilespmem:s19], [sflag:$0x1] =	stream.linear.gather [hbm4b:s17+s23], $0x500, $0x38;
	[tilespmem:$0x1FEC0] =	vst v63  }
0x62: {  	s20 =	simm.s32 $0x18C00;
	s18 =	rddreg [dreg:$0x15]  }
0x63: {  	[tilespmem:s20], [sflag:$0x2] =	stream.linear.gather [hbm4b:s18+s23], $0x500, $0x38;
	[tilespmem:$0x1FEC0] =	vst v63  }
0x64: {  	s0 =	rddreg [dreg:$0x16]  }
0x65: {  	[tilespmem:s21], [sflag:$0x2] =	stream.linear.gather [hbm4b:s0+s23], $0x500, $0x38;
	[tilespmem:$0x1FEC0] =	vst v63  }
0x66: {  	s17 =	rddreg [dreg:$0x17];
	s18 =	simm.s32 $0x1F9C0  }
0x67: {  	[tilespmem:s18], [sflag:$0x7] =	stream.linear.gather [hbm4b:s17+s23], $0xA0, $0x38;
	[tilespmem:$0x1FEC0] =	vst v63  }
0x68: {  	s10 =	simm.s32 $0x0;
	s20 =	rddreg [dreg:$0x18]  }
0x69: {  	[tilespmem:s31], [sflag:$0x7] =	stream.linear.gather [hbm4b:s20+s23], $0xA0, $0x38;
	[tilespmem:$0x1FEC0] =	vst v63  }
.LBB2_6:
0x6a: {  	p0 =	seq.s32 s10, $0x0  }
0x6b: {  	s17 =	simm.s32 @!p0 $0x5  }
0x6c: {  	_ =	swait.ge @!p0 [sflag:s17], $0x500  }
0x6d: {  	[sflag:s17] =	ssyncset.done @!p0 $0x0  }
0x6e: {  	s18 =	smul.u32 @!p0 $0x1400, s10;
	[sflag:s17] =	ssyncadd.s32 @!p0 $0xFFFFFB00  }
0x6f: {  	_ =	swait.ge @!p0 [sflag:s17], $0x500  }
0x70: {  	s20 =	sadd.s32 @!p0 $0xA00, s18;
	[sflag:s17] =	ssyncset.done @!p0 $0x0  }
0x71: {  	s20 =	simm.s32 @p0 $0xA00;
	[sflag:s17] =	ssyncadd.s32 @!p0 $0xFFFFFB00  }
0x72: {  	s20 =	sadd.s32 s14, s20;
	_ =	swait.ge @!p0 [sflag:s17], $0x500  }
0x73: {  	s20 =	sshrl.u32 s20, $0x3;
	[sflag:s17] =	ssyncset.done @!p0 $0x0  }
0x74: {  	s0 =	simm.s32 $0x19100;
	[sflag:s17] =	ssyncadd.s32 @!p0 $0xFFFFFB00;
	s17 =	sadd.s32 s8, s20  }
0x75: {  	[tilespmem:s0], [sflag:$0x3] =	stream.linear.gather [hbm4b:s17+s23], $0x500, $0x38;
	[tilespmem:$0x1FEC0] =	vst v63  }
0x76: {  	s20 =	sadd.s32 s9, s20  }
0x77: {  	[tilespmem:s24], [sflag:$0x3] =	stream.linear.gather [hbm4b:s20+s23], $0x500, $0x38;
	[tilespmem:$0x1FEC0] =	vst v63  }
0x78: {  	_ =	swait.ge [sflag:s25], $0x500  }
0x79: {  	[sflag:s25] =	ssyncset.done $0x0  }
0x7a: {  	[sflag:s25] =	ssyncadd.s32 $0xFFFFFB00  }
0x7b: {  	_ =	swait.ge [sflag:s25], $0x500  }
0x7c: {  	[sflag:s25] =	ssyncset.done $0x0  }
0x7d: {  	s20 =	simm.s32 $0x0;
	[sflag:s25] =	ssyncadd.s32 $0xFFFFFB00  }
0x7e: {  	v2 =	vld [tilespmem:s20+$0x18700];
	_ =	sdelay $0x7  }
0x7f: {  	v3 =	vld.idx.msk [tilespmem:v2+s4+$0x0], $0xffff;
	_ =	sdelay $0x3  }
0x80: {  	s31 =	simm.s32 $0x80;
	s17 =	simm.s32 $0x10  }
.LBB2_7:
0x81: {  	p1 =	sne.s32 s31, $0x13C0;
	v4 =	vld [tilespmem:s17+$0x18700];
	[tilespmem:s20+$0x1AF00] =	vst v3  }
0x82: {  	v3 =	vld.idx.msk [tilespmem:v2+s5+$0x0], $0xffff;
	_ =	sdelay $0x3  }
0x83: {  	v2 =	vmov v4;
	_ =	sdelay $0x1  }
0x84: {  	[tilespmem:s20+$0x1B900] =	vst v3;
	s20 =	smov.u32 s17  }
0x85: {  	v3 =	vld.idx.msk [tilespmem:v4+s4+$0x0], $0xffff  }
.Ltmp2:
0x86: {  	(pc) =	sbr.rel @p1 .LBB2_7-.Ltmp2, $2  }
0x87: {  	_ =	sdelay $0x2  }
0x88: {  	s17 =	sshra.s32 s31, $0x2;
	s31 =	sadd.s32 $0x40, s31  }
0x89: {  	_ =	sdelay $0x1  }
0x8a: {  	v4 =	vld [tilespmem:s17+$0x18700]  }
0x8b: {  	[tilespmem:s20+$0x1AF00] =	vst v3  }
0x8c: {  	v2 =	vld.idx.msk [tilespmem:v2+s5+$0x0], $0xffff;
	_ =	sdelay $0x4  }
0x8d: {  	[tilespmem:s20+$0x1B900] =	vst v2  }
0x8e: {  	v2 =	vld.idx.msk [tilespmem:v4+s4+$0x0], $0xffff;
	_ =	sdelay $0x4  }
0x8f: {  	[tilespmem:s17+$0x1AF00] =	vst v2  }
0x90: {  	v2 =	vld.idx.msk [tilespmem:v4+s5+$0x0], $0xffff;
	_ =	sdelay $0x4  }
0x91: {  	[tilespmem:s17+$0x1B900] =	vst v2  }
0x92: {  	[spmem:s1] =	stream.indirect.scatter.add.f32 [tilespmem:s28], [sflag:$0x5], $0x1, s19, s26, $0xb8;
	[tilespmem:$0x1FEC0] =	vst v63  }
0x93: {  	_ = 	snop  }
0x94: {  	[spmem:s2] =	stream.indirect.scatter.add.f32 [tilespmem:s29], [sflag:$0x5], $0x1, s19, s26, $0xb8;
	[tilespmem:$0x1FEC0] =	vst v63  }
0x95: {  	s17 =	simm.s32 @!p0 $0x6  }
0x96: {  	[spmem:s3] =	stream.indirect.scatter.add.f32 [tilespmem:s30], [sflag:$0x5], $0x1, s19, s26, $0xb8;
	[tilespmem:$0x1FEC0] =	vst v63  }
0x97: {  	_ =	swait.ge @!p0 [sflag:s17], $0x500  }
0x98: {  	[sflag:s17] =	ssyncset.done @!p0 $0x0  }
0x99: {  	[sflag:s17] =	ssyncadd.s32 @!p0 $0xFFFFFB00  }
0x9a: {  	_ =	swait.ge @!p0 [sflag:s17], $0x500  }
0x9b: {  	s18 =	sadd.s32 @!p0 $0xF00, s18;
	[sflag:s17] =	ssyncset.done @!p0 $0x0  }
0x9c: {  	s18 =	simm.s32 @p0 $0xF00;
	[sflag:s17] =	ssyncadd.s32 @!p0 $0xFFFFFB00  }
0x9d: {  	s18 =	sadd.s32 s14, s18;
	_ =	swait.ge @!p0 [sflag:s17], $0x500  }
0x9e: {  	s0 =	simm.s32 $0x19600;
	s18 =	sshrl.u32 s18, $0x3;
	[sflag:s17] =	ssyncset.done @!p0 $0x0  }
0x9f: {  	s31 =	sadd.s32 s8, s18;
	s20 =	simm.s32 $0x0;
	[sflag:s17] =	ssyncadd.s32 @!p0 $0xFFFFFB00  }
0xa0: {  	[tilespmem:s0], [sflag:$0x4] =	stream.linear.gather [hbm4b:s31+s20], $0x500, $0x38;
	[tilespmem:$0x1FEC0] =	vst v63  }
0xa1: {  	s31 =	sadd.s32 s9, s18  }
0xa2: {  	[tilespmem:s11], [sflag:$0x4] =	stream.linear.gather [hbm4b:s31+s20], $0x500, $0x38;
	[tilespmem:$0x1FEC0] =	vst v63  }
0xa3: {  	_ =	swait.ge [sflag:s12], $0x500  }
0xa4: {  	[sflag:s12] =	ssyncset.done $0x0  }
0xa5: {  	[sflag:s12] =	ssyncadd.s32 $0xFFFFFB00  }
0xa6: {  	_ =	swait.ge [sflag:s12], $0x500  }
0xa7: {  	[sflag:s12] =	ssyncset.done $0x0  }
0xa8: {  	s18 =	simm.s32 $0x0;
	[sflag:s12] =	ssyncadd.s32 $0xFFFFFB00  }
0xa9: {  	v2 =	vld [tilespmem:s18+$0x18C00];
	_ =	sdelay $0x7  }
0xaa: {  	v3 =	vld.idx.msk [tilespmem:v2+s4+$0x0], $0xffff;
	_ =	sdelay $0x3  }
0xab: {  	s17 =	simm.s32 $0x10;
	s20 =	simm.s32 $0x80  }
.LBB2_9:
0xac: {  	p0 =	sne.s32 s20, $0x13C0;
	v4 =	vld [tilespmem:s17+$0x18C00];
	[tilespmem:s18+$0x1B400] =	vst v3  }
0xad: {  	v3 =	vld.idx.msk [tilespmem:v2+s5+$0x0], $0xffff;
	_ =	sdelay $0x3  }
0xae: {  	v2 =	vmov v4;
	_ =	sdelay $0x1  }
0xaf: {  	[tilespmem:s18+$0x1BE00] =	vst v3;
	s18 =	smov.u32 s17  }
0xb0: {  	v3 =	vld.idx.msk [tilespmem:v4+s4+$0x0], $0xffff  }
.Ltmp3:
0xb1: {  	(pc) =	sbr.rel @p0 .LBB2_9-.Ltmp3, $2  }
0xb2: {  	_ =	sdelay $0x2  }
0xb3: {  	s17 =	sshra.s32 s20, $0x2;
	s20 =	sadd.s32 $0x40, s20  }
0xb4: {  	_ =	sdelay $0x1  }
0xb5: {  	v4 =	vld [tilespmem:s17+$0x18C00]  }
0xb6: {  	[tilespmem:s18+$0x1B400] =	vst v3  }
0xb7: {  	v2 =	vld.idx.msk [tilespmem:v2+s5+$0x0], $0xffff;
	_ =	sdelay $0x4  }
0xb8: {  	[tilespmem:s18+$0x1BE00] =	vst v2  }
0xb9: {  	v2 =	vld.idx.msk [tilespmem:v4+s4+$0x0], $0xffff;
	_ =	sdelay $0x4  }
0xba: {  	[tilespmem:s17+$0x1B400] =	vst v2  }
0xbb: {  	v2 =	vld.idx.msk [tilespmem:v4+s5+$0x0], $0xffff;
	_ =	sdelay $0x4  }
0xbc: {  	[tilespmem:s17+$0x1BE00] =	vst v2  }
0xbd: {  	[spmem:s1] =	stream.indirect.scatter.add.f32 [tilespmem:s13], [sflag:$0x6], $0x1, s21, s26, $0xb8;
	[tilespmem:$0x1FEC0] =	vst v63  }
0xbe: {  	_ = 	snop  }
0xbf: {  	[spmem:s2] =	stream.indirect.scatter.add.f32 [tilespmem:s15], [sflag:$0x6], $0x1, s21, s26, $0xb8;
	[tilespmem:$0x1FEC0] =	vst v63  }
0xc0: {  	_ = 	snop  }
0xc1: {  	[spmem:s3] =	stream.indirect.scatter.add.f32 [tilespmem:s30], [sflag:$0x6], $0x1, s21, s26, $0xb8;
	[tilespmem:$0x1FEC0] =	vst v63  }
0xc2: {  	_ =	swait.ge [sflag:s16], $0x500  }
0xc3: {  	[sflag:s16] =	ssyncset.done $0x0  }
0xc4: {  	[sflag:s16] =	ssyncadd.s32 $0xFFFFFB00  }
0xc5: {  	_ =	swait.ge [sflag:s16], $0x500  }
0xc6: {  	[sflag:s16] =	ssyncset.done $0x0  }
0xc7: {  	[sflag:s16] =	ssyncadd.s32 $0xFFFFFB00  }
0xc8: {  	s18 =	smul.u32 $0x1400, s10;
	_ =	swait.ge [sflag:s16], $0x500  }
0xc9: {  	s20 =	rddreg [dreg:$0x1a]  }
0xca: {  	s17 =	sadd.s32 s18, s20  }
0xcb: {  	s31 =	simm.s32 $0x0;
	[sflag:s16] =	ssyncset.done $0x0;
	s17 =	sshrl.u32 s17, $0x3  }
0xcc: {  	s0 =	simm.s32 $0x18700;
	[sflag:s16] =	ssyncadd.s32 $0xFFFFFB00;
	s20 =	sadd.s32 s8, s17  }
0xcd: {  	[tilespmem:s0], [sflag:$0x1] =	stream.linear.gather [hbm4b:s20+s31], $0x500, $0x38;
	[tilespmem:$0x1FEC0] =	vst v63  }
0xce: {  	s17 =	sadd.s32 s9, s17  }
0xcf: {  	[tilespmem:s19], [sflag:$0x1] =	stream.linear.gather [hbm4b:s17+s31], $0x500, $0x38;
	[tilespmem:$0x1FEC0] =	vst v63  }
0xd0: {  	_ =	swait.ge [sflag:s22], $0x500  }
0xd1: {  	[sflag:s22] =	ssyncset.done $0x0  }
0xd2: {  	[sflag:s22] =	ssyncadd.s32 $0xFFFFFB00  }
0xd3: {  	_ =	swait.ge [sflag:s22], $0x500  }
0xd4: {  	[sflag:s22] =	ssyncset.done $0x0  }
0xd5: {  	s20 =	simm.s32 $0x0;
	[sflag:s22] =	ssyncadd.s32 $0xFFFFFB00  }
0xd6: {  	v2 =	vld [tilespmem:s20+$0x19100];
	_ =	sdelay $0x7  }
0xd7: {  	v3 =	vld.idx.msk [tilespmem:v2+s4+$0x0], $0xffff;
	_ =	sdelay $0x3  }
0xd8: {  	s17 =	simm.s32 $0x10;
	s31 =	simm.s32 $0x80  }
.LBB2_11:
0xd9: {  	p0 =	sne.s32 s31, $0x13C0;
	v4 =	vld [tilespmem:s17+$0x19100];
	[tilespmem:s20+$0x1AF00] =	vst v3  }
0xda: {  	v3 =	vld.idx.msk [tilespmem:v2+s5+$0x0], $0xffff;
	_ =	sdelay $0x3  }
0xdb: {  	v2 =	vmov v4;
	_ =	sdelay $0x1  }
0xdc: {  	[tilespmem:s20+$0x1B900] =	vst v3;
	s20 =	smov.u32 s17  }
0xdd: {  	v3 =	vld.idx.msk [tilespmem:v4+s4+$0x0], $0xffff  }
.Ltmp4:
0xde: {  	(pc) =	sbr.rel @p0 .LBB2_11-.Ltmp4, $2  }
0xdf: {  	_ =	sdelay $0x2  }
0xe0: {  	s17 =	sshra.s32 s31, $0x2;
	s31 =	sadd.s32 $0x40, s31  }
0xe1: {  	_ =	sdelay $0x1  }
0xe2: {  	v4 =	vld [tilespmem:s17+$0x19100]  }
0xe3: {  	[tilespmem:s20+$0x1AF00] =	vst v3  }
0xe4: {  	v2 =	vld.idx.msk [tilespmem:v2+s5+$0x0], $0xffff;
	_ =	sdelay $0x4  }
0xe5: {  	[tilespmem:s20+$0x1B900] =	vst v2  }
0xe6: {  	v2 =	vld.idx.msk [tilespmem:v4+s4+$0x0], $0xffff;
	_ =	sdelay $0x4  }
0xe7: {  	[tilespmem:s17+$0x1AF00] =	vst v2  }
0xe8: {  	v2 =	vld.idx.msk [tilespmem:v4+s5+$0x0], $0xffff;
	_ =	sdelay $0x4  }
0xe9: {  	[tilespmem:s17+$0x1B900] =	vst v2  }
0xea: {  	[spmem:s1] =	stream.indirect.scatter.add.f32 [tilespmem:s28], [sflag:$0x5], $0x1, s24, s26, $0xb8;
	[tilespmem:$0x1FEC0] =	vst v63  }
0xeb: {  	_ = 	snop  }
0xec: {  	[spmem:s2] =	stream.indirect.scatter.add.f32 [tilespmem:s29], [sflag:$0x5], $0x1, s24, s26, $0xb8;
	[tilespmem:$0x1FEC0] =	vst v63  }
0xed: {  	_ = 	snop  }
0xee: {  	[spmem:s3] =	stream.indirect.scatter.add.f32 [tilespmem:s30], [sflag:$0x5], $0x1, s24, s26, $0xb8;
	[tilespmem:$0x1FEC0] =	vst v63  }
0xef: {  	_ =	swait.ge [sflag:s6], $0x500  }
0xf0: {  	[sflag:s6] =	ssyncset.done $0x0  }
0xf1: {  	[sflag:s6] =	ssyncadd.s32 $0xFFFFFB00  }
0xf2: {  	_ =	swait.ge [sflag:s6], $0x500  }
0xf3: {  	[sflag:s6] =	ssyncset.done $0x0  }
0xf4: {  	[sflag:s6] =	ssyncadd.s32 $0xFFFFFB00  }
0xf5: {  	_ =	swait.ge [sflag:s6], $0x500  }
0xf6: {  	s0 =	rddreg [dreg:$0x1b]  }
0xf7: {  	s31 =	sadd.s32 s18, s0  }
0xf8: {  	s20 =	simm.s32 $0x0;
	[sflag:s6] =	ssyncset.done $0x0;
	s17 =	sshrl.u32 s31, $0x3  }
0xf9: {  	[sflag:s6] =	ssyncadd.s32 $0xFFFFFB00;
	s31 =	simm.s32 $0x18C00;
	s0 =	sadd.s32 s8, s17  }
0xfa: {  	[tilespmem:s31], [sflag:$0x2] =	stream.linear.gather [hbm4b:s0+s20], $0x500, $0x38;
	[tilespmem:$0x1FEC0] =	vst v63  }
0xfb: {  	s17 =	sadd.s32 s9, s17  }
0xfc: {  	[tilespmem:s21], [sflag:$0x2] =	stream.linear.gather [hbm4b:s17+s20], $0x500, $0x38;
	[tilespmem:$0x1FEC0] =	vst v63  }
0xfd: {  	_ =	swait.ge [sflag:s7], $0x500  }
0xfe: {  	[sflag:s7] =	ssyncset.done $0x0  }
0xff: {  	[sflag:s7] =	ssyncadd.s32 $0xFFFFFB00  }
0x100: {  	_ =	swait.ge [sflag:s7], $0x500  }
0x101: {  	[sflag:s7] =	ssyncset.done $0x0  }
0x102: {  	s18 =	simm.s32 $0x0;
	[sflag:s7] =	ssyncadd.s32 $0xFFFFFB00  }
0x103: {  	v2 =	vld [tilespmem:s18+$0x19600];
	_ =	sdelay $0x7  }
0x104: {  	v3 =	vld.idx.msk [tilespmem:v2+s4+$0x0], $0xffff;
	_ =	sdelay $0x3  }
0x105: {  	s17 =	simm.s32 $0x10;
	s20 =	simm.s32 $0x80  }
.LBB2_13:
0x106: {  	p0 =	sne.s32 s20, $0x13C0;
	v4 =	vld [tilespmem:s17+$0x19600];
	[tilespmem:s18+$0x1B400] =	vst v3  }
0x107: {  	v3 =	vld.idx.msk [tilespmem:v2+s5+$0x0], $0xffff;
	_ =	sdelay $0x3  }
0x108: {  	v2 =	vmov v4;
	_ =	sdelay $0x1  }
0x109: {  	[tilespmem:s18+$0x1BE00] =	vst v3;
	s18 =	smov.u32 s17  }
0x10a: {  	v3 =	vld.idx.msk [tilespmem:v4+s4+$0x0], $0xffff  }
.Ltmp5:
0x10b: {  	(pc) =	sbr.rel @p0 .LBB2_13-.Ltmp5, $2  }
0x10c: {  	_ =	sdelay $0x2  }
0x10d: {  	s17 =	sshra.s32 s20, $0x2;
	s20 =	sadd.s32 $0x40, s20  }
0x10e: {  	_ =	sdelay $0x1  }
0x10f: {  	v4 =	vld [tilespmem:s17+$0x19600]  }
0x110: {  	[tilespmem:s18+$0x1B400] =	vst v3  }
0x111: {  	v2 =	vld.idx.msk [tilespmem:v2+s5+$0x0], $0xffff;
	_ =	sdelay $0x4  }
0x112: {  	[tilespmem:s18+$0x1BE00] =	vst v2  }
0x113: {  	v2 =	vld.idx.msk [tilespmem:v4+s4+$0x0], $0xffff;
	_ =	sdelay $0x4  }
0x114: {  	[tilespmem:s17+$0x1B400] =	vst v2  }
0x115: {  	v2 =	vld.idx.msk [tilespmem:v4+s5+$0x0], $0xffff;
	_ =	sdelay $0x3  }
0x116: {  	s10 =	sadd.s32 $0x1, s10  }
0x117: {  	p0 =	sne.s32 s10, $0x13;
	[tilespmem:s17+$0x1BE00] =	vst v2  }
0x118: {  	[spmem:s1] =	stream.indirect.scatter.add.f32 [tilespmem:s13], [sflag:$0x6], $0x1, s11, s26, $0xb8;
	[tilespmem:$0x1FEC0] =	vst v63  }
.Ltmp6:
0x119: {  	_ = 	snop;
	(pc) =	sbr.rel @p0 .LBB2_6-.Ltmp6, $4  }
0x11a: {  	_ = 	snop  }
0x11b: {  	[spmem:s2] =	stream.indirect.scatter.add.f32 [tilespmem:s15], [sflag:$0x6], $0x1, s11, s26, $0xb8;
	[tilespmem:$0x1FEC0] =	vst v63  }
0x11c: {  	_ = 	snop  }
0x11d: {  	[spmem:s3] =	stream.indirect.scatter.add.f32 [tilespmem:s30], [sflag:$0x6], $0x1, s11, s26, $0xb8;
	[tilespmem:$0x1FEC0] =	vst v63  }
0x11e: {  	_ =	swait.ge [sflag:s16], $0x500  }
0x11f: {  	[sflag:s16] =	ssyncset.done $0x0  }
0x120: {  	[sflag:s16] =	ssyncadd.s32 $0xFFFFFB00  }
0x121: {  	_ =	swait.ge [sflag:s16], $0x500  }
0x122: {  	[sflag:s16] =	ssyncset.done $0x0  }
0x123: {  	[sflag:s16] =	ssyncadd.s32 $0xFFFFFB00  }
0x124: {  	_ =	swait.ge [sflag:s16], $0x500  }
0x125: {  	[sflag:s16] =	ssyncset.done $0x0  }
0x126: {  	[sflag:s16] =	ssyncadd.s32 $0xFFFFFB00  }
0x127: {  	_ =	swait.ge [sflag:s25], $0x500  }
0x128: {  	[sflag:s25] =	ssyncset.done $0x0  }
0x129: {  	[sflag:s25] =	ssyncadd.s32 $0xFFFFFB00  }
0x12a: {  	_ =	swait.ge [sflag:s25], $0x500  }
0x12b: {  	[sflag:s25] =	ssyncset.done $0x0  }
0x12c: {  	s10 =	simm.s32 $0x0;
	[sflag:s25] =	ssyncadd.s32 $0xFFFFFB00  }
0x12d: {  	v2 =	vld [tilespmem:s10+$0x18700];
	_ =	sdelay $0x7  }
0x12e: {  	v3 =	vld.idx.msk [tilespmem:v2+s4+$0x0], $0xffff;
	_ =	sdelay $0x3  }
0x12f: {  	s17 =	simm.s32 $0x10;
	s18 =	simm.s32 $0x80  }
.LBB2_16:
0x130: {  	p0 =	sne.s32 s18, $0x13C0;
	v4 =	vld [tilespmem:s17+$0x18700];
	[tilespmem:s10+$0x1AF00] =	vst v3  }
0x131: {  	v3 =	vld.idx.msk [tilespmem:v2+s5+$0x0], $0xffff;
	_ =	sdelay $0x3  }
0x132: {  	v2 =	vmov v4;
	_ =	sdelay $0x1  }
0x133: {  	[tilespmem:s10+$0x1B900] =	vst v3;
	s10 =	smov.u32 s17  }
0x134: {  	v3 =	vld.idx.msk [tilespmem:v4+s4+$0x0], $0xffff  }
.Ltmp7:
0x135: {  	(pc) =	sbr.rel @p0 .LBB2_16-.Ltmp7, $2  }
0x136: {  	_ =	sdelay $0x2  }
0x137: {  	s17 =	sshra.s32 s18, $0x2;
	s18 =	sadd.s32 $0x40, s18  }
0x138: {  	_ =	sdelay $0x1  }
0x139: {  	v4 =	vld [tilespmem:s17+$0x18700]  }
0x13a: {  	[tilespmem:s10+$0x1AF00] =	vst v3  }
0x13b: {  	v2 =	vld.idx.msk [tilespmem:v2+s5+$0x0], $0xffff;
	_ =	sdelay $0x4  }
0x13c: {  	[tilespmem:s10+$0x1B900] =	vst v2  }
0x13d: {  	v2 =	vld.idx.msk [tilespmem:v4+s4+$0x0], $0xffff;
	_ =	sdelay $0x4  }
0x13e: {  	[tilespmem:s17+$0x1AF00] =	vst v2  }
0x13f: {  	v2 =	vld.idx.msk [tilespmem:v4+s5+$0x0], $0xffff;
	_ =	sdelay $0x4  }
0x140: {  	[tilespmem:s17+$0x1B900] =	vst v2  }
0x141: {  	[spmem:s1] =	stream.indirect.scatter.add.f32 [tilespmem:s28], [sflag:$0x5], $0x1, s19, s26, $0xb8;
	[tilespmem:$0x1FEC0] =	vst v63  }
0x142: {  	_ = 	snop  }
0x143: {  	[spmem:s2] =	stream.indirect.scatter.add.f32 [tilespmem:s29], [sflag:$0x5], $0x1, s19, s26, $0xb8;
	[tilespmem:$0x1FEC0] =	vst v63  }
0x144: {  	_ = 	snop  }
0x145: {  	[spmem:s3] =	stream.indirect.scatter.add.f32 [tilespmem:s30], [sflag:$0x5], $0x1, s19, s26, $0xb8;
	[tilespmem:$0x1FEC0] =	vst v63  }
0x146: {  	_ =	swait.ge [sflag:s6], $0x500  }
0x147: {  	[sflag:s6] =	ssyncset.done $0x0  }
0x148: {  	[sflag:s6] =	ssyncadd.s32 $0xFFFFFB00  }
0x149: {  	_ =	swait.ge [sflag:s6], $0x500  }
0x14a: {  	[sflag:s6] =	ssyncset.done $0x0  }
0x14b: {  	[sflag:s6] =	ssyncadd.s32 $0xFFFFFB00  }
0x14c: {  	_ =	swait.ge [sflag:s6], $0x500  }
0x14d: {  	[sflag:s6] =	ssyncset.done $0x0  }
0x14e: {  	[sflag:s6] =	ssyncadd.s32 $0xFFFFFB00  }
0x14f: {  	_ =	swait.ge [sflag:s12], $0x500  }
0x150: {  	[sflag:s12] =	ssyncset.done $0x0  }
0x151: {  	[sflag:s12] =	ssyncadd.s32 $0xFFFFFB00  }
0x152: {  	_ =	swait.ge [sflag:s12], $0x500  }
0x153: {  	[sflag:s12] =	ssyncset.done $0x0  }
0x154: {  	s10 =	simm.s32 $0x0;
	[sflag:s12] =	ssyncadd.s32 $0xFFFFFB00  }
0x155: {  	v2 =	vld [tilespmem:s10+$0x18C00];
	_ =	sdelay $0x7  }
0x156: {  	v3 =	vld.idx.msk [tilespmem:v2+s4+$0x0], $0xffff;
	_ =	sdelay $0x3  }
0x157: {  	s18 =	simm.s32 $0x80;
	s17 =	simm.s32 $0x10  }
.LBB2_18:
0x158: {  	p0 =	sne.s32 s18, $0x13C0;
	v4 =	vld [tilespmem:s17+$0x18C00];
	[tilespmem:s10+$0x1B400] =	vst v3  }
0x159: {  	v3 =	vld.idx.msk [tilespmem:v2+s5+$0x0], $0xffff;
	_ =	sdelay $0x3  }
0x15a: {  	v2 =	vmov v4;
	_ =	sdelay $0x1  }
0x15b: {  	[tilespmem:s10+$0x1BE00] =	vst v3;
	s10 =	smov.u32 s17  }
0x15c: {  	v3 =	vld.idx.msk [tilespmem:v4+s4+$0x0], $0xffff  }
.Ltmp8:
0x15d: {  	(pc) =	sbr.rel @p0 .LBB2_18-.Ltmp8, $2  }
0x15e: {  	_ =	sdelay $0x2  }
0x15f: {  	s17 =	sshra.s32 s18, $0x2;
	s18 =	sadd.s32 $0x40, s18  }
0x160: {  	_ =	sdelay $0x1  }
0x161: {  	v4 =	vld [tilespmem:s17+$0x18C00]  }
0x162: {  	[tilespmem:s10+$0x1B400] =	vst v3  }
0x163: {  	v2 =	vld.idx.msk [tilespmem:v2+s5+$0x0], $0xffff;
	_ =	sdelay $0x4  }
0x164: {  	[tilespmem:s10+$0x1BE00] =	vst v2  }
0x165: {  	v2 =	vld.idx.msk [tilespmem:v4+s4+$0x0], $0xffff;
	_ =	sdelay $0x4  }
0x166: {  	[tilespmem:s17+$0x1B400] =	vst v2  }
0x167: {  	v2 =	vld.idx.msk [tilespmem:v4+s5+$0x0], $0xffff;
	_ =	sdelay $0x4  }
0x168: {  	[tilespmem:s17+$0x1BE00] =	vst v2  }
0x169: {  	[spmem:s1] =	stream.indirect.scatter.add.f32 [tilespmem:s13], [sflag:$0x6], $0x1, s21, s26, $0xb8;
	[tilespmem:$0x1FEC0] =	vst v63  }
0x16a: {  	_ = 	snop  }
0x16b: {  	[spmem:s2] =	stream.indirect.scatter.add.f32 [tilespmem:s15], [sflag:$0x6], $0x1, s21, s26, $0xb8;
	[tilespmem:$0x1FEC0] =	vst v63  }
0x16c: {  	s23 =	simm.s32 $0x7  }
0x16d: {  	[spmem:s3] =	stream.indirect.scatter.add.f32 [tilespmem:s30], [sflag:$0x6], $0x1, s21, s26, $0xb8;
	[tilespmem:$0x1FEC0] =	vst v63  }
0x16e: {  	_ =	swait.ge [sflag:s23], $0xA0  }
0x16f: {  	[sflag:s23] =	ssyncset.done $0x0  }
0x170: {  	[sflag:s23] =	ssyncadd.s32 $0xFFFFFF60  }
0x171: {  	_ =	swait.ge [sflag:s23], $0xA0  }
0x172: {  	[sflag:s23] =	ssyncset.done $0x0  }
0x173: {  	[sflag:s23] =	ssyncadd.s32 $0xFFFFFF60  }
0x174: {  	v2 =	vld [tilespmem:$0x1F9C0];
	_ =	sdelay $0x7  }
0x175: {  	v3 =	vld.idx.msk [tilespmem:v2+s4+$0x0], $0xffff;
	_ =	sdelay $0x3  }
0x176: {  	v59 =	vld [tilespmem:$0x1F9D0]  }
0x177: {  	[tilespmem:$0x1FBC0] =	vst v3  }
0x178: {  	v2 =	vld.idx.msk [tilespmem:v2+s5+$0x0], $0xffff;
	_ =	sdelay $0x4  }
0x179: {  	[tilespmem:$0x1FCC0] =	vst v2  }
0x17a: {  	v2 =	vld.idx.msk [tilespmem:v59+s4+$0x0], $0xffff;
	_ =	sdelay $0x3  }
0x17b: {  	v3 =	vld [tilespmem:$0x1F9E0]  }
0x17c: {  	[tilespmem:$0x1FBD0] =	vst v2  }
0x17d: {  	v2 =	vld.idx.msk [tilespmem:v59+s5+$0x0], $0xffff;
	_ =	sdelay $0x4  }
0x17e: {  	[tilespmem:$0x1FCD0] =	vst v2  }
0x17f: {  	v2 =	vld.idx.msk [tilespmem:v3+s4+$0x0], $0xffff;
	_ =	sdelay $0x3  }
0x180: {  	v60 =	vld [tilespmem:$0x1F9F0]  }
0x181: {  	[tilespmem:$0x1FBE0] =	vst v2  }
0x182: {  	v2 =	vld.idx.msk [tilespmem:v3+s5+$0x0], $0xffff;
	_ =	sdelay $0x4  }
0x183: {  	[tilespmem:$0x1FCE0] =	vst v2  }
0x184: {  	v2 =	vld.idx.msk [tilespmem:v60+s4+$0x0], $0xffff;
	_ =	sdelay $0x3  }
0x185: {  	v3 =	vld [tilespmem:$0x1FA00]  }
0x186: {  	[tilespmem:$0x1FBF0] =	vst v2  }
0x187: {  	v2 =	vld.idx.msk [tilespmem:v60+s5+$0x0], $0xffff;
	_ =	sdelay $0x4  }
0x188: {  	[tilespmem:$0x1FCF0] =	vst v2  }
0x189: {  	v2 =	vld.idx.msk [tilespmem:v3+s4+$0x0], $0xffff;
	_ =	sdelay $0x3  }
0x18a: {  	v61 =	vld [tilespmem:$0x1FA10]  }
0x18b: {  	[tilespmem:$0x1FC00] =	vst v2  }
0x18c: {  	v2 =	vld.idx.msk [tilespmem:v3+s5+$0x0], $0xffff;
	_ =	sdelay $0x4  }
0x18d: {  	[tilespmem:$0x1FD00] =	vst v2  }
0x18e: {  	v2 =	vld.idx.msk [tilespmem:v61+s4+$0x0], $0xffff;
	_ =	sdelay $0x3  }
0x18f: {  	v3 =	vld [tilespmem:$0x1FA20]  }
0x190: {  	[tilespmem:$0x1FC10] =	vst v2  }
0x191: {  	v2 =	vld.idx.msk [tilespmem:v61+s5+$0x0], $0xffff;
	_ =	sdelay $0x4  }
0x192: {  	[tilespmem:$0x1FD10] =	vst v2  }
0x193: {  	v2 =	vld.idx.msk [tilespmem:v3+s4+$0x0], $0xffff;
	_ =	sdelay $0x3  }
0x194: {  	v62 =	vld [tilespmem:$0x1FA30]  }
0x195: {  	[tilespmem:$0x1FC20] =	vst v2  }
0x196: {  	v2 =	vld.idx.msk [tilespmem:v3+s5+$0x0], $0xffff;
	_ =	sdelay $0x4  }
0x197: {  	[tilespmem:$0x1FD20] =	vst v2  }
0x198: {  	v2 =	vld.idx.msk [tilespmem:v62+s4+$0x0], $0xffff;
	_ =	sdelay $0x3  }
0x199: {  	v3 =	vld [tilespmem:$0x1FA40]  }
0x19a: {  	[tilespmem:$0x1FC30] =	vst v2  }
0x19b: {  	v2 =	vld.idx.msk [tilespmem:v62+s5+$0x0], $0xffff;
	_ =	sdelay $0x4  }
0x19c: {  	[tilespmem:$0x1FD30] =	vst v2  }
0x19d: {  	v2 =	vld.idx.msk [tilespmem:v3+s4+$0x0], $0xffff;
	_ =	sdelay $0x3  }
0x19e: {  	v63 =	vld [tilespmem:$0x1FA50]  }
0x19f: {  	[tilespmem:$0x1FC40] =	vst v2  }
0x1a0: {  	v2 =	vld.idx.msk [tilespmem:v3+s5+$0x0], $0xffff;
	_ =	sdelay $0x4  }
0x1a1: {  	[tilespmem:$0x1FD40] =	vst v2  }
0x1a2: {  	v2 =	vld.idx.msk [tilespmem:v63+s4+$0x0], $0xffff;
	_ =	sdelay $0x4  }
0x1a3: {  	[tilespmem:$0x1FC50] =	vst v2  }
0x1a4: {  	v2 =	vld.idx.msk [tilespmem:v63+s5+$0x0], $0xffff;
	_ =	sdelay $0x4  }
0x1a5: {  	s0 =	simm.s32 $0x1FAC0;
	s20 =	simm.s32 $0x1FBC0;
	s10 =	simm.s32 $0xA0;
	[tilespmem:$0x1FD50] =	vst v2  }
0x1a6: {  	[spmem:s1] =	stream.indirect.scatter.add.f32 [tilespmem:s20], [sflag:$0x7], $0x1, s0, s10, $0xb8;
	[tilespmem:$0x1FEC0] =	vst v63  }
0x1a7: {  	s18 =	simm.s32 $0x1FCC0  }
0x1a8: {  	[spmem:s2] =	stream.indirect.scatter.add.f32 [tilespmem:s18], [sflag:$0x7], $0x1, s0, s10, $0xb8;
	[tilespmem:$0x1FEC0] =	vst v63  }
0x1a9: {  	s20 =	simm.s32 $0x1FDC0  }
0x1aa: {  	[spmem:s3] =	stream.indirect.scatter.add.f32 [tilespmem:s20], [sflag:$0x7], $0x1, s0, s10, $0xb8;
	[tilespmem:$0x1FEC0] =	vst v63  }
0x1ab: {  	_ =	swait.ge [sflag:s16], $0x500  }
0x1ac: {  	[sflag:s16] =	ssyncset.done $0x0  }
0x1ad: {  	[sflag:s16] =	ssyncadd.s32 $0xFFFFFB00  }
0x1ae: {  	_ =	swait.ge [sflag:s16], $0x500  }
0x1af: {  	[sflag:s16] =	ssyncset.done $0x0  }
0x1b0: {  	[sflag:s16] =	ssyncadd.s32 $0xFFFFFB00  }
0x1b1: {  	_ =	swait.ge [sflag:s16], $0x500  }
0x1b2: {  	[sflag:s16] =	ssyncset.done $0x0  }
0x1b3: {  	[sflag:s16] =	ssyncadd.s32 $0xFFFFFB00  }
0x1b4: {  	_ =	swait.ge [sflag:s6], $0x500  }
0x1b5: {  	[sflag:s6] =	ssyncset.done $0x0  }
0x1b6: {  	[sflag:s6] =	ssyncadd.s32 $0xFFFFFB00  }
0x1b7: {  	_ =	swait.ge [sflag:s6], $0x500  }
0x1b8: {  	[sflag:s6] =	ssyncset.done $0x0  }
0x1b9: {  	[sflag:s6] =	ssyncadd.s32 $0xFFFFFB00  }
0x1ba: {  	_ =	swait.ge [sflag:s6], $0x500  }
0x1bb: {  	[sflag:s6] =	ssyncset.done $0x0  }
0x1bc: {  	[sflag:s6] =	ssyncadd.s32 $0xFFFFFB00  }
0x1bd: {  	_ =	swait.ge [sflag:s23], $0xA0  }
0x1be: {  	[sflag:s23] =	ssyncset.done $0x0  }
0x1bf: {  	[sflag:s23] =	ssyncadd.s32 $0xFFFFFF60  }
0x1c0: {  	_ =	swait.ge [sflag:s23], $0xA0  }
0x1c1: {  	[sflag:s23] =	ssyncset.done $0x0  }
0x1c2: {  	[sflag:s23] =	ssyncadd.s32 $0xFFFFFF60  }
0x1c3: {  	_ =	swait.ge [sflag:s23], $0xA0  }
0x1c4: {  	[sflag:s23] =	ssyncset.done $0x0  }
0x1c5: {  	[sflag:s23] =	ssyncadd.s32 $0xFFFFFF60  }
0x1c6: {  	[bflag:$0x0] =	sbarrier.arrive $0xFFFF  }
0x1c7: {  	s17 =	simm.s32 $0x8;
	s20 =	simm.s32 $0x1C300;
	s18 =	rddreg [dreg:$0x7]  }
0x1c8: {  	[tilespmem:s20], [sflag:$0x8] =	stream.linear.gather [spmem:s18], $0x620, $0x38;
	[tilespmem:$0x1FEC0] =	vst v63  }
0x1c9: {  	_ =	swait.ge [sflag:s17], $0x620  }
0x1ca: {  	[sflag:s17] =	ssyncset.done $0x0  }
0x1cb: {  	s0 =	rddreg [dreg:$0xd];
	[sflag:s17] =	ssyncadd.s32 $0xFFFFF9E0  }
0x1cc: {  	[hbm4b:s0+s4] =	stream.linear.scatter [tilespmem:s20], [sflag:$0x7], $0x620, $0x38;
	[tilespmem:$0x1FEC0] =	vst v63  }
0x1cd: {  	s10 =	rddreg [dreg:$0x8];
	s0 =	simm.s32 $0x1C980  }
0x1ce: {  	[tilespmem:s0], [sflag:$0x8] =	stream.linear.gather [spmem:s10], $0x620, $0x38;
	[tilespmem:$0x1FEC0] =	vst v63  }
0x1cf: {  	_ =	swait.ge [sflag:s17], $0x620  }
0x1d0: {  	[sflag:s17] =	ssyncset.done $0x0  }
0x1d1: {  	s10 =	rddreg [dreg:$0xe];
	[sflag:s17] =	ssyncadd.s32 $0xFFFFF9E0  }
0x1d2: {  	[hbm4b:s10+s4] =	stream.linear.scatter [tilespmem:s0], [sflag:$0x7], $0x620, $0x38;
	[tilespmem:$0x1FEC0] =	vst v63  }
0x1d3: {  	_ =	swait.ge [sflag:s23], $0x620  }
0x1d4: {  	[sflag:s23] =	ssyncset.done $0x0  }
0x1d5: {  	s10 =	rddreg [dreg:$0x9];
	[sflag:s23] =	ssyncadd.s32 $0xFFFFF9E0  }
0x1d6: {  	[tilespmem:s20], [sflag:$0x8] =	stream.linear.gather [spmem:s10], $0x620, $0x38;
	[tilespmem:$0x1FEC0] =	vst v63  }
0x1d7: {  	_ =	swait.ge [sflag:s17], $0x620  }
0x1d8: {  	[sflag:s17] =	ssyncset.done $0x0  }
0x1d9: {  	s10 =	rddreg [dreg:$0xf];
	[sflag:s17] =	ssyncadd.s32 $0xFFFFF9E0  }
0x1da: {  	[hbm4b:s10+s4] =	stream.linear.scatter [tilespmem:s20], [sflag:$0x7], $0x620, $0x38;
	[tilespmem:$0x1FEC0] =	vst v63  }
0x1db: {  	_ =	swait.ge [sflag:s23], $0x620  }
0x1dc: {  	[sflag:s23] =	ssyncset.done $0x0  }
0x1dd: {  	s10 =	rddreg [dreg:$0xa];
	[sflag:s23] =	ssyncadd.s32 $0xFFFFF9E0  }
0x1de: {  	[tilespmem:s0], [sflag:$0x8] =	stream.linear.gather [spmem:s10], $0x620, $0x38;
	[tilespmem:$0x1FEC0] =	vst v63  }
0x1df: {  	_ =	swait.ge [sflag:s17], $0x620  }
0x1e0: {  	[sflag:s17] =	ssyncset.done $0x0  }
0x1e1: {  	s10 =	rddreg [dreg:$0x10];
	[sflag:s17] =	ssyncadd.s32 $0xFFFFF9E0  }
0x1e2: {  	[hbm4b:s10+s4] =	stream.linear.scatter [tilespmem:s0], [sflag:$0x7], $0x620, $0x38;
	[tilespmem:$0x1FEC0] =	vst v63  }
0x1e3: {  	_ =	swait.ge [sflag:s23], $0x620  }
0x1e4: {  	[sflag:s23] =	ssyncset.done $0x0  }
0x1e5: {  	s10 =	rddreg [dreg:$0xb];
	[sflag:s23] =	ssyncadd.s32 $0xFFFFF9E0  }
0x1e6: {  	[tilespmem:s20], [sflag:$0x8] =	stream.linear.gather [spmem:s10], $0x620, $0x38;
	[tilespmem:$0x1FEC0] =	vst v63  }
0x1e7: {  	_ =	swait.ge [sflag:s17], $0x620  }
0x1e8: {  	[sflag:s17] =	ssyncset.done $0x0  }
0x1e9: {  	s10 =	rddreg [dreg:$0x11];
	[sflag:s17] =	ssyncadd.s32 $0xFFFFF9E0  }
0x1ea: {  	[hbm4b:s10+s4] =	stream.linear.scatter [tilespmem:s20], [sflag:$0x7], $0x620, $0x38;
	[tilespmem:$0x1FEC0] =	vst v63  }
0x1eb: {  	_ =	swait.ge [sflag:s23], $0x620  }
0x1ec: {  	[sflag:s23] =	ssyncset.done $0x0  }
0x1ed: {  	s20 =	rddreg [dreg:$0xc];
	[sflag:s23] =	ssyncadd.s32 $0xFFFFF9E0  }
0x1ee: {  	[tilespmem:s0], [sflag:$0x8] =	stream.linear.gather [spmem:s20], $0x620, $0x38;
	[tilespmem:$0x1FEC0] =	vst v63  }
0x1ef: {  	_ =	swait.ge [sflag:s17], $0x620  }
0x1f0: {  	[sflag:s17] =	ssyncset.done $0x0  }
0x1f1: {  	s20 =	rddreg [dreg:$0x12];
	[sflag:s17] =	ssyncadd.s32 $0xFFFFF9E0  }
0x1f2: {  	[hbm4b:s20+s4] =	stream.linear.scatter [tilespmem:s0], [sflag:$0x7], $0x620, $0x38;
	[tilespmem:$0x1FEC0] =	vst v63  }
0x1f3: {  	_ =	swait.ge [sflag:s23], $0x620  }
0x1f4: {  	[sflag:s23] =	ssyncset.done $0x0  }
0x1f5: {  	[sflag:s23] =	ssyncadd.s32 $0xFFFFF9E0  }
0x1f6: {  	_ =	swait.ge [sflag:s23], $0x620  }
0x1f7: {  	s10 =	rddreg [dreg:$0x1c]  }
0x1f8: {  	s20 =	rddreg [dreg:$0x19];
	s0 =	sadd.s32 $0x1, s10  }
0x1f9: {  	p0 =	sne.s32 s0, s20  }
.Ltmp9:
0x1fa: {  	_ = 	snop;
	(pc) =	sbr.rel @p0 .LBB2_1-.Ltmp9, $3  }
0x1fb: {  	_ =	sdelay $0x1  }
0x1fc: {  	[sflag:s23] =	ssyncset.done $0x0  }
0x1fd: {  	s31 =	simm.s32 $0x1FAC0;
	[sflag:s23] =	ssyncadd.s32 $0xFFFFF9E0  }
0x1fe: {  	_ =	sfence.sel $0x180000  }
0x1ff: {  	[bflag:$0x0] =	sbarrier.arrive $0xFFFF  }
0x200: {  	_ =	strace $0x90000047  }
0x201: {  	s0 =	stileid.u32;
	[bflag:$0x2] =	sbarrier.arrive $0xFFFF  }
0x202: {  	p0 =	sne.s32 s0, $0x0;
	s0 =	rddreg [dreg:$0x4]  }
0x203: {  	s0 =	sadd.s32 @!p0 $0x100000, s0  }
0x204: {  	[sflag:s0] =	ssyncadd.tile.s32 @!p0 $0x1;
	_ =	shalt  }
.Lfunc_end2:
_tile_overlayer_lowered:
.L_overlay_start_2:
0x205: {  	(tag) =	ssettag $0x2  }
0x206: {  	s0 =	rddreg [dreg:$0x0];
	s2 =	stileid.u32  }
0x207: {  	s1 =	rddreg [dreg:$0x1];
	p0 =	sne.s32 s2, $0x0  }
0x208: {  	s3 =	rddreg [dreg:$0x2];
	[bflag:$0x3] =	sbarrier.arrive $0xFFFF;
	s2 =	simm.s32 @!p0 $0x1C08  }
0x209: {  	[timem:s3], [sflag:s2] =	dma.local @!p0 [hbm:s0], s1  }
0x20a: {  	s0 =	simm.s32 @!p0 $0x8  }
0x20b: {  	_ =	swait.ge @!p0 [sflag:s0], s1  }
0x20c: {  	s1 =	ssub.s32 @!p0 $0x0, s1;
	[sflag:s0] =	ssyncset.done @!p0 $0x0  }
0x20d: {  	[sflag:s0] =	ssyncadd.s32 @!p0 s1  }
0x20e: {  	[bflag:$0x3] =	sbarrier.arrive $0xFFFF  }
0x20f: {  	_ =	shalt  }

</sc_bundles>
